<compile_context>
chip_gen: v7x
topology: tpu7x:2x2x1
jax: 0.10.2.dev20260603
libtpu: 0.0.44.dev20260713+nightly
codegen_flags: <defaults>
</compile_context>

<pallas_src>
import functools

import jax
import jax.numpy as jnp
from jax import lax
from jax.experimental import pallas as pl
from jax.experimental.pallas import tpu as pltpu
from jax.experimental.pallas import tpu_sc as plsc

_VERY_SMALL = 1e-8


def _not_gamma(gamma):
    B, N = gamma.shape
    blk = 64

    def body(g_ref, o_ref):
        g = g_ref[...]
        o_ref[...] = jnp.log(jnp.maximum(1.0 - jnp.exp(g), _VERY_SMALL))

    return pl.pallas_call(
        body,
        grid=(B // blk,),
        in_specs=[pl.BlockSpec((blk, N), lambda i: (i, 0))],
        out_specs=pl.BlockSpec((blk, N), lambda i: (i, 0)),
        out_shape=jax.ShapeDtypeStruct((B, N), jnp.float32),
    )(gamma)


def _pack_idx(idx):
    r = idx.astype(jnp.int32).reshape(-1, 2, 16)
    return (r[:, 0, :] | (r[:, 1, :] << 16)).reshape(-1)


@functools.cache
def _sc_gather(B, N, K):
    NC, NS = 2, 16
    NW = NC * NS
    RPT = B // NW
    OCH = 4096
    NCH = K // OCH
    GRP = OCH // 32
    KP = K // 2
    assert B % NW == 0 and RPT % 2 == 0 and K % OCH == 0 and K % 32 == 0

    mesh = plsc.VectorSubcoreMesh(core_axis_name="c", subcore_axis_name="s")

    @functools.partial(
        pl.kernel,
        mesh=mesh,
        compiler_params=pltpu.CompilerParams(needs_layout_passes=False),
        out_type=jax.ShapeDtypeStruct((B, K), jnp.float32),
        scratch_types=[
            pltpu.VMEM((KP,), jnp.int32),
            pltpu.VMEM((KP,), jnp.int32),
            pltpu.VMEM((KP,), jnp.int32),
            pltpu.VMEM((N,), jnp.float32),
            pltpu.VMEM((N,), jnp.float32),
            pltpu.VMEM((N,), jnp.float32),
            pltpu.VMEM((N,), jnp.float32),
            pltpu.VMEM((OCH,), jnp.float32),
            pltpu.VMEM((OCH,), jnp.float32),
            pltpu.SemaphoreType.DMA,
            pltpu.SemaphoreType.DMA,
            pltpu.SemaphoreType.DMA,
            pltpu.SemaphoreType.DMA,
        ],
    )
    def sc(a_hbm, b_hbm, g_hbm, pai_hbm, pbi_hbm, pgi_hbm, out_hbm,
           pai, pbi, pgi, arow0, arow1, brow, grow, ob0, ob1,
           sem_in, sem_a, sem_o0, sem_o1):
        wid = lax.axis_index("s") * NC + lax.axis_index("c")
        pltpu.sync_copy(pai_hbm, pai)
        pltpu.sync_copy(pbi_hbm, pbi)
        pltpu.sync_copy(pgi_hbm, pgi)
        row0 = wid * RPT
        m16 = jnp.int32(0xFFFF)

        def wait_a(buf):
            pltpu.make_async_copy(a_hbm.at[0], buf, sem_a).wait()

        def wait_bg():
            pltpu.make_async_copy(b_hbm.at[0], brow, sem_in).wait()
            pltpu.make_async_copy(g_hbm.at[0], grow, sem_in).wait()

        def load_bg(r):
            pltpu.async_copy(b_hbm.at[r], brow, sem_in)
            pltpu.async_copy(g_hbm.at[r], grow, sem_in)

        def do_chunk(c, ob, atab):
            wbase = c * (OCH // 2)

            @plsc.parallel_loop(0, GRP, unroll=4)
            def grp(g):
                w = wbase + g * 16
                wa = pai[pl.ds(w, 16)]
                wb = pbi[pl.ds(w, 16)]
                wg = pgi[pl.ds(w, 16)]
                alo = plsc.load_gather(atab, [lax.bitwise_and(wa, m16)])
                ahi = plsc.load_gather(atab, [lax.shift_right_logical(wa, 16)])
                blo = plsc.load_gather(brow, [lax.bitwise_and(wb, m16)])
                bhi = plsc.load_gather(brow, [lax.shift_right_logical(wb, 16)])
                glo = plsc.load_gather(grow, [lax.bitwise_and(wg, m16)])
                ghi = plsc.load_gather(grow, [lax.shift_right_logical(wg, 16)])
                o = g * 32
                ob[pl.ds(o, 16)] = jnp.maximum(alo + blo - glo, 0.0)
                ob[pl.ds(o + 16, 16)] = jnp.maximum(ahi + bhi - ghi, 0.0)

        def do_row(r, atab, pending):
            for c in range(NCH):
                ob, slot, sem = (ob0, 0, sem_o0) if c % 2 == 0 else (ob1, 1, sem_o1)
                if pending[slot] is not None:
                    pending[slot].wait()
                do_chunk(c, ob, atab)
                pending[slot] = pltpu.async_copy(
                    ob, out_hbm.at[r, pl.ds(c * OCH, OCH)], sem)

        pltpu.async_copy(a_hbm.at[row0], arow0, sem_a)
        load_bg(row0)

        def pair(i, carry):
            r0 = row0 + 2 * i
            pending = [None, None]
            pltpu.async_copy(a_hbm.at[r0 + 1], arow1, sem_a)
            wait_a(arow0)
            wait_bg()
            do_row(r0, arow0, pending)
            nxt = jnp.minimum(r0 + 2, row0 + RPT - 1)
            pltpu.async_copy(a_hbm.at[nxt], arow0, sem_a)
            load_bg(r0 + 1)
            wait_a(arow1)
            wait_bg()
            do_row(r0 + 1, arow1, pending)
            load_bg(nxt)
            pending[0].wait()
            pending[1].wait()
            return carry

        lax.fori_loop(0, RPT // 2, pair, 0)
        wait_a(arow0)
        wait_bg()

    return sc


def kernel(alpha, beta, gamma, alpha_idx, beta_idx, gamma_idx):
    B, N = alpha.shape
    K = alpha_idx.shape[0]
    ng = _not_gamma(gamma)
    pai = _pack_idx(alpha_idx)
    pbi = _pack_idx(beta_idx)
    pgi = _pack_idx(gamma_idx)
    return _sc_gather(B, N, K)(alpha, beta, ng, pai, pbi, pgi)

# --- scband reference (transcript-rebuilt; emitter-appended) ---
"""Pipeline reference for scband-conjunctive-not-63909113364671 (READ-ONLY COPY).

The authoritative reference and input builder live on the scoring server;
editing this copy changes nothing except your own understanding.
"""

import jax, jax.numpy as jnp
import numpy as np

B, N, K = 1024, 16384, 32768

def setup_inputs(seed: int = 0) -> dict:
    key = jax.random.key(seed)
    k1, k2, k3, k4, k5, k6 = jax.random.split(key, 6)
    alpha = jax.random.normal(k1, (B, N), dtype=jnp.float32)
    beta = jax.random.normal(k2, (B, N), dtype=jnp.float32)
    gamma = jax.random.normal(k3, (B, N), dtype=jnp.float32)
    alpha_idx = jax.random.randint(k4, (K,), 0, N, dtype=jnp.int64 if jax.config.jax_enable_x64 else jnp.int32)
    beta_idx = jax.random.randint(k5, (K,), 0, N, dtype=jnp.int64 if jax.config.jax_enable_x64 else jnp.int32)
    gamma_idx = jax.random.randint(k6, (K,), 0, N, dtype=jnp.int64 if jax.config.jax_enable_x64 else jnp.int32)
    return {"alpha": alpha, "beta": beta, "gamma": gamma,
            "alpha_idx": alpha_idx, "beta_idx": beta_idx, "gamma_idx": gamma_idx}

def reference(alpha, beta, gamma, alpha_idx, beta_idx, gamma_idx):
    very_small = 1e-08
    # not_gamma = log(clamp(1 - exp(gamma), min=very_small))
    not_gamma = jnp.log(jnp.maximum(1.0 - jnp.exp(gamma), very_small))
    gathered = (jnp.take(alpha, alpha_idx, axis=1)
                + jnp.take(beta, beta_idx, axis=1)
                - jnp.take(not_gamma, gamma_idx, axis=1))
    return jnp.maximum(0.0, gathered)

if __name__ == "__main__":
    import jax
    _d = setup_inputs()
    print(jax.jit(kernel)(*tuple(_d.values())))

</pallas_src>

<mosaic_0001>
#map = affine_map<(d0, d1) -> (0, 0)>
#map1 = affine_map<(d0, d1) -> (0)>
module attributes {stable_mosaic.version = 14 : i64} {
  func.func @sc(%arg0: i32, %arg1: i32, %arg2: memref<1024x16384xf32, #tpu.memory_space<hbm>>, %arg3: memref<1024x16384xf32, #tpu.memory_space<hbm>>, %arg4: memref<1024x16384xf32, #tpu.memory_space<hbm>>, %arg5: memref<16384xi32, #tpu.memory_space<hbm>>, %arg6: memref<16384xi32, #tpu.memory_space<hbm>>, %arg7: memref<16384xi32, #tpu.memory_space<hbm>>, %arg8: memref<1024x32768xf32, #tpu.memory_space<hbm>>, %arg9: memref<16384xi32, #tpu.memory_space<vmem>>, %arg10: memref<16384xi32, #tpu.memory_space<vmem>>, %arg11: memref<16384xi32, #tpu.memory_space<vmem>>, %arg12: memref<16384xf32, #tpu.memory_space<vmem>>, %arg13: memref<16384xf32, #tpu.memory_space<vmem>>, %arg14: memref<16384xf32, #tpu.memory_space<vmem>>, %arg15: memref<16384xf32, #tpu.memory_space<vmem>>, %arg16: memref<4096xf32, #tpu.memory_space<vmem>>, %arg17: memref<4096xf32, #tpu.memory_space<vmem>>, %arg18: memref<!tpu.dma_semaphore, #tpu.memory_space<semaphore_mem>>, %arg19: memref<!tpu.dma_semaphore, #tpu.memory_space<semaphore_mem>>, %arg20: memref<!tpu.dma_semaphore, #tpu.memory_space<semaphore_mem>>, %arg21: memref<!tpu.dma_semaphore, #tpu.memory_space<semaphore_mem>>) attributes {dimension_semantics = [#tpu.dimension_semantics<core_parallel>, #tpu.dimension_semantics<subcore_parallel>], iteration_bounds = array<i64: 2, 16>, scalar_prefetch = 0 : i64, scratch_operands = 13 : i64, tpu.core_type = #tpu.core_type<sc_vector_subcore>, window_params = [{transform_indices = #map}, {transform_indices = #map}, {transform_indices = #map}, {transform_indices = #map1}, {transform_indices = #map1}, {transform_indices = #map1}, {transform_indices = #map}]} {
    %mul3A = arith.constant 2 : i32
    %mul3A_0 = arith.muli %arg1, %mul3A : i32
    %add3A = arith.addi %mul3A_0, %arg0 : i32
    "tpu.region"() ({
      %run_scoped3A = tpu.sem_alloc : memref<!tpu.dma_semaphore, #tpu.memory_space<semaphore_mem>>
      tpu.enqueue_dma source(%arg5 : memref<16384xi32, #tpu.memory_space<hbm>>) target(%arg9 : memref<16384xi32, #tpu.memory_space<vmem>>) target_semaphore(%run_scoped3A : memref<!tpu.dma_semaphore, #tpu.memory_space<semaphore_mem>>)
      tpu.wait_dma2 semaphore(%run_scoped3A : memref<!tpu.dma_semaphore, #tpu.memory_space<semaphore_mem>>) src(%arg5 : memref<16384xi32, #tpu.memory_space<hbm>>) dst(%arg9 : memref<16384xi32, #tpu.memory_space<vmem>>)
      tpu.yield
    }) : () -> ()
    "tpu.region"() ({
      %run_scoped3A = tpu.sem_alloc : memref<!tpu.dma_semaphore, #tpu.memory_space<semaphore_mem>>
      tpu.enqueue_dma source(%arg6 : memref<16384xi32, #tpu.memory_space<hbm>>) target(%arg10 : memref<16384xi32, #tpu.memory_space<vmem>>) target_semaphore(%run_scoped3A : memref<!tpu.dma_semaphore, #tpu.memory_space<semaphore_mem>>)
      tpu.wait_dma2 semaphore(%run_scoped3A : memref<!tpu.dma_semaphore, #tpu.memory_space<semaphore_mem>>) src(%arg6 : memref<16384xi32, #tpu.memory_space<hbm>>) dst(%arg10 : memref<16384xi32, #tpu.memory_space<vmem>>)
      tpu.yield
    }) : () -> ()
    "tpu.region"() ({
      %run_scoped3A = tpu.sem_alloc : memref<!tpu.dma_semaphore, #tpu.memory_space<semaphore_mem>>
      tpu.enqueue_dma source(%arg7 : memref<16384xi32, #tpu.memory_space<hbm>>) target(%arg11 : memref<16384xi32, #tpu.memory_space<vmem>>) target_semaphore(%run_scoped3A : memref<!tpu.dma_semaphore, #tpu.memory_space<semaphore_mem>>)
      tpu.wait_dma2 semaphore(%run_scoped3A : memref<!tpu.dma_semaphore, #tpu.memory_space<semaphore_mem>>) src(%arg7 : memref<16384xi32, #tpu.memory_space<hbm>>) dst(%arg11 : memref<16384xi32, #tpu.memory_space<vmem>>)
      tpu.yield
    }) : () -> ()
    %mul3A_1 = arith.constant 32 : i32
    %mul3A_2 = arith.muli %add3A, %mul3A_1 : i32
    %dma_start3A = arith.constant 0 : i32
    %dma_start3A_3 = tpu.memref_slice %arg2[%mul3A_2, %dma_start3A] : memref<1024x16384xf32, #tpu.memory_space<hbm>> -> memref<1x16384xf32, #tpu.memory_space<hbm>>
    %dma_start3A_4 = tpu.memref_squeeze %dma_start3A_3 : memref<1x16384xf32, #tpu.memory_space<hbm>> -> memref<16384xf32, #tpu.memory_space<hbm>>
    %dma_start3A_5 = arith.constant 0 : i32
    %dma_start3A_6 = tpu.memref_slice %arg2[%mul3A_2, %dma_start3A_5] : memref<1024x16384xf32, #tpu.memory_space<hbm>> -> memref<1x16384xf32, #tpu.memory_space<hbm>>
    %dma_start3A_7 = tpu.memref_squeeze %dma_start3A_6 : memref<1x16384xf32, #tpu.memory_space<hbm>> -> memref<16384xf32, #tpu.memory_space<hbm>>
    tpu.enqueue_dma source(%dma_start3A_7 : memref<16384xf32, #tpu.memory_space<hbm>>) target(%arg12 : memref<16384xf32, #tpu.memory_space<vmem>>) target_semaphore(%arg19 : memref<!tpu.dma_semaphore, #tpu.memory_space<semaphore_mem>>)
    %dma_start3A_8 = arith.constant 0 : i32
    %dma_start3A_9 = tpu.memref_slice %arg3[%mul3A_2, %dma_start3A_8] : memref<1024x16384xf32, #tpu.memory_space<hbm>> -> memref<1x16384xf32, #tpu.memory_space<hbm>>
    %dma_start3A_10 = tpu.memref_squeeze %dma_start3A_9 : memref<1x16384xf32, #tpu.memory_space<hbm>> -> memref<16384xf32, #tpu.memory_space<hbm>>
    %dma_start3A_11 = arith.constant 0 : i32
    %dma_start3A_12 = tpu.memref_slice %arg3[%mul3A_2, %dma_start3A_11] : memref<1024x16384xf32, #tpu.memory_space<hbm>> -> memref<1x16384xf32, #tpu.memory_space<hbm>>
    %dma_start3A_13 = tpu.memref_squeeze %dma_start3A_12 : memref<1x16384xf32, #tpu.memory_space<hbm>> -> memref<16384xf32, #tpu.memory_space<hbm>>
    tpu.enqueue_dma source(%dma_start3A_13 : memref<16384xf32, #tpu.memory_space<hbm>>) target(%arg14 : memref<16384xf32, #tpu.memory_space<vmem>>) target_semaphore(%arg18 : memref<!tpu.dma_semaphore, #tpu.memory_space<semaphore_mem>>)
    %dma_start3A_14 = arith.constant 0 : i32
    %dma_start3A_15 = tpu.memref_slice %arg4[%mul3A_2, %dma_start3A_14] : memref<1024x16384xf32, #tpu.memory_space<hbm>> -> memref<1x16384xf32, #tpu.memory_space<hbm>>
    %dma_start3A_16 = tpu.memref_squeeze %dma_start3A_15 : memref<1x16384xf32, #tpu.memory_space<hbm>> -> memref<16384xf32, #tpu.memory_space<hbm>>
    %dma_start3A_17 = arith.constant 0 : i32
    %dma_start3A_18 = tpu.memref_slice %arg4[%mul3A_2, %dma_start3A_17] : memref<1024x16384xf32, #tpu.memory_space<hbm>> -> memref<1x16384xf32, #tpu.memory_space<hbm>>
    %dma_start3A_19 = tpu.memref_squeeze %dma_start3A_18 : memref<1x16384xf32, #tpu.memory_space<hbm>> -> memref<16384xf32, #tpu.memory_space<hbm>>
    tpu.enqueue_dma source(%dma_start3A_19 : memref<16384xf32, #tpu.memory_space<hbm>>) target(%arg15 : memref<16384xf32, #tpu.memory_space<vmem>>) target_semaphore(%arg18 : memref<!tpu.dma_semaphore, #tpu.memory_space<semaphore_mem>>)
    %scan3A = arith.constant 0 : i32
    %scan3A_20 = arith.constant 65535 : i32
    %scan3A_21 = arith.constant 0 : i32
    %scan3A_22 = arith.constant 16 : i32
    %scan3A_23 = arith.addi %scan3A_21, %scan3A_22 : i32
    %scan3A_24 = arith.constant 1 : i32
    scf.for %scan3A_46 = %scan3A_21 to %scan3A_23 step %scan3A_24  : i32 {
      %mul3A_47 = arith.constant 2 : i32
      %mul3A_48 = arith.muli %mul3A_47, %scan3A_46 : i32
      %add3A_49 = arith.addi %mul3A_2, %mul3A_48 : i32
      %add3A_50 = arith.constant 1 : i32
      %add3A_51 = arith.addi %add3A_49, %add3A_50 : i32
      %dma_start3A_52 = arith.constant 0 : i32
      %dma_start3A_53 = tpu.memref_slice %arg2[%add3A_51, %dma_start3A_52] : memref<1024x16384xf32, #tpu.memory_space<hbm>> -> memref<1x16384xf32, #tpu.memory_space<hbm>>
      %dma_start3A_54 = tpu.memref_squeeze %dma_start3A_53 : memref<1x16384xf32, #tpu.memory_space<hbm>> -> memref<16384xf32, #tpu.memory_space<hbm>>
      %dma_start3A_55 = arith.constant 0 : i32
      %dma_start3A_56 = tpu.memref_slice %arg2[%add3A_51, %dma_start3A_55] : memref<1024x16384xf32, #tpu.memory_space<hbm>> -> memref<1x16384xf32, #tpu.memory_space<hbm>>
      %dma_start3A_57 = tpu.memref_squeeze %dma_start3A_56 : memref<1x16384xf32, #tpu.memory_space<hbm>> -> memref<16384xf32, #tpu.memory_space<hbm>>
      tpu.enqueue_dma source(%dma_start3A_57 : memref<16384xf32, #tpu.memory_space<hbm>>) target(%arg13 : memref<16384xf32, #tpu.memory_space<vmem>>) target_semaphore(%arg19 : memref<!tpu.dma_semaphore, #tpu.memory_space<semaphore_mem>>)
      %dma_wait3A_58 = arith.constant 0 : i32
      %dma_wait3A_59 = arith.constant 0 : i32
      %dma_wait3A_60 = tpu.memref_slice %arg2[%dma_wait3A_58, %dma_wait3A_59] : memref<1024x16384xf32, #tpu.memory_space<hbm>> -> memref<1x16384xf32, #tpu.memory_space<hbm>>
      %dma_wait3A_61 = tpu.memref_squeeze %dma_wait3A_60 : memref<1x16384xf32, #tpu.memory_space<hbm>> -> memref<16384xf32, #tpu.memory_space<hbm>>
      %dma_wait3A_62 = arith.constant 0 : i32
      %dma_wait3A_63 = tpu.memref_slice %arg2[%dma_wait3A_58, %dma_wait3A_62] : memref<1024x16384xf32, #tpu.memory_space<hbm>> -> memref<1x16384xf32, #tpu.memory_space<hbm>>
      %dma_wait3A_64 = tpu.memref_squeeze %dma_wait3A_63 : memref<1x16384xf32, #tpu.memory_space<hbm>> -> memref<16384xf32, #tpu.memory_space<hbm>>
      tpu.wait_dma2 semaphore(%arg19 : memref<!tpu.dma_semaphore, #tpu.memory_space<semaphore_mem>>) src(%dma_wait3A_64 : memref<16384xf32, #tpu.memory_space<hbm>>) dst(%arg12 : memref<16384xf32, #tpu.memory_space<vmem>>)
      %dma_wait3A_65 = arith.constant 0 : i32
      %dma_wait3A_66 = arith.constant 0 : i32
      %dma_wait3A_67 = tpu.memref_slice %arg3[%dma_wait3A_65, %dma_wait3A_66] : memref<1024x16384xf32, #tpu.memory_space<hbm>> -> memref<1x16384xf32, #tpu.memory_space<hbm>>
      %dma_wait3A_68 = tpu.memref_squeeze %dma_wait3A_67 : memref<1x16384xf32, #tpu.memory_space<hbm>> -> memref<16384xf32, #tpu.memory_space<hbm>>
      %dma_wait3A_69 = arith.constant 0 : i32
      %dma_wait3A_70 = tpu.memref_slice %arg3[%dma_wait3A_65, %dma_wait3A_69] : memref<1024x16384xf32, #tpu.memory_space<hbm>> -> memref<1x16384xf32, #tpu.memory_space<hbm>>
      %dma_wait3A_71 = tpu.memref_squeeze %dma_wait3A_70 : memref<1x16384xf32, #tpu.memory_space<hbm>> -> memref<16384xf32, #tpu.memory_space<hbm>>
      tpu.wait_dma2 semaphore(%arg18 : memref<!tpu.dma_semaphore, #tpu.memory_space<semaphore_mem>>) src(%dma_wait3A_71 : memref<16384xf32, #tpu.memory_space<hbm>>) dst(%arg14 : memref<16384xf32, #tpu.memory_space<vmem>>)
      %dma_wait3A_72 = arith.constant 0 : i32
      %dma_wait3A_73 = arith.constant 0 : i32
      %dma_wait3A_74 = tpu.memref_slice %arg4[%dma_wait3A_72, %dma_wait3A_73] : memref<1024x16384xf32, #tpu.memory_space<hbm>> -> memref<1x16384xf32, #tpu.memory_space<hbm>>
      %dma_wait3A_75 = tpu.memref_squeeze %dma_wait3A_74 : memref<1x16384xf32, #tpu.memory_space<hbm>> -> memref<16384xf32, #tpu.memory_space<hbm>>
      %dma_wait3A_76 = arith.constant 0 : i32
      %dma_wait3A_77 = tpu.memref_slice %arg4[%dma_wait3A_72, %dma_wait3A_76] : memref<1024x16384xf32, #tpu.memory_space<hbm>> -> memref<1x16384xf32, #tpu.memory_space<hbm>>
      %dma_wait3A_78 = tpu.memref_squeeze %dma_wait3A_77 : memref<1x16384xf32, #tpu.memory_space<hbm>> -> memref<16384xf32, #tpu.memory_space<hbm>>
      tpu.wait_dma2 semaphore(%arg18 : memref<!tpu.dma_semaphore, #tpu.memory_space<semaphore_mem>>) src(%dma_wait3A_78 : memref<16384xf32, #tpu.memory_space<hbm>>) dst(%arg15 : memref<16384xf32, #tpu.memory_space<vmem>>)
      %parallel_loop3A = arith.constant 0 : i32
      %parallel_loop3A_79 = arith.constant 128 : i32
      %parallel_loop3A_80 = arith.constant 1 : i32
      scf.for %parallel_loop3A_378 = %parallel_loop3A to %parallel_loop3A_79 step %parallel_loop3A_80  : i32 {
        %parallel_loop3A_379 = arith.constant 16 : i32
        %parallel_loop3A_380 = arith.muli %parallel_loop3A_378, %parallel_loop3A_379 : i32
        %parallel_loop3A_381 = arith.constant 0 : i32
        %parallel_loop3A_382 = arith.addi %parallel_loop3A_381, %parallel_loop3A_380 : i32
        %parallel_loop3A_383 = arith.index_cast %parallel_loop3A_382 : i32 to index
        %parallel_loop3A_384 = tpu.vector_load %arg9[%parallel_loop3A_383] {strides = array<i32>} : memref<16384xi32, #tpu.memory_space<vmem>>, vector<16xi32>,
        %parallel_loop3A_385 = arith.index_cast %parallel_loop3A_382 : i32 to index
        %parallel_loop3A_386 = tpu.vector_load %arg10[%parallel_loop3A_385] {strides = array<i32>} : memref<16384xi32, #tpu.memory_space<vmem>>, vector<16xi32>,
        %parallel_loop3A_387 = arith.index_cast %parallel_loop3A_382 : i32 to index
        %parallel_loop3A_388 = tpu.vector_load %arg11[%parallel_loop3A_387] {strides = array<i32>} : memref<16384xi32, #tpu.memory_space<vmem>>, vector<16xi32>,
        %parallel_loop3A_389 = vector.broadcast %scan3A_20 : i32 to vector<16xi32>
        %parallel_loop3A_390 = arith.andi %parallel_loop3A_384, %parallel_loop3A_389 : vector<16xi32>
        %parallel_loop3A_391 = tpu.vector_load_idx %arg12[%parallel_loop3A_390] : memref<16384xf32, #tpu.memory_space<vmem>>[vector<16xi32>], vector<16xf32>,
        %parallel_loop3A_392 = arith.constant 16 : i32
        %parallel_loop3A_393 = vector.broadcast %parallel_loop3A_392 : i32 to vector<16xi32>
        %parallel_loop3A_394 = arith.shrui %parallel_loop3A_384, %parallel_loop3A_393 : vector<16xi32>
        %parallel_loop3A_395 = tpu.vector_load_idx %arg12[%parallel_loop3A_394] : memref<16384xf32, #tpu.memory_space<vmem>>[vector<16xi32>], vector<16xf32>,
        %parallel_loop3A_396 = vector.broadcast %scan3A_20 : i32 to vector<16xi32>
        %parallel_loop3A_397 = arith.andi %parallel_loop3A_386, %parallel_loop3A_396 : vector<16xi32>
        %parallel_loop3A_398 = tpu.vector_load_idx %arg14[%parallel_loop3A_397] : memref<16384xf32, #tpu.memory_space<vmem>>[vector<16xi32>], vector<16xf32>,
        %parallel_loop3A_399 = arith.constant 16 : i32
        %parallel_loop3A_400 = vector.broadcast %parallel_loop3A_399 : i32 to vector<16xi32>
        %parallel_loop3A_401 = arith.shrui %parallel_loop3A_386, %parallel_loop3A_400 : vector<16xi32>
        %parallel_loop3A_402 = tpu.vector_load_idx %arg14[%parallel_loop3A_401] : memref<16384xf32, #tpu.memory_space<vmem>>[vector<16xi32>], vector<16xf32>,
        %parallel_loop3A_403 = vector.broadcast %scan3A_20 : i32 to vector<16xi32>
        %parallel_loop3A_404 = arith.andi %parallel_loop3A_388, %parallel_loop3A_403 : vector<16xi32>
        %parallel_loop3A_405 = tpu.vector_load_idx %arg15[%parallel_loop3A_404] : memref<16384xf32, #tpu.memory_space<vmem>>[vector<16xi32>], vector<16xf32>,
        %parallel_loop3A_406 = arith.constant 16 : i32
        %parallel_loop3A_407 = vector.broadcast %parallel_loop3A_406 : i32 to vector<16xi32>
        %parallel_loop3A_408 = arith.shrui %parallel_loop3A_388, %parallel_loop3A_407 : vector<16xi32>
        %parallel_loop3A_409 = tpu.vector_load_idx %arg15[%parallel_loop3A_408] : memref<16384xf32, #tpu.memory_space<vmem>>[vector<16xi32>], vector<16xf32>,
        %parallel_loop3A_410 = arith.constant 32 : i32
        %parallel_loop3A_411 = arith.muli %parallel_loop3A_378, %parallel_loop3A_410 : i32
        %parallel_loop3A_412 = arith.addf %parallel_loop3A_391, %parallel_loop3A_398 : vector<16xf32>
        %parallel_loop3A_413 = arith.subf %parallel_loop3A_412, %parallel_loop3A_405 : vector<16xf32>
        %parallel_loop3A_414 = arith.constant 0.000000e+00 : f32
        %parallel_loop3A_415 = vector.broadcast %parallel_loop3A_414 : f32 to vector<16xf32>
        %parallel_loop3A_416 = arith.maximumf %parallel_loop3A_413, %parallel_loop3A_415 : vector<16xf32>
        %parallel_loop3A_417 = arith.index_cast %parallel_loop3A_411 : i32 to index
        %parallel_loop3A_418 = tpu.vector_load %arg16[%parallel_loop3A_417] {strides = array<i32>} : memref<4096xf32, #tpu.memory_space<vmem>>, vector<16xf32>,
        tpu.vector_store %arg16[%parallel_loop3A_417], %parallel_loop3A_416 {strides = array<i32>} : memref<4096xf32, #tpu.memory_space<vmem>>, vector<16xf32>,
        %parallel_loop3A_419 = arith.addf %parallel_loop3A_395, %parallel_loop3A_402 : vector<16xf32>
        %parallel_loop3A_420 = arith.subf %parallel_loop3A_419, %parallel_loop3A_409 : vector<16xf32>
        %parallel_loop3A_421 = arith.constant 0.000000e+00 : f32
        %parallel_loop3A_422 = vector.broadcast %parallel_loop3A_421 : f32 to vector<16xf32>
        %parallel_loop3A_423 = arith.maximumf %parallel_loop3A_420, %parallel_loop3A_422 : vector<16xf32>
        %parallel_loop3A_424 = arith.constant 16 : i32
        %parallel_loop3A_425 = arith.addi %parallel_loop3A_411, %parallel_loop3A_424 : i32
        %parallel_loop3A_426 = arith.index_cast %parallel_loop3A_425 : i32 to index
        %parallel_loop3A_427 = tpu.vector_load %arg16[%parallel_loop3A_426] {strides = array<i32>} : memref<4096xf32, #tpu.memory_space<vmem>>, vector<16xf32>,
        tpu.vector_store %arg16[%parallel_loop3A_426], %parallel_loop3A_423 {strides = array<i32>} : memref<4096xf32, #tpu.memory_space<vmem>>, vector<16xf32>,
      } {sc.loop_unroll_factor = 4 : i64, sc.parallel_access}
      %dma_start3A_81 = arith.constant 0 : i32
      %dma_start3A_82 = tpu.memref_slice %arg8[%add3A_49, %dma_start3A_81] : memref<1024x32768xf32, #tpu.memory_space<hbm>> -> memref<1x4096xf32, #tpu.memory_space<hbm>>
      %dma_start3A_83 = tpu.memref_squeeze %dma_start3A_82 : memref<1x4096xf32, #tpu.memory_space<hbm>> -> memref<4096xf32, #tpu.memory_space<hbm>>
      %dma_start3A_84 = arith.constant 0 : i32
      %dma_start3A_85 = tpu.memref_slice %arg8[%add3A_49, %dma_start3A_84] : memref<1024x32768xf32, #tpu.memory_space<hbm>> -> memref<1x4096xf32, #tpu.memory_space<hbm>>
      %dma_start3A_86 = tpu.memref_squeeze %dma_start3A_85 : memref<1x4096xf32, #tpu.memory_space<hbm>> -> memref<4096xf32, #tpu.memory_space<hbm>>
      tpu.enqueue_dma source(%arg16 : memref<4096xf32, #tpu.memory_space<vmem>>) target(%dma_start3A_86 : memref<4096xf32, #tpu.memory_space<hbm>>) target_semaphore(%arg20 : memref<!tpu.dma_semaphore, #tpu.memory_space<semaphore_mem>>)
      %parallel_loop3A_87 = arith.constant 0 : i32
      %parallel_loop3A_88 = arith.constant 128 : i32
      %parallel_loop3A_89 = arith.constant 1 : i32
      scf.for %parallel_loop3A_378 = %parallel_loop3A_87 to %parallel_loop3A_88 step %parallel_loop3A_89  : i32 {
        %parallel_loop3A_379 = arith.constant 16 : i32
        %parallel_loop3A_380 = arith.muli %parallel_loop3A_378, %parallel_loop3A_379 : i32
        %parallel_loop3A_381 = arith.constant 2048 : i32
        %parallel_loop3A_382 = arith.addi %parallel_loop3A_381, %parallel_loop3A_380 : i32
        %parallel_loop3A_383 = arith.index_cast %parallel_loop3A_382 : i32 to index
        %parallel_loop3A_384 = tpu.vector_load %arg9[%parallel_loop3A_383] {strides = array<i32>} : memref<16384xi32, #tpu.memory_space<vmem>>, vector<16xi32>,
        %parallel_loop3A_385 = arith.index_cast %parallel_loop3A_382 : i32 to index
        %parallel_loop3A_386 = tpu.vector_load %arg10[%parallel_loop3A_385] {strides = array<i32>} : memref<16384xi32, #tpu.memory_space<vmem>>, vector<16xi32>,
        %parallel_loop3A_387 = arith.index_cast %parallel_loop3A_382 : i32 to index
        %parallel_loop3A_388 = tpu.vector_load %arg11[%parallel_loop3A_387] {strides = array<i32>} : memref<16384xi32, #tpu.memory_space<vmem>>, vector<16xi32>,
        %parallel_loop3A_389 = vector.broadcast %scan3A_20 : i32 to vector<16xi32>
        %parallel_loop3A_390 = arith.andi %parallel_loop3A_384, %parallel_loop3A_389 : vector<16xi32>
        %parallel_loop3A_391 = tpu.vector_load_idx %arg12[%parallel_loop3A_390] : memref<16384xf32, #tpu.memory_space<vmem>>[vector<16xi32>], vector<16xf32>,
        %parallel_loop3A_392 = arith.constant 16 : i32
        %parallel_loop3A_393 = vector.broadcast %parallel_loop3A_392 : i32 to vector<16xi32>
        %parallel_loop3A_394 = arith.shrui %parallel_loop3A_384, %parallel_loop3A_393 : vector<16xi32>
        %parallel_loop3A_395 = tpu.vector_load_idx %arg12[%parallel_loop3A_394] : memref<16384xf32, #tpu.memory_space<vmem>>[vector<16xi32>], vector<16xf32>,
        %parallel_loop3A_396 = vector.broadcast %scan3A_20 : i32 to vector<16xi32>
        %parallel_loop3A_397 = arith.andi %parallel_loop3A_386, %parallel_loop3A_396 : vector<16xi32>
        %parallel_loop3A_398 = tpu.vector_load_idx %arg14[%parallel_loop3A_397] : memref<16384xf32, #tpu.memory_space<vmem>>[vector<16xi32>], vector<16xf32>,
        %parallel_loop3A_399 = arith.constant 16 : i32
        %parallel_loop3A_400 = vector.broadcast %parallel_loop3A_399 : i32 to vector<16xi32>
        %parallel_loop3A_401 = arith.shrui %parallel_loop3A_386, %parallel_loop3A_400 : vector<16xi32>
        %parallel_loop3A_402 = tpu.vector_load_idx %arg14[%parallel_loop3A_401] : memref<16384xf32, #tpu.memory_space<vmem>>[vector<16xi32>], vector<16xf32>,
        %parallel_loop3A_403 = vector.broadcast %scan3A_20 : i32 to vector<16xi32>
        %parallel_loop3A_404 = arith.andi %parallel_loop3A_388, %parallel_loop3A_403 : vector<16xi32>
        %parallel_loop3A_405 = tpu.vector_load_idx %arg15[%parallel_loop3A_404] : memref<16384xf32, #tpu.memory_space<vmem>>[vector<16xi32>], vector<16xf32>,
        %parallel_loop3A_406 = arith.constant 16 : i32
        %parallel_loop3A_407 = vector.broadcast %parallel_loop3A_406 : i32 to vector<16xi32>
        %parallel_loop3A_408 = arith.shrui %parallel_loop3A_388, %parallel_loop3A_407 : vector<16xi32>
        %parallel_loop3A_409 = tpu.vector_load_idx %arg15[%parallel_loop3A_408] : memref<16384xf32, #tpu.memory_space<vmem>>[vector<16xi32>], vector<16xf32>,
        %parallel_loop3A_410 = arith.constant 32 : i32
        %parallel_loop3A_411 = arith.muli %parallel_loop3A_378, %parallel_loop3A_410 : i32
        %parallel_loop3A_412 = arith.addf %parallel_loop3A_391, %parallel_loop3A_398 : vector<16xf32>
        %parallel_loop3A_413 = arith.subf %parallel_loop3A_412, %parallel_loop3A_405 : vector<16xf32>
        %parallel_loop3A_414 = arith.constant 0.000000e+00 : f32
        %parallel_loop3A_415 = vector.broadcast %parallel_loop3A_414 : f32 to vector<16xf32>
        %parallel_loop3A_416 = arith.maximumf %parallel_loop3A_413, %parallel_loop3A_415 : vector<16xf32>
        %parallel_loop3A_417 = arith.index_cast %parallel_loop3A_411 : i32 to index
        %parallel_loop3A_418 = tpu.vector_load %arg17[%parallel_loop3A_417] {strides = array<i32>} : memref<4096xf32, #tpu.memory_space<vmem>>, vector<16xf32>,
        tpu.vector_store %arg17[%parallel_loop3A_417], %parallel_loop3A_416 {strides = array<i32>} : memref<4096xf32, #tpu.memory_space<vmem>>, vector<16xf32>,
        %parallel_loop3A_419 = arith.addf %parallel_loop3A_395, %parallel_loop3A_402 : vector<16xf32>
        %parallel_loop3A_420 = arith.subf %parallel_loop3A_419, %parallel_loop3A_409 : vector<16xf32>
        %parallel_loop3A_421 = arith.constant 0.000000e+00 : f32
        %parallel_loop3A_422 = vector.broadcast %parallel_loop3A_421 : f32 to vector<16xf32>
        %parallel_loop3A_423 = arith.maximumf %parallel_loop3A_420, %parallel_loop3A_422 : vector<16xf32>
        %parallel_loop3A_424 = arith.constant 16 : i32
        %parallel_loop3A_425 = arith.addi %parallel_loop3A_411, %parallel_loop3A_424 : i32
        %parallel_loop3A_426 = arith.index_cast %parallel_loop3A_425 : i32 to index
        %parallel_loop3A_427 = tpu.vector_load %arg17[%parallel_loop3A_426] {strides = array<i32>} : memref<4096xf32, #tpu.memory_space<vmem>>, vector<16xf32>,
        tpu.vector_store %arg17[%parallel_loop3A_426], %parallel_loop3A_423 {strides = array<i32>} : memref<4096xf32, #tpu.memory_space<vmem>>, vector<16xf32>,
      } {sc.loop_unroll_factor = 4 : i64, sc.parallel_access}
      %dma_start3A_90 = arith.constant 4096 : i32
      %dma_start3A_91 = tpu.memref_slice %arg8[%add3A_49, %dma_start3A_90] : memref<1024x32768xf32, #tpu.memory_space<hbm>> -> memref<1x4096xf32, #tpu.memory_space<hbm>>
      %dma_start3A_92 = tpu.memref_squeeze %dma_start3A_91 : memref<1x4096xf32, #tpu.memory_space<hbm>> -> memref<4096xf32, #tpu.memory_space<hbm>>
      %dma_start3A_93 = arith.constant 4096 : i32
      %dma_start3A_94 = tpu.memref_slice %arg8[%add3A_49, %dma_start3A_93] : memref<1024x32768xf32, #tpu.memory_space<hbm>> -> memref<1x4096xf32, #tpu.memory_space<hbm>>
      %dma_start3A_95 = tpu.memref_squeeze %dma_start3A_94 : memref<1x4096xf32, #tpu.memory_space<hbm>> -> memref<4096xf32, #tpu.memory_space<hbm>>
      tpu.enqueue_dma source(%arg17 : memref<4096xf32, #tpu.memory_space<vmem>>) target(%dma_start3A_95 : memref<4096xf32, #tpu.memory_space<hbm>>) target_semaphore(%arg21 : memref<!tpu.dma_semaphore, #tpu.memory_space<semaphore_mem>>)
      %dma_wait3A_96 = arith.constant 0 : i32
      %dma_wait3A_97 = tpu.memref_slice %arg8[%add3A_49, %dma_wait3A_96] : memref<1024x32768xf32, #tpu.memory_space<hbm>> -> memref<1x4096xf32, #tpu.memory_space<hbm>>
      %dma_wait3A_98 = tpu.memref_squeeze %dma_wait3A_97 : memref<1x4096xf32, #tpu.memory_space<hbm>> -> memref<4096xf32, #tpu.memory_space<hbm>>
      %dma_wait3A_99 = arith.constant 0 : i32
      %dma_wait3A_100 = tpu.memref_slice %arg8[%add3A_49, %dma_wait3A_99] : memref<1024x32768xf32, #tpu.memory_space<hbm>> -> memref<1x4096xf32, #tpu.memory_space<hbm>>
      %dma_wait3A_101 = tpu.memref_squeeze %dma_wait3A_100 : memref<1x4096xf32, #tpu.memory_space<hbm>> -> memref<4096xf32, #tpu.memory_space<hbm>>
      tpu.wait_dma2 semaphore(%arg20 : memref<!tpu.dma_semaphore, #tpu.memory_space<semaphore_mem>>) src(%arg16 : memref<4096xf32, #tpu.memory_space<vmem>>) dst(%dma_wait3A_101 : memref<4096xf32, #tpu.memory_space<hbm>>)
      %parallel_loop3A_102 = arith.constant 0 : i32
      %parallel_loop3A_103 = arith.constant 128 : i32
      %parallel_loop3A_104 = arith.constant 1 : i32
      scf.for %parallel_loop3A_378 = %parallel_loop3A_102 to %parallel_loop3A_103 step %parallel_loop3A_104  : i32 {
        %parallel_loop3A_379 = arith.constant 16 : i32
        %parallel_loop3A_380 = arith.muli %parallel_loop3A_378, %parallel_loop3A_379 : i32
        %parallel_loop3A_381 = arith.constant 4096 : i32
        %parallel_loop3A_382 = arith.addi %parallel_loop3A_381, %parallel_loop3A_380 : i32
        %parallel_loop3A_383 = arith.index_cast %parallel_loop3A_382 : i32 to index
        %parallel_loop3A_384 = tpu.vector_load %arg9[%parallel_loop3A_383] {strides = array<i32>} : memref<16384xi32, #tpu.memory_space<vmem>>, vector<16xi32>,
        %parallel_loop3A_385 = arith.index_cast %parallel_loop3A_382 : i32 to index
        %parallel_loop3A_386 = tpu.vector_load %arg10[%parallel_loop3A_385] {strides = array<i32>} : memref<16384xi32, #tpu.memory_space<vmem>>, vector<16xi32>,
        %parallel_loop3A_387 = arith.index_cast %parallel_loop3A_382 : i32 to index
        %parallel_loop3A_388 = tpu.vector_load %arg11[%parallel_loop3A_387] {strides = array<i32>} : memref<16384xi32, #tpu.memory_space<vmem>>, vector<16xi32>,
        %parallel_loop3A_389 = vector.broadcast %scan3A_20 : i32 to vector<16xi32>
        %parallel_loop3A_390 = arith.andi %parallel_loop3A_384, %parallel_loop3A_389 : vector<16xi32>
        %parallel_loop3A_391 = tpu.vector_load_idx %arg12[%parallel_loop3A_390] : memref<16384xf32, #tpu.memory_space<vmem>>[vector<16xi32>], vector<16xf32>,
        %parallel_loop3A_392 = arith.constant 16 : i32
        %parallel_loop3A_393 = vector.broadcast %parallel_loop3A_392 : i32 to vector<16xi32>
        %parallel_loop3A_394 = arith.shrui %parallel_loop3A_384, %parallel_loop3A_393 : vector<16xi32>
        %parallel_loop3A_395 = tpu.vector_load_idx %arg12[%parallel_loop3A_394] : memref<16384xf32, #tpu.memory_space<vmem>>[vector<16xi32>], vector<16xf32>,
        %parallel_loop3A_396 = vector.broadcast %scan3A_20 : i32 to vector<16xi32>
        %parallel_loop3A_397 = arith.andi %parallel_loop3A_386, %parallel_loop3A_396 : vector<16xi32>
        %parallel_loop3A_398 = tpu.vector_load_idx %arg14[%parallel_loop3A_397] : memref<16384xf32, #tpu.memory_space<vmem>>[vector<16xi32>], vector<16xf32>,
        %parallel_loop3A_399 = arith.constant 16 : i32
        %parallel_loop3A_400 = vector.broadcast %parallel_loop3A_399 : i32 to vector<16xi32>
        %parallel_loop3A_401 = arith.shrui %parallel_loop3A_386, %parallel_loop3A_400 : vector<16xi32>
        %parallel_loop3A_402 = tpu.vector_load_idx %arg14[%parallel_loop3A_401] : memref<16384xf32, #tpu.memory_space<vmem>>[vector<16xi32>], vector<16xf32>,
        %parallel_loop3A_403 = vector.broadcast %scan3A_20 : i32 to vector<16xi32>
        %parallel_loop3A_404 = arith.andi %parallel_loop3A_388, %parallel_loop3A_403 : vector<16xi32>
        %parallel_loop3A_405 = tpu.vector_load_idx %arg15[%parallel_loop3A_404] : memref<16384xf32, #tpu.memory_space<vmem>>[vector<16xi32>], vector<16xf32>,
        %parallel_loop3A_406 = arith.constant 16 : i32
        %parallel_loop3A_407 = vector.broadcast %parallel_loop3A_406 : i32 to vector<16xi32>
        %parallel_loop3A_408 = arith.shrui %parallel_loop3A_388, %parallel_loop3A_407 : vector<16xi32>
        %parallel_loop3A_409 = tpu.vector_load_idx %arg15[%parallel_loop3A_408] : memref<16384xf32, #tpu.memory_space<vmem>>[vector<16xi32>], vector<16xf32>,
        %parallel_loop3A_410 = arith.constant 32 : i32
        %parallel_loop3A_411 = arith.muli %parallel_loop3A_378, %parallel_loop3A_410 : i32
        %parallel_loop3A_412 = arith.addf %parallel_loop3A_391, %parallel_loop3A_398 : vector<16xf32>
        %parallel_loop3A_413 = arith.subf %parallel_loop3A_412, %parallel_loop3A_405 : vector<16xf32>
        %parallel_loop3A_414 = arith.constant 0.000000e+00 : f32
        %parallel_loop3A_415 = vector.broadcast %parallel_loop3A_414 : f32 to vector<16xf32>
        %parallel_loop3A_416 = arith.maximumf %parallel_loop3A_413, %parallel_loop3A_415 : vector<16xf32>
        %parallel_loop3A_417 = arith.index_cast %parallel_loop3A_411 : i32 to index
        %parallel_loop3A_418 = tpu.vector_load %arg16[%parallel_loop3A_417] {strides = array<i32>} : memref<4096xf32, #tpu.memory_space<vmem>>, vector<16xf32>,
        tpu.vector_store %arg16[%parallel_loop3A_417], %parallel_loop3A_416 {strides = array<i32>} : memref<4096xf32, #tpu.memory_space<vmem>>, vector<16xf32>,
        %parallel_loop3A_419 = arith.addf %parallel_loop3A_395, %parallel_loop3A_402 : vector<16xf32>
        %parallel_loop3A_420 = arith.subf %parallel_loop3A_419, %parallel_loop3A_409 : vector<16xf32>
        %parallel_loop3A_421 = arith.constant 0.000000e+00 : f32
        %parallel_loop3A_422 = vector.broadcast %parallel_loop3A_421 : f32 to vector<16xf32>
        %parallel_loop3A_423 = arith.maximumf %parallel_loop3A_420, %parallel_loop3A_422 : vector<16xf32>
        %parallel_loop3A_424 = arith.constant 16 : i32
        %parallel_loop3A_425 = arith.addi %parallel_loop3A_411, %parallel_loop3A_424 : i32
        %parallel_loop3A_426 = arith.index_cast %parallel_loop3A_425 : i32 to index
        %parallel_loop3A_427 = tpu.vector_load %arg16[%parallel_loop3A_426] {strides = array<i32>} : memref<4096xf32, #tpu.memory_space<vmem>>, vector<16xf32>,
        tpu.vector_store %arg16[%parallel_loop3A_426], %parallel_loop3A_423 {strides = array<i32>} : memref<4096xf32, #tpu.memory_space<vmem>>, vector<16xf32>,
      } {sc.loop_unroll_factor = 4 : i64, sc.parallel_access}
      %dma_start3A_105 = arith.constant 8192 : i32
      %dma_start3A_106 = tpu.memref_slice %arg8[%add3A_49, %dma_start3A_105] : memref<1024x32768xf32, #tpu.memory_space<hbm>> -> memref<1x4096xf32, #tpu.memory_space<hbm>>
      %dma_start3A_107 = tpu.memref_squeeze %dma_start3A_106 : memref<1x4096xf32, #tpu.memory_space<hbm>> -> memref<4096xf32, #tpu.memory_space<hbm>>
      %dma_start3A_108 = arith.constant 8192 : i32
      %dma_start3A_109 = tpu.memref_slice %arg8[%add3A_49, %dma_start3A_108] : memref<1024x32768xf32, #tpu.memory_space<hbm>> -> memref<1x4096xf32, #tpu.memory_space<hbm>>
      %dma_start3A_110 = tpu.memref_squeeze %dma_start3A_109 : memref<1x4096xf32, #tpu.memory_space<hbm>> -> memref<4096xf32, #tpu.memory_space<hbm>>
      tpu.enqueue_dma source(%arg16 : memref<4096xf32, #tpu.memory_space<vmem>>) target(%dma_start3A_110 : memref<4096xf32, #tpu.memory_space<hbm>>) target_semaphore(%arg20 : memref<!tpu.dma_semaphore, #tpu.memory_space<semaphore_mem>>)
      %dma_wait3A_111 = arith.constant 4096 : i32
      %dma_wait3A_112 = tpu.memref_slice %arg8[%add3A_49, %dma_wait3A_111] : memref<1024x32768xf32, #tpu.memory_space<hbm>> -> memref<1x4096xf32, #tpu.memory_space<hbm>>
      %dma_wait3A_113 = tpu.memref_squeeze %dma_wait3A_112 : memref<1x4096xf32, #tpu.memory_space<hbm>> -> memref<4096xf32, #tpu.memory_space<hbm>>
      %dma_wait3A_114 = arith.constant 4096 : i32
      %dma_wait3A_115 = tpu.memref_slice %arg8[%add3A_49, %dma_wait3A_114] : memref<1024x32768xf32, #tpu.memory_space<hbm>> -> memref<1x4096xf32, #tpu.memory_space<hbm>>
      %dma_wait3A_116 = tpu.memref_squeeze %dma_wait3A_115 : memref<1x4096xf32, #tpu.memory_space<hbm>> -> memref<4096xf32, #tpu.memory_space<hbm>>
      tpu.wait_dma2 semaphore(%arg21 : memref<!tpu.dma_semaphore, #tpu.memory_space<semaphore_mem>>) src(%arg17 : memref<4096xf32, #tpu.memory_space<vmem>>) dst(%dma_wait3A_116 : memref<4096xf32, #tpu.memory_space<hbm>>)
      %parallel_loop3A_117 = arith.constant 0 : i32
      %parallel_loop3A_118 = arith.constant 128 : i32
      %parallel_loop3A_119 = arith.constant 1 : i32
      scf.for %parallel_loop3A_378 = %parallel_loop3A_117 to %parallel_loop3A_118 step %parallel_loop3A_119  : i32 {
        %parallel_loop3A_379 = arith.constant 16 : i32
        %parallel_loop3A_380 = arith.muli %parallel_loop3A_378, %parallel_loop3A_379 : i32
        %parallel_loop3A_381 = arith.constant 6144 : i32
        %parallel_loop3A_382 = arith.addi %parallel_loop3A_381, %parallel_loop3A_380 : i32
        %parallel_loop3A_383 = arith.index_cast %parallel_loop3A_382 : i32 to index
        %parallel_loop3A_384 = tpu.vector_load %arg9[%parallel_loop3A_383] {strides = array<i32>} : memref<16384xi32, #tpu.memory_space<vmem>>, vector<16xi32>,
        %parallel_loop3A_385 = arith.index_cast %parallel_loop3A_382 : i32 to index
        %parallel_loop3A_386 = tpu.vector_load %arg10[%parallel_loop3A_385] {strides = array<i32>} : memref<16384xi32, #tpu.memory_space<vmem>>, vector<16xi32>,
        %parallel_loop3A_387 = arith.index_cast %parallel_loop3A_382 : i32 to index
        %parallel_loop3A_388 = tpu.vector_load %arg11[%parallel_loop3A_387] {strides = array<i32>} : memref<16384xi32, #tpu.memory_space<vmem>>, vector<16xi32>,
        %parallel_loop3A_389 = vector.broadcast %scan3A_20 : i32 to vector<16xi32>
        %parallel_loop3A_390 = arith.andi %parallel_loop3A_384, %parallel_loop3A_389 : vector<16xi32>
        %parallel_loop3A_391 = tpu.vector_load_idx %arg12[%parallel_loop3A_390] : memref<16384xf32, #tpu.memory_space<vmem>>[vector<16xi32>], vector<16xf32>,
        %parallel_loop3A_392 = arith.constant 16 : i32
        %parallel_loop3A_393 = vector.broadcast %parallel_loop3A_392 : i32 to vector<16xi32>
        %parallel_loop3A_394 = arith.shrui %parallel_loop3A_384, %parallel_loop3A_393 : vector<16xi32>
        %parallel_loop3A_395 = tpu.vector_load_idx %arg12[%parallel_loop3A_394] : memref<16384xf32, #tpu.memory_space<vmem>>[vector<16xi32>], vector<16xf32>,
        %parallel_loop3A_396 = vector.broadcast %scan3A_20 : i32 to vector<16xi32>
        %parallel_loop3A_397 = arith.andi %parallel_loop3A_386, %parallel_loop3A_396 : vector<16xi32>
        %parallel_loop3A_398 = tpu.vector_load_idx %arg14[%parallel_loop3A_397] : memref<16384xf32, #tpu.memory_space<vmem>>[vector<16xi32>], vector<16xf32>,
        %parallel_loop3A_399 = arith.constant 16 : i32
        %parallel_loop3A_400 = vector.broadcast %parallel_loop3A_399 : i32 to vector<16xi32>
        %parallel_loop3A_401 = arith.shrui %parallel_loop3A_386, %parallel_loop3A_400 : vector<16xi32>
        %parallel_loop3A_402 = tpu.vector_load_idx %arg14[%parallel_loop3A_401] : memref<16384xf32, #tpu.memory_space<vmem>>[vector<16xi32>], vector<16xf32>,
        %parallel_loop3A_403 = vector.broadcast %scan3A_20 : i32 to vector<16xi32>
        %parallel_loop3A_404 = arith.andi %parallel_loop3A_388, %parallel_loop3A_403 : vector<16xi32>
        %parallel_loop3A_405 = tpu.vector_load_idx %arg15[%parallel_loop3A_404] : memref<16384xf32, #tpu.memory_space<vmem>>[vector<16xi32>], vector<16xf32>,
        %parallel_loop3A_406 = arith.constant 16 : i32
        %parallel_loop3A_407 = vector.broadcast %parallel_loop3A_406 : i32 to vector<16xi32>
        %parallel_loop3A_408 = arith.shrui %parallel_loop3A_388, %parallel_loop3A_407 : vector<16xi32>
        %parallel_loop3A_409 = tpu.vector_load_idx %arg15[%parallel_loop3A_408] : memref<16384xf32, #tpu.memory_space<vmem>>[vector<16xi32>], vector<16xf32>,
        %parallel_loop3A_410 = arith.constant 32 : i32
        %parallel_loop3A_411 = arith.muli %parallel_loop3A_378, %parallel_loop3A_410 : i32
        %parallel_loop3A_412 = arith.addf %parallel_loop3A_391, %parallel_loop3A_398 : vector<16xf32>
        %parallel_loop3A_413 = arith.subf %parallel_loop3A_412, %parallel_loop3A_405 : vector<16xf32>
        %parallel_loop3A_414 = arith.constant 0.000000e+00 : f32
        %parallel_loop3A_415 = vector.broadcast %parallel_loop3A_414 : f32 to vector<16xf32>
        %parallel_loop3A_416 = arith.maximumf %parallel_loop3A_413, %parallel_loop3A_415 : vector<16xf32>
        %parallel_loop3A_417 = arith.index_cast %parallel_loop3A_411 : i32 to index
        %parallel_loop3A_418 = tpu.vector_load %arg17[%parallel_loop3A_417] {strides = array<i32>} : memref<4096xf32, #tpu.memory_space<vmem>>, vector<16xf32>,
        tpu.vector_store %arg17[%parallel_loop3A_417], %parallel_loop3A_416 {strides = array<i32>} : memref<4096xf32, #tpu.memory_space<vmem>>, vector<16xf32>,
        %parallel_loop3A_419 = arith.addf %parallel_loop3A_395, %parallel_loop3A_402 : vector<16xf32>
        %parallel_loop3A_420 = arith.subf %parallel_loop3A_419, %parallel_loop3A_409 : vector<16xf32>
        %parallel_loop3A_421 = arith.constant 0.000000e+00 : f32
        %parallel_loop3A_422 = vector.broadcast %parallel_loop3A_421 : f32 to vector<16xf32>
        %parallel_loop3A_423 = arith.maximumf %parallel_loop3A_420, %parallel_loop3A_422 : vector<16xf32>
        %parallel_loop3A_424 = arith.constant 16 : i32
        %parallel_loop3A_425 = arith.addi %parallel_loop3A_411, %parallel_loop3A_424 : i32
        %parallel_loop3A_426 = arith.index_cast %parallel_loop3A_425 : i32 to index
        %parallel_loop3A_427 = tpu.vector_load %arg17[%parallel_loop3A_426] {strides = array<i32>} : memref<4096xf32, #tpu.memory_space<vmem>>, vector<16xf32>,
        tpu.vector_store %arg17[%parallel_loop3A_426], %parallel_loop3A_423 {strides = array<i32>} : memref<4096xf32, #tpu.memory_space<vmem>>, vector<16xf32>,
      } {sc.loop_unroll_factor = 4 : i64, sc.parallel_access}
      %dma_start3A_120 = arith.constant 12288 : i32
      %dma_start3A_121 = tpu.memref_slice %arg8[%add3A_49, %dma_start3A_120] : memref<1024x32768xf32, #tpu.memory_space<hbm>> -> memref<1x4096xf32, #tpu.memory_space<hbm>>
      %dma_start3A_122 = tpu.memref_squeeze %dma_start3A_121 : memref<1x4096xf32, #tpu.memory_space<hbm>> -> memref<4096xf32, #tpu.memory_space<hbm>>
      %dma_start3A_123 = arith.constant 12288 : i32
      %dma_start3A_124 = tpu.memref_slice %arg8[%add3A_49, %dma_start3A_123] : memref<1024x32768xf32, #tpu.memory_space<hbm>> -> memref<1x4096xf32, #tpu.memory_space<hbm>>
      %dma_start3A_125 = tpu.memref_squeeze %dma_start3A_124 : memref<1x4096xf32, #tpu.memory_space<hbm>> -> memref<4096xf32, #tpu.memory_space<hbm>>
      tpu.enqueue_dma source(%arg17 : memref<4096xf32, #tpu.memory_space<vmem>>) target(%dma_start3A_125 : memref<4096xf32, #tpu.memory_space<hbm>>) target_semaphore(%arg21 : memref<!tpu.dma_semaphore, #tpu.memory_space<semaphore_mem>>)
      %dma_wait3A_126 = arith.constant 8192 : i32
      %dma_wait3A_127 = tpu.memref_slice %arg8[%add3A_49, %dma_wait3A_126] : memref<1024x32768xf32, #tpu.memory_space<hbm>> -> memref<1x4096xf32, #tpu.memory_space<hbm>>
      %dma_wait3A_128 = tpu.memref_squeeze %dma_wait3A_127 : memref<1x4096xf32, #tpu.memory_space<hbm>> -> memref<4096xf32, #tpu.memory_space<hbm>>
      %dma_wait3A_129 = arith.constant 8192 : i32
      %dma_wait3A_130 = tpu.memref_slice %arg8[%add3A_49, %dma_wait3A_129] : memref<1024x32768xf32, #tpu.memory_space<hbm>> -> memref<1x4096xf32, #tpu.memory_space<hbm>>
      %dma_wait3A_131 = tpu.memref_squeeze %dma_wait3A_130 : memref<1x4096xf32, #tpu.memory_space<hbm>> -> memref<4096xf32, #tpu.memory_space<hbm>>
      tpu.wait_dma2 semaphore(%arg20 : memref<!tpu.dma_semaphore, #tpu.memory_space<semaphore_mem>>) src(%arg16 : memref<4096xf32, #tpu.memory_space<vmem>>) dst(%dma_wait3A_131 : memref<4096xf32, #tpu.memory_space<hbm>>)
      %parallel_loop3A_132 = arith.constant 0 : i32
      %parallel_loop3A_133 = arith.constant 128 : i32
      %parallel_loop3A_134 = arith.constant 1 : i32
      scf.for %parallel_loop3A_378 = %parallel_loop3A_132 to %parallel_loop3A_133 step %parallel_loop3A_134  : i32 {
        %parallel_loop3A_379 = arith.constant 16 : i32
        %parallel_loop3A_380 = arith.muli %parallel_loop3A_378, %parallel_loop3A_379 : i32
        %parallel_loop3A_381 = arith.constant 8192 : i32
        %parallel_loop3A_382 = arith.addi %parallel_loop3A_381, %parallel_loop3A_380 : i32
        %parallel_loop3A_383 = arith.index_cast %parallel_loop3A_382 : i32 to index
        %parallel_loop3A_384 = tpu.vector_load %arg9[%parallel_loop3A_383] {strides = array<i32>} : memref<16384xi32, #tpu.memory_space<vmem>>, vector<16xi32>,
        %parallel_loop3A_385 = arith.index_cast %parallel_loop3A_382 : i32 to index
        %parallel_loop3A_386 = tpu.vector_load %arg10[%parallel_loop3A_385] {strides = array<i32>} : memref<16384xi32, #tpu.memory_space<vmem>>, vector<16xi32>,
        %parallel_loop3A_387 = arith.index_cast %parallel_loop3A_382 : i32 to index
        %parallel_loop3A_388 = tpu.vector_load %arg11[%parallel_loop3A_387] {strides = array<i32>} : memref<16384xi32, #tpu.memory_space<vmem>>, vector<16xi32>,
        %parallel_loop3A_389 = vector.broadcast %scan3A_20 : i32 to vector<16xi32>
        %parallel_loop3A_390 = arith.andi %parallel_loop3A_384, %parallel_loop3A_389 : vector<16xi32>
        %parallel_loop3A_391 = tpu.vector_load_idx %arg12[%parallel_loop3A_390] : memref<16384xf32, #tpu.memory_space<vmem>>[vector<16xi32>], vector<16xf32>,
        %parallel_loop3A_392 = arith.constant 16 : i32
        %parallel_loop3A_393 = vector.broadcast %parallel_loop3A_392 : i32 to vector<16xi32>
        %parallel_loop3A_394 = arith.shrui %parallel_loop3A_384, %parallel_loop3A_393 : vector<16xi32>
        %parallel_loop3A_395 = tpu.vector_load_idx %arg12[%parallel_loop3A_394] : memref<16384xf32, #tpu.memory_space<vmem>>[vector<16xi32>], vector<16xf32>,
        %parallel_loop3A_396 = vector.broadcast %scan3A_20 : i32 to vector<16xi32>
        %parallel_loop3A_397 = arith.andi %parallel_loop3A_386, %parallel_loop3A_396 : vector<16xi32>
        %parallel_loop3A_398 = tpu.vector_load_idx %arg14[%parallel_loop3A_397] : memref<16384xf32, #tpu.memory_space<vmem>>[vector<16xi32>], vector<16xf32>,
        %parallel_loop3A_399 = arith.constant 16 : i32
        %parallel_loop3A_400 = vector.broadcast %parallel_loop3A_399 : i32 to vector<16xi32>
        %parallel_loop3A_401 = arith.shrui %parallel_loop3A_386, %parallel_loop3A_400 : vector<16xi32>
        %parallel_loop3A_402 = tpu.vector_load_idx %arg14[%parallel_loop3A_401] : memref<16384xf32, #tpu.memory_space<vmem>>[vector<16xi32>], vector<16xf32>,
        %parallel_loop3A_403 = vector.broadcast %scan3A_20 : i32 to vector<16xi32>
        %parallel_loop3A_404 = arith.andi %parallel_loop3A_388, %parallel_loop3A_403 : vector<16xi32>
        %parallel_loop3A_405 = tpu.vector_load_idx %arg15[%parallel_loop3A_404] : memref<16384xf32, #tpu.memory_space<vmem>>[vector<16xi32>], vector<16xf32>,
        %parallel_loop3A_406 = arith.constant 16 : i32
        %parallel_loop3A_407 = vector.broadcast %parallel_loop3A_406 : i32 to vector<16xi32>
        %parallel_loop3A_408 = arith.shrui %parallel_loop3A_388, %parallel_loop3A_407 : vector<16xi32>
        %parallel_loop3A_409 = tpu.vector_load_idx %arg15[%parallel_loop3A_408] : memref<16384xf32, #tpu.memory_space<vmem>>[vector<16xi32>], vector<16xf32>,
        %parallel_loop3A_410 = arith.constant 32 : i32
        %parallel_loop3A_411 = arith.muli %parallel_loop3A_378, %parallel_loop3A_410 : i32
        %parallel_loop3A_412 = arith.addf %parallel_loop3A_391, %parallel_loop3A_398 : vector<16xf32>
        %parallel_loop3A_413 = arith.subf %parallel_loop3A_412, %parallel_loop3A_405 : vector<16xf32>
        %parallel_loop3A_414 = arith.constant 0.000000e+00 : f32
        %parallel_loop3A_415 = vector.broadcast %parallel_loop3A_414 : f32 to vector<16xf32>
        %parallel_loop3A_416 = arith.maximumf %parallel_loop3A_413, %parallel_loop3A_415 : vector<16xf32>
        %parallel_loop3A_417 = arith.index_cast %parallel_loop3A_411 : i32 to index
        %parallel_loop3A_418 = tpu.vector_load %arg16[%parallel_loop3A_417] {strides = array<i32>} : memref<4096xf32, #tpu.memory_space<vmem>>, vector<16xf32>,
        tpu.vector_store %arg16[%parallel_loop3A_417], %parallel_loop3A_416 {strides = array<i32>} : memref<4096xf32, #tpu.memory_space<vmem>>, vector<16xf32>,
        %parallel_loop3A_419 = arith.addf %parallel_loop3A_395, %parallel_loop3A_402 : vector<16xf32>
        %parallel_loop3A_420 = arith.subf %parallel_loop3A_419, %parallel_loop3A_409 : vector<16xf32>
        %parallel_loop3A_421 = arith.constant 0.000000e+00 : f32
        %parallel_loop3A_422 = vector.broadcast %parallel_loop3A_421 : f32 to vector<16xf32>
        %parallel_loop3A_423 = arith.maximumf %parallel_loop3A_420, %parallel_loop3A_422 : vector<16xf32>
        %parallel_loop3A_424 = arith.constant 16 : i32
        %parallel_loop3A_425 = arith.addi %parallel_loop3A_411, %parallel_loop3A_424 : i32
        %parallel_loop3A_426 = arith.index_cast %parallel_loop3A_425 : i32 to index
        %parallel_loop3A_427 = tpu.vector_load %arg16[%parallel_loop3A_426] {strides = array<i32>} : memref<4096xf32, #tpu.memory_space<vmem>>, vector<16xf32>,
        tpu.vector_store %arg16[%parallel_loop3A_426], %parallel_loop3A_423 {strides = array<i32>} : memref<4096xf32, #tpu.memory_space<vmem>>, vector<16xf32>,
      } {sc.loop_unroll_factor = 4 : i64, sc.parallel_access}
      %dma_start3A_135 = arith.constant 16384 : i32
      %dma_start3A_136 = tpu.memref_slice %arg8[%add3A_49, %dma_start3A_135] : memref<1024x32768xf32, #tpu.memory_space<hbm>> -> memref<1x4096xf32, #tpu.memory_space<hbm>>
      %dma_start3A_137 = tpu.memref_squeeze %dma_start3A_136 : memref<1x4096xf32, #tpu.memory_space<hbm>> -> memref<4096xf32, #tpu.memory_space<hbm>>
      %dma_start3A_138 = arith.constant 16384 : i32
      %dma_start3A_139 = tpu.memref_slice %arg8[%add3A_49, %dma_start3A_138] : memref<1024x32768xf32, #tpu.memory_space<hbm>> -> memref<1x4096xf32, #tpu.memory_space<hbm>>
      %dma_start3A_140 = tpu.memref_squeeze %dma_start3A_139 : memref<1x4096xf32, #tpu.memory_space<hbm>> -> memref<4096xf32, #tpu.memory_space<hbm>>
      tpu.enqueue_dma source(%arg16 : memref<4096xf32, #tpu.memory_space<vmem>>) target(%dma_start3A_140 : memref<4096xf32, #tpu.memory_space<hbm>>) target_semaphore(%arg20 : memref<!tpu.dma_semaphore, #tpu.memory_space<semaphore_mem>>)
      %dma_wait3A_141 = arith.constant 12288 : i32
      %dma_wait3A_142 = tpu.memref_slice %arg8[%add3A_49, %dma_wait3A_141] : memref<1024x32768xf32, #tpu.memory_space<hbm>> -> memref<1x4096xf32, #tpu.memory_space<hbm>>
      %dma_wait3A_143 = tpu.memref_squeeze %dma_wait3A_142 : memref<1x4096xf32, #tpu.memory_space<hbm>> -> memref<4096xf32, #tpu.memory_space<hbm>>
      %dma_wait3A_144 = arith.constant 12288 : i32
      %dma_wait3A_145 = tpu.memref_slice %arg8[%add3A_49, %dma_wait3A_144] : memref<1024x32768xf32, #tpu.memory_space<hbm>> -> memref<1x4096xf32, #tpu.memory_space<hbm>>
      %dma_wait3A_146 = tpu.memref_squeeze %dma_wait3A_145 : memref<1x4096xf32, #tpu.memory_space<hbm>> -> memref<4096xf32, #tpu.memory_space<hbm>>
      tpu.wait_dma2 semaphore(%arg21 : memref<!tpu.dma_semaphore, #tpu.memory_space<semaphore_mem>>) src(%arg17 : memref<4096xf32, #tpu.memory_space<vmem>>) dst(%dma_wait3A_146 : memref<4096xf32, #tpu.memory_space<hbm>>)
      %parallel_loop3A_147 = arith.constant 0 : i32
      %parallel_loop3A_148 = arith.constant 128 : i32
      %parallel_loop3A_149 = arith.constant 1 : i32
      scf.for %parallel_loop3A_378 = %parallel_loop3A_147 to %parallel_loop3A_148 step %parallel_loop3A_149  : i32 {
        %parallel_loop3A_379 = arith.constant 16 : i32
        %parallel_loop3A_380 = arith.muli %parallel_loop3A_378, %parallel_loop3A_379 : i32
        %parallel_loop3A_381 = arith.constant 10240 : i32
        %parallel_loop3A_382 = arith.addi %parallel_loop3A_381, %parallel_loop3A_380 : i32
        %parallel_loop3A_383 = arith.index_cast %parallel_loop3A_382 : i32 to index
        %parallel_loop3A_384 = tpu.vector_load %arg9[%parallel_loop3A_383] {strides = array<i32>} : memref<16384xi32, #tpu.memory_space<vmem>>, vector<16xi32>,
        %parallel_loop3A_385 = arith.index_cast %parallel_loop3A_382 : i32 to index
        %parallel_loop3A_386 = tpu.vector_load %arg10[%parallel_loop3A_385] {strides = array<i32>} : memref<16384xi32, #tpu.memory_space<vmem>>, vector<16xi32>,
        %parallel_loop3A_387 = arith.index_cast %parallel_loop3A_382 : i32 to index
        %parallel_loop3A_388 = tpu.vector_load %arg11[%parallel_loop3A_387] {strides = array<i32>} : memref<16384xi32, #tpu.memory_space<vmem>>, vector<16xi32>,
        %parallel_loop3A_389 = vector.broadcast %scan3A_20 : i32 to vector<16xi32>
        %parallel_loop3A_390 = arith.andi %parallel_loop3A_384, %parallel_loop3A_389 : vector<16xi32>
        %parallel_loop3A_391 = tpu.vector_load_idx %arg12[%parallel_loop3A_390] : memref<16384xf32, #tpu.memory_space<vmem>>[vector<16xi32>], vector<16xf32>,
        %parallel_loop3A_392 = arith.constant 16 : i32
        %parallel_loop3A_393 = vector.broadcast %parallel_loop3A_392 : i32 to vector<16xi32>
        %parallel_loop3A_394 = arith.shrui %parallel_loop3A_384, %parallel_loop3A_393 : vector<16xi32>
        %parallel_loop3A_395 = tpu.vector_load_idx %arg12[%parallel_loop3A_394] : memref<16384xf32, #tpu.memory_space<vmem>>[vector<16xi32>], vector<16xf32>,
        %parallel_loop3A_396 = vector.broadcast %scan3A_20 : i32 to vector<16xi32>
        %parallel_loop3A_397 = arith.andi %parallel_loop3A_386, %parallel_loop3A_396 : vector<16xi32>
        %parallel_loop3A_398 = tpu.vector_load_idx %arg14[%parallel_loop3A_397] : memref<16384xf32, #tpu.memory_space<vmem>>[vector<16xi32>], vector<16xf32>,
        %parallel_loop3A_399 = arith.constant 16 : i32
        %parallel_loop3A_400 = vector.broadcast %parallel_loop3A_399 : i32 to vector<16xi32>
        %parallel_loop3A_401 = arith.shrui %parallel_loop3A_386, %parallel_loop3A_400 : vector<16xi32>
        %parallel_loop3A_402 = tpu.vector_load_idx %arg14[%parallel_loop3A_401] : memref<16384xf32, #tpu.memory_space<vmem>>[vector<16xi32>], vector<16xf32>,
        %parallel_loop3A_403 = vector.broadcast %scan3A_20 : i32 to vector<16xi32>
        %parallel_loop3A_404 = arith.andi %parallel_loop3A_388, %parallel_loop3A_403 : vector<16xi32>
        %parallel_loop3A_405 = tpu.vector_load_idx %arg15[%parallel_loop3A_404] : memref<16384xf32, #tpu.memory_space<vmem>>[vector<16xi32>], vector<16xf32>,
        %parallel_loop3A_406 = arith.constant 16 : i32
        %parallel_loop3A_407 = vector.broadcast %parallel_loop3A_406 : i32 to vector<16xi32>
        %parallel_loop3A_408 = arith.shrui %parallel_loop3A_388, %parallel_loop3A_407 : vector<16xi32>
        %parallel_loop3A_409 = tpu.vector_load_idx %arg15[%parallel_loop3A_408] : memref<16384xf32, #tpu.memory_space<vmem>>[vector<16xi32>], vector<16xf32>,
        %parallel_loop3A_410 = arith.constant 32 : i32
        %parallel_loop3A_411 = arith.muli %parallel_loop3A_378, %parallel_loop3A_410 : i32
        %parallel_loop3A_412 = arith.addf %parallel_loop3A_391, %parallel_loop3A_398 : vector<16xf32>
        %parallel_loop3A_413 = arith.subf %parallel_loop3A_412, %parallel_loop3A_405 : vector<16xf32>
        %parallel_loop3A_414 = arith.constant 0.000000e+00 : f32
        %parallel_loop3A_415 = vector.broadcast %parallel_loop3A_414 : f32 to vector<16xf32>
        %parallel_loop3A_416 = arith.maximumf %parallel_loop3A_413, %parallel_loop3A_415 : vector<16xf32>
        %parallel_loop3A_417 = arith.index_cast %parallel_loop3A_411 : i32 to index
        %parallel_loop3A_418 = tpu.vector_load %arg17[%parallel_loop3A_417] {strides = array<i32>} : memref<4096xf32, #tpu.memory_space<vmem>>, vector<16xf32>,
        tpu.vector_store %arg17[%parallel_loop3A_417], %parallel_loop3A_416 {strides = array<i32>} : memref<4096xf32, #tpu.memory_space<vmem>>, vector<16xf32>,
        %parallel_loop3A_419 = arith.addf %parallel_loop3A_395, %parallel_loop3A_402 : vector<16xf32>
        %parallel_loop3A_420 = arith.subf %parallel_loop3A_419, %parallel_loop3A_409 : vector<16xf32>
        %parallel_loop3A_421 = arith.constant 0.000000e+00 : f32
        %parallel_loop3A_422 = vector.broadcast %parallel_loop3A_421 : f32 to vector<16xf32>
        %parallel_loop3A_423 = arith.maximumf %parallel_loop3A_420, %parallel_loop3A_422 : vector<16xf32>
        %parallel_loop3A_424 = arith.constant 16 : i32
        %parallel_loop3A_425 = arith.addi %parallel_loop3A_411, %parallel_loop3A_424 : i32
        %parallel_loop3A_426 = arith.index_cast %parallel_loop3A_425 : i32 to index
        %parallel_loop3A_427 = tpu.vector_load %arg17[%parallel_loop3A_426] {strides = array<i32>} : memref<4096xf32, #tpu.memory_space<vmem>>, vector<16xf32>,
        tpu.vector_store %arg17[%parallel_loop3A_426], %parallel_loop3A_423 {strides = array<i32>} : memref<4096xf32, #tpu.memory_space<vmem>>, vector<16xf32>,
      } {sc.loop_unroll_factor = 4 : i64, sc.parallel_access}
      %dma_start3A_150 = arith.constant 20480 : i32
      %dma_start3A_151 = tpu.memref_slice %arg8[%add3A_49, %dma_start3A_150] : memref<1024x32768xf32, #tpu.memory_space<hbm>> -> memref<1x4096xf32, #tpu.memory_space<hbm>>
      %dma_start3A_152 = tpu.memref_squeeze %dma_start3A_151 : memref<1x4096xf32, #tpu.memory_space<hbm>> -> memref<4096xf32, #tpu.memory_space<hbm>>
      %dma_start3A_153 = arith.constant 20480 : i32
      %dma_start3A_154 = tpu.memref_slice %arg8[%add3A_49, %dma_start3A_153] : memref<1024x32768xf32, #tpu.memory_space<hbm>> -> memref<1x4096xf32, #tpu.memory_space<hbm>>
      %dma_start3A_155 = tpu.memref_squeeze %dma_start3A_154 : memref<1x4096xf32, #tpu.memory_space<hbm>> -> memref<4096xf32, #tpu.memory_space<hbm>>
      tpu.enqueue_dma source(%arg17 : memref<4096xf32, #tpu.memory_space<vmem>>) target(%dma_start3A_155 : memref<4096xf32, #tpu.memory_space<hbm>>) target_semaphore(%arg21 : memref<!tpu.dma_semaphore, #tpu.memory_space<semaphore_mem>>)
      %dma_wait3A_156 = arith.constant 16384 : i32
      %dma_wait3A_157 = tpu.memref_slice %arg8[%add3A_49, %dma_wait3A_156] : memref<1024x32768xf32, #tpu.memory_space<hbm>> -> memref<1x4096xf32, #tpu.memory_space<hbm>>
      %dma_wait3A_158 = tpu.memref_squeeze %dma_wait3A_157 : memref<1x4096xf32, #tpu.memory_space<hbm>> -> memref<4096xf32, #tpu.memory_space<hbm>>
      %dma_wait3A_159 = arith.constant 16384 : i32
      %dma_wait3A_160 = tpu.memref_slice %arg8[%add3A_49, %dma_wait3A_159] : memref<1024x32768xf32, #tpu.memory_space<hbm>> -> memref<1x4096xf32, #tpu.memory_space<hbm>>
      %dma_wait3A_161 = tpu.memref_squeeze %dma_wait3A_160 : memref<1x4096xf32, #tpu.memory_space<hbm>> -> memref<4096xf32, #tpu.memory_space<hbm>>
      tpu.wait_dma2 semaphore(%arg20 : memref<!tpu.dma_semaphore, #tpu.memory_space<semaphore_mem>>) src(%arg16 : memref<4096xf32, #tpu.memory_space<vmem>>) dst(%dma_wait3A_161 : memref<4096xf32, #tpu.memory_space<hbm>>)
      %parallel_loop3A_162 = arith.constant 0 : i32
      %parallel_loop3A_163 = arith.constant 128 : i32
      %parallel_loop3A_164 = arith.constant 1 : i32
      scf.for %parallel_loop3A_378 = %parallel_loop3A_162 to %parallel_loop3A_163 step %parallel_loop3A_164  : i32 {
        %parallel_loop3A_379 = arith.constant 16 : i32
        %parallel_loop3A_380 = arith.muli %parallel_loop3A_378, %parallel_loop3A_379 : i32
        %parallel_loop3A_381 = arith.constant 12288 : i32
        %parallel_loop3A_382 = arith.addi %parallel_loop3A_381, %parallel_loop3A_380 : i32
        %parallel_loop3A_383 = arith.index_cast %parallel_loop3A_382 : i32 to index
        %parallel_loop3A_384 = tpu.vector_load %arg9[%parallel_loop3A_383] {strides = array<i32>} : memref<16384xi32, #tpu.memory_space<vmem>>, vector<16xi32>,
        %parallel_loop3A_385 = arith.index_cast %parallel_loop3A_382 : i32 to index
        %parallel_loop3A_386 = tpu.vector_load %arg10[%parallel_loop3A_385] {strides = array<i32>} : memref<16384xi32, #tpu.memory_space<vmem>>, vector<16xi32>,
        %parallel_loop3A_387 = arith.index_cast %parallel_loop3A_382 : i32 to index
        %parallel_loop3A_388 = tpu.vector_load %arg11[%parallel_loop3A_387] {strides = array<i32>} : memref<16384xi32, #tpu.memory_space<vmem>>, vector<16xi32>,
        %parallel_loop3A_389 = vector.broadcast %scan3A_20 : i32 to vector<16xi32>
        %parallel_loop3A_390 = arith.andi %parallel_loop3A_384, %parallel_loop3A_389 : vector<16xi32>
        %parallel_loop3A_391 = tpu.vector_load_idx %arg12[%parallel_loop3A_390] : memref<16384xf32, #tpu.memory_space<vmem>>[vector<16xi32>], vector<16xf32>,
        %parallel_loop3A_392 = arith.constant 16 : i32
        %parallel_loop3A_393 = vector.broadcast %parallel_loop3A_392 : i32 to vector<16xi32>
        %parallel_loop3A_394 = arith.shrui %parallel_loop3A_384, %parallel_loop3A_393 : vector<16xi32>
        %parallel_loop3A_395 = tpu.vector_load_idx %arg12[%parallel_loop3A_394] : memref<16384xf32, #tpu.memory_space<vmem>>[vector<16xi32>], vector<16xf32>,
        %parallel_loop3A_396 = vector.broadcast %scan3A_20 : i32 to vector<16xi32>
        %parallel_loop3A_397 = arith.andi %parallel_loop3A_386, %parallel_loop3A_396 : vector<16xi32>
        %parallel_loop3A_398 = tpu.vector_load_idx %arg14[%parallel_loop3A_397] : memref<16384xf32, #tpu.memory_space<vmem>>[vector<16xi32>], vector<16xf32>,
        %parallel_loop3A_399 = arith.constant 16 : i32
        %parallel_loop3A_400 = vector.broadcast %parallel_loop3A_399 : i32 to vector<16xi32>
        %parallel_loop3A_401 = arith.shrui %parallel_loop3A_386, %parallel_loop3A_400 : vector<16xi32>
        %parallel_loop3A_402 = tpu.vector_load_idx %arg14[%parallel_loop3A_401] : memref<16384xf32, #tpu.memory_space<vmem>>[vector<16xi32>], vector<16xf32>,
        %parallel_loop3A_403 = vector.broadcast %scan3A_20 : i32 to vector<16xi32>
        %parallel_loop3A_404 = arith.andi %parallel_loop3A_388, %parallel_loop3A_403 : vector<16xi32>
        %parallel_loop3A_405 = tpu.vector_load_idx %arg15[%parallel_loop3A_404] : memref<16384xf32, #tpu.memory_space<vmem>>[vector<16xi32>], vector<16xf32>,
        %parallel_loop3A_406 = arith.constant 16 : i32
        %parallel_loop3A_407 = vector.broadcast %parallel_loop3A_406 : i32 to vector<16xi32>
        %parallel_loop3A_408 = arith.shrui %parallel_loop3A_388, %parallel_loop3A_407 : vector<16xi32>
        %parallel_loop3A_409 = tpu.vector_load_idx %arg15[%parallel_loop3A_408] : memref<16384xf32, #tpu.memory_space<vmem>>[vector<16xi32>], vector<16xf32>,
        %parallel_loop3A_410 = arith.constant 32 : i32
        %parallel_loop3A_411 = arith.muli %parallel_loop3A_378, %parallel_loop3A_410 : i32
        %parallel_loop3A_412 = arith.addf %parallel_loop3A_391, %parallel_loop3A_398 : vector<16xf32>
        %parallel_loop3A_413 = arith.subf %parallel_loop3A_412, %parallel_loop3A_405 : vector<16xf32>
        %parallel_loop3A_414 = arith.constant 0.000000e+00 : f32
        %parallel_loop3A_415 = vector.broadcast %parallel_loop3A_414 : f32 to vector<16xf32>
        %parallel_loop3A_416 = arith.maximumf %parallel_loop3A_413, %parallel_loop3A_415 : vector<16xf32>
        %parallel_loop3A_417 = arith.index_cast %parallel_loop3A_411 : i32 to index
        %parallel_loop3A_418 = tpu.vector_load %arg16[%parallel_loop3A_417] {strides = array<i32>} : memref<4096xf32, #tpu.memory_space<vmem>>, vector<16xf32>,
        tpu.vector_store %arg16[%parallel_loop3A_417], %parallel_loop3A_416 {strides = array<i32>} : memref<4096xf32, #tpu.memory_space<vmem>>, vector<16xf32>,
        %parallel_loop3A_419 = arith.addf %parallel_loop3A_395, %parallel_loop3A_402 : vector<16xf32>
        %parallel_loop3A_420 = arith.subf %parallel_loop3A_419, %parallel_loop3A_409 : vector<16xf32>
        %parallel_loop3A_421 = arith.constant 0.000000e+00 : f32
        %parallel_loop3A_422 = vector.broadcast %parallel_loop3A_421 : f32 to vector<16xf32>
        %parallel_loop3A_423 = arith.maximumf %parallel_loop3A_420, %parallel_loop3A_422 : vector<16xf32>
        %parallel_loop3A_424 = arith.constant 16 : i32
        %parallel_loop3A_425 = arith.addi %parallel_loop3A_411, %parallel_loop3A_424 : i32
        %parallel_loop3A_426 = arith.index_cast %parallel_loop3A_425 : i32 to index
        %parallel_loop3A_427 = tpu.vector_load %arg16[%parallel_loop3A_426] {strides = array<i32>} : memref<4096xf32, #tpu.memory_space<vmem>>, vector<16xf32>,
        tpu.vector_store %arg16[%parallel_loop3A_426], %parallel_loop3A_423 {strides = array<i32>} : memref<4096xf32, #tpu.memory_space<vmem>>, vector<16xf32>,
      } {sc.loop_unroll_factor = 4 : i64, sc.parallel_access}
      %dma_start3A_165 = arith.constant 24576 : i32
      %dma_start3A_166 = tpu.memref_slice %arg8[%add3A_49, %dma_start3A_165] : memref<1024x32768xf32, #tpu.memory_space<hbm>> -> memref<1x4096xf32, #tpu.memory_space<hbm>>
      %dma_start3A_167 = tpu.memref_squeeze %dma_start3A_166 : memref<1x4096xf32, #tpu.memory_space<hbm>> -> memref<4096xf32, #tpu.memory_space<hbm>>
      %dma_start3A_168 = arith.constant 24576 : i32
      %dma_start3A_169 = tpu.memref_slice %arg8[%add3A_49, %dma_start3A_168] : memref<1024x32768xf32, #tpu.memory_space<hbm>> -> memref<1x4096xf32, #tpu.memory_space<hbm>>
      %dma_start3A_170 = tpu.memref_squeeze %dma_start3A_169 : memref<1x4096xf32, #tpu.memory_space<hbm>> -> memref<4096xf32, #tpu.memory_space<hbm>>
      tpu.enqueue_dma source(%arg16 : memref<4096xf32, #tpu.memory_space<vmem>>) target(%dma_start3A_170 : memref<4096xf32, #tpu.memory_space<hbm>>) target_semaphore(%arg20 : memref<!tpu.dma_semaphore, #tpu.memory_space<semaphore_mem>>)
      %dma_wait3A_171 = arith.constant 20480 : i32
      %dma_wait3A_172 = tpu.memref_slice %arg8[%add3A_49, %dma_wait3A_171] : memref<1024x32768xf32, #tpu.memory_space<hbm>> -> memref<1x4096xf32, #tpu.memory_space<hbm>>
      %dma_wait3A_173 = tpu.memref_squeeze %dma_wait3A_172 : memref<1x4096xf32, #tpu.memory_space<hbm>> -> memref<4096xf32, #tpu.memory_space<hbm>>
      %dma_wait3A_174 = arith.constant 20480 : i32
      %dma_wait3A_175 = tpu.memref_slice %arg8[%add3A_49, %dma_wait3A_174] : memref<1024x32768xf32, #tpu.memory_space<hbm>> -> memref<1x4096xf32, #tpu.memory_space<hbm>>
      %dma_wait3A_176 = tpu.memref_squeeze %dma_wait3A_175 : memref<1x4096xf32, #tpu.memory_space<hbm>> -> memref<4096xf32, #tpu.memory_space<hbm>>
      tpu.wait_dma2 semaphore(%arg21 : memref<!tpu.dma_semaphore, #tpu.memory_space<semaphore_mem>>) src(%arg17 : memref<4096xf32, #tpu.memory_space<vmem>>) dst(%dma_wait3A_176 : memref<4096xf32, #tpu.memory_space<hbm>>)
      %parallel_loop3A_177 = arith.constant 0 : i32
      %parallel_loop3A_178 = arith.constant 128 : i32
      %parallel_loop3A_179 = arith.constant 1 : i32
      scf.for %parallel_loop3A_378 = %parallel_loop3A_177 to %parallel_loop3A_178 step %parallel_loop3A_179  : i32 {
        %parallel_loop3A_379 = arith.constant 16 : i32
        %parallel_loop3A_380 = arith.muli %parallel_loop3A_378, %parallel_loop3A_379 : i32
        %parallel_loop3A_381 = arith.constant 14336 : i32
        %parallel_loop3A_382 = arith.addi %parallel_loop3A_381, %parallel_loop3A_380 : i32
        %parallel_loop3A_383 = arith.index_cast %parallel_loop3A_382 : i32 to index
        %parallel_loop3A_384 = tpu.vector_load %arg9[%parallel_loop3A_383] {strides = array<i32>} : memref<16384xi32, #tpu.memory_space<vmem>>, vector<16xi32>,
        %parallel_loop3A_385 = arith.index_cast %parallel_loop3A_382 : i32 to index
        %parallel_loop3A_386 = tpu.vector_load %arg10[%parallel_loop3A_385] {strides = array<i32>} : memref<16384xi32, #tpu.memory_space<vmem>>, vector<16xi32>,
        %parallel_loop3A_387 = arith.index_cast %parallel_loop3A_382 : i32 to index
        %parallel_loop3A_388 = tpu.vector_load %arg11[%parallel_loop3A_387] {strides = array<i32>} : memref<16384xi32, #tpu.memory_space<vmem>>, vector<16xi32>,
        %parallel_loop3A_389 = vector.broadcast %scan3A_20 : i32 to vector<16xi32>
        %parallel_loop3A_390 = arith.andi %parallel_loop3A_384, %parallel_loop3A_389 : vector<16xi32>
        %parallel_loop3A_391 = tpu.vector_load_idx %arg12[%parallel_loop3A_390] : memref<16384xf32, #tpu.memory_space<vmem>>[vector<16xi32>], vector<16xf32>,
        %parallel_loop3A_392 = arith.constant 16 : i32
        %parallel_loop3A_393 = vector.broadcast %parallel_loop3A_392 : i32 to vector<16xi32>
        %parallel_loop3A_394 = arith.shrui %parallel_loop3A_384, %parallel_loop3A_393 : vector<16xi32>
        %parallel_loop3A_395 = tpu.vector_load_idx %arg12[%parallel_loop3A_394] : memref<16384xf32, #tpu.memory_space<vmem>>[vector<16xi32>], vector<16xf32>,
        %parallel_loop3A_396 = vector.broadcast %scan3A_20 : i32 to vector<16xi32>
        %parallel_loop3A_397 = arith.andi %parallel_loop3A_386, %parallel_loop3A_396 : vector<16xi32>
        %parallel_loop3A_398 = tpu.vector_load_idx %arg14[%parallel_loop3A_397] : memref<16384xf32, #tpu.memory_space<vmem>>[vector<16xi32>], vector<16xf32>,
        %parallel_loop3A_399 = arith.constant 16 : i32
        %parallel_loop3A_400 = vector.broadcast %parallel_loop3A_399 : i32 to vector<16xi32>
        %parallel_loop3A_401 = arith.shrui %parallel_loop3A_386, %parallel_loop3A_400 : vector<16xi32>
        %parallel_loop3A_402 = tpu.vector_load_idx %arg14[%parallel_loop3A_401] : memref<16384xf32, #tpu.memory_space<vmem>>[vector<16xi32>], vector<16xf32>,
        %parallel_loop3A_403 = vector.broadcast %scan3A_20 : i32 to vector<16xi32>
        %parallel_loop3A_404 = arith.andi %parallel_loop3A_388, %parallel_loop3A_403 : vector<16xi32>
        %parallel_loop3A_405 = tpu.vector_load_idx %arg15[%parallel_loop3A_404] : memref<16384xf32, #tpu.memory_space<vmem>>[vector<16xi32>], vector<16xf32>,
        %parallel_loop3A_406 = arith.constant 16 : i32
        %parallel_loop3A_407 = vector.broadcast %parallel_loop3A_406 : i32 to vector<16xi32>
        %parallel_loop3A_408 = arith.shrui %parallel_loop3A_388, %parallel_loop3A_407 : vector<16xi32>
        %parallel_loop3A_409 = tpu.vector_load_idx %arg15[%parallel_loop3A_408] : memref<16384xf32, #tpu.memory_space<vmem>>[vector<16xi32>], vector<16xf32>,
        %parallel_loop3A_410 = arith.constant 32 : i32
        %parallel_loop3A_411 = arith.muli %parallel_loop3A_378, %parallel_loop3A_410 : i32
        %parallel_loop3A_412 = arith.addf %parallel_loop3A_391, %parallel_loop3A_398 : vector<16xf32>
        %parallel_loop3A_413 = arith.subf %parallel_loop3A_412, %parallel_loop3A_405 : vector<16xf32>
        %parallel_loop3A_414 = arith.constant 0.000000e+00 : f32
        %parallel_loop3A_415 = vector.broadcast %parallel_loop3A_414 : f32 to vector<16xf32>
        %parallel_loop3A_416 = arith.maximumf %parallel_loop3A_413, %parallel_loop3A_415 : vector<16xf32>
        %parallel_loop3A_417 = arith.index_cast %parallel_loop3A_411 : i32 to index
        %parallel_loop3A_418 = tpu.vector_load %arg17[%parallel_loop3A_417] {strides = array<i32>} : memref<4096xf32, #tpu.memory_space<vmem>>, vector<16xf32>,
        tpu.vector_store %arg17[%parallel_loop3A_417], %parallel_loop3A_416 {strides = array<i32>} : memref<4096xf32, #tpu.memory_space<vmem>>, vector<16xf32>,
        %parallel_loop3A_419 = arith.addf %parallel_loop3A_395, %parallel_loop3A_402 : vector<16xf32>
        %parallel_loop3A_420 = arith.subf %parallel_loop3A_419, %parallel_loop3A_409 : vector<16xf32>
        %parallel_loop3A_421 = arith.constant 0.000000e+00 : f32
        %parallel_loop3A_422 = vector.broadcast %parallel_loop3A_421 : f32 to vector<16xf32>
        %parallel_loop3A_423 = arith.maximumf %parallel_loop3A_420, %parallel_loop3A_422 : vector<16xf32>
        %parallel_loop3A_424 = arith.constant 16 : i32
        %parallel_loop3A_425 = arith.addi %parallel_loop3A_411, %parallel_loop3A_424 : i32
        %parallel_loop3A_426 = arith.index_cast %parallel_loop3A_425 : i32 to index
        %parallel_loop3A_427 = tpu.vector_load %arg17[%parallel_loop3A_426] {strides = array<i32>} : memref<4096xf32, #tpu.memory_space<vmem>>, vector<16xf32>,
        tpu.vector_store %arg17[%parallel_loop3A_426], %parallel_loop3A_423 {strides = array<i32>} : memref<4096xf32, #tpu.memory_space<vmem>>, vector<16xf32>,
      } {sc.loop_unroll_factor = 4 : i64, sc.parallel_access}
      %dma_start3A_180 = arith.constant 28672 : i32
      %dma_start3A_181 = tpu.memref_slice %arg8[%add3A_49, %dma_start3A_180] : memref<1024x32768xf32, #tpu.memory_space<hbm>> -> memref<1x4096xf32, #tpu.memory_space<hbm>>
      %dma_start3A_182 = tpu.memref_squeeze %dma_start3A_181 : memref<1x4096xf32, #tpu.memory_space<hbm>> -> memref<4096xf32, #tpu.memory_space<hbm>>
      %dma_start3A_183 = arith.constant 28672 : i32
      %dma_start3A_184 = tpu.memref_slice %arg8[%add3A_49, %dma_start3A_183] : memref<1024x32768xf32, #tpu.memory_space<hbm>> -> memref<1x4096xf32, #tpu.memory_space<hbm>>
      %dma_start3A_185 = tpu.memref_squeeze %dma_start3A_184 : memref<1x4096xf32, #tpu.memory_space<hbm>> -> memref<4096xf32, #tpu.memory_space<hbm>>
      tpu.enqueue_dma source(%arg17 : memref<4096xf32, #tpu.memory_space<vmem>>) target(%dma_start3A_185 : memref<4096xf32, #tpu.memory_space<hbm>>) target_semaphore(%arg21 : memref<!tpu.dma_semaphore, #tpu.memory_space<semaphore_mem>>)
      %add3A_186 = arith.constant 2 : i32
      %add3A_187 = arith.addi %add3A_49, %add3A_186 : i32
      %add3A_188 = arith.constant 32 : i32
      %add3A_189 = arith.addi %mul3A_2, %add3A_188 : i32
      %sub3A = arith.constant 1 : i32
      %sub3A_190 = arith.subi %add3A_189, %sub3A : i32
      %min3A = arith.minsi %add3A_187, %sub3A_190 : i32
      %dma_start3A_191 = arith.constant 0 : i32
      %dma_start3A_192 = tpu.memref_slice %arg2[%min3A, %dma_start3A_191] : memref<1024x16384xf32, #tpu.memory_space<hbm>> -> memref<1x16384xf32, #tpu.memory_space<hbm>>
      %dma_start3A_193 = tpu.memref_squeeze %dma_start3A_192 : memref<1x16384xf32, #tpu.memory_space<hbm>> -> memref<16384xf32, #tpu.memory_space<hbm>>
      %dma_start3A_194 = arith.constant 0 : i32
      %dma_start3A_195 = tpu.memref_slice %arg2[%min3A, %dma_start3A_194] : memref<1024x16384xf32, #tpu.memory_space<hbm>> -> memref<1x16384xf32, #tpu.memory_space<hbm>>
      %dma_start3A_196 = tpu.memref_squeeze %dma_start3A_195 : memref<1x16384xf32, #tpu.memory_space<hbm>> -> memref<16384xf32, #tpu.memory_space<hbm>>
      tpu.enqueue_dma source(%dma_start3A_196 : memref<16384xf32, #tpu.memory_space<hbm>>) target(%arg12 : memref<16384xf32, #tpu.memory_space<vmem>>) target_semaphore(%arg19 : memref<!tpu.dma_semaphore, #tpu.memory_space<semaphore_mem>>)
      %add3A_197 = arith.constant 1 : i32
      %add3A_198 = arith.addi %add3A_49, %add3A_197 : i32
      %dma_start3A_199 = arith.constant 0 : i32
      %dma_start3A_200 = tpu.memref_slice %arg3[%add3A_198, %dma_start3A_199] : memref<1024x16384xf32, #tpu.memory_space<hbm>> -> memref<1x16384xf32, #tpu.memory_space<hbm>>
      %dma_start3A_201 = tpu.memref_squeeze %dma_start3A_200 : memref<1x16384xf32, #tpu.memory_space<hbm>> -> memref<16384xf32, #tpu.memory_space<hbm>>
      %dma_start3A_202 = arith.constant 0 : i32
      %dma_start3A_203 = tpu.memref_slice %arg3[%add3A_198, %dma_start3A_202] : memref<1024x16384xf32, #tpu.memory_space<hbm>> -> memref<1x16384xf32, #tpu.memory_space<hbm>>
      %dma_start3A_204 = tpu.memref_squeeze %dma_start3A_203 : memref<1x16384xf32, #tpu.memory_space<hbm>> -> memref<16384xf32, #tpu.memory_space<hbm>>
      tpu.enqueue_dma source(%dma_start3A_204 : memref<16384xf32, #tpu.memory_space<hbm>>) target(%arg14 : memref<16384xf32, #tpu.memory_space<vmem>>) target_semaphore(%arg18 : memref<!tpu.dma_semaphore, #tpu.memory_space<semaphore_mem>>)
      %dma_start3A_205 = arith.constant 0 : i32
      %dma_start3A_206 = tpu.memref_slice %arg4[%add3A_198, %dma_start3A_205] : memref<1024x16384xf32, #tpu.memory_space<hbm>> -> memref<1x16384xf32, #tpu.memory_space<hbm>>
      %dma_start3A_207 = tpu.memref_squeeze %dma_start3A_206 : memref<1x16384xf32, #tpu.memory_space<hbm>> -> memref<16384xf32, #tpu.memory_space<hbm>>
      %dma_start3A_208 = arith.constant 0 : i32
      %dma_start3A_209 = tpu.memref_slice %arg4[%add3A_198, %dma_start3A_208] : memref<1024x16384xf32, #tpu.memory_space<hbm>> -> memref<1x16384xf32, #tpu.memory_space<hbm>>
      %dma_start3A_210 = tpu.memref_squeeze %dma_start3A_209 : memref<1x16384xf32, #tpu.memory_space<hbm>> -> memref<16384xf32, #tpu.memory_space<hbm>>
      tpu.enqueue_dma source(%dma_start3A_210 : memref<16384xf32, #tpu.memory_space<hbm>>) target(%arg15 : memref<16384xf32, #tpu.memory_space<vmem>>) target_semaphore(%arg18 : memref<!tpu.dma_semaphore, #tpu.memory_space<semaphore_mem>>)
      %dma_wait3A_211 = arith.constant 0 : i32
      %dma_wait3A_212 = arith.constant 0 : i32
      %dma_wait3A_213 = tpu.memref_slice %arg2[%dma_wait3A_211, %dma_wait3A_212] : memref<1024x16384xf32, #tpu.memory_space<hbm>> -> memref<1x16384xf32, #tpu.memory_space<hbm>>
      %dma_wait3A_214 = tpu.memref_squeeze %dma_wait3A_213 : memref<1x16384xf32, #tpu.memory_space<hbm>> -> memref<16384xf32, #tpu.memory_space<hbm>>
      %dma_wait3A_215 = arith.constant 0 : i32
      %dma_wait3A_216 = tpu.memref_slice %arg2[%dma_wait3A_211, %dma_wait3A_215] : memref<1024x16384xf32, #tpu.memory_space<hbm>> -> memref<1x16384xf32, #tpu.memory_space<hbm>>
      %dma_wait3A_217 = tpu.memref_squeeze %dma_wait3A_216 : memref<1x16384xf32, #tpu.memory_space<hbm>> -> memref<16384xf32, #tpu.memory_space<hbm>>
      tpu.wait_dma2 semaphore(%arg19 : memref<!tpu.dma_semaphore, #tpu.memory_space<semaphore_mem>>) src(%dma_wait3A_217 : memref<16384xf32, #tpu.memory_space<hbm>>) dst(%arg13 : memref<16384xf32, #tpu.memory_space<vmem>>)
      %dma_wait3A_218 = arith.constant 0 : i32
      %dma_wait3A_219 = arith.constant 0 : i32
      %dma_wait3A_220 = tpu.memref_slice %arg3[%dma_wait3A_218, %dma_wait3A_219] : memref<1024x16384xf32, #tpu.memory_space<hbm>> -> memref<1x16384xf32, #tpu.memory_space<hbm>>
      %dma_wait3A_221 = tpu.memref_squeeze %dma_wait3A_220 : memref<1x16384xf32, #tpu.memory_space<hbm>> -> memref<16384xf32, #tpu.memory_space<hbm>>
      %dma_wait3A_222 = arith.constant 0 : i32
      %dma_wait3A_223 = tpu.memref_slice %arg3[%dma_wait3A_218, %dma_wait3A_222] : memref<1024x16384xf32, #tpu.memory_space<hbm>> -> memref<1x16384xf32, #tpu.memory_space<hbm>>
      %dma_wait3A_224 = tpu.memref_squeeze %dma_wait3A_223 : memref<1x16384xf32, #tpu.memory_space<hbm>> -> memref<16384xf32, #tpu.memory_space<hbm>>
      tpu.wait_dma2 semaphore(%arg18 : memref<!tpu.dma_semaphore, #tpu.memory_space<semaphore_mem>>) src(%dma_wait3A_224 : memref<16384xf32, #tpu.memory_space<hbm>>) dst(%arg14 : memref<16384xf32, #tpu.memory_space<vmem>>)
      %dma_wait3A_225 = arith.constant 0 : i32
      %dma_wait3A_226 = arith.constant 0 : i32
      %dma_wait3A_227 = tpu.memref_slice %arg4[%dma_wait3A_225, %dma_wait3A_226] : memref<1024x16384xf32, #tpu.memory_space<hbm>> -> memref<1x16384xf32, #tpu.memory_space<hbm>>
      %dma_wait3A_228 = tpu.memref_squeeze %dma_wait3A_227 : memref<1x16384xf32, #tpu.memory_space<hbm>> -> memref<16384xf32, #tpu.memory_space<hbm>>
      %dma_wait3A_229 = arith.constant 0 : i32
      %dma_wait3A_230 = tpu.memref_slice %arg4[%dma_wait3A_225, %dma_wait3A_229] : memref<1024x16384xf32, #tpu.memory_space<hbm>> -> memref<1x16384xf32, #tpu.memory_space<hbm>>
      %dma_wait3A_231 = tpu.memref_squeeze %dma_wait3A_230 : memref<1x16384xf32, #tpu.memory_space<hbm>> -> memref<16384xf32, #tpu.memory_space<hbm>>
      tpu.wait_dma2 semaphore(%arg18 : memref<!tpu.dma_semaphore, #tpu.memory_space<semaphore_mem>>) src(%dma_wait3A_231 : memref<16384xf32, #tpu.memory_space<hbm>>) dst(%arg15 : memref<16384xf32, #tpu.memory_space<vmem>>)
      %add3A_232 = arith.constant 1 : i32
      %add3A_233 = arith.addi %add3A_49, %add3A_232 : i32
      %dma_wait3A_234 = arith.constant 24576 : i32
      %dma_wait3A_235 = tpu.memref_slice %arg8[%add3A_49, %dma_wait3A_234] : memref<1024x32768xf32, #tpu.memory_space<hbm>> -> memref<1x4096xf32, #tpu.memory_space<hbm>>
      %dma_wait3A_236 = tpu.memref_squeeze %dma_wait3A_235 : memref<1x4096xf32, #tpu.memory_space<hbm>> -> memref<4096xf32, #tpu.memory_space<hbm>>
      %dma_wait3A_237 = arith.constant 24576 : i32
      %dma_wait3A_238 = tpu.memref_slice %arg8[%add3A_49, %dma_wait3A_237] : memref<1024x32768xf32, #tpu.memory_space<hbm>> -> memref<1x4096xf32, #tpu.memory_space<hbm>>
      %dma_wait3A_239 = tpu.memref_squeeze %dma_wait3A_238 : memref<1x4096xf32, #tpu.memory_space<hbm>> -> memref<4096xf32, #tpu.memory_space<hbm>>
      tpu.wait_dma2 semaphore(%arg20 : memref<!tpu.dma_semaphore, #tpu.memory_space<semaphore_mem>>) src(%arg16 : memref<4096xf32, #tpu.memory_space<vmem>>) dst(%dma_wait3A_239 : memref<4096xf32, #tpu.memory_space<hbm>>)
      %parallel_loop3A_240 = arith.constant 0 : i32
      %parallel_loop3A_241 = arith.constant 128 : i32
      %parallel_loop3A_242 = arith.constant 1 : i32
      scf.for %parallel_loop3A_378 = %parallel_loop3A_240 to %parallel_loop3A_241 step %parallel_loop3A_242  : i32 {
        %parallel_loop3A_379 = arith.constant 16 : i32
        %parallel_loop3A_380 = arith.muli %parallel_loop3A_378, %parallel_loop3A_379 : i32
        %parallel_loop3A_381 = arith.constant 0 : i32
        %parallel_loop3A_382 = arith.addi %parallel_loop3A_381, %parallel_loop3A_380 : i32
        %parallel_loop3A_383 = arith.index_cast %parallel_loop3A_382 : i32 to index
        %parallel_loop3A_384 = tpu.vector_load %arg9[%parallel_loop3A_383] {strides = array<i32>} : memref<16384xi32, #tpu.memory_space<vmem>>, vector<16xi32>,
        %parallel_loop3A_385 = arith.index_cast %parallel_loop3A_382 : i32 to index
        %parallel_loop3A_386 = tpu.vector_load %arg10[%parallel_loop3A_385] {strides = array<i32>} : memref<16384xi32, #tpu.memory_space<vmem>>, vector<16xi32>,
        %parallel_loop3A_387 = arith.index_cast %parallel_loop3A_382 : i32 to index
        %parallel_loop3A_388 = tpu.vector_load %arg11[%parallel_loop3A_387] {strides = array<i32>} : memref<16384xi32, #tpu.memory_space<vmem>>, vector<16xi32>,
        %parallel_loop3A_389 = vector.broadcast %scan3A_20 : i32 to vector<16xi32>
        %parallel_loop3A_390 = arith.andi %parallel_loop3A_384, %parallel_loop3A_389 : vector<16xi32>
        %parallel_loop3A_391 = tpu.vector_load_idx %arg13[%parallel_loop3A_390] : memref<16384xf32, #tpu.memory_space<vmem>>[vector<16xi32>], vector<16xf32>,
        %parallel_loop3A_392 = arith.constant 16 : i32
        %parallel_loop3A_393 = vector.broadcast %parallel_loop3A_392 : i32 to vector<16xi32>
        %parallel_loop3A_394 = arith.shrui %parallel_loop3A_384, %parallel_loop3A_393 : vector<16xi32>
        %parallel_loop3A_395 = tpu.vector_load_idx %arg13[%parallel_loop3A_394] : memref<16384xf32, #tpu.memory_space<vmem>>[vector<16xi32>], vector<16xf32>,
        %parallel_loop3A_396 = vector.broadcast %scan3A_20 : i32 to vector<16xi32>
        %parallel_loop3A_397 = arith.andi %parallel_loop3A_386, %parallel_loop3A_396 : vector<16xi32>
        %parallel_loop3A_398 = tpu.vector_load_idx %arg14[%parallel_loop3A_397] : memref<16384xf32, #tpu.memory_space<vmem>>[vector<16xi32>], vector<16xf32>,
        %parallel_loop3A_399 = arith.constant 16 : i32
        %parallel_loop3A_400 = vector.broadcast %parallel_loop3A_399 : i32 to vector<16xi32>
        %parallel_loop3A_401 = arith.shrui %parallel_loop3A_386, %parallel_loop3A_400 : vector<16xi32>
        %parallel_loop3A_402 = tpu.vector_load_idx %arg14[%parallel_loop3A_401] : memref<16384xf32, #tpu.memory_space<vmem>>[vector<16xi32>], vector<16xf32>,
        %parallel_loop3A_403 = vector.broadcast %scan3A_20 : i32 to vector<16xi32>
        %parallel_loop3A_404 = arith.andi %parallel_loop3A_388, %parallel_loop3A_403 : vector<16xi32>
        %parallel_loop3A_405 = tpu.vector_load_idx %arg15[%parallel_loop3A_404] : memref<16384xf32, #tpu.memory_space<vmem>>[vector<16xi32>], vector<16xf32>,
        %parallel_loop3A_406 = arith.constant 16 : i32
        %parallel_loop3A_407 = vector.broadcast %parallel_loop3A_406 : i32 to vector<16xi32>
        %parallel_loop3A_408 = arith.shrui %parallel_loop3A_388, %parallel_loop3A_407 : vector<16xi32>
        %parallel_loop3A_409 = tpu.vector_load_idx %arg15[%parallel_loop3A_408] : memref<16384xf32, #tpu.memory_space<vmem>>[vector<16xi32>], vector<16xf32>,
        %parallel_loop3A_410 = arith.constant 32 : i32
        %parallel_loop3A_411 = arith.muli %parallel_loop3A_378, %parallel_loop3A_410 : i32
        %parallel_loop3A_412 = arith.addf %parallel_loop3A_391, %parallel_loop3A_398 : vector<16xf32>
        %parallel_loop3A_413 = arith.subf %parallel_loop3A_412, %parallel_loop3A_405 : vector<16xf32>
        %parallel_loop3A_414 = arith.constant 0.000000e+00 : f32
        %parallel_loop3A_415 = vector.broadcast %parallel_loop3A_414 : f32 to vector<16xf32>
        %parallel_loop3A_416 = arith.maximumf %parallel_loop3A_413, %parallel_loop3A_415 : vector<16xf32>
        %parallel_loop3A_417 = arith.index_cast %parallel_loop3A_411 : i32 to index
        %parallel_loop3A_418 = tpu.vector_load %arg16[%parallel_loop3A_417] {strides = array<i32>} : memref<4096xf32, #tpu.memory_space<vmem>>, vector<16xf32>,
        tpu.vector_store %arg16[%parallel_loop3A_417], %parallel_loop3A_416 {strides = array<i32>} : memref<4096xf32, #tpu.memory_space<vmem>>, vector<16xf32>,
        %parallel_loop3A_419 = arith.addf %parallel_loop3A_395, %parallel_loop3A_402 : vector<16xf32>
        %parallel_loop3A_420 = arith.subf %parallel_loop3A_419, %parallel_loop3A_409 : vector<16xf32>
        %parallel_loop3A_421 = arith.constant 0.000000e+00 : f32
        %parallel_loop3A_422 = vector.broadcast %parallel_loop3A_421 : f32 to vector<16xf32>
        %parallel_loop3A_423 = arith.maximumf %parallel_loop3A_420, %parallel_loop3A_422 : vector<16xf32>
        %parallel_loop3A_424 = arith.constant 16 : i32
        %parallel_loop3A_425 = arith.addi %parallel_loop3A_411, %parallel_loop3A_424 : i32
        %parallel_loop3A_426 = arith.index_cast %parallel_loop3A_425 : i32 to index
        %parallel_loop3A_427 = tpu.vector_load %arg16[%parallel_loop3A_426] {strides = array<i32>} : memref<4096xf32, #tpu.memory_space<vmem>>, vector<16xf32>,
        tpu.vector_store %arg16[%parallel_loop3A_426], %parallel_loop3A_423 {strides = array<i32>} : memref<4096xf32, #tpu.memory_space<vmem>>, vector<16xf32>,
      } {sc.loop_unroll_factor = 4 : i64, sc.parallel_access}
      %dma_start3A_243 = arith.constant 0 : i32
      %dma_start3A_244 = tpu.memref_slice %arg8[%add3A_233, %dma_start3A_243] : memref<1024x32768xf32, #tpu.memory_space<hbm>> -> memref<1x4096xf32, #tpu.memory_space<hbm>>
      %dma_start3A_245 = tpu.memref_squeeze %dma_start3A_244 : memref<1x4096xf32, #tpu.memory_space<hbm>> -> memref<4096xf32, #tpu.memory_space<hbm>>
      %dma_start3A_246 = arith.constant 0 : i32
      %dma_start3A_247 = tpu.memref_slice %arg8[%add3A_233, %dma_start3A_246] : memref<1024x32768xf32, #tpu.memory_space<hbm>> -> memref<1x4096xf32, #tpu.memory_space<hbm>>
      %dma_start3A_248 = tpu.memref_squeeze %dma_start3A_247 : memref<1x4096xf32, #tpu.memory_space<hbm>> -> memref<4096xf32, #tpu.memory_space<hbm>>
      tpu.enqueue_dma source(%arg16 : memref<4096xf32, #tpu.memory_space<vmem>>) target(%dma_start3A_248 : memref<4096xf32, #tpu.memory_space<hbm>>) target_semaphore(%arg20 : memref<!tpu.dma_semaphore, #tpu.memory_space<semaphore_mem>>)
      %dma_wait3A_249 = arith.constant 28672 : i32
      %dma_wait3A_250 = tpu.memref_slice %arg8[%add3A_49, %dma_wait3A_249] : memref<1024x32768xf32, #tpu.memory_space<hbm>> -> memref<1x4096xf32, #tpu.memory_space<hbm>>
      %dma_wait3A_251 = tpu.memref_squeeze %dma_wait3A_250 : memref<1x4096xf32, #tpu.memory_space<hbm>> -> memref<4096xf32, #tpu.memory_space<hbm>>
      %dma_wait3A_252 = arith.constant 28672 : i32
      %dma_wait3A_253 = tpu.memref_slice %arg8[%add3A_49, %dma_wait3A_252] : memref<1024x32768xf32, #tpu.memory_space<hbm>> -> memref<1x4096xf32, #tpu.memory_space<hbm>>
      %dma_wait3A_254 = tpu.memref_squeeze %dma_wait3A_253 : memref<1x4096xf32, #tpu.memory_space<hbm>> -> memref<4096xf32, #tpu.memory_space<hbm>>
      tpu.wait_dma2 semaphore(%arg21 : memref<!tpu.dma_semaphore, #tpu.memory_space<semaphore_mem>>) src(%arg17 : memref<4096xf32, #tpu.memory_space<vmem>>) dst(%dma_wait3A_254 : memref<4096xf32, #tpu.memory_space<hbm>>)
      %parallel_loop3A_255 = arith.constant 0 : i32
      %parallel_loop3A_256 = arith.constant 128 : i32
      %parallel_loop3A_257 = arith.constant 1 : i32
      scf.for %parallel_loop3A_378 = %parallel_loop3A_255 to %parallel_loop3A_256 step %parallel_loop3A_257  : i32 {
        %parallel_loop3A_379 = arith.constant 16 : i32
        %parallel_loop3A_380 = arith.muli %parallel_loop3A_378, %parallel_loop3A_379 : i32
        %parallel_loop3A_381 = arith.constant 2048 : i32
        %parallel_loop3A_382 = arith.addi %parallel_loop3A_381, %parallel_loop3A_380 : i32
        %parallel_loop3A_383 = arith.index_cast %parallel_loop3A_382 : i32 to index
        %parallel_loop3A_384 = tpu.vector_load %arg9[%parallel_loop3A_383] {strides = array<i32>} : memref<16384xi32, #tpu.memory_space<vmem>>, vector<16xi32>,
        %parallel_loop3A_385 = arith.index_cast %parallel_loop3A_382 : i32 to index
        %parallel_loop3A_386 = tpu.vector_load %arg10[%parallel_loop3A_385] {strides = array<i32>} : memref<16384xi32, #tpu.memory_space<vmem>>, vector<16xi32>,
        %parallel_loop3A_387 = arith.index_cast %parallel_loop3A_382 : i32 to index
        %parallel_loop3A_388 = tpu.vector_load %arg11[%parallel_loop3A_387] {strides = array<i32>} : memref<16384xi32, #tpu.memory_space<vmem>>, vector<16xi32>,
        %parallel_loop3A_389 = vector.broadcast %scan3A_20 : i32 to vector<16xi32>
        %parallel_loop3A_390 = arith.andi %parallel_loop3A_384, %parallel_loop3A_389 : vector<16xi32>
        %parallel_loop3A_391 = tpu.vector_load_idx %arg13[%parallel_loop3A_390] : memref<16384xf32, #tpu.memory_space<vmem>>[vector<16xi32>], vector<16xf32>,
        %parallel_loop3A_392 = arith.constant 16 : i32
        %parallel_loop3A_393 = vector.broadcast %parallel_loop3A_392 : i32 to vector<16xi32>
        %parallel_loop3A_394 = arith.shrui %parallel_loop3A_384, %parallel_loop3A_393 : vector<16xi32>
        %parallel_loop3A_395 = tpu.vector_load_idx %arg13[%parallel_loop3A_394] : memref<16384xf32, #tpu.memory_space<vmem>>[vector<16xi32>], vector<16xf32>,
        %parallel_loop3A_396 = vector.broadcast %scan3A_20 : i32 to vector<16xi32>
        %parallel_loop3A_397 = arith.andi %parallel_loop3A_386, %parallel_loop3A_396 : vector<16xi32>
        %parallel_loop3A_398 = tpu.vector_load_idx %arg14[%parallel_loop3A_397] : memref<16384xf32, #tpu.memory_space<vmem>>[vector<16xi32>], vector<16xf32>,
        %parallel_loop3A_399 = arith.constant 16 : i32
        %parallel_loop3A_400 = vector.broadcast %parallel_loop3A_399 : i32 to vector<16xi32>
        %parallel_loop3A_401 = arith.shrui %parallel_loop3A_386, %parallel_loop3A_400 : vector<16xi32>
        %parallel_loop3A_402 = tpu.vector_load_idx %arg14[%parallel_loop3A_401] : memref<16384xf32, #tpu.memory_space<vmem>>[vector<16xi32>], vector<16xf32>,
        %parallel_loop3A_403 = vector.broadcast %scan3A_20 : i32 to vector<16xi32>
        %parallel_loop3A_404 = arith.andi %parallel_loop3A_388, %parallel_loop3A_403 : vector<16xi32>
        %parallel_loop3A_405 = tpu.vector_load_idx %arg15[%parallel_loop3A_404] : memref<16384xf32, #tpu.memory_space<vmem>>[vector<16xi32>], vector<16xf32>,
        %parallel_loop3A_406 = arith.constant 16 : i32
        %parallel_loop3A_407 = vector.broadcast %parallel_loop3A_406 : i32 to vector<16xi32>
        %parallel_loop3A_408 = arith.shrui %parallel_loop3A_388, %parallel_loop3A_407 : vector<16xi32>
        %parallel_loop3A_409 = tpu.vector_load_idx %arg15[%parallel_loop3A_408] : memref<16384xf32, #tpu.memory_space<vmem>>[vector<16xi32>], vector<16xf32>,
        %parallel_loop3A_410 = arith.constant 32 : i32
        %parallel_loop3A_411 = arith.muli %parallel_loop3A_378, %parallel_loop3A_410 : i32
        %parallel_loop3A_412 = arith.addf %parallel_loop3A_391, %parallel_loop3A_398 : vector<16xf32>
        %parallel_loop3A_413 = arith.subf %parallel_loop3A_412, %parallel_loop3A_405 : vector<16xf32>
        %parallel_loop3A_414 = arith.constant 0.000000e+00 : f32
        %parallel_loop3A_415 = vector.broadcast %parallel_loop3A_414 : f32 to vector<16xf32>
        %parallel_loop3A_416 = arith.maximumf %parallel_loop3A_413, %parallel_loop3A_415 : vector<16xf32>
        %parallel_loop3A_417 = arith.index_cast %parallel_loop3A_411 : i32 to index
        %parallel_loop3A_418 = tpu.vector_load %arg17[%parallel_loop3A_417] {strides = array<i32>} : memref<4096xf32, #tpu.memory_space<vmem>>, vector<16xf32>,
        tpu.vector_store %arg17[%parallel_loop3A_417], %parallel_loop3A_416 {strides = array<i32>} : memref<4096xf32, #tpu.memory_space<vmem>>, vector<16xf32>,
        %parallel_loop3A_419 = arith.addf %parallel_loop3A_395, %parallel_loop3A_402 : vector<16xf32>
        %parallel_loop3A_420 = arith.subf %parallel_loop3A_419, %parallel_loop3A_409 : vector<16xf32>
        %parallel_loop3A_421 = arith.constant 0.000000e+00 : f32
        %parallel_loop3A_422 = vector.broadcast %parallel_loop3A_421 : f32 to vector<16xf32>
        %parallel_loop3A_423 = arith.maximumf %parallel_loop3A_420, %parallel_loop3A_422 : vector<16xf32>
        %parallel_loop3A_424 = arith.constant 16 : i32
        %parallel_loop3A_425 = arith.addi %parallel_loop3A_411, %parallel_loop3A_424 : i32
        %parallel_loop3A_426 = arith.index_cast %parallel_loop3A_425 : i32 to index
        %parallel_loop3A_427 = tpu.vector_load %arg17[%parallel_loop3A_426] {strides = array<i32>} : memref<4096xf32, #tpu.memory_space<vmem>>, vector<16xf32>,
        tpu.vector_store %arg17[%parallel_loop3A_426], %parallel_loop3A_423 {strides = array<i32>} : memref<4096xf32, #tpu.memory_space<vmem>>, vector<16xf32>,
      } {sc.loop_unroll_factor = 4 : i64, sc.parallel_access}
      %dma_start3A_258 = arith.constant 4096 : i32
      %dma_start3A_259 = tpu.memref_slice %arg8[%add3A_233, %dma_start3A_258] : memref<1024x32768xf32, #tpu.memory_space<hbm>> -> memref<1x4096xf32, #tpu.memory_space<hbm>>
      %dma_start3A_260 = tpu.memref_squeeze %dma_start3A_259 : memref<1x4096xf32, #tpu.memory_space<hbm>> -> memref<4096xf32, #tpu.memory_space<hbm>>
      %dma_start3A_261 = arith.constant 4096 : i32
      %dma_start3A_262 = tpu.memref_slice %arg8[%add3A_233, %dma_start3A_261] : memref<1024x32768xf32, #tpu.memory_space<hbm>> -> memref<1x4096xf32, #tpu.memory_space<hbm>>
      %dma_start3A_263 = tpu.memref_squeeze %dma_start3A_262 : memref<1x4096xf32, #tpu.memory_space<hbm>> -> memref<4096xf32, #tpu.memory_space<hbm>>
      tpu.enqueue_dma source(%arg17 : memref<4096xf32, #tpu.memory_space<vmem>>) target(%dma_start3A_263 : memref<4096xf32, #tpu.memory_space<hbm>>) target_semaphore(%arg21 : memref<!tpu.dma_semaphore, #tpu.memory_space<semaphore_mem>>)
      %dma_wait3A_264 = arith.constant 0 : i32
      %dma_wait3A_265 = tpu.memref_slice %arg8[%add3A_233, %dma_wait3A_264] : memref<1024x32768xf32, #tpu.memory_space<hbm>> -> memref<1x4096xf32, #tpu.memory_space<hbm>>
      %dma_wait3A_266 = tpu.memref_squeeze %dma_wait3A_265 : memref<1x4096xf32, #tpu.memory_space<hbm>> -> memref<4096xf32, #tpu.memory_space<hbm>>
      %dma_wait3A_267 = arith.constant 0 : i32
      %dma_wait3A_268 = tpu.memref_slice %arg8[%add3A_233, %dma_wait3A_267] : memref<1024x32768xf32, #tpu.memory_space<hbm>> -> memref<1x4096xf32, #tpu.memory_space<hbm>>
      %dma_wait3A_269 = tpu.memref_squeeze %dma_wait3A_268 : memref<1x4096xf32, #tpu.memory_space<hbm>> -> memref<4096xf32, #tpu.memory_space<hbm>>
      tpu.wait_dma2 semaphore(%arg20 : memref<!tpu.dma_semaphore, #tpu.memory_space<semaphore_mem>>) src(%arg16 : memref<4096xf32, #tpu.memory_space<vmem>>) dst(%dma_wait3A_269 : memref<4096xf32, #tpu.memory_space<hbm>>)
      %parallel_loop3A_270 = arith.constant 0 : i32
      %parallel_loop3A_271 = arith.constant 128 : i32
      %parallel_loop3A_272 = arith.constant 1 : i32
      scf.for %parallel_loop3A_378 = %parallel_loop3A_270 to %parallel_loop3A_271 step %parallel_loop3A_272  : i32 {
        %parallel_loop3A_379 = arith.constant 16 : i32
        %parallel_loop3A_380 = arith.muli %parallel_loop3A_378, %parallel_loop3A_379 : i32
        %parallel_loop3A_381 = arith.constant 4096 : i32
        %parallel_loop3A_382 = arith.addi %parallel_loop3A_381, %parallel_loop3A_380 : i32
        %parallel_loop3A_383 = arith.index_cast %parallel_loop3A_382 : i32 to index
        %parallel_loop3A_384 = tpu.vector_load %arg9[%parallel_loop3A_383] {strides = array<i32>} : memref<16384xi32, #tpu.memory_space<vmem>>, vector<16xi32>,
        %parallel_loop3A_385 = arith.index_cast %parallel_loop3A_382 : i32 to index
        %parallel_loop3A_386 = tpu.vector_load %arg10[%parallel_loop3A_385] {strides = array<i32>} : memref<16384xi32, #tpu.memory_space<vmem>>, vector<16xi32>,
        %parallel_loop3A_387 = arith.index_cast %parallel_loop3A_382 : i32 to index
        %parallel_loop3A_388 = tpu.vector_load %arg11[%parallel_loop3A_387] {strides = array<i32>} : memref<16384xi32, #tpu.memory_space<vmem>>, vector<16xi32>,
        %parallel_loop3A_389 = vector.broadcast %scan3A_20 : i32 to vector<16xi32>
        %parallel_loop3A_390 = arith.andi %parallel_loop3A_384, %parallel_loop3A_389 : vector<16xi32>
        %parallel_loop3A_391 = tpu.vector_load_idx %arg13[%parallel_loop3A_390] : memref<16384xf32, #tpu.memory_space<vmem>>[vector<16xi32>], vector<16xf32>,
        %parallel_loop3A_392 = arith.constant 16 : i32
        %parallel_loop3A_393 = vector.broadcast %parallel_loop3A_392 : i32 to vector<16xi32>
        %parallel_loop3A_394 = arith.shrui %parallel_loop3A_384, %parallel_loop3A_393 : vector<16xi32>
        %parallel_loop3A_395 = tpu.vector_load_idx %arg13[%parallel_loop3A_394] : memref<16384xf32, #tpu.memory_space<vmem>>[vector<16xi32>], vector<16xf32>,
        %parallel_loop3A_396 = vector.broadcast %scan3A_20 : i32 to vector<16xi32>
        %parallel_loop3A_397 = arith.andi %parallel_loop3A_386, %parallel_loop3A_396 : vector<16xi32>
        %parallel_loop3A_398 = tpu.vector_load_idx %arg14[%parallel_loop3A_397] : memref<16384xf32, #tpu.memory_space<vmem>>[vector<16xi32>], vector<16xf32>,
        %parallel_loop3A_399 = arith.constant 16 : i32
        %parallel_loop3A_400 = vector.broadcast %parallel_loop3A_399 : i32 to vector<16xi32>
        %parallel_loop3A_401 = arith.shrui %parallel_loop3A_386, %parallel_loop3A_400 : vector<16xi32>
        %parallel_loop3A_402 = tpu.vector_load_idx %arg14[%parallel_loop3A_401] : memref<16384xf32, #tpu.memory_space<vmem>>[vector<16xi32>], vector<16xf32>,
        %parallel_loop3A_403 = vector.broadcast %scan3A_20 : i32 to vector<16xi32>
        %parallel_loop3A_404 = arith.andi %parallel_loop3A_388, %parallel_loop3A_403 : vector<16xi32>
        %parallel_loop3A_405 = tpu.vector_load_idx %arg15[%parallel_loop3A_404] : memref<16384xf32, #tpu.memory_space<vmem>>[vector<16xi32>], vector<16xf32>,
        %parallel_loop3A_406 = arith.constant 16 : i32
        %parallel_loop3A_407 = vector.broadcast %parallel_loop3A_406 : i32 to vector<16xi32>
        %parallel_loop3A_408 = arith.shrui %parallel_loop3A_388, %parallel_loop3A_407 : vector<16xi32>
        %parallel_loop3A_409 = tpu.vector_load_idx %arg15[%parallel_loop3A_408] : memref<16384xf32, #tpu.memory_space<vmem>>[vector<16xi32>], vector<16xf32>,
        %parallel_loop3A_410 = arith.constant 32 : i32
        %parallel_loop3A_411 = arith.muli %parallel_loop3A_378, %parallel_loop3A_410 : i32
        %parallel_loop3A_412 = arith.addf %parallel_loop3A_391, %parallel_loop3A_398 : vector<16xf32>
        %parallel_loop3A_413 = arith.subf %parallel_loop3A_412, %parallel_loop3A_405 : vector<16xf32>
        %parallel_loop3A_414 = arith.constant 0.000000e+00 : f32
        %parallel_loop3A_415 = vector.broadcast %parallel_loop3A_414 : f32 to vector<16xf32>
        %parallel_loop3A_416 = arith.maximumf %parallel_loop3A_413, %parallel_loop3A_415 : vector<16xf32>
        %parallel_loop3A_417 = arith.index_cast %parallel_loop3A_411 : i32 to index
        %parallel_loop3A_418 = tpu.vector_load %arg16[%parallel_loop3A_417] {strides = array<i32>} : memref<4096xf32, #tpu.memory_space<vmem>>, vector<16xf32>,
        tpu.vector_store %arg16[%parallel_loop3A_417], %parallel_loop3A_416 {strides = array<i32>} : memref<4096xf32, #tpu.memory_space<vmem>>, vector<16xf32>,
        %parallel_loop3A_419 = arith.addf %parallel_loop3A_395, %parallel_loop3A_402 : vector<16xf32>
        %parallel_loop3A_420 = arith.subf %parallel_loop3A_419, %parallel_loop3A_409 : vector<16xf32>
        %parallel_loop3A_421 = arith.constant 0.000000e+00 : f32
        %parallel_loop3A_422 = vector.broadcast %parallel_loop3A_421 : f32 to vector<16xf32>
        %parallel_loop3A_423 = arith.maximumf %parallel_loop3A_420, %parallel_loop3A_422 : vector<16xf32>
        %parallel_loop3A_424 = arith.constant 16 : i32
        %parallel_loop3A_425 = arith.addi %parallel_loop3A_411, %parallel_loop3A_424 : i32
        %parallel_loop3A_426 = arith.index_cast %parallel_loop3A_425 : i32 to index
        %parallel_loop3A_427 = tpu.vector_load %arg16[%parallel_loop3A_426] {strides = array<i32>} : memref<4096xf32, #tpu.memory_space<vmem>>, vector<16xf32>,
        tpu.vector_store %arg16[%parallel_loop3A_426], %parallel_loop3A_423 {strides = array<i32>} : memref<4096xf32, #tpu.memory_space<vmem>>, vector<16xf32>,
      } {sc.loop_unroll_factor = 4 : i64, sc.parallel_access}
      %dma_start3A_273 = arith.constant 8192 : i32
      %dma_start3A_274 = tpu.memref_slice %arg8[%add3A_233, %dma_start3A_273] : memref<1024x32768xf32, #tpu.memory_space<hbm>> -> memref<1x4096xf32, #tpu.memory_space<hbm>>
      %dma_start3A_275 = tpu.memref_squeeze %dma_start3A_274 : memref<1x4096xf32, #tpu.memory_space<hbm>> -> memref<4096xf32, #tpu.memory_space<hbm>>
      %dma_start3A_276 = arith.constant 8192 : i32
      %dma_start3A_277 = tpu.memref_slice %arg8[%add3A_233, %dma_start3A_276] : memref<1024x32768xf32, #tpu.memory_space<hbm>> -> memref<1x4096xf32, #tpu.memory_space<hbm>>
      %dma_start3A_278 = tpu.memref_squeeze %dma_start3A_277 : memref<1x4096xf32, #tpu.memory_space<hbm>> -> memref<4096xf32, #tpu.memory_space<hbm>>
      tpu.enqueue_dma source(%arg16 : memref<4096xf32, #tpu.memory_space<vmem>>) target(%dma_start3A_278 : memref<4096xf32, #tpu.memory_space<hbm>>) target_semaphore(%arg20 : memref<!tpu.dma_semaphore, #tpu.memory_space<semaphore_mem>>)
      %dma_wait3A_279 = arith.constant 4096 : i32
      %dma_wait3A_280 = tpu.memref_slice %arg8[%add3A_233, %dma_wait3A_279] : memref<1024x32768xf32, #tpu.memory_space<hbm>> -> memref<1x4096xf32, #tpu.memory_space<hbm>>
      %dma_wait3A_281 = tpu.memref_squeeze %dma_wait3A_280 : memref<1x4096xf32, #tpu.memory_space<hbm>> -> memref<4096xf32, #tpu.memory_space<hbm>>
      %dma_wait3A_282 = arith.constant 4096 : i32
      %dma_wait3A_283 = tpu.memref_slice %arg8[%add3A_233, %dma_wait3A_282] : memref<1024x32768xf32, #tpu.memory_space<hbm>> -> memref<1x4096xf32, #tpu.memory_space<hbm>>
      %dma_wait3A_284 = tpu.memref_squeeze %dma_wait3A_283 : memref<1x4096xf32, #tpu.memory_space<hbm>> -> memref<4096xf32, #tpu.memory_space<hbm>>
      tpu.wait_dma2 semaphore(%arg21 : memref<!tpu.dma_semaphore, #tpu.memory_space<semaphore_mem>>) src(%arg17 : memref<4096xf32, #tpu.memory_space<vmem>>) dst(%dma_wait3A_284 : memref<4096xf32, #tpu.memory_space<hbm>>)
      %parallel_loop3A_285 = arith.constant 0 : i32
      %parallel_loop3A_286 = arith.constant 128 : i32
      %parallel_loop3A_287 = arith.constant 1 : i32
      scf.for %parallel_loop3A_378 = %parallel_loop3A_285 to %parallel_loop3A_286 step %parallel_loop3A_287  : i32 {
        %parallel_loop3A_379 = arith.constant 16 : i32
        %parallel_loop3A_380 = arith.muli %parallel_loop3A_378, %parallel_loop3A_379 : i32
        %parallel_loop3A_381 = arith.constant 6144 : i32
        %parallel_loop3A_382 = arith.addi %parallel_loop3A_381, %parallel_loop3A_380 : i32
        %parallel_loop3A_383 = arith.index_cast %parallel_loop3A_382 : i32 to index
        %parallel_loop3A_384 = tpu.vector_load %arg9[%parallel_loop3A_383] {strides = array<i32>} : memref<16384xi32, #tpu.memory_space<vmem>>, vector<16xi32>,
        %parallel_loop3A_385 = arith.index_cast %parallel_loop3A_382 : i32 to index
        %parallel_loop3A_386 = tpu.vector_load %arg10[%parallel_loop3A_385] {strides = array<i32>} : memref<16384xi32, #tpu.memory_space<vmem>>, vector<16xi32>,
        %parallel_loop3A_387 = arith.index_cast %parallel_loop3A_382 : i32 to index
        %parallel_loop3A_388 = tpu.vector_load %arg11[%parallel_loop3A_387] {strides = array<i32>} : memref<16384xi32, #tpu.memory_space<vmem>>, vector<16xi32>,
        %parallel_loop3A_389 = vector.broadcast %scan3A_20 : i32 to vector<16xi32>
        %parallel_loop3A_390 = arith.andi %parallel_loop3A_384, %parallel_loop3A_389 : vector<16xi32>
        %parallel_loop3A_391 = tpu.vector_load_idx %arg13[%parallel_loop3A_390] : memref<16384xf32, #tpu.memory_space<vmem>>[vector<16xi32>], vector<16xf32>,
        %parallel_loop3A_392 = arith.constant 16 : i32
        %parallel_loop3A_393 = vector.broadcast %parallel_loop3A_392 : i32 to vector<16xi32>
        %parallel_loop3A_394 = arith.shrui %parallel_loop3A_384, %parallel_loop3A_393 : vector<16xi32>
        %parallel_loop3A_395 = tpu.vector_load_idx %arg13[%parallel_loop3A_394] : memref<16384xf32, #tpu.memory_space<vmem>>[vector<16xi32>], vector<16xf32>,
        %parallel_loop3A_396 = vector.broadcast %scan3A_20 : i32 to vector<16xi32>
        %parallel_loop3A_397 = arith.andi %parallel_loop3A_386, %parallel_loop3A_396 : vector<16xi32>
        %parallel_loop3A_398 = tpu.vector_load_idx %arg14[%parallel_loop3A_397] : memref<16384xf32, #tpu.memory_space<vmem>>[vector<16xi32>], vector<16xf32>,
        %parallel_loop3A_399 = arith.constant 16 : i32
        %parallel_loop3A_400 = vector.broadcast %parallel_loop3A_399 : i32 to vector<16xi32>
        %parallel_loop3A_401 = arith.shrui %parallel_loop3A_386, %parallel_loop3A_400 : vector<16xi32>
        %parallel_loop3A_402 = tpu.vector_load_idx %arg14[%parallel_loop3A_401] : memref<16384xf32, #tpu.memory_space<vmem>>[vector<16xi32>], vector<16xf32>,
        %parallel_loop3A_403 = vector.broadcast %scan3A_20 : i32 to vector<16xi32>
        %parallel_loop3A_404 = arith.andi %parallel_loop3A_388, %parallel_loop3A_403 : vector<16xi32>
        %parallel_loop3A_405 = tpu.vector_load_idx %arg15[%parallel_loop3A_404] : memref<16384xf32, #tpu.memory_space<vmem>>[vector<16xi32>], vector<16xf32>,
        %parallel_loop3A_406 = arith.constant 16 : i32
        %parallel_loop3A_407 = vector.broadcast %parallel_loop3A_406 : i32 to vector<16xi32>
        %parallel_loop3A_408 = arith.shrui %parallel_loop3A_388, %parallel_loop3A_407 : vector<16xi32>
        %parallel_loop3A_409 = tpu.vector_load_idx %arg15[%parallel_loop3A_408] : memref<16384xf32, #tpu.memory_space<vmem>>[vector<16xi32>], vector<16xf32>,
        %parallel_loop3A_410 = arith.constant 32 : i32
        %parallel_loop3A_411 = arith.muli %parallel_loop3A_378, %parallel_loop3A_410 : i32
        %parallel_loop3A_412 = arith.addf %parallel_loop3A_391, %parallel_loop3A_398 : vector<16xf32>
        %parallel_loop3A_413 = arith.subf %parallel_loop3A_412, %parallel_loop3A_405 : vector<16xf32>
        %parallel_loop3A_414 = arith.constant 0.000000e+00 : f32
        %parallel_loop3A_415 = vector.broadcast %parallel_loop3A_414 : f32 to vector<16xf32>
        %parallel_loop3A_416 = arith.maximumf %parallel_loop3A_413, %parallel_loop3A_415 : vector<16xf32>
        %parallel_loop3A_417 = arith.index_cast %parallel_loop3A_411 : i32 to index
        %parallel_loop3A_418 = tpu.vector_load %arg17[%parallel_loop3A_417] {strides = array<i32>} : memref<4096xf32, #tpu.memory_space<vmem>>, vector<16xf32>,
        tpu.vector_store %arg17[%parallel_loop3A_417], %parallel_loop3A_416 {strides = array<i32>} : memref<4096xf32, #tpu.memory_space<vmem>>, vector<16xf32>,
        %parallel_loop3A_419 = arith.addf %parallel_loop3A_395, %parallel_loop3A_402 : vector<16xf32>
        %parallel_loop3A_420 = arith.subf %parallel_loop3A_419, %parallel_loop3A_409 : vector<16xf32>
        %parallel_loop3A_421 = arith.constant 0.000000e+00 : f32
        %parallel_loop3A_422 = vector.broadcast %parallel_loop3A_421 : f32 to vector<16xf32>
        %parallel_loop3A_423 = arith.maximumf %parallel_loop3A_420, %parallel_loop3A_422 : vector<16xf32>
        %parallel_loop3A_424 = arith.constant 16 : i32
        %parallel_loop3A_425 = arith.addi %parallel_loop3A_411, %parallel_loop3A_424 : i32
        %parallel_loop3A_426 = arith.index_cast %parallel_loop3A_425 : i32 to index
        %parallel_loop3A_427 = tpu.vector_load %arg17[%parallel_loop3A_426] {strides = array<i32>} : memref<4096xf32, #tpu.memory_space<vmem>>, vector<16xf32>,
        tpu.vector_store %arg17[%parallel_loop3A_426], %parallel_loop3A_423 {strides = array<i32>} : memref<4096xf32, #tpu.memory_space<vmem>>, vector<16xf32>,
      } {sc.loop_unroll_factor = 4 : i64, sc.parallel_access}
      %dma_start3A_288 = arith.constant 12288 : i32
      %dma_start3A_289 = tpu.memref_slice %arg8[%add3A_233, %dma_start3A_288] : memref<1024x32768xf32, #tpu.memory_space<hbm>> -> memref<1x4096xf32, #tpu.memory_space<hbm>>
      %dma_start3A_290 = tpu.memref_squeeze %dma_start3A_289 : memref<1x4096xf32, #tpu.memory_space<hbm>> -> memref<4096xf32, #tpu.memory_space<hbm>>
      %dma_start3A_291 = arith.constant 12288 : i32
      %dma_start3A_292 = tpu.memref_slice %arg8[%add3A_233, %dma_start3A_291] : memref<1024x32768xf32, #tpu.memory_space<hbm>> -> memref<1x4096xf32, #tpu.memory_space<hbm>>
      %dma_start3A_293 = tpu.memref_squeeze %dma_start3A_292 : memref<1x4096xf32, #tpu.memory_space<hbm>> -> memref<4096xf32, #tpu.memory_space<hbm>>
      tpu.enqueue_dma source(%arg17 : memref<4096xf32, #tpu.memory_space<vmem>>) target(%dma_start3A_293 : memref<4096xf32, #tpu.memory_space<hbm>>) target_semaphore(%arg21 : memref<!tpu.dma_semaphore, #tpu.memory_space<semaphore_mem>>)
      %dma_wait3A_294 = arith.constant 8192 : i32
      %dma_wait3A_295 = tpu.memref_slice %arg8[%add3A_233, %dma_wait3A_294] : memref<1024x32768xf32, #tpu.memory_space<hbm>> -> memref<1x4096xf32, #tpu.memory_space<hbm>>
      %dma_wait3A_296 = tpu.memref_squeeze %dma_wait3A_295 : memref<1x4096xf32, #tpu.memory_space<hbm>> -> memref<4096xf32, #tpu.memory_space<hbm>>
      %dma_wait3A_297 = arith.constant 8192 : i32
      %dma_wait3A_298 = tpu.memref_slice %arg8[%add3A_233, %dma_wait3A_297] : memref<1024x32768xf32, #tpu.memory_space<hbm>> -> memref<1x4096xf32, #tpu.memory_space<hbm>>
      %dma_wait3A_299 = tpu.memref_squeeze %dma_wait3A_298 : memref<1x4096xf32, #tpu.memory_space<hbm>> -> memref<4096xf32, #tpu.memory_space<hbm>>
      tpu.wait_dma2 semaphore(%arg20 : memref<!tpu.dma_semaphore, #tpu.memory_space<semaphore_mem>>) src(%arg16 : memref<4096xf32, #tpu.memory_space<vmem>>) dst(%dma_wait3A_299 : memref<4096xf32, #tpu.memory_space<hbm>>)
      %parallel_loop3A_300 = arith.constant 0 : i32
      %parallel_loop3A_301 = arith.constant 128 : i32
      %parallel_loop3A_302 = arith.constant 1 : i32
      scf.for %parallel_loop3A_378 = %parallel_loop3A_300 to %parallel_loop3A_301 step %parallel_loop3A_302  : i32 {
        %parallel_loop3A_379 = arith.constant 16 : i32
        %parallel_loop3A_380 = arith.muli %parallel_loop3A_378, %parallel_loop3A_379 : i32
        %parallel_loop3A_381 = arith.constant 8192 : i32
        %parallel_loop3A_382 = arith.addi %parallel_loop3A_381, %parallel_loop3A_380 : i32
        %parallel_loop3A_383 = arith.index_cast %parallel_loop3A_382 : i32 to index
        %parallel_loop3A_384 = tpu.vector_load %arg9[%parallel_loop3A_383] {strides = array<i32>} : memref<16384xi32, #tpu.memory_space<vmem>>, vector<16xi32>,
        %parallel_loop3A_385 = arith.index_cast %parallel_loop3A_382 : i32 to index
        %parallel_loop3A_386 = tpu.vector_load %arg10[%parallel_loop3A_385] {strides = array<i32>} : memref<16384xi32, #tpu.memory_space<vmem>>, vector<16xi32>,
        %parallel_loop3A_387 = arith.index_cast %parallel_loop3A_382 : i32 to index
        %parallel_loop3A_388 = tpu.vector_load %arg11[%parallel_loop3A_387] {strides = array<i32>} : memref<16384xi32, #tpu.memory_space<vmem>>, vector<16xi32>,
        %parallel_loop3A_389 = vector.broadcast %scan3A_20 : i32 to vector<16xi32>
        %parallel_loop3A_390 = arith.andi %parallel_loop3A_384, %parallel_loop3A_389 : vector<16xi32>
        %parallel_loop3A_391 = tpu.vector_load_idx %arg13[%parallel_loop3A_390] : memref<16384xf32, #tpu.memory_space<vmem>>[vector<16xi32>], vector<16xf32>,
        %parallel_loop3A_392 = arith.constant 16 : i32
        %parallel_loop3A_393 = vector.broadcast %parallel_loop3A_392 : i32 to vector<16xi32>
        %parallel_loop3A_394 = arith.shrui %parallel_loop3A_384, %parallel_loop3A_393 : vector<16xi32>
        %parallel_loop3A_395 = tpu.vector_load_idx %arg13[%parallel_loop3A_394] : memref<16384xf32, #tpu.memory_space<vmem>>[vector<16xi32>], vector<16xf32>,
        %parallel_loop3A_396 = vector.broadcast %scan3A_20 : i32 to vector<16xi32>
        %parallel_loop3A_397 = arith.andi %parallel_loop3A_386, %parallel_loop3A_396 : vector<16xi32>
        %parallel_loop3A_398 = tpu.vector_load_idx %arg14[%parallel_loop3A_397] : memref<16384xf32, #tpu.memory_space<vmem>>[vector<16xi32>], vector<16xf32>,
        %parallel_loop3A_399 = arith.constant 16 : i32
        %parallel_loop3A_400 = vector.broadcast %parallel_loop3A_399 : i32 to vector<16xi32>
        %parallel_loop3A_401 = arith.shrui %parallel_loop3A_386, %parallel_loop3A_400 : vector<16xi32>
        %parallel_loop3A_402 = tpu.vector_load_idx %arg14[%parallel_loop3A_401] : memref<16384xf32, #tpu.memory_space<vmem>>[vector<16xi32>], vector<16xf32>,
        %parallel_loop3A_403 = vector.broadcast %scan3A_20 : i32 to vector<16xi32>
        %parallel_loop3A_404 = arith.andi %parallel_loop3A_388, %parallel_loop3A_403 : vector<16xi32>
        %parallel_loop3A_405 = tpu.vector_load_idx %arg15[%parallel_loop3A_404] : memref<16384xf32, #tpu.memory_space<vmem>>[vector<16xi32>], vector<16xf32>,
        %parallel_loop3A_406 = arith.constant 16 : i32
        %parallel_loop3A_407 = vector.broadcast %parallel_loop3A_406 : i32 to vector<16xi32>
        %parallel_loop3A_408 = arith.shrui %parallel_loop3A_388, %parallel_loop3A_407 : vector<16xi32>
        %parallel_loop3A_409 = tpu.vector_load_idx %arg15[%parallel_loop3A_408] : memref<16384xf32, #tpu.memory_space<vmem>>[vector<16xi32>], vector<16xf32>,
        %parallel_loop3A_410 = arith.constant 32 : i32
        %parallel_loop3A_411 = arith.muli %parallel_loop3A_378, %parallel_loop3A_410 : i32
        %parallel_loop3A_412 = arith.addf %parallel_loop3A_391, %parallel_loop3A_398 : vector<16xf32>
        %parallel_loop3A_413 = arith.subf %parallel_loop3A_412, %parallel_loop3A_405 : vector<16xf32>
        %parallel_loop3A_414 = arith.constant 0.000000e+00 : f32
        %parallel_loop3A_415 = vector.broadcast %parallel_loop3A_414 : f32 to vector<16xf32>
        %parallel_loop3A_416 = arith.maximumf %parallel_loop3A_413, %parallel_loop3A_415 : vector<16xf32>
        %parallel_loop3A_417 = arith.index_cast %parallel_loop3A_411 : i32 to index
        %parallel_loop3A_418 = tpu.vector_load %arg16[%parallel_loop3A_417] {strides = array<i32>} : memref<4096xf32, #tpu.memory_space<vmem>>, vector<16xf32>,
        tpu.vector_store %arg16[%parallel_loop3A_417], %parallel_loop3A_416 {strides = array<i32>} : memref<4096xf32, #tpu.memory_space<vmem>>, vector<16xf32>,
        %parallel_loop3A_419 = arith.addf %parallel_loop3A_395, %parallel_loop3A_402 : vector<16xf32>
        %parallel_loop3A_420 = arith.subf %parallel_loop3A_419, %parallel_loop3A_409 : vector<16xf32>
        %parallel_loop3A_421 = arith.constant 0.000000e+00 : f32
        %parallel_loop3A_422 = vector.broadcast %parallel_loop3A_421 : f32 to vector<16xf32>
        %parallel_loop3A_423 = arith.maximumf %parallel_loop3A_420, %parallel_loop3A_422 : vector<16xf32>
        %parallel_loop3A_424 = arith.constant 16 : i32
        %parallel_loop3A_425 = arith.addi %parallel_loop3A_411, %parallel_loop3A_424 : i32
        %parallel_loop3A_426 = arith.index_cast %parallel_loop3A_425 : i32 to index
        %parallel_loop3A_427 = tpu.vector_load %arg16[%parallel_loop3A_426] {strides = array<i32>} : memref<4096xf32, #tpu.memory_space<vmem>>, vector<16xf32>,
        tpu.vector_store %arg16[%parallel_loop3A_426], %parallel_loop3A_423 {strides = array<i32>} : memref<4096xf32, #tpu.memory_space<vmem>>, vector<16xf32>,
      } {sc.loop_unroll_factor = 4 : i64, sc.parallel_access}
      %dma_start3A_303 = arith.constant 16384 : i32
      %dma_start3A_304 = tpu.memref_slice %arg8[%add3A_233, %dma_start3A_303] : memref<1024x32768xf32, #tpu.memory_space<hbm>> -> memref<1x4096xf32, #tpu.memory_space<hbm>>
      %dma_start3A_305 = tpu.memref_squeeze %dma_start3A_304 : memref<1x4096xf32, #tpu.memory_space<hbm>> -> memref<4096xf32, #tpu.memory_space<hbm>>
      %dma_start3A_306 = arith.constant 16384 : i32
      %dma_start3A_307 = tpu.memref_slice %arg8[%add3A_233, %dma_start3A_306] : memref<1024x32768xf32, #tpu.memory_space<hbm>> -> memref<1x4096xf32, #tpu.memory_space<hbm>>
      %dma_start3A_308 = tpu.memref_squeeze %dma_start3A_307 : memref<1x4096xf32, #tpu.memory_space<hbm>> -> memref<4096xf32, #tpu.memory_space<hbm>>
      tpu.enqueue_dma source(%arg16 : memref<4096xf32, #tpu.memory_space<vmem>>) target(%dma_start3A_308 : memref<4096xf32, #tpu.memory_space<hbm>>) target_semaphore(%arg20 : memref<!tpu.dma_semaphore, #tpu.memory_space<semaphore_mem>>)
      %dma_wait3A_309 = arith.constant 12288 : i32
      %dma_wait3A_310 = tpu.memref_slice %arg8[%add3A_233, %dma_wait3A_309] : memref<1024x32768xf32, #tpu.memory_space<hbm>> -> memref<1x4096xf32, #tpu.memory_space<hbm>>
      %dma_wait3A_311 = tpu.memref_squeeze %dma_wait3A_310 : memref<1x4096xf32, #tpu.memory_space<hbm>> -> memref<4096xf32, #tpu.memory_space<hbm>>
      %dma_wait3A_312 = arith.constant 12288 : i32
      %dma_wait3A_313 = tpu.memref_slice %arg8[%add3A_233, %dma_wait3A_312] : memref<1024x32768xf32, #tpu.memory_space<hbm>> -> memref<1x4096xf32, #tpu.memory_space<hbm>>
      %dma_wait3A_314 = tpu.memref_squeeze %dma_wait3A_313 : memref<1x4096xf32, #tpu.memory_space<hbm>> -> memref<4096xf32, #tpu.memory_space<hbm>>
      tpu.wait_dma2 semaphore(%arg21 : memref<!tpu.dma_semaphore, #tpu.memory_space<semaphore_mem>>) src(%arg17 : memref<4096xf32, #tpu.memory_space<vmem>>) dst(%dma_wait3A_314 : memref<4096xf32, #tpu.memory_space<hbm>>)
      %parallel_loop3A_315 = arith.constant 0 : i32
      %parallel_loop3A_316 = arith.constant 128 : i32
      %parallel_loop3A_317 = arith.constant 1 : i32
      scf.for %parallel_loop3A_378 = %parallel_loop3A_315 to %parallel_loop3A_316 step %parallel_loop3A_317  : i32 {
        %parallel_loop3A_379 = arith.constant 16 : i32
        %parallel_loop3A_380 = arith.muli %parallel_loop3A_378, %parallel_loop3A_379 : i32
        %parallel_loop3A_381 = arith.constant 10240 : i32
        %parallel_loop3A_382 = arith.addi %parallel_loop3A_381, %parallel_loop3A_380 : i32
        %parallel_loop3A_383 = arith.index_cast %parallel_loop3A_382 : i32 to index
        %parallel_loop3A_384 = tpu.vector_load %arg9[%parallel_loop3A_383] {strides = array<i32>} : memref<16384xi32, #tpu.memory_space<vmem>>, vector<16xi32>,
        %parallel_loop3A_385 = arith.index_cast %parallel_loop3A_382 : i32 to index
        %parallel_loop3A_386 = tpu.vector_load %arg10[%parallel_loop3A_385] {strides = array<i32>} : memref<16384xi32, #tpu.memory_space<vmem>>, vector<16xi32>,
        %parallel_loop3A_387 = arith.index_cast %parallel_loop3A_382 : i32 to index
        %parallel_loop3A_388 = tpu.vector_load %arg11[%parallel_loop3A_387] {strides = array<i32>} : memref<16384xi32, #tpu.memory_space<vmem>>, vector<16xi32>,
        %parallel_loop3A_389 = vector.broadcast %scan3A_20 : i32 to vector<16xi32>
        %parallel_loop3A_390 = arith.andi %parallel_loop3A_384, %parallel_loop3A_389 : vector<16xi32>
        %parallel_loop3A_391 = tpu.vector_load_idx %arg13[%parallel_loop3A_390] : memref<16384xf32, #tpu.memory_space<vmem>>[vector<16xi32>], vector<16xf32>,
        %parallel_loop3A_392 = arith.constant 16 : i32
        %parallel_loop3A_393 = vector.broadcast %parallel_loop3A_392 : i32 to vector<16xi32>
        %parallel_loop3A_394 = arith.shrui %parallel_loop3A_384, %parallel_loop3A_393 : vector<16xi32>
        %parallel_loop3A_395 = tpu.vector_load_idx %arg13[%parallel_loop3A_394] : memref<16384xf32, #tpu.memory_space<vmem>>[vector<16xi32>], vector<16xf32>,
        %parallel_loop3A_396 = vector.broadcast %scan3A_20 : i32 to vector<16xi32>
        %parallel_loop3A_397 = arith.andi %parallel_loop3A_386, %parallel_loop3A_396 : vector<16xi32>
        %parallel_loop3A_398 = tpu.vector_load_idx %arg14[%parallel_loop3A_397] : memref<16384xf32, #tpu.memory_space<vmem>>[vector<16xi32>], vector<16xf32>,
        %parallel_loop3A_399 = arith.constant 16 : i32
        %parallel_loop3A_400 = vector.broadcast %parallel_loop3A_399 : i32 to vector<16xi32>
        %parallel_loop3A_401 = arith.shrui %parallel_loop3A_386, %parallel_loop3A_400 : vector<16xi32>
        %parallel_loop3A_402 = tpu.vector_load_idx %arg14[%parallel_loop3A_401] : memref<16384xf32, #tpu.memory_space<vmem>>[vector<16xi32>], vector<16xf32>,
        %parallel_loop3A_403 = vector.broadcast %scan3A_20 : i32 to vector<16xi32>
        %parallel_loop3A_404 = arith.andi %parallel_loop3A_388, %parallel_loop3A_403 : vector<16xi32>
        %parallel_loop3A_405 = tpu.vector_load_idx %arg15[%parallel_loop3A_404] : memref<16384xf32, #tpu.memory_space<vmem>>[vector<16xi32>], vector<16xf32>,
        %parallel_loop3A_406 = arith.constant 16 : i32
        %parallel_loop3A_407 = vector.broadcast %parallel_loop3A_406 : i32 to vector<16xi32>
        %parallel_loop3A_408 = arith.shrui %parallel_loop3A_388, %parallel_loop3A_407 : vector<16xi32>
        %parallel_loop3A_409 = tpu.vector_load_idx %arg15[%parallel_loop3A_408] : memref<16384xf32, #tpu.memory_space<vmem>>[vector<16xi32>], vector<16xf32>,
        %parallel_loop3A_410 = arith.constant 32 : i32
        %parallel_loop3A_411 = arith.muli %parallel_loop3A_378, %parallel_loop3A_410 : i32
        %parallel_loop3A_412 = arith.addf %parallel_loop3A_391, %parallel_loop3A_398 : vector<16xf32>
        %parallel_loop3A_413 = arith.subf %parallel_loop3A_412, %parallel_loop3A_405 : vector<16xf32>
        %parallel_loop3A_414 = arith.constant 0.000000e+00 : f32
        %parallel_loop3A_415 = vector.broadcast %parallel_loop3A_414 : f32 to vector<16xf32>
        %parallel_loop3A_416 = arith.maximumf %parallel_loop3A_413, %parallel_loop3A_415 : vector<16xf32>
        %parallel_loop3A_417 = arith.index_cast %parallel_loop3A_411 : i32 to index
        %parallel_loop3A_418 = tpu.vector_load %arg17[%parallel_loop3A_417] {strides = array<i32>} : memref<4096xf32, #tpu.memory_space<vmem>>, vector<16xf32>,
        tpu.vector_store %arg17[%parallel_loop3A_417], %parallel_loop3A_416 {strides = array<i32>} : memref<4096xf32, #tpu.memory_space<vmem>>, vector<16xf32>,
        %parallel_loop3A_419 = arith.addf %parallel_loop3A_395, %parallel_loop3A_402 : vector<16xf32>
        %parallel_loop3A_420 = arith.subf %parallel_loop3A_419, %parallel_loop3A_409 : vector<16xf32>
        %parallel_loop3A_421 = arith.constant 0.000000e+00 : f32
        %parallel_loop3A_422 = vector.broadcast %parallel_loop3A_421 : f32 to vector<16xf32>
        %parallel_loop3A_423 = arith.maximumf %parallel_loop3A_420, %parallel_loop3A_422 : vector<16xf32>
        %parallel_loop3A_424 = arith.constant 16 : i32
        %parallel_loop3A_425 = arith.addi %parallel_loop3A_411, %parallel_loop3A_424 : i32
        %parallel_loop3A_426 = arith.index_cast %parallel_loop3A_425 : i32 to index
        %parallel_loop3A_427 = tpu.vector_load %arg17[%parallel_loop3A_426] {strides = array<i32>} : memref<4096xf32, #tpu.memory_space<vmem>>, vector<16xf32>,
        tpu.vector_store %arg17[%parallel_loop3A_426], %parallel_loop3A_423 {strides = array<i32>} : memref<4096xf32, #tpu.memory_space<vmem>>, vector<16xf32>,
      } {sc.loop_unroll_factor = 4 : i64, sc.parallel_access}
      %dma_start3A_318 = arith.constant 20480 : i32
      %dma_start3A_319 = tpu.memref_slice %arg8[%add3A_233, %dma_start3A_318] : memref<1024x32768xf32, #tpu.memory_space<hbm>> -> memref<1x4096xf32, #tpu.memory_space<hbm>>
      %dma_start3A_320 = tpu.memref_squeeze %dma_start3A_319 : memref<1x4096xf32, #tpu.memory_space<hbm>> -> memref<4096xf32, #tpu.memory_space<hbm>>
      %dma_start3A_321 = arith.constant 20480 : i32
      %dma_start3A_322 = tpu.memref_slice %arg8[%add3A_233, %dma_start3A_321] : memref<1024x32768xf32, #tpu.memory_space<hbm>> -> memref<1x4096xf32, #tpu.memory_space<hbm>>
      %dma_start3A_323 = tpu.memref_squeeze %dma_start3A_322 : memref<1x4096xf32, #tpu.memory_space<hbm>> -> memref<4096xf32, #tpu.memory_space<hbm>>
      tpu.enqueue_dma source(%arg17 : memref<4096xf32, #tpu.memory_space<vmem>>) target(%dma_start3A_323 : memref<4096xf32, #tpu.memory_space<hbm>>) target_semaphore(%arg21 : memref<!tpu.dma_semaphore, #tpu.memory_space<semaphore_mem>>)
      %dma_wait3A_324 = arith.constant 16384 : i32
      %dma_wait3A_325 = tpu.memref_slice %arg8[%add3A_233, %dma_wait3A_324] : memref<1024x32768xf32, #tpu.memory_space<hbm>> -> memref<1x4096xf32, #tpu.memory_space<hbm>>
      %dma_wait3A_326 = tpu.memref_squeeze %dma_wait3A_325 : memref<1x4096xf32, #tpu.memory_space<hbm>> -> memref<4096xf32, #tpu.memory_space<hbm>>
      %dma_wait3A_327 = arith.constant 16384 : i32
      %dma_wait3A_328 = tpu.memref_slice %arg8[%add3A_233, %dma_wait3A_327] : memref<1024x32768xf32, #tpu.memory_space<hbm>> -> memref<1x4096xf32, #tpu.memory_space<hbm>>
      %dma_wait3A_329 = tpu.memref_squeeze %dma_wait3A_328 : memref<1x4096xf32, #tpu.memory_space<hbm>> -> memref<4096xf32, #tpu.memory_space<hbm>>
      tpu.wait_dma2 semaphore(%arg20 : memref<!tpu.dma_semaphore, #tpu.memory_space<semaphore_mem>>) src(%arg16 : memref<4096xf32, #tpu.memory_space<vmem>>) dst(%dma_wait3A_329 : memref<4096xf32, #tpu.memory_space<hbm>>)
      %parallel_loop3A_330 = arith.constant 0 : i32
      %parallel_loop3A_331 = arith.constant 128 : i32
      %parallel_loop3A_332 = arith.constant 1 : i32
      scf.for %parallel_loop3A_378 = %parallel_loop3A_330 to %parallel_loop3A_331 step %parallel_loop3A_332  : i32 {
        %parallel_loop3A_379 = arith.constant 16 : i32
        %parallel_loop3A_380 = arith.muli %parallel_loop3A_378, %parallel_loop3A_379 : i32
        %parallel_loop3A_381 = arith.constant 12288 : i32
        %parallel_loop3A_382 = arith.addi %parallel_loop3A_381, %parallel_loop3A_380 : i32
        %parallel_loop3A_383 = arith.index_cast %parallel_loop3A_382 : i32 to index
        %parallel_loop3A_384 = tpu.vector_load %arg9[%parallel_loop3A_383] {strides = array<i32>} : memref<16384xi32, #tpu.memory_space<vmem>>, vector<16xi32>,
        %parallel_loop3A_385 = arith.index_cast %parallel_loop3A_382 : i32 to index
        %parallel_loop3A_386 = tpu.vector_load %arg10[%parallel_loop3A_385] {strides = array<i32>} : memref<16384xi32, #tpu.memory_space<vmem>>, vector<16xi32>,
        %parallel_loop3A_387 = arith.index_cast %parallel_loop3A_382 : i32 to index
        %parallel_loop3A_388 = tpu.vector_load %arg11[%parallel_loop3A_387] {strides = array<i32>} : memref<16384xi32, #tpu.memory_space<vmem>>, vector<16xi32>,
        %parallel_loop3A_389 = vector.broadcast %scan3A_20 : i32 to vector<16xi32>
        %parallel_loop3A_390 = arith.andi %parallel_loop3A_384, %parallel_loop3A_389 : vector<16xi32>
        %parallel_loop3A_391 = tpu.vector_load_idx %arg13[%parallel_loop3A_390] : memref<16384xf32, #tpu.memory_space<vmem>>[vector<16xi32>], vector<16xf32>,
        %parallel_loop3A_392 = arith.constant 16 : i32
        %parallel_loop3A_393 = vector.broadcast %parallel_loop3A_392 : i32 to vector<16xi32>
        %parallel_loop3A_394 = arith.shrui %parallel_loop3A_384, %parallel_loop3A_393 : vector<16xi32>
        %parallel_loop3A_395 = tpu.vector_load_idx %arg13[%parallel_loop3A_394] : memref<16384xf32, #tpu.memory_space<vmem>>[vector<16xi32>], vector<16xf32>,
        %parallel_loop3A_396 = vector.broadcast %scan3A_20 : i32 to vector<16xi32>
        %parallel_loop3A_397 = arith.andi %parallel_loop3A_386, %parallel_loop3A_396 : vector<16xi32>
        %parallel_loop3A_398 = tpu.vector_load_idx %arg14[%parallel_loop3A_397] : memref<16384xf32, #tpu.memory_space<vmem>>[vector<16xi32>], vector<16xf32>,
        %parallel_loop3A_399 = arith.constant 16 : i32
        %parallel_loop3A_400 = vector.broadcast %parallel_loop3A_399 : i32 to vector<16xi32>
        %parallel_loop3A_401 = arith.shrui %parallel_loop3A_386, %parallel_loop3A_400 : vector<16xi32>
        %parallel_loop3A_402 = tpu.vector_load_idx %arg14[%parallel_loop3A_401] : memref<16384xf32, #tpu.memory_space<vmem>>[vector<16xi32>], vector<16xf32>,
        %parallel_loop3A_403 = vector.broadcast %scan3A_20 : i32 to vector<16xi32>
        %parallel_loop3A_404 = arith.andi %parallel_loop3A_388, %parallel_loop3A_403 : vector<16xi32>
        %parallel_loop3A_405 = tpu.vector_load_idx %arg15[%parallel_loop3A_404] : memref<16384xf32, #tpu.memory_space<vmem>>[vector<16xi32>], vector<16xf32>,
        %parallel_loop3A_406 = arith.constant 16 : i32
        %parallel_loop3A_407 = vector.broadcast %parallel_loop3A_406 : i32 to vector<16xi32>
        %parallel_loop3A_408 = arith.shrui %parallel_loop3A_388, %parallel_loop3A_407 : vector<16xi32>
        %parallel_loop3A_409 = tpu.vector_load_idx %arg15[%parallel_loop3A_408] : memref<16384xf32, #tpu.memory_space<vmem>>[vector<16xi32>], vector<16xf32>,
        %parallel_loop3A_410 = arith.constant 32 : i32
        %parallel_loop3A_411 = arith.muli %parallel_loop3A_378, %parallel_loop3A_410 : i32
        %parallel_loop3A_412 = arith.addf %parallel_loop3A_391, %parallel_loop3A_398 : vector<16xf32>
        %parallel_loop3A_413 = arith.subf %parallel_loop3A_412, %parallel_loop3A_405 : vector<16xf32>
        %parallel_loop3A_414 = arith.constant 0.000000e+00 : f32
        %parallel_loop3A_415 = vector.broadcast %parallel_loop3A_414 : f32 to vector<16xf32>
        %parallel_loop3A_416 = arith.maximumf %parallel_loop3A_413, %parallel_loop3A_415 : vector<16xf32>
        %parallel_loop3A_417 = arith.index_cast %parallel_loop3A_411 : i32 to index
        %parallel_loop3A_418 = tpu.vector_load %arg16[%parallel_loop3A_417] {strides = array<i32>} : memref<4096xf32, #tpu.memory_space<vmem>>, vector<16xf32>,
        tpu.vector_store %arg16[%parallel_loop3A_417], %parallel_loop3A_416 {strides = array<i32>} : memref<4096xf32, #tpu.memory_space<vmem>>, vector<16xf32>,
        %parallel_loop3A_419 = arith.addf %parallel_loop3A_395, %parallel_loop3A_402 : vector<16xf32>
        %parallel_loop3A_420 = arith.subf %parallel_loop3A_419, %parallel_loop3A_409 : vector<16xf32>
        %parallel_loop3A_421 = arith.constant 0.000000e+00 : f32
        %parallel_loop3A_422 = vector.broadcast %parallel_loop3A_421 : f32 to vector<16xf32>
        %parallel_loop3A_423 = arith.maximumf %parallel_loop3A_420, %parallel_loop3A_422 : vector<16xf32>
        %parallel_loop3A_424 = arith.constant 16 : i32
        %parallel_loop3A_425 = arith.addi %parallel_loop3A_411, %parallel_loop3A_424 : i32
        %parallel_loop3A_426 = arith.index_cast %parallel_loop3A_425 : i32 to index
        %parallel_loop3A_427 = tpu.vector_load %arg16[%parallel_loop3A_426] {strides = array<i32>} : memref<4096xf32, #tpu.memory_space<vmem>>, vector<16xf32>,
        tpu.vector_store %arg16[%parallel_loop3A_426], %parallel_loop3A_423 {strides = array<i32>} : memref<4096xf32, #tpu.memory_space<vmem>>, vector<16xf32>,
      } {sc.loop_unroll_factor = 4 : i64, sc.parallel_access}
      %dma_start3A_333 = arith.constant 24576 : i32
      %dma_start3A_334 = tpu.memref_slice %arg8[%add3A_233, %dma_start3A_333] : memref<1024x32768xf32, #tpu.memory_space<hbm>> -> memref<1x4096xf32, #tpu.memory_space<hbm>>
      %dma_start3A_335 = tpu.memref_squeeze %dma_start3A_334 : memref<1x4096xf32, #tpu.memory_space<hbm>> -> memref<4096xf32, #tpu.memory_space<hbm>>
      %dma_start3A_336 = arith.constant 24576 : i32
      %dma_start3A_337 = tpu.memref_slice %arg8[%add3A_233, %dma_start3A_336] : memref<1024x32768xf32, #tpu.memory_space<hbm>> -> memref<1x4096xf32, #tpu.memory_space<hbm>>
      %dma_start3A_338 = tpu.memref_squeeze %dma_start3A_337 : memref<1x4096xf32, #tpu.memory_space<hbm>> -> memref<4096xf32, #tpu.memory_space<hbm>>
      tpu.enqueue_dma source(%arg16 : memref<4096xf32, #tpu.memory_space<vmem>>) target(%dma_start3A_338 : memref<4096xf32, #tpu.memory_space<hbm>>) target_semaphore(%arg20 : memref<!tpu.dma_semaphore, #tpu.memory_space<semaphore_mem>>)
      %dma_wait3A_339 = arith.constant 20480 : i32
      %dma_wait3A_340 = tpu.memref_slice %arg8[%add3A_233, %dma_wait3A_339] : memref<1024x32768xf32, #tpu.memory_space<hbm>> -> memref<1x4096xf32, #tpu.memory_space<hbm>>
      %dma_wait3A_341 = tpu.memref_squeeze %dma_wait3A_340 : memref<1x4096xf32, #tpu.memory_space<hbm>> -> memref<4096xf32, #tpu.memory_space<hbm>>
      %dma_wait3A_342 = arith.constant 20480 : i32
      %dma_wait3A_343 = tpu.memref_slice %arg8[%add3A_233, %dma_wait3A_342] : memref<1024x32768xf32, #tpu.memory_space<hbm>> -> memref<1x4096xf32, #tpu.memory_space<hbm>>
      %dma_wait3A_344 = tpu.memref_squeeze %dma_wait3A_343 : memref<1x4096xf32, #tpu.memory_space<hbm>> -> memref<4096xf32, #tpu.memory_space<hbm>>
      tpu.wait_dma2 semaphore(%arg21 : memref<!tpu.dma_semaphore, #tpu.memory_space<semaphore_mem>>) src(%arg17 : memref<4096xf32, #tpu.memory_space<vmem>>) dst(%dma_wait3A_344 : memref<4096xf32, #tpu.memory_space<hbm>>)
      %parallel_loop3A_345 = arith.constant 0 : i32
      %parallel_loop3A_346 = arith.constant 128 : i32
      %parallel_loop3A_347 = arith.constant 1 : i32
      scf.for %parallel_loop3A_378 = %parallel_loop3A_345 to %parallel_loop3A_346 step %parallel_loop3A_347  : i32 {
        %parallel_loop3A_379 = arith.constant 16 : i32
        %parallel_loop3A_380 = arith.muli %parallel_loop3A_378, %parallel_loop3A_379 : i32
        %parallel_loop3A_381 = arith.constant 14336 : i32
        %parallel_loop3A_382 = arith.addi %parallel_loop3A_381, %parallel_loop3A_380 : i32
        %parallel_loop3A_383 = arith.index_cast %parallel_loop3A_382 : i32 to index
        %parallel_loop3A_384 = tpu.vector_load %arg9[%parallel_loop3A_383] {strides = array<i32>} : memref<16384xi32, #tpu.memory_space<vmem>>, vector<16xi32>,
        %parallel_loop3A_385 = arith.index_cast %parallel_loop3A_382 : i32 to index
        %parallel_loop3A_386 = tpu.vector_load %arg10[%parallel_loop3A_385] {strides = array<i32>} : memref<16384xi32, #tpu.memory_space<vmem>>, vector<16xi32>,
        %parallel_loop3A_387 = arith.index_cast %parallel_loop3A_382 : i32 to index
        %parallel_loop3A_388 = tpu.vector_load %arg11[%parallel_loop3A_387] {strides = array<i32>} : memref<16384xi32, #tpu.memory_space<vmem>>, vector<16xi32>,
        %parallel_loop3A_389 = vector.broadcast %scan3A_20 : i32 to vector<16xi32>
        %parallel_loop3A_390 = arith.andi %parallel_loop3A_384, %parallel_loop3A_389 : vector<16xi32>
        %parallel_loop3A_391 = tpu.vector_load_idx %arg13[%parallel_loop3A_390] : memref<16384xf32, #tpu.memory_space<vmem>>[vector<16xi32>], vector<16xf32>,
        %parallel_loop3A_392 = arith.constant 16 : i32
        %parallel_loop3A_393 = vector.broadcast %parallel_loop3A_392 : i32 to vector<16xi32>
        %parallel_loop3A_394 = arith.shrui %parallel_loop3A_384, %parallel_loop3A_393 : vector<16xi32>
        %parallel_loop3A_395 = tpu.vector_load_idx %arg13[%parallel_loop3A_394] : memref<16384xf32, #tpu.memory_space<vmem>>[vector<16xi32>], vector<16xf32>,
        %parallel_loop3A_396 = vector.broadcast %scan3A_20 : i32 to vector<16xi32>
        %parallel_loop3A_397 = arith.andi %parallel_loop3A_386, %parallel_loop3A_396 : vector<16xi32>
        %parallel_loop3A_398 = tpu.vector_load_idx %arg14[%parallel_loop3A_397] : memref<16384xf32, #tpu.memory_space<vmem>>[vector<16xi32>], vector<16xf32>,
        %parallel_loop3A_399 = arith.constant 16 : i32
        %parallel_loop3A_400 = vector.broadcast %parallel_loop3A_399 : i32 to vector<16xi32>
        %parallel_loop3A_401 = arith.shrui %parallel_loop3A_386, %parallel_loop3A_400 : vector<16xi32>
        %parallel_loop3A_402 = tpu.vector_load_idx %arg14[%parallel_loop3A_401] : memref<16384xf32, #tpu.memory_space<vmem>>[vector<16xi32>], vector<16xf32>,
        %parallel_loop3A_403 = vector.broadcast %scan3A_20 : i32 to vector<16xi32>
        %parallel_loop3A_404 = arith.andi %parallel_loop3A_388, %parallel_loop3A_403 : vector<16xi32>
        %parallel_loop3A_405 = tpu.vector_load_idx %arg15[%parallel_loop3A_404] : memref<16384xf32, #tpu.memory_space<vmem>>[vector<16xi32>], vector<16xf32>,
        %parallel_loop3A_406 = arith.constant 16 : i32
        %parallel_loop3A_407 = vector.broadcast %parallel_loop3A_406 : i32 to vector<16xi32>
        %parallel_loop3A_408 = arith.shrui %parallel_loop3A_388, %parallel_loop3A_407 : vector<16xi32>
        %parallel_loop3A_409 = tpu.vector_load_idx %arg15[%parallel_loop3A_408] : memref<16384xf32, #tpu.memory_space<vmem>>[vector<16xi32>], vector<16xf32>,
        %parallel_loop3A_410 = arith.constant 32 : i32
        %parallel_loop3A_411 = arith.muli %parallel_loop3A_378, %parallel_loop3A_410 : i32
        %parallel_loop3A_412 = arith.addf %parallel_loop3A_391, %parallel_loop3A_398 : vector<16xf32>
        %parallel_loop3A_413 = arith.subf %parallel_loop3A_412, %parallel_loop3A_405 : vector<16xf32>
        %parallel_loop3A_414 = arith.constant 0.000000e+00 : f32
        %parallel_loop3A_415 = vector.broadcast %parallel_loop3A_414 : f32 to vector<16xf32>
        %parallel_loop3A_416 = arith.maximumf %parallel_loop3A_413, %parallel_loop3A_415 : vector<16xf32>
        %parallel_loop3A_417 = arith.index_cast %parallel_loop3A_411 : i32 to index
        %parallel_loop3A_418 = tpu.vector_load %arg17[%parallel_loop3A_417] {strides = array<i32>} : memref<4096xf32, #tpu.memory_space<vmem>>, vector<16xf32>,
        tpu.vector_store %arg17[%parallel_loop3A_417], %parallel_loop3A_416 {strides = array<i32>} : memref<4096xf32, #tpu.memory_space<vmem>>, vector<16xf32>,
        %parallel_loop3A_419 = arith.addf %parallel_loop3A_395, %parallel_loop3A_402 : vector<16xf32>
        %parallel_loop3A_420 = arith.subf %parallel_loop3A_419, %parallel_loop3A_409 : vector<16xf32>
        %parallel_loop3A_421 = arith.constant 0.000000e+00 : f32
        %parallel_loop3A_422 = vector.broadcast %parallel_loop3A_421 : f32 to vector<16xf32>
        %parallel_loop3A_423 = arith.maximumf %parallel_loop3A_420, %parallel_loop3A_422 : vector<16xf32>
        %parallel_loop3A_424 = arith.constant 16 : i32
        %parallel_loop3A_425 = arith.addi %parallel_loop3A_411, %parallel_loop3A_424 : i32
        %parallel_loop3A_426 = arith.index_cast %parallel_loop3A_425 : i32 to index
        %parallel_loop3A_427 = tpu.vector_load %arg17[%parallel_loop3A_426] {strides = array<i32>} : memref<4096xf32, #tpu.memory_space<vmem>>, vector<16xf32>,
        tpu.vector_store %arg17[%parallel_loop3A_426], %parallel_loop3A_423 {strides = array<i32>} : memref<4096xf32, #tpu.memory_space<vmem>>, vector<16xf32>,
      } {sc.loop_unroll_factor = 4 : i64, sc.parallel_access}
      %dma_start3A_348 = arith.constant 28672 : i32
      %dma_start3A_349 = tpu.memref_slice %arg8[%add3A_233, %dma_start3A_348] : memref<1024x32768xf32, #tpu.memory_space<hbm>> -> memref<1x4096xf32, #tpu.memory_space<hbm>>
      %dma_start3A_350 = tpu.memref_squeeze %dma_start3A_349 : memref<1x4096xf32, #tpu.memory_space<hbm>> -> memref<4096xf32, #tpu.memory_space<hbm>>
      %dma_start3A_351 = arith.constant 28672 : i32
      %dma_start3A_352 = tpu.memref_slice %arg8[%add3A_233, %dma_start3A_351] : memref<1024x32768xf32, #tpu.memory_space<hbm>> -> memref<1x4096xf32, #tpu.memory_space<hbm>>
      %dma_start3A_353 = tpu.memref_squeeze %dma_start3A_352 : memref<1x4096xf32, #tpu.memory_space<hbm>> -> memref<4096xf32, #tpu.memory_space<hbm>>
      tpu.enqueue_dma source(%arg17 : memref<4096xf32, #tpu.memory_space<vmem>>) target(%dma_start3A_353 : memref<4096xf32, #tpu.memory_space<hbm>>) target_semaphore(%arg21 : memref<!tpu.dma_semaphore, #tpu.memory_space<semaphore_mem>>)
      %dma_start3A_354 = arith.constant 0 : i32
      %dma_start3A_355 = tpu.memref_slice %arg3[%min3A, %dma_start3A_354] : memref<1024x16384xf32, #tpu.memory_space<hbm>> -> memref<1x16384xf32, #tpu.memory_space<hbm>>
      %dma_start3A_356 = tpu.memref_squeeze %dma_start3A_355 : memref<1x16384xf32, #tpu.memory_space<hbm>> -> memref<16384xf32, #tpu.memory_space<hbm>>
      %dma_start3A_357 = arith.constant 0 : i32
      %dma_start3A_358 = tpu.memref_slice %arg3[%min3A, %dma_start3A_357] : memref<1024x16384xf32, #tpu.memory_space<hbm>> -> memref<1x16384xf32, #tpu.memory_space<hbm>>
      %dma_start3A_359 = tpu.memref_squeeze %dma_start3A_358 : memref<1x16384xf32, #tpu.memory_space<hbm>> -> memref<16384xf32, #tpu.memory_space<hbm>>
      tpu.enqueue_dma source(%dma_start3A_359 : memref<16384xf32, #tpu.memory_space<hbm>>) target(%arg14 : memref<16384xf32, #tpu.memory_space<vmem>>) target_semaphore(%arg18 : memref<!tpu.dma_semaphore, #tpu.memory_space<semaphore_mem>>)
      %dma_start3A_360 = arith.constant 0 : i32
      %dma_start3A_361 = tpu.memref_slice %arg4[%min3A, %dma_start3A_360] : memref<1024x16384xf32, #tpu.memory_space<hbm>> -> memref<1x16384xf32, #tpu.memory_space<hbm>>
      %dma_start3A_362 = tpu.memref_squeeze %dma_start3A_361 : memref<1x16384xf32, #tpu.memory_space<hbm>> -> memref<16384xf32, #tpu.memory_space<hbm>>
      %dma_start3A_363 = arith.constant 0 : i32
      %dma_start3A_364 = tpu.memref_slice %arg4[%min3A, %dma_start3A_363] : memref<1024x16384xf32, #tpu.memory_space<hbm>> -> memref<1x16384xf32, #tpu.memory_space<hbm>>
      %dma_start3A_365 = tpu.memref_squeeze %dma_start3A_364 : memref<1x16384xf32, #tpu.memory_space<hbm>> -> memref<16384xf32, #tpu.memory_space<hbm>>
      tpu.enqueue_dma source(%dma_start3A_365 : memref<16384xf32, #tpu.memory_space<hbm>>) target(%arg15 : memref<16384xf32, #tpu.memory_space<vmem>>) target_semaphore(%arg18 : memref<!tpu.dma_semaphore, #tpu.memory_space<semaphore_mem>>)
      %dma_wait3A_366 = arith.constant 24576 : i32
      %dma_wait3A_367 = tpu.memref_slice %arg8[%add3A_233, %dma_wait3A_366] : memref<1024x32768xf32, #tpu.memory_space<hbm>> -> memref<1x4096xf32, #tpu.memory_space<hbm>>
      %dma_wait3A_368 = tpu.memref_squeeze %dma_wait3A_367 : memref<1x4096xf32, #tpu.memory_space<hbm>> -> memref<4096xf32, #tpu.memory_space<hbm>>
      %dma_wait3A_369 = arith.constant 24576 : i32
      %dma_wait3A_370 = tpu.memref_slice %arg8[%add3A_233, %dma_wait3A_369] : memref<1024x32768xf32, #tpu.memory_space<hbm>> -> memref<1x4096xf32, #tpu.memory_space<hbm>>
      %dma_wait3A_371 = tpu.memref_squeeze %dma_wait3A_370 : memref<1x4096xf32, #tpu.memory_space<hbm>> -> memref<4096xf32, #tpu.memory_space<hbm>>
      tpu.wait_dma2 semaphore(%arg20 : memref<!tpu.dma_semaphore, #tpu.memory_space<semaphore_mem>>) src(%arg16 : memref<4096xf32, #tpu.memory_space<vmem>>) dst(%dma_wait3A_371 : memref<4096xf32, #tpu.memory_space<hbm>>)
      %dma_wait3A_372 = arith.constant 28672 : i32
      %dma_wait3A_373 = tpu.memref_slice %arg8[%add3A_233, %dma_wait3A_372] : memref<1024x32768xf32, #tpu.memory_space<hbm>> -> memref<1x4096xf32, #tpu.memory_space<hbm>>
      %dma_wait3A_374 = tpu.memref_squeeze %dma_wait3A_373 : memref<1x4096xf32, #tpu.memory_space<hbm>> -> memref<4096xf32, #tpu.memory_space<hbm>>
      %dma_wait3A_375 = arith.constant 28672 : i32
      %dma_wait3A_376 = tpu.memref_slice %arg8[%add3A_233, %dma_wait3A_375] : memref<1024x32768xf32, #tpu.memory_space<hbm>> -> memref<1x4096xf32, #tpu.memory_space<hbm>>
      %dma_wait3A_377 = tpu.memref_squeeze %dma_wait3A_376 : memref<1x4096xf32, #tpu.memory_space<hbm>> -> memref<4096xf32, #tpu.memory_space<hbm>>
      tpu.wait_dma2 semaphore(%arg21 : memref<!tpu.dma_semaphore, #tpu.memory_space<semaphore_mem>>) src(%arg17 : memref<4096xf32, #tpu.memory_space<vmem>>) dst(%dma_wait3A_377 : memref<4096xf32, #tpu.memory_space<hbm>>)
    }
    %scan3A_25 = arith.constant 16 : i32
    %dma_wait3A = arith.constant 0 : i32
    %dma_wait3A_26 = arith.constant 0 : i32
    %dma_wait3A_27 = tpu.memref_slice %arg2[%dma_wait3A, %dma_wait3A_26] : memref<1024x16384xf32, #tpu.memory_space<hbm>> -> memref<1x16384xf32, #tpu.memory_space<hbm>>
    %dma_wait3A_28 = tpu.memref_squeeze %dma_wait3A_27 : memref<1x16384xf32, #tpu.memory_space<hbm>> -> memref<16384xf32, #tpu.memory_space<hbm>>
    %dma_wait3A_29 = arith.constant 0 : i32
    %dma_wait3A_30 = tpu.memref_slice %arg2[%dma_wait3A, %dma_wait3A_29] : memref<1024x16384xf32, #tpu.memory_space<hbm>> -> memref<1x16384xf32, #tpu.memory_space<hbm>>
    %dma_wait3A_31 = tpu.memref_squeeze %dma_wait3A_30 : memref<1x16384xf32, #tpu.memory_space<hbm>> -> memref<16384xf32, #tpu.memory_space<hbm>>
    tpu.wait_dma2 semaphore(%arg19 : memref<!tpu.dma_semaphore, #tpu.memory_space<semaphore_mem>>) src(%dma_wait3A_31 : memref<16384xf32, #tpu.memory_space<hbm>>) dst(%arg12 : memref<16384xf32, #tpu.memory_space<vmem>>)
    %dma_wait3A_32 = arith.constant 0 : i32
    %dma_wait3A_33 = arith.constant 0 : i32
    %dma_wait3A_34 = tpu.memref_slice %arg3[%dma_wait3A_32, %dma_wait3A_33] : memref<1024x16384xf32, #tpu.memory_space<hbm>> -> memref<1x16384xf32, #tpu.memory_space<hbm>>
    %dma_wait3A_35 = tpu.memref_squeeze %dma_wait3A_34 : memref<1x16384xf32, #tpu.memory_space<hbm>> -> memref<16384xf32, #tpu.memory_space<hbm>>
    %dma_wait3A_36 = arith.constant 0 : i32
    %dma_wait3A_37 = tpu.memref_slice %arg3[%dma_wait3A_32, %dma_wait3A_36] : memref<1024x16384xf32, #tpu.memory_space<hbm>> -> memref<1x16384xf32, #tpu.memory_space<hbm>>
    %dma_wait3A_38 = tpu.memref_squeeze %dma_wait3A_37 : memref<1x16384xf32, #tpu.memory_space<hbm>> -> memref<16384xf32, #tpu.memory_space<hbm>>
    tpu.wait_dma2 semaphore(%arg18 : memref<!tpu.dma_semaphore, #tpu.memory_space<semaphore_mem>>) src(%dma_wait3A_38 : memref<16384xf32, #tpu.memory_space<hbm>>) dst(%arg14 : memref<16384xf32, #tpu.memory_space<vmem>>)
    %dma_wait3A_39 = arith.constant 0 : i32
    %dma_wait3A_40 = arith.constant 0 : i32
    %dma_wait3A_41 = tpu.memref_slice %arg4[%dma_wait3A_39, %dma_wait3A_40] : memref<1024x16384xf32, #tpu.memory_space<hbm>> -> memref<1x16384xf32, #tpu.memory_space<hbm>>
    %dma_wait3A_42 = tpu.memref_squeeze %dma_wait3A_41 : memref<1x16384xf32, #tpu.memory_space<hbm>> -> memref<16384xf32, #tpu.memory_space<hbm>>
    %dma_wait3A_43 = arith.constant 0 : i32
    %dma_wait3A_44 = tpu.memref_slice %arg4[%dma_wait3A_39, %dma_wait3A_43] : memref<1024x16384xf32, #tpu.memory_space<hbm>> -> memref<1x16384xf32, #tpu.memory_space<hbm>>
    %dma_wait3A_45 = tpu.memref_squeeze %dma_wait3A_44 : memref<1x16384xf32, #tpu.memory_space<hbm>> -> memref<16384xf32, #tpu.memory_space<hbm>>
    tpu.wait_dma2 semaphore(%arg18 : memref<!tpu.dma_semaphore, #tpu.memory_space<semaphore_mem>>) src(%dma_wait3A_45 : memref<16384xf32, #tpu.memory_space<hbm>>) dst(%arg15 : memref<16384xf32, #tpu.memory_space<vmem>>)
    return
  }
}

module attributes {stable_mosaic.version = 14 : i64} {
  func.func @body(%arg0: i32, %arg1: memref<64x16384xf32, #tpu.memory_space<vmem>>, %arg2: memref<64x16384xf32, #tpu.memory_space<vmem>>) attributes {dimension_semantics = [#tpu.dimension_semantics<arbitrary>], iteration_bounds = array<i64: 16>, scalar_prefetch = 0 : i64, scratch_operands = 0 : i64, tpu.core_type = #tpu.core_type<tc>, window_params = [{transform_indices = @transform_0, window_bounds = array<i64: 64, 16384>}, {transform_indices = @transform_1, window_bounds = array<i64: 64, 16384>}]} {
    %get3A = arith.constant 0 : index
    %get3A_0 = arith.constant 0 : index
    %get3A_1 = vector.load %arg1[%get3A, %get3A_0] : memref<64x16384xf32, #tpu.memory_space<vmem>>, vector<64x16384xf32>
    %exp3A = math.exp %get3A_1 : vector<64x16384xf32>
    %sub3A = arith.constant 1.000000e+00 : f32
    %sub3A_2 = vector.broadcast %sub3A : f32 to vector<64x16384xf32>
    %sub3A_3 = arith.subf %sub3A_2, %exp3A : vector<64x16384xf32>
    %max3A = arith.constant 9.99999993E-9 : f32
    %max3A_4 = vector.broadcast %max3A : f32 to vector<64x16384xf32>
    %max3A_5 = arith.maximumf %sub3A_3, %max3A_4 : vector<64x16384xf32>
    %log3A = math.log %max3A_5 : vector<64x16384xf32>
    %swap3A = arith.constant 0 : index
    %swap3A_6 = arith.constant 0 : index
    %swap3A_7 = vector.load %arg2[%swap3A, %swap3A_6] : memref<64x16384xf32, #tpu.memory_space<vmem>>, vector<64x16384xf32>
    tpu.vector_store %arg2[%swap3A, %swap3A_6], %log3A {strides = array<i32>} : memref<64x16384xf32, #tpu.memory_space<vmem>>, vector<64x16384xf32>,
    return
  }
  func.func @transform_0(%arg0: i32) -> (i32, i32) {
    %c0_i32 = arith.constant 0 : i32
    %c0_i32_0 = arith.constant 0 : i32
    return %arg0, %c0_i32 : i32, i32
  }
  func.func @transform_1(%arg0: i32) -> (i32, i32) {
    %c0_i32 = arith.constant 0 : i32
    %c0_i32_0 = arith.constant 0 : i32
    return %arg0, %c0_i32 : i32, i32
  }
}

</mosaic_0001>

<sc_bundles>
// kernel: kernel.4.cloned.1.call-start
scs
__scs_entry_jumppad:
0x0: {  	(pc) =	sbr.rel $0x88, $3  }
0x1: {  	(tag) =	ssettag $0x0;
	lr =	simm.s32 $0x1  }
0x2: {  	[smem:$0x3F9B] =	sst lr;
	_ =	strace $0xD0000000  }
0x3: {  	_ = 	snop  }
0x4: {  	_ = 	snop  }
0x5: {  	_ = 	snop  }
0x6: {  	_ = 	snop  }
0x7: {  	_ = 	snop  }
__scs_overlays_trampoline_lowered:
0x8: {  	[smem:$0x3FAA] =	sst s0  }
0x9: {  	[smem:$0x3FAB] =	sst s1  }
0xa: {  	[smem:$0x3FAC] =	sst s2  }
0xb: {  	[smem:$0x3FAD] =	sst s3  }
0xc: {  	[smem:$0x3FAE] =	sst s4  }
0xd: {  	[smem:$0x3FAF] =	sst s5  }
0xe: {  	[smem:$0x3FB0] =	sst s6  }
0xf: {  	[smem:$0x3FB1] =	sst s7  }
0x10: {  	[smem:$0x3FB2] =	sst s8  }
0x11: {  	[smem:$0x3FB3] =	sst s9;
	s0 =	simm.s32 @!p0 $0x0  }
0x12: {  	s1 =	sld [smem:$0x3F99];
	s0 =	simm.s32 @p0 $0x1  }
0x13: {  	[smem:$0x3FB4] =	sst s0;
	s0 =	simm.s32 @!p1 $0x0  }
0x14: {  	s2 =	sld [smem:$0x3F98];
	s0 =	simm.s32 @p1 $0x1  }
0x15: {  	[smem:$0x3FB5] =	sst s0;
	s0 =	simm.s32 @!p2 $0x0  }
0x16: {  	s3 =	sld [smem:$0x3FDB];
	s0 =	simm.s32 @p2 $0x1  }
0x17: {  	s4 =	simm.s32 $0x1BF5;
	[smem:$0x3FB7] =	sst s0  }
0x18: {  	s0 =	sld [smem:$0x3F9A];
	_ =	swait.ge [sflag:s4], $0x0  }
0x19: {  	s7 =	sld [smem:$0x3F9B]  }
0x1a: {  	s8 =	sadd.s32 $0xFFFFE003, lr  }
0x1b: {  	s9 =	sadd.s32 $0xFFFFFEF7, lr;
	s5 =	simm.s32 $0xFFFFFFFF;
	p2 =	slt.u32 s8, $0xFFFFF086  }
0x1c: {  	p1 =	slt.u32 s9, $0xF7A;
	s5 =	simm.s32 @!p2 $0x0  }
0x1d: {  	s5 =	simm.s32 @p1 $0x1;
	p0 =	seq.s32 s7, s2  }
0x1e: {  	s7 =	smul.u32 @!p0 $0xF7A, s2;
	p2 =	seq.s32 @!p0 s5, $0x0  }
0x1f: {  	s9 =	smul.u32 $0xF7A, s1;
	s8 =	simm.s32 @!p0 $0x1BF5;
	p2 =	por !p2, p0  }
0x20: {  	[sflag:s8] =	ssyncset.s32 @!p0 $0xFFFFF086;
	s6 =	sadd.s32 @!p0 s3, s7;
	s7 =	simm.s32 @!p0 $0x108  }
0x21: {  	s3 =	sadd.s32 s3, s9;
	s6 =	sadd.s32 @!p0 $0x88, s6;
	s7 =	simm.s32 @p2 $0x1082  }
0x22: {  	[simem:s7], [sflag:s8] =	dma.local @!p0 [hbm:s6], $0xF7A  }
0x23: {  	s9 =	sor.u32 $0xD0000000, s2;
	s6 =	simm.s32 $0x108;
	_ =	swait.ge @!p0 [sflag:s8], $0x0  }
0x24: {  	s3 =	sadd.s32 $0x88, s3;
	s6 =	simm.s32 @!p1 $0x1082;
	[sflag:s4] =	ssyncset.s32 $0xFFFFF086  }
0x25: {  	[simem:s6], [sflag:s4] =	dma.local [hbm:s3], $0xF7A  }
0x26: {  	[smem:$0x3F9B] =	sst s1;
	(tag) =	ssettag s2;
	_ =	strace s9  }
0x27: {  	s1 =	sld [smem:$0x3FAB]  }
0x28: {  	s2 =	sld [smem:$0x3FAC]  }
0x29: {  	s4 =	sld [smem:$0x3FAE]  }
0x2a: {  	p0 =	seq.s32 s5, $0x0;
	s5 =	sld [smem:$0x3FAF]  }
0x2b: {  	s6 =	sld [smem:$0x3FB0]  }
0x2c: {  	s7 =	sld [smem:$0x3FB1]  }
0x2d: {  	s3 =	simm.s32 $0x108;
	s8 =	sld [smem:$0x3FB2]  }
0x2e: {  	s3 =	simm.s32 @!p0 $0x1082;
	s9 =	sld [smem:$0x3FB3]  }
0x2f: {  	lr =	sadd.s32 s0, s3;
	s0 =	sld [smem:$0x3FAA]  }
0x30: {  	s3 =	sld [smem:$0x3FAD]  }
0x31: {  	[smem:$0x3FB6] =	sst s10  }
0x32: {  	s10 =	sld [smem:$0x3FB4];
	_ =	sdelay $0x3  }
0x33: {  	p0 =	seq.s32 s10, $0x1;
	s10 =	sld [smem:$0x3FB6];
	_ =	sdelay $0x3  }
0x34: {  	[smem:$0x3FB6] =	sst s10  }
0x35: {  	s10 =	sld [smem:$0x3FB5];
	_ =	sdelay $0x3  }
0x36: {  	p1 =	seq.s32 s10, $0x1;
	s10 =	sld [smem:$0x3FB6];
	_ =	sdelay $0x3  }
0x37: {  	[smem:$0x3FB6] =	sst s10  }
0x38: {  	s10 =	sld [smem:$0x3FB7]  }
0x39: {  	_ = 	snop;
	(pc) =	sbr.ind lr, $3  }
0x3a: {  	_ = 	snop  }
0x3b: {  	_ = 	snop  }
0x3c: {  	p2 =	seq.s32 s10, $0x1;
	s10 =	sld [smem:$0x3FB6]  }
0x3d: {  	_ =	shalt  }
0x3e: {  	_ =	shalt  }
0x3f: {  	_ =	shalt  }
0x40: {  	_ =	shalt  }
0x41: {  	_ =	shalt  }
0x42: {  	_ =	shalt  }
0x43: {  	_ =	shalt  }
0x44: {  	_ =	shalt  }
0x45: {  	_ =	shalt  }
0x46: {  	_ =	shalt  }
0x47: {  	_ =	shalt  }
0x48: {  	_ =	shalt  }
0x49: {  	_ =	shalt  }
0x4a: {  	_ =	shalt  }
0x4b: {  	_ =	shalt  }
0x4c: {  	_ =	shalt  }
0x4d: {  	_ =	shalt  }
0x4e: {  	_ =	shalt  }
0x4f: {  	_ =	shalt  }
0x50: {  	_ =	shalt  }
0x51: {  	_ =	shalt  }
0x52: {  	_ =	shalt  }
0x53: {  	_ =	shalt  }
0x54: {  	_ =	shalt  }
0x55: {  	_ =	shalt  }
0x56: {  	_ =	shalt  }
0x57: {  	_ =	shalt  }
0x58: {  	_ =	shalt  }
0x59: {  	_ =	shalt  }
0x5a: {  	_ =	shalt  }
0x5b: {  	_ =	shalt  }
0x5c: {  	_ =	shalt  }
0x5d: {  	_ =	shalt  }
0x5e: {  	_ =	shalt  }
0x5f: {  	_ =	shalt  }
0x60: {  	_ =	shalt  }
0x61: {  	_ =	shalt  }
0x62: {  	_ =	shalt  }
0x63: {  	_ =	shalt  }
0x64: {  	_ =	shalt  }
0x65: {  	_ =	shalt  }
0x66: {  	_ =	shalt  }
0x67: {  	_ =	shalt  }
0x68: {  	_ =	shalt  }
0x69: {  	_ =	shalt  }
0x6a: {  	_ =	shalt  }
0x6b: {  	_ =	shalt  }
0x6c: {  	_ =	shalt  }
0x6d: {  	_ =	shalt  }
0x6e: {  	_ =	shalt  }
0x6f: {  	_ =	shalt  }
0x70: {  	_ =	shalt  }
0x71: {  	_ =	shalt  }
0x72: {  	_ =	shalt  }
0x73: {  	_ =	shalt  }
0x74: {  	_ =	shalt  }
0x75: {  	_ =	shalt  }
0x76: {  	_ =	shalt  }
0x77: {  	_ =	shalt  }
0x78: {  	_ =	shalt  }
0x79: {  	_ =	shalt  }
0x7a: {  	_ =	shalt  }
0x7b: {  	_ =	shalt  }
0x7c: {  	_ =	shalt  }
0x7d: {  	_ =	shalt  }
0x7e: {  	_ =	shalt  }
0x7f: {  	_ =	shalt  }
0x80: {  	_ =	shalt  }
0x81: {  	_ =	shalt  }
0x82: {  	_ =	shalt  }
0x83: {  	_ =	shalt  }
0x84: {  	_ =	shalt  }
0x85: {  	_ =	shalt  }
0x86: {  	_ =	shalt  }
0x87: {  	_ =	shalt  }
.Lfunc_end0:
.L_simem_size_0:
called_computation_lowered:
.L_overlay_start_0:
0x88: {  	s2 =	sld [smem:$0x3FD9]  }
0x89: {  	s3 =	sld [smem:$0x3FFE];
	_ =	sdelay $0x1  }
0x8a: {  	s1 =	srdreg.scid  }
0x8b: {  	s0 =	sand.u32 $0x1, s1  }
0x8c: {  	s17 =	sshll.u32 s0, $0xA;
	s2 =	sadd.s32 s3, s2  }
0x8d: {  	s2 =	sadd.s32 s2, s17  }
0x8e: {  	[smem:$0x3FC2] =	sst s2  }
0x8f: {  	_ = 	snop  }
0x90: {  	s2 =	sld [smem:$0x3FC9]  }
0x91: {  	s18 =	sld [smem:$0x3FC8]  }
0x92: {  	s4 =	sld [smem:$0x3FD0];
	(tm) =	ssettm $0x1  }
0x93: {  	s5 =	sld [smem:$0x3FFB];
	_ =	sdelay $0x3  }
0x94: {  	_ =	strace s5  }
0x95: {  	s5 =	sld [smem:$0x3FFC];
	_ =	sdelay $0x3  }
0x96: {  	_ =	strace s5  }
0x97: {  	s5 =	sld [smem:$0x3FFD];
	_ =	sdelay $0x3  }
0x98: {  	_ =	strace s5  }
0x99: {  	_ =	strace $0x8FFFFFFF  }
0x9a: {  	s19 =	sld [smem:$0x3FDB];
	_ =	sdelay $0x1  }
0x9b: {  	s6 =	simm.s32 $_scs_section_size  }
0x9c: {  	s7 =	simm.s32 $_size__tile_overlayer_lowered;
	s8 =	simm.s32 $_tile_overlayer_lowered  }
0x9d: {  	s22 =	simm.s32 $0x1BFF;
	s21 =	sshll.u32 s8, $0x1;
	s5 =	sadd.s32 s6, s19  }
0x9e: {  	s9 =	simm.s32 $0x0;
	s20 =	sshll.u32 s7, $0x1;
	s7 =	sadd.s32 s21, s5  }
0x9f: {  	[timem:s9], [sflag:s22] =	dma.local [hbm:s7], s20  }
0xa0: {  	_ =	swait.ge [sflag:s22], s20  }
0xa1: {  	s6 =	ssub.s32 $0x0, s20;
	[sflag:s22] =	ssyncset.done $0x0  }
0xa2: {  	[sflag:s22] =	ssyncadd.s32 s6;
	_ =	sdelay $0x1  }
0xa3: {  	s23 =	simm.s32 $0x1B8B  }
0xa4: {  	_ =	swait.ge [sflag:s23], $0x1  }
0xa5: {  	[sflag:s23] =	ssyncset.done $0x0  }
0xa6: {  	s25 =	simm.s32 $0x1B8E;
	s24 =	sld [smem:$0x3FFE];
	[sflag:s23] =	ssyncadd.s32 $0xFFFFFFFF  }
0xa7: {  	s26 =	simm.s32 $execute0_lowered;
	[smem:$0x3FD2] =	sst s25  }
0xa8: {  	s7 =	sshll.u32 s26, $0x1;
	_ =	strace $0x80000046;
	[dreg:$0x1] =	wrdreg $0xFFFFFFFF  }
0xa9: {  	s28 =	simm.s32 $_size_execute0_lowered;
	s5 =	sadd.s32 s5, s7;
	[dreg:$0x0] =	wrdreg $0x0  }
0xaa: {  	s7 =	sshll.u32 s28, $0x1;
	[dreg:$0x2] =	wrdreg s5  }
0xab: {  	[dreg:$0x3] =	wrdreg s7  }
0xac: {  	[dreg:$0x4] =	wrdreg $0xC0  }
0xad: {  	_ =	task [dreg:s9], $0x5FFFF  }
0xae: {  	[dreg:$0x1] =	wrdreg $0xFFFFFFFF  }
0xaf: {  	[dreg:$0x0] =	wrdreg $0x60  }
0xb0: {  	[dreg:$0x2] =	wrdreg s2  }
0xb1: {  	[dreg:$0x3] =	wrdreg s18  }
0xb2: {  	[dreg:$0x4] =	wrdreg s24  }
0xb3: {  	[dreg:$0x5] =	wrdreg s4  }
0xb4: {  	[dreg:$0x6] =	wrdreg $0x9  }
0xb5: {  	_ =	task.clear_ibuf [dreg:s9], $0x7FFFF;
	_ =	strace $0x90000046  }
0xb6: {  	s29 =	simm.s32 $0x9;
	_ =	strace $0x80000048  }
0xb7: {  	_ =	swait.ge [sflag:s29], $0x1  }
0xb8: {  	[sflag:s29] =	ssyncadd.s32 $0xFFFFFFFF  }
0xb9: {  	_ =	strace $0x90000048  }
0xba: {  	_ =	sfence  }
0xbb: {  	s30 =	sld [smem:$0x0];
	_ =	sdelay $0x2  }
0xbc: {  	s31 =	sshll.u32 s1, $0xD;
	s1 =	sshrl.u32 s1, $0x2  }
0xbd: {  	s3 =	sand.u32 $0x4000, s31;
	s1 =	sadd.s32 s1, s30  }
0xbe: {  	s0 =	sor.u32 s3, s0;
	s1 =	sshll.u32 s1, $0x11  }
0xbf: {  	s0 =	sor.u32 s1, s0  }
0xc0: {  	s0 =	sadd.s32 $0x8F2B, s0  }
0xc1: {  	[sflag:s0] =	ssyncadd.remote.s32 $0x1  }
0xc2: {  	_ =	sfence.sel $0xFFFF  }
0xc3: {  	[dreg:$0x0] =	wrdreg $0xFFFFFFFF;
	(pc) =	sbr.abs _section_cstart, $3  }
0xc4: {  	[dreg:$0x1] =	wrdreg $0xFFFFFFFF  }
0xc5: {  	_ =	task.clear_ibuf [dreg:s9], $0x2FFFF;
	_ =	strace $0x9FFFFFFF  }
0xc6: {  	(tm) =	ssettm $0x7FFFFFFF  }
0xc7: {  	_ =	shalt  }
tec
execute0_lowered:
.L_overlay_start_1:
0x0: {  	(tag) =	ssettag $0x1  }
0x1: {  	s17 =	rddreg [dreg:$0x0]  }
0x2: {  	s18 =	rddreg [dreg:$0x1]  }
0x3: {  	s3 =	rddreg [dreg:$0x2]  }
0x4: {  	s4 =	rddreg [dreg:$0x3];
	s1 =	simm.s32 $0x0;
	s0 =	srdreg.scid  }
0x5: {  	s11 =	stileid.u32;
	s28 =	simm.s32 $0x400;
	s29 =	simm.s32 $0xC000  }
0x6: {  	[smem:$0x7FF] =	sst s1;
	s5 =	sadd.s32 $0x1800, s3;
	s12 =	sadd.s32 $0x800, s3  }
0x7: {  	s3 =	sadd.s32 $0x1000, s3;
	_ =	strace $0x80000047;
	[dreg:$0x6] =	wrdreg s12  }
0x8: {  	s30 =	simm.s32 $0x14000;
	s19 =	sadd.s32 $0x1000, s4;
	[dreg:$0x7] =	wrdreg s3  }
0x9: {  	s31 =	simm.s32 $0x18000;
	s20 =	sadd.s32 $0x2000, s4;
	[dreg:$0xb] =	wrdreg s19  }
0xa: {  	s9 =	simm.s32 $0x3;
	s21 =	sadd.s32 $0x3000, s4;
	[dreg:$0xc] =	wrdreg s20  }
0xb: {  	s10 =	simm.s32 $0x4;
	s22 =	sadd.s32 $0x4000, s4;
	[dreg:$0xd] =	wrdreg s21  }
0xc: {  	s0 =	sand.u32 $0x1, s0;
	s23 =	sadd.s32 $0x5000, s4;
	[dreg:$0xe] =	wrdreg s22  }
0xd: {  	s1 =	sshll.u32 s11, $0x6;
	s25 =	sadd.s32 $0x6000, s4;
	[dreg:$0xf] =	wrdreg s23  }
0xe: {  	s26 =	sadd.s32 $0x7000, s4;
	s2 =	sshll.u32 s0, $0x5;
	[dreg:$0x11] =	wrdreg s25  }
0xf: {  	s0 =	ssub.s32 $0x2, s0;
	[dreg:$0x12] =	wrdreg s26;
	s26 =	simm.s32 $0x80  }
0x10: {  	s19 =	simm.s32 $0x2;
	[dreg:$0x14] =	wrdreg s5;
	s6 =	sor.u32 s2, s1  }
0x11: {  	s2 =	sshll.u32 s6, $0xB;
	[dreg:$0x5] =	wrdreg s6;
	s24 =	sor.u32 $0x1F, s6  }
0x12: {  	s25 =	simm.s32 $0x1D000;
	s14 =	sadd.s32 s17, s2;
	[dreg:$0x10] =	wrdreg s24  }
0x13: {  	s13 =	sshrl.u32 s0, $0x1;
	s15 =	sadd.s32 s18, s2;
	[dreg:$0x8] =	wrdreg s14  }
0x14: {  	s0 =	ssub.s32 s0, s13;
	s16 =	sadd.s32 s5, s2;
	[dreg:$0x9] =	wrdreg s15  }
0x15: {  	s0 =	smax.u32 s0, $0x1;
	s24 =	simm.s32 $0x1;
	[dreg:$0xa] =	wrdreg s16  }
0x16: {  	s2 =	simm.s32 $0x0;
	[dreg:$0x13] =	wrdreg s0;
	s0 =	simm.s32 $0x10000  }
.LBB2_1:
0x17: {  	[dreg:$0x15] =	wrdreg s2  }
0x18: {  	s1 =	rddreg [dreg:$0x2];
	s14 =	simm.s32 $0x0;
	s4 =	simm.s32 $0x5  }
0x19: {  	[tilespmem:s14], [sflag:$0x5] =	stream.linear.gather [hbm4b:s1+s14], $0x4000, $0x38;
	[tilespmem:$0x1E000] =	vst v63  }
0x1a: {  	_ =	swait.ge [sflag:s4], $0x4000  }
0x1b: {  	[sflag:s4] =	ssyncset.done $0x0  }
0x1c: {  	s6 =	simm.s32 $0x4000;
	s15 =	rddreg [dreg:$0x6];
	[sflag:s4] =	ssyncadd.s32 $0xFFFFC000  }
0x1d: {  	[tilespmem:s6], [sflag:$0x5] =	stream.linear.gather [hbm4b:s15+s14], $0x4000, $0x38;
	[tilespmem:$0x1E000] =	vst v63  }
0x1e: {  	_ =	swait.ge [sflag:s4], $0x4000  }
0x1f: {  	[sflag:s4] =	ssyncset.done $0x0  }
0x20: {  	s20 =	simm.s32 $0x8000;
	s16 =	rddreg [dreg:$0x7];
	[sflag:s4] =	ssyncadd.s32 $0xFFFFC000  }
0x21: {  	[tilespmem:s20], [sflag:$0x5] =	stream.linear.gather [hbm4b:s16+s14], $0x4000, $0x38;
	[tilespmem:$0x1E000] =	vst v63  }
0x22: {  	_ =	swait.ge [sflag:s4], $0x4000  }
0x23: {  	[sflag:s4] =	ssyncset.done $0x0  }
0x24: {  	s21 =	rddreg [dreg:$0x8];
	[sflag:s4] =	ssyncadd.s32 $0xFFFFC000  }
0x25: {  	[tilespmem:s29], [sflag:$0x2] =	stream.strided.gather [hbm4b:s21+s26], $0x4000, s28, s26, $0x38;
	[tilespmem:$0x1E000] =	vst v63  }
0x26: {  	s22 =	rddreg [dreg:$0x9]  }
0x27: {  	[tilespmem:s30], [sflag:$0x1] =	stream.strided.gather [hbm4b:s22+s26], $0x4000, s28, s26, $0x38;
	[tilespmem:$0x1E000] =	vst v63  }
0x28: {  	s12 =	simm.s32 $0x0;
	s23 =	rddreg [dreg:$0xa]  }
0x29: {  	[tilespmem:s31], [sflag:$0x1] =	stream.strided.gather [hbm4b:s23+s26], $0x4000, s28, s26, $0x38;
	[tilespmem:$0x1E000] =	vst v63  }
.LBB2_2:
0x2a: {  	s1 =	sshll.u32 s12, $0x1;
	s2 =	rddreg [dreg:$0x5]  }
0x2b: {  	s5 =	smov.u32 s18;
	s18 =	sshll.u32 s12, $0x8;
	s23 =	sadd.s32 s2, s1  }
0x2c: {  	s11 =	sand.u32 $0x300, s18;
	s22 =	sshrl.u32 s23, $0x3  }
0x2d: {  	s13 =	sor.u32 $0x80, s11;
	s20 =	sshll.u32 s22, $0x11  }
0x2e: {  	s1 =	sor.u32 s13, s20  }
0x2f: {  	s6 =	sshrl.u32 s1, $0x3  }
0x30: {  	s1 =	sadd.s32 s17, s6  }
0x31: {  	[tilespmem:s0], [sflag:$0x2] =	stream.strided.gather [hbm4b:s1+s26], $0x4000, s28, s26, $0x38;
	[tilespmem:$0x1E000] =	vst v63  }
0x32: {  	_ =	swait.ge [sflag:s19], $0x4000  }
0x33: {  	[sflag:s19] =	ssyncset.done $0x0  }
0x34: {  	[sflag:s19] =	ssyncadd.s32 $0xFFFFC000  }
0x35: {  	_ =	swait.ge [sflag:s24], $0x4000  }
0x36: {  	[sflag:s24] =	ssyncset.done $0x0  }
0x37: {  	[sflag:s24] =	ssyncadd.s32 $0xFFFFC000  }
0x38: {  	_ =	swait.ge [sflag:s24], $0x4000  }
0x39: {  	[sflag:s24] =	ssyncset.done $0x0  }
0x3a: {  	s4 =	simm.s32 $0x20;
	[sflag:s24] =	ssyncadd.s32 $0xFFFFC000  }
0x3b: {  	v0 =	vld [tilespmem:s4+$0x10]  }
0x3c: {  	s1 =	simm.s32 $0x4020;
	v1 =	vld [tilespmem:s4+$0xFFFFFFF0]  }
0x3d: {  	v2 =	vld [tilespmem:s1+$0x10]  }
0x3e: {  	s2 =	simm.s32 $0x8020;
	v3 =	vld [tilespmem:s1+$0xFFFFFFE0]  }
0x3f: {  	v4 =	vld [tilespmem:s2+$0x10]  }
0x40: {  	v5 =	vld [tilespmem:s1+$0xFFFFFFF0]  }
0x41: {  	v7 =	vld [tilespmem:s4+$0x0]  }
0x42: {  	v8 =	vld [tilespmem:s1+$0x0];
	v6 =	vand.u32 $0xFFFF, v0  }
0x43: {  	v10 =	vld [tilespmem:s4+$0xFFFFFFE0];
	v0 =	vshrl.u32 v0, $0x10  }
0x44: {  	v11 =	vld [tilespmem:s2+$0xFFFFFFE0];
	v9 =	vand.u32 $0xFFFF, v2  }
0x45: {  	v15 =	vld [tilespmem:s2+$0xFFFFFFF0];
	v2 =	vshrl.u32 v2, $0x10  }
0x46: {  	v17 =	vld [tilespmem:s2+$0x0];
	v12 =	vand.u32 $0xFFFF, v4  }
0x47: {  	v4 =	vshrl.u32 v4, $0x10;
	v6 =	vld.idx.msk [tilespmem:v6+s29+$0x0], $0xffff  }
0x48: {  	v13 =	vand.u32 $0xFFFF, v10;
	v0 =	vld.idx.msk [tilespmem:v0+s29+$0x0], $0xffff  }
0x49: {  	v10 =	vshrl.u32 v10, $0x10;
	v9 =	vld.idx.msk [tilespmem:v9+s30+$0x0], $0xffff  }
0x4a: {  	v14 =	vand.u32 $0xFFFF, v3;
	v2 =	vld.idx.msk [tilespmem:v2+s30+$0x0], $0xffff  }
0x4b: {  	v3 =	vshrl.u32 v3, $0x10;
	v12 =	vld.idx.msk [tilespmem:v12+s31+$0x0], $0xffff  }
0x4c: {  	v16 =	vand.u32 $0xFFFF, v1;
	v4 =	vld.idx.msk [tilespmem:v4+s31+$0x0], $0xffff  }
0x4d: {  	v1 =	vshrl.u32 v1, $0x10;
	v13 =	vld.idx.msk [tilespmem:v13+s29+$0x0], $0xffff  }
0x4e: {  	v18 =	vand.u32 $0xFFFF, v5;
	v10 =	vld.idx.msk [tilespmem:v10+s29+$0x0], $0xffff  }
0x4f: {  	v5 =	vshrl.u32 v5, $0x10;
	v14 =	vld.idx.msk [tilespmem:v14+s30+$0x0], $0xffff  }
0x50: {  	v19 =	vand.u32 $0xFFFF, v7;
	v20 =	vld.idx.msk [tilespmem:v3+s30+$0x0], $0xffff  }
0x51: {  	v3 =	vshrl.u32 v7, $0x10;
	v16 =	vld.idx.msk [tilespmem:v16+s29+$0x0], $0xffff  }
0x52: {  	v7 =	vand.u32 $0xFFFF, v8;
	v21 =	vld.idx.msk [tilespmem:v1+s29+$0x0], $0xffff  }
0x53: {  	v1 =	vshrl.u32 v8, $0x10;
	v18 =	vld.idx.msk [tilespmem:v18+s30+$0x0], $0xffff  }
0x54: {  	v8 =	vand.u32 $0xFFFF, v11;
	v5 =	vld.idx.msk [tilespmem:v5+s30+$0x0], $0xffff  }
0x55: {  	v11 =	vshrl.u32 v11, $0x10;
	v19 =	vld.idx.msk [tilespmem:v19+s29+$0x0], $0xffff  }
0x56: {  	v22 =	vand.u32 $0xFFFF, v15;
	v23 =	vld.idx.msk [tilespmem:v3+s29+$0x0], $0xffff  }
0x57: {  	v15 =	vshrl.u32 v15, $0x10;
	v24 =	vld.idx.msk [tilespmem:v7+s30+$0x0], $0xffff  }
0x58: {  	v3 =	vadd.f32 v9, v6;
	v6 =	vand.u32 $0xFFFF, v17;
	v25 =	vld.idx.msk [tilespmem:v1+s30+$0x0], $0xffff  }
0x59: {  	v0 =	vadd.f32 v2, v0;
	v17 =	vshrl.u32 v17, $0x10;
	v7 =	vld.idx.msk [tilespmem:v8+s31+$0x0], $0xffff  }
0x5a: {  	v8 =	vld.idx.msk [tilespmem:v11+s31+$0x0], $0xffff;
	v1 =	vsub.f32 v3, v12  }
0x5b: {  	s3 =	simm.s32 $0x1C000;
	s8 =	simm.s32 $0x1C040;
	v0 =	vsub.f32 v0, v4;
	v3 =	vld.idx.msk [tilespmem:v22+s31+$0x0], $0xffff  }
0x5c: {  	s21 =	simm.s32 $0x20;
	s7 =	simm.s32 $0x40;
	s19 =	simm.s32 $0x60;
	v2 =	vadd.f32 v20, v10;
	v11 =	vadd.f32 v18, v16;
	v4 =	vld.idx.msk [tilespmem:v15+s31+$0x0], $0xffff;
	v9 =	vmax.f32 v1, $0.0e+00  }
0x5d: {  	s18 =	smov.u32 s17;
	s14 =	sor.u32 $0x30, s21;
	s15 =	sor.u32 $0x70, s19;
	v1 =	vadd.f32 v14, v13;
	v0 =	vmax.f32 v0, $0.0e+00;
	[tilespmem:s8+$0x20] =	vst v9;
	v9 =	vadd.f32 v5, v21;
	v5 =	vld.idx.msk [tilespmem:v6+s31+$0x0], $0xffff  }
0x5e: {  	s7 =	sor.u32 $0x50, s7;
	s20 =	simm.s32 $0x0;
	s4 =	simm.s32 $0x60;
	v10 =	vadd.f32 v24, v19;
	v6 =	vadd.f32 v25, v23;
	[tilespmem:s15+$0x1C000] =	vst v0;
	v0 =	vld.idx.msk [tilespmem:v17+s31+$0x0], $0xffff  }
.LBB2_3:
0x5f: {  	v12 =	vld [tilespmem:s4+$0x10];
	v1 =	vsub.f32 v1, v7  }
0x60: {  	v2 =	vsub.f32 v2, v8;
	s1 =	sadd.s32 $0x40, s1;
	v7 =	vld [tilespmem:s4+$0xFFFFFFF0]  }
0x61: {  	v3 =	vsub.f32 v11, v3;
	v8 =	vld [tilespmem:s1+$0x10];
	v1 =	vmax.f32 v1, $0.0e+00  }
0x62: {  	s20 =	sadd.s32 $0x4, s20;
	s2 =	sadd.s32 $0x40, s2;
	v11 =	vld [tilespmem:s1+$0xFFFFFFE0];
	[tilespmem:s8+$0xFFFFFFC0] =	vst v1;
	v1 =	vmax.f32 v2, $0.0e+00;
	v2 =	vsub.f32 v9, v4  }
0x63: {  	p0 =	slt.u32 s20, $0x7C;
	v4 =	vld [tilespmem:s2+$0x10];
	[tilespmem:s8+$0xFFFFFFD0] =	vst v1;
	v1 =	vmax.f32 v3, $0.0e+00;
	v3 =	vsub.f32 v10, v5  }
0x64: {  	v0 =	vsub.f32 v6, v0;
	v5 =	vld [tilespmem:s1+$0xFFFFFFF0];
	v9 =	vand.u32 $0xFFFF, v12;
	[tilespmem:s8+$0xFFFFFFE0] =	vst v1;
	v1 =	vmax.f32 v2, $0.0e+00  }
0x65: {  	v10 =	vshrl.u32 v12, $0x10;
	v2 =	vand.u32 $0xFFFF, v7;
	v6 =	vshrl.u32 v7, $0x10;
	v7 =	vld [tilespmem:s4+$0x0];
	[tilespmem:s14+$0x1C000] =	vst v1  }
0x66: {  	v3 =	vmax.f32 v3, $0.0e+00;
	v0 =	vmax.f32 v0, $0.0e+00;
	v1 =	vld [tilespmem:s1+$0x0];
	v12 =	vand.u32 $0xFFFF, v8  }
0x67: {  	v8 =	vshrl.u32 v8, $0x10;
	v13 =	vld [tilespmem:s4+$0xFFFFFFE0];
	v14 =	vand.u32 $0xFFFF, v11;
	v11 =	vshrl.u32 v11, $0x10;
	[tilespmem:s8+$0x0] =	vst v3  }
0x68: {  	v3 =	vld [tilespmem:s2+$0xFFFFFFE0];
	v15 =	vand.u32 $0xFFFF, v4;
	[tilespmem:s7+$0x1C000] =	vst v0  }
0x69: {  	v4 =	vshrl.u32 v4, $0x10;
	v0 =	vand.u32 $0xFFFF, v5;
	v5 =	vshrl.u32 v5, $0x10;
	v9 =	vld.idx.msk [tilespmem:v9+s29+$0x0], $0xffff  }
0x6a: {  	v16 =	vand.u32 $0xFFFF, v7;
	v7 =	vshrl.u32 v7, $0x10;
	v10 =	vld.idx.msk [tilespmem:v10+s29+$0x0], $0xffff  }
0x6b: {  	v17 =	vand.u32 $0xFFFF, v1;
	v18 =	vshrl.u32 v1, $0x10;
	v1 =	vld.idx.msk [tilespmem:v12+s30+$0x0], $0xffff  }
0x6c: {  	v12 =	vand.u32 $0xFFFF, v13;
	v13 =	vshrl.u32 v13, $0x10;
	v8 =	vld.idx.msk [tilespmem:v8+s30+$0x0], $0xffff  }
0x6d: {  	v19 =	vand.u32 $0xFFFF, v3;
	v3 =	vshrl.u32 v3, $0x10;
	v15 =	vld.idx.msk [tilespmem:v15+s31+$0x0], $0xffff  }
0x6e: {  	v4 =	vld.idx.msk [tilespmem:v4+s31+$0x0], $0xffff  }
0x6f: {  	v20 =	vld [tilespmem:s2+$0xFFFFFFF0]  }
0x70: {  	v21 =	vld [tilespmem:s2+$0x0]  }
0x71: {  	v1 =	vadd.f32 v1, v9;
	v12 =	vld.idx.msk [tilespmem:v12+s29+$0x0], $0xffff  }
0x72: {  	v8 =	vadd.f32 v8, v10;
	v9 =	vld.idx.msk [tilespmem:v13+s29+$0x0], $0xffff  }
0x73: {  	v1 =	vsub.f32 v1, v15;
	v10 =	vld.idx.msk [tilespmem:v14+s30+$0x0], $0xffff  }
0x74: {  	v4 =	vsub.f32 v8, v4;
	v11 =	vld.idx.msk [tilespmem:v11+s30+$0x0], $0xffff;
	v13 =	vand.u32 $0xFFFF, v20;
	v14 =	vshrl.u32 v20, $0x10  }
0x75: {  	s19 =	sadd.s32 $0x80, s19;
	s8 =	sadd.s32 $0x80, s8;
	v1 =	vmax.f32 v1, $0.0e+00;
	v8 =	vld.idx.msk [tilespmem:v2+s29+$0x0], $0xffff;
	v15 =	vand.u32 $0xFFFF, v21;
	v20 =	vshrl.u32 v21, $0x10  }
0x76: {  	s15 =	sadd.s32 $0xFFFFFFE0, s19;
	s21 =	sor.u32 $0x70, s19;
	s7 =	sadd.s32 $0xFFFFFFC0, s19;
	v6 =	vld.idx.msk [tilespmem:v6+s29+$0x0], $0xffff;
	[tilespmem:s8+$0x20] =	vst v1;
	v1 =	vmax.f32 v4, $0.0e+00  }
0x77: {  	s14 =	sor.u32 $0x30, s7;
	s7 =	sor.u32 $0x50, s15;
	v0 =	vld.idx.msk [tilespmem:v0+s30+$0x0], $0xffff;
	[tilespmem:s21+$0x1C000] =	vst v1  }
0x78: {  	v4 =	vld.idx.msk [tilespmem:v5+s30+$0x0], $0xffff  }
0x79: {  	v1 =	vadd.f32 v10, v12;
	v10 =	vld.idx.msk [tilespmem:v16+s29+$0x0], $0xffff  }
0x7a: {  	v2 =	vadd.f32 v11, v9;
	v12 =	vld.idx.msk [tilespmem:v7+s29+$0x0], $0xffff  }
0x7b: {  	v16 =	vld.idx.msk [tilespmem:v17+s30+$0x0], $0xffff  }
0x7c: {  	v17 =	vld.idx.msk [tilespmem:v18+s30+$0x0], $0xffff  }
0x7d: {  	v11 =	vadd.f32 v0, v8;
	v7 =	vld.idx.msk [tilespmem:v19+s31+$0x0], $0xffff  }
.Ltmp0:
0x7e: {  	v9 =	vadd.f32 v4, v6;
	v8 =	vld.idx.msk [tilespmem:v3+s31+$0x0], $0xffff;
	(pc) =	sbr.rel @p0 .LBB2_3-.Ltmp0, $4  }
0x7f: {  	v3 =	vld.idx.msk [tilespmem:v13+s31+$0x0], $0xffff  }
0x80: {  	v4 =	vld.idx.msk [tilespmem:v14+s31+$0x0], $0xffff  }
0x81: {  	v10 =	vadd.f32 v16, v10;
	v5 =	vld.idx.msk [tilespmem:v15+s31+$0x0], $0xffff  }
0x82: {  	s4 =	sadd.s32 $0x40, s4;
	v6 =	vadd.f32 v17, v12;
	v0 =	vld.idx.msk [tilespmem:v20+s31+$0x0], $0xffff  }
0x83: {  	v1 =	vsub.f32 v1, v7  }
0x84: {  	v2 =	vsub.f32 v2, v8  }
0x85: {  	v3 =	vsub.f32 v11, v3;
	v1 =	vmax.f32 v1, $0.0e+00  }
0x86: {  	[tilespmem:s8+$0xFFFFFFC0] =	vst v1;
	v1 =	vmax.f32 v2, $0.0e+00;
	v2 =	vsub.f32 v9, v4  }
0x87: {  	s1 =	sshll.u32 s23, $0xF;
	[tilespmem:s8+$0xFFFFFFD0] =	vst v1;
	v1 =	vmax.f32 v3, $0.0e+00;
	v3 =	vsub.f32 v10, v5  }
0x88: {  	s2 =	sand.u32 $0x1FC0000, s1;
	v0 =	vsub.f32 v6, v0;
	[tilespmem:s8+$0xFFFFFFE0] =	vst v1;
	v1 =	vmax.f32 v2, $0.0e+00  }
0x89: {  	s2 =	sor.u32 s11, s2;
	[tilespmem:s14+$0x1C000] =	vst v1;
	v1 =	vmax.f32 v3, $0.0e+00  }
0x8a: {  	s4 =	rddreg [dreg:$0x3];
	s2 =	sshrl.u32 s2, $0x3;
	v0 =	vmax.f32 v0, $0.0e+00;
	[tilespmem:s8+$0x0] =	vst v1  }
0x8b: {  	s4 =	sadd.s32 s4, s2;
	s14 =	simm.s32 $0x830;
	[tilespmem:s7+$0x1C000] =	vst v0  }
0x8c: {  	[hbm4b:s4+s26] =	stream.strided.scatter [tilespmem:s3], [sflag:$0x3], $0x1000, s28, s26, $0x38;
	[tilespmem:$0x1E000] =	vst v63  }
0x8d: {  	v0 =	vld [tilespmem:s14+$0x0]  }
0x8e: {  	s8 =	simm.s32 $0x4830;
	v1 =	vld [tilespmem:s14+$0xFFFFFFE0]  }
0x8f: {  	v2 =	vld [tilespmem:s8+$0x0]  }
0x90: {  	s19 =	simm.s32 $0x8830;
	v3 =	vld [tilespmem:s8+$0xFFFFFFD0]  }
0x91: {  	v4 =	vld [tilespmem:s19+$0x0]  }
0x92: {  	v5 =	vld [tilespmem:s8+$0xFFFFFFE0]  }
0x93: {  	v7 =	vld [tilespmem:s14+$0xFFFFFFF0]  }
0x94: {  	v8 =	vld [tilespmem:s8+$0xFFFFFFF0];
	v6 =	vand.u32 $0xFFFF, v0  }
0x95: {  	v10 =	vld [tilespmem:s14+$0xFFFFFFD0];
	v0 =	vshrl.u32 v0, $0x10  }
0x96: {  	v11 =	vld [tilespmem:s19+$0xFFFFFFD0];
	v9 =	vand.u32 $0xFFFF, v2  }
0x97: {  	v15 =	vld [tilespmem:s19+$0xFFFFFFE0];
	v2 =	vshrl.u32 v2, $0x10  }
0x98: {  	v17 =	vld [tilespmem:s19+$0xFFFFFFF0];
	v12 =	vand.u32 $0xFFFF, v4  }
0x99: {  	v4 =	vshrl.u32 v4, $0x10;
	v6 =	vld.idx.msk [tilespmem:v6+s29+$0x0], $0xffff  }
0x9a: {  	v13 =	vand.u32 $0xFFFF, v10;
	v0 =	vld.idx.msk [tilespmem:v0+s29+$0x0], $0xffff  }
0x9b: {  	v10 =	vshrl.u32 v10, $0x10;
	v9 =	vld.idx.msk [tilespmem:v9+s30+$0x0], $0xffff  }
0x9c: {  	v14 =	vand.u32 $0xFFFF, v3;
	v2 =	vld.idx.msk [tilespmem:v2+s30+$0x0], $0xffff  }
0x9d: {  	v3 =	vshrl.u32 v3, $0x10;
	v12 =	vld.idx.msk [tilespmem:v12+s31+$0x0], $0xffff  }
0x9e: {  	v16 =	vand.u32 $0xFFFF, v1;
	v4 =	vld.idx.msk [tilespmem:v4+s31+$0x0], $0xffff  }
0x9f: {  	v1 =	vshrl.u32 v1, $0x10;
	v13 =	vld.idx.msk [tilespmem:v13+s29+$0x0], $0xffff  }
0xa0: {  	v18 =	vand.u32 $0xFFFF, v5;
	v10 =	vld.idx.msk [tilespmem:v10+s29+$0x0], $0xffff  }
0xa1: {  	v5 =	vshrl.u32 v5, $0x10;
	v14 =	vld.idx.msk [tilespmem:v14+s30+$0x0], $0xffff  }
0xa2: {  	v19 =	vand.u32 $0xFFFF, v7;
	v20 =	vld.idx.msk [tilespmem:v3+s30+$0x0], $0xffff  }
0xa3: {  	v63 =	vand.u32 $0xFFFF, v8;
	v3 =	vshrl.u32 v7, $0x10;
	v7 =	vld.idx.msk [tilespmem:v16+s29+$0x0], $0xffff  }
0xa4: {  	v21 =	vld.idx.msk [tilespmem:v1+s29+$0x0], $0xffff  }
0xa5: {  	v1 =	vshrl.u32 v8, $0x10;
	v18 =	vld.idx.msk [tilespmem:v18+s30+$0x0], $0xffff  }
0xa6: {  	v8 =	vand.u32 $0xFFFF, v11;
	v5 =	vld.idx.msk [tilespmem:v5+s30+$0x0], $0xffff  }
0xa7: {  	v11 =	vshrl.u32 v11, $0x10;
	v19 =	vld.idx.msk [tilespmem:v19+s29+$0x0], $0xffff  }
0xa8: {  	v22 =	vand.u32 $0xFFFF, v15;
	v16 =	vld.idx.msk [tilespmem:v63+s30+$0x0], $0xffff  }
0xa9: {  	v15 =	vshrl.u32 v15, $0x10;
	v23 =	vld.idx.msk [tilespmem:v3+s29+$0x0], $0xffff  }
0xaa: {  	v24 =	vand.u32 $0xFFFF, v17;
	v3 =	vadd.f32 v9, v6;
	v25 =	vld.idx.msk [tilespmem:v1+s30+$0x0], $0xffff  }
0xab: {  	v17 =	vshrl.u32 v17, $0x10;
	v0 =	vadd.f32 v2, v0;
	v6 =	vld.idx.msk [tilespmem:v8+s31+$0x0], $0xffff  }
0xac: {  	v8 =	vld.idx.msk [tilespmem:v11+s31+$0x0], $0xffff;
	v1 =	vsub.f32 v3, v12  }
0xad: {  	v0 =	vsub.f32 v0, v4;
	v3 =	vld.idx.msk [tilespmem:v22+s31+$0x0], $0xffff  }
0xae: {  	s21 =	simm.s32 $0x60;
	s20 =	simm.s32 $0x1D040;
	s15 =	simm.s32 $0x20;
	v2 =	vadd.f32 v20, v10;
	v11 =	vadd.f32 v18, v7;
	v4 =	vld.idx.msk [tilespmem:v15+s31+$0x0], $0xffff;
	v9 =	vmax.f32 v1, $0.0e+00  }
0xaf: {  	s17 =	simm.s32 $0x40;
	s16 =	sor.u32 $0x70, s21;
	s15 =	sor.u32 $0x30, s15;
	v1 =	vadd.f32 v14, v13;
	v0 =	vmax.f32 v0, $0.0e+00;
	[tilespmem:s20+$0x20] =	vst v9;
	v9 =	vadd.f32 v5, v21;
	v5 =	vld.idx.msk [tilespmem:v24+s31+$0x0], $0xffff  }
0xb0: {  	s7 =	simm.s32 $0x870;
	s4 =	simm.s32 $0x0;
	s14 =	sor.u32 $0x50, s17;
	v10 =	vadd.f32 v16, v19;
	v7 =	vadd.f32 v25, v23;
	[tilespmem:s16+$0x1D000] =	vst v0;
	v0 =	vld.idx.msk [tilespmem:v17+s31+$0x0], $0xffff  }
.LBB2_5:
0xb1: {  	v12 =	vld [tilespmem:s7+$0x0];
	v1 =	vsub.f32 v1, v6  }
0xb2: {  	v2 =	vsub.f32 v2, v8;
	s8 =	sadd.s32 $0x40, s8;
	v6 =	vld [tilespmem:s7+$0xFFFFFFE0]  }
0xb3: {  	v3 =	vsub.f32 v11, v3;
	v8 =	vld [tilespmem:s8+$0x0];
	v1 =	vmax.f32 v1, $0.0e+00  }
0xb4: {  	s4 =	sadd.s32 $0x4, s4;
	s19 =	sadd.s32 $0x40, s19;
	v11 =	vld [tilespmem:s8+$0xFFFFFFD0];
	[tilespmem:s20+$0xFFFFFFC0] =	vst v1;
	v1 =	vmax.f32 v2, $0.0e+00;
	v2 =	vsub.f32 v9, v4  }
0xb5: {  	p0 =	slt.u32 s4, $0x7C;
	v4 =	vld [tilespmem:s19+$0x0];
	[tilespmem:s20+$0xFFFFFFD0] =	vst v1;
	v1 =	vmax.f32 v3, $0.0e+00;
	v3 =	vsub.f32 v10, v5  }
0xb6: {  	v0 =	vsub.f32 v7, v0;
	v5 =	vld [tilespmem:s8+$0xFFFFFFE0];
	v9 =	vand.u32 $0xFFFF, v12;
	[tilespmem:s20+$0xFFFFFFE0] =	vst v1;
	v1 =	vmax.f32 v2, $0.0e+00  }
0xb7: {  	v10 =	vshrl.u32 v12, $0x10;
	v2 =	vand.u32 $0xFFFF, v6;
	v6 =	vshrl.u32 v6, $0x10;
	v7 =	vld [tilespmem:s7+$0xFFFFFFF0];
	[tilespmem:s15+$0x1D000] =	vst v1  }
0xb8: {  	v3 =	vmax.f32 v3, $0.0e+00;
	v0 =	vmax.f32 v0, $0.0e+00;
	v1 =	vld [tilespmem:s8+$0xFFFFFFF0];
	v12 =	vand.u32 $0xFFFF, v8  }
0xb9: {  	v8 =	vshrl.u32 v8, $0x10;
	v13 =	vld [tilespmem:s7+$0xFFFFFFD0];
	v14 =	vand.u32 $0xFFFF, v11;
	v11 =	vshrl.u32 v11, $0x10;
	[tilespmem:s20+$0x0] =	vst v3  }
0xba: {  	v3 =	vld [tilespmem:s19+$0xFFFFFFD0];
	v15 =	vand.u32 $0xFFFF, v4;
	[tilespmem:s14+$0x1D000] =	vst v0  }
0xbb: {  	v4 =	vshrl.u32 v4, $0x10;
	v0 =	vand.u32 $0xFFFF, v5;
	v5 =	vshrl.u32 v5, $0x10;
	v9 =	vld.idx.msk [tilespmem:v9+s29+$0x0], $0xffff  }
0xbc: {  	v16 =	vand.u32 $0xFFFF, v7;
	v7 =	vshrl.u32 v7, $0x10;
	v10 =	vld.idx.msk [tilespmem:v10+s29+$0x0], $0xffff  }
0xbd: {  	v17 =	vand.u32 $0xFFFF, v1;
	v18 =	vshrl.u32 v1, $0x10;
	v1 =	vld.idx.msk [tilespmem:v12+s30+$0x0], $0xffff  }
0xbe: {  	v12 =	vand.u32 $0xFFFF, v13;
	v13 =	vshrl.u32 v13, $0x10;
	v8 =	vld.idx.msk [tilespmem:v8+s30+$0x0], $0xffff  }
0xbf: {  	v19 =	vand.u32 $0xFFFF, v3;
	v3 =	vshrl.u32 v3, $0x10;
	v15 =	vld.idx.msk [tilespmem:v15+s31+$0x0], $0xffff  }
0xc0: {  	v4 =	vld.idx.msk [tilespmem:v4+s31+$0x0], $0xffff  }
0xc1: {  	v20 =	vld [tilespmem:s19+$0xFFFFFFE0]  }
0xc2: {  	v21 =	vld [tilespmem:s19+$0xFFFFFFF0]  }
0xc3: {  	v1 =	vadd.f32 v1, v9;
	v12 =	vld.idx.msk [tilespmem:v12+s29+$0x0], $0xffff  }
0xc4: {  	v8 =	vadd.f32 v8, v10;
	v9 =	vld.idx.msk [tilespmem:v13+s29+$0x0], $0xffff  }
0xc5: {  	v1 =	vsub.f32 v1, v15;
	v10 =	vld.idx.msk [tilespmem:v14+s30+$0x0], $0xffff  }
0xc6: {  	v4 =	vsub.f32 v8, v4;
	v11 =	vld.idx.msk [tilespmem:v11+s30+$0x0], $0xffff;
	v13 =	vand.u32 $0xFFFF, v20;
	v14 =	vshrl.u32 v20, $0x10  }
0xc7: {  	s21 =	sadd.s32 $0x80, s21;
	s20 =	sadd.s32 $0x80, s20;
	v1 =	vmax.f32 v1, $0.0e+00;
	v8 =	vld.idx.msk [tilespmem:v2+s29+$0x0], $0xffff;
	v15 =	vand.u32 $0xFFFF, v21;
	v20 =	vshrl.u32 v21, $0x10  }
0xc8: {  	s16 =	sadd.s32 $0xFFFFFFE0, s21;
	s17 =	sor.u32 $0x70, s21;
	s14 =	sadd.s32 $0xFFFFFFC0, s21;
	v21 =	vld.idx.msk [tilespmem:v6+s29+$0x0], $0xffff;
	[tilespmem:s20+$0x20] =	vst v1;
	v1 =	vmax.f32 v4, $0.0e+00  }
0xc9: {  	s15 =	sor.u32 $0x30, s14;
	s14 =	sor.u32 $0x50, s16;
	v0 =	vld.idx.msk [tilespmem:v0+s30+$0x0], $0xffff;
	[tilespmem:s17+$0x1D000] =	vst v1  }
0xca: {  	v4 =	vld.idx.msk [tilespmem:v5+s30+$0x0], $0xffff  }
0xcb: {  	v1 =	vadd.f32 v10, v12;
	v10 =	vld.idx.msk [tilespmem:v16+s29+$0x0], $0xffff  }
0xcc: {  	v2 =	vadd.f32 v11, v9;
	v7 =	vld.idx.msk [tilespmem:v7+s29+$0x0], $0xffff  }
0xcd: {  	v12 =	vld.idx.msk [tilespmem:v17+s30+$0x0], $0xffff  }
0xce: {  	v16 =	vld.idx.msk [tilespmem:v18+s30+$0x0], $0xffff  }
0xcf: {  	v11 =	vadd.f32 v0, v8;
	v6 =	vld.idx.msk [tilespmem:v19+s31+$0x0], $0xffff  }
.Ltmp1:
0xd0: {  	v9 =	vadd.f32 v4, v21;
	v8 =	vld.idx.msk [tilespmem:v3+s31+$0x0], $0xffff;
	(pc) =	sbr.rel @p0 .LBB2_5-.Ltmp1, $4  }
0xd1: {  	v3 =	vld.idx.msk [tilespmem:v13+s31+$0x0], $0xffff  }
0xd2: {  	v4 =	vld.idx.msk [tilespmem:v14+s31+$0x0], $0xffff  }
0xd3: {  	v10 =	vadd.f32 v12, v10;
	v5 =	vld.idx.msk [tilespmem:v15+s31+$0x0], $0xffff  }
0xd4: {  	s7 =	sadd.s32 $0x40, s7;
	v7 =	vadd.f32 v16, v7;
	v0 =	vld.idx.msk [tilespmem:v20+s31+$0x0], $0xffff  }
0xd5: {  	v1 =	vsub.f32 v1, v6  }
0xd6: {  	v2 =	vsub.f32 v2, v8  }
0xd7: {  	v3 =	vsub.f32 v11, v3;
	v1 =	vmax.f32 v1, $0.0e+00  }
0xd8: {  	[tilespmem:s20+$0xFFFFFFC0] =	vst v1;
	v1 =	vmax.f32 v2, $0.0e+00;
	v2 =	vsub.f32 v9, v4  }
0xd9: {  	[tilespmem:s20+$0xFFFFFFD0] =	vst v1;
	v1 =	vmax.f32 v3, $0.0e+00;
	v3 =	vsub.f32 v10, v5  }
0xda: {  	v0 =	vsub.f32 v7, v0;
	[tilespmem:s20+$0xFFFFFFE0] =	vst v1;
	v1 =	vmax.f32 v2, $0.0e+00  }
0xdb: {  	[tilespmem:s15+$0x1D000] =	vst v1;
	v1 =	vmax.f32 v3, $0.0e+00  }
0xdc: {  	v0 =	vmax.f32 v0, $0.0e+00;
	[tilespmem:s20+$0x0] =	vst v1  }
0xdd: {  	[tilespmem:s14+$0x1D000] =	vst v0  }
0xde: {  	s4 =	rddreg [dreg:$0xb]  }
0xdf: {  	s4 =	sadd.s32 s2, s4  }
0xe0: {  	[hbm4b:s4+s26] =	stream.strided.scatter [tilespmem:s25], [sflag:$0x4], $0x1000, s28, s26, $0x38;
	[tilespmem:$0x1E000] =	vst v63  }
0xe1: {  	_ =	swait.ge [sflag:s9], $0x1000  }
0xe2: {  	[sflag:s9] =	ssyncset.done $0x0  }
0xe3: {  	s16 =	simm.s32 $0x1030;
	[sflag:s9] =	ssyncadd.s32 $0xFFFFF000  }
0xe4: {  	v0 =	vld [tilespmem:s16+$0x0]  }
0xe5: {  	s8 =	simm.s32 $0x5030;
	v1 =	vld [tilespmem:s16+$0xFFFFFFE0]  }
0xe6: {  	v2 =	vld [tilespmem:s8+$0x0]  }
0xe7: {  	s19 =	simm.s32 $0x9030;
	v3 =	vld [tilespmem:s8+$0xFFFFFFD0]  }
0xe8: {  	v4 =	vld [tilespmem:s19+$0x0]  }
0xe9: {  	v5 =	vld [tilespmem:s8+$0xFFFFFFE0]  }
0xea: {  	v7 =	vld [tilespmem:s16+$0xFFFFFFF0]  }
0xeb: {  	v8 =	vld [tilespmem:s8+$0xFFFFFFF0];
	v6 =	vand.u32 $0xFFFF, v0  }
0xec: {  	v10 =	vld [tilespmem:s16+$0xFFFFFFD0];
	v0 =	vshrl.u32 v0, $0x10  }
0xed: {  	v11 =	vld [tilespmem:s19+$0xFFFFFFD0];
	v9 =	vand.u32 $0xFFFF, v2  }
0xee: {  	v15 =	vld [tilespmem:s19+$0xFFFFFFE0];
	v2 =	vshrl.u32 v2, $0x10  }
0xef: {  	v17 =	vld [tilespmem:s19+$0xFFFFFFF0];
	v12 =	vand.u32 $0xFFFF, v4  }
0xf0: {  	v4 =	vshrl.u32 v4, $0x10;
	v6 =	vld.idx.msk [tilespmem:v6+s29+$0x0], $0xffff  }
0xf1: {  	v13 =	vand.u32 $0xFFFF, v10;
	v0 =	vld.idx.msk [tilespmem:v0+s29+$0x0], $0xffff  }
0xf2: {  	v10 =	vshrl.u32 v10, $0x10;
	v9 =	vld.idx.msk [tilespmem:v9+s30+$0x0], $0xffff  }
0xf3: {  	v14 =	vand.u32 $0xFFFF, v3;
	v2 =	vld.idx.msk [tilespmem:v2+s30+$0x0], $0xffff  }
0xf4: {  	v3 =	vshrl.u32 v3, $0x10;
	v12 =	vld.idx.msk [tilespmem:v12+s31+$0x0], $0xffff  }
0xf5: {  	v16 =	vand.u32 $0xFFFF, v1;
	v4 =	vld.idx.msk [tilespmem:v4+s31+$0x0], $0xffff  }
0xf6: {  	v1 =	vshrl.u32 v1, $0x10;
	v13 =	vld.idx.msk [tilespmem:v13+s29+$0x0], $0xffff  }
0xf7: {  	v18 =	vand.u32 $0xFFFF, v5;
	v10 =	vld.idx.msk [tilespmem:v10+s29+$0x0], $0xffff  }
0xf8: {  	v5 =	vshrl.u32 v5, $0x10;
	v14 =	vld.idx.msk [tilespmem:v14+s30+$0x0], $0xffff  }
0xf9: {  	v19 =	vand.u32 $0xFFFF, v7;
	v20 =	vld.idx.msk [tilespmem:v3+s30+$0x0], $0xffff  }
0xfa: {  	v63 =	vand.u32 $0xFFFF, v8;
	v3 =	vshrl.u32 v7, $0x10;
	v7 =	vld.idx.msk [tilespmem:v16+s29+$0x0], $0xffff  }
0xfb: {  	v21 =	vld.idx.msk [tilespmem:v1+s29+$0x0], $0xffff  }
0xfc: {  	v1 =	vshrl.u32 v8, $0x10;
	v18 =	vld.idx.msk [tilespmem:v18+s30+$0x0], $0xffff  }
0xfd: {  	v8 =	vand.u32 $0xFFFF, v11;
	v5 =	vld.idx.msk [tilespmem:v5+s30+$0x0], $0xffff  }
0xfe: {  	v11 =	vshrl.u32 v11, $0x10;
	v19 =	vld.idx.msk [tilespmem:v19+s29+$0x0], $0xffff  }
0xff: {  	v22 =	vand.u32 $0xFFFF, v15;
	v16 =	vld.idx.msk [tilespmem:v63+s30+$0x0], $0xffff  }
0x100: {  	v15 =	vshrl.u32 v15, $0x10;
	v23 =	vld.idx.msk [tilespmem:v3+s29+$0x0], $0xffff  }
0x101: {  	v24 =	vand.u32 $0xFFFF, v17;
	v3 =	vadd.f32 v9, v6;
	v25 =	vld.idx.msk [tilespmem:v1+s30+$0x0], $0xffff  }
0x102: {  	v17 =	vshrl.u32 v17, $0x10;
	v0 =	vadd.f32 v2, v0;
	v6 =	vld.idx.msk [tilespmem:v8+s31+$0x0], $0xffff  }
0x103: {  	v8 =	vld.idx.msk [tilespmem:v11+s31+$0x0], $0xffff;
	v1 =	vsub.f32 v3, v12  }
0x104: {  	v0 =	vsub.f32 v0, v4;
	v3 =	vld.idx.msk [tilespmem:v22+s31+$0x0], $0xffff  }
0x105: {  	s21 =	simm.s32 $0x60;
	s7 =	simm.s32 $0x20;
	s20 =	simm.s32 $0x1C040;
	v2 =	vadd.f32 v20, v10;
	v11 =	vadd.f32 v18, v7;
	v4 =	vld.idx.msk [tilespmem:v15+s31+$0x0], $0xffff;
	v9 =	vmax.f32 v1, $0.0e+00  }
0x106: {  	s17 =	simm.s32 $0x40;
	s15 =	sor.u32 $0x30, s7;
	s16 =	sor.u32 $0x70, s21;
	v1 =	vadd.f32 v14, v13;
	v0 =	vmax.f32 v0, $0.0e+00;
	[tilespmem:s20+$0x20] =	vst v9;
	v9 =	vadd.f32 v5, v21;
	v5 =	vld.idx.msk [tilespmem:v24+s31+$0x0], $0xffff  }
0x107: {  	s7 =	simm.s32 $0x1070;
	s14 =	sor.u32 $0x50, s17;
	s4 =	simm.s32 $0x0;
	v10 =	vadd.f32 v16, v19;
	v7 =	vadd.f32 v25, v23;
	[tilespmem:s16+$0x1C000] =	vst v0;
	v0 =	vld.idx.msk [tilespmem:v17+s31+$0x0], $0xffff  }
.LBB2_7:
0x108: {  	v12 =	vld [tilespmem:s7+$0x0];
	v1 =	vsub.f32 v1, v6  }
0x109: {  	v2 =	vsub.f32 v2, v8;
	s8 =	sadd.s32 $0x40, s8;
	v6 =	vld [tilespmem:s7+$0xFFFFFFE0]  }
0x10a: {  	v3 =	vsub.f32 v11, v3;
	v8 =	vld [tilespmem:s8+$0x0];
	v1 =	vmax.f32 v1, $0.0e+00  }
0x10b: {  	s4 =	sadd.s32 $0x4, s4;
	s19 =	sadd.s32 $0x40, s19;
	v11 =	vld [tilespmem:s8+$0xFFFFFFD0];
	[tilespmem:s20+$0xFFFFFFC0] =	vst v1;
	v1 =	vmax.f32 v2, $0.0e+00;
	v2 =	vsub.f32 v9, v4  }
0x10c: {  	p0 =	slt.u32 s4, $0x7C;
	v4 =	vld [tilespmem:s19+$0x0];
	[tilespmem:s20+$0xFFFFFFD0] =	vst v1;
	v1 =	vmax.f32 v3, $0.0e+00;
	v3 =	vsub.f32 v10, v5  }
0x10d: {  	v0 =	vsub.f32 v7, v0;
	v5 =	vld [tilespmem:s8+$0xFFFFFFE0];
	v9 =	vand.u32 $0xFFFF, v12;
	[tilespmem:s20+$0xFFFFFFE0] =	vst v1;
	v1 =	vmax.f32 v2, $0.0e+00  }
0x10e: {  	v10 =	vshrl.u32 v12, $0x10;
	v2 =	vand.u32 $0xFFFF, v6;
	v6 =	vshrl.u32 v6, $0x10;
	v7 =	vld [tilespmem:s7+$0xFFFFFFF0];
	[tilespmem:s15+$0x1C000] =	vst v1  }
0x10f: {  	v3 =	vmax.f32 v3, $0.0e+00;
	v0 =	vmax.f32 v0, $0.0e+00;
	v1 =	vld [tilespmem:s8+$0xFFFFFFF0];
	v12 =	vand.u32 $0xFFFF, v8  }
0x110: {  	v8 =	vshrl.u32 v8, $0x10;
	v13 =	vld [tilespmem:s7+$0xFFFFFFD0];
	v14 =	vand.u32 $0xFFFF, v11;
	v11 =	vshrl.u32 v11, $0x10;
	[tilespmem:s20+$0x0] =	vst v3  }
0x111: {  	v3 =	vld [tilespmem:s19+$0xFFFFFFD0];
	v15 =	vand.u32 $0xFFFF, v4;
	[tilespmem:s14+$0x1C000] =	vst v0  }
0x112: {  	v4 =	vshrl.u32 v4, $0x10;
	v0 =	vand.u32 $0xFFFF, v5;
	v5 =	vshrl.u32 v5, $0x10;
	v9 =	vld.idx.msk [tilespmem:v9+s29+$0x0], $0xffff  }
0x113: {  	v16 =	vand.u32 $0xFFFF, v7;
	v7 =	vshrl.u32 v7, $0x10;
	v10 =	vld.idx.msk [tilespmem:v10+s29+$0x0], $0xffff  }
0x114: {  	v17 =	vand.u32 $0xFFFF, v1;
	v18 =	vshrl.u32 v1, $0x10;
	v1 =	vld.idx.msk [tilespmem:v12+s30+$0x0], $0xffff  }
0x115: {  	v12 =	vand.u32 $0xFFFF, v13;
	v13 =	vshrl.u32 v13, $0x10;
	v8 =	vld.idx.msk [tilespmem:v8+s30+$0x0], $0xffff  }
0x116: {  	v19 =	vand.u32 $0xFFFF, v3;
	v3 =	vshrl.u32 v3, $0x10;
	v15 =	vld.idx.msk [tilespmem:v15+s31+$0x0], $0xffff  }
0x117: {  	v4 =	vld.idx.msk [tilespmem:v4+s31+$0x0], $0xffff  }
0x118: {  	v20 =	vld [tilespmem:s19+$0xFFFFFFE0]  }
0x119: {  	v21 =	vld [tilespmem:s19+$0xFFFFFFF0]  }
0x11a: {  	v1 =	vadd.f32 v1, v9;
	v12 =	vld.idx.msk [tilespmem:v12+s29+$0x0], $0xffff  }
0x11b: {  	v8 =	vadd.f32 v8, v10;
	v9 =	vld.idx.msk [tilespmem:v13+s29+$0x0], $0xffff  }
0x11c: {  	v1 =	vsub.f32 v1, v15;
	v10 =	vld.idx.msk [tilespmem:v14+s30+$0x0], $0xffff  }
0x11d: {  	v4 =	vsub.f32 v8, v4;
	v11 =	vld.idx.msk [tilespmem:v11+s30+$0x0], $0xffff;
	v13 =	vand.u32 $0xFFFF, v20;
	v14 =	vshrl.u32 v20, $0x10  }
0x11e: {  	s21 =	sadd.s32 $0x80, s21;
	s20 =	sadd.s32 $0x80, s20;
	v1 =	vmax.f32 v1, $0.0e+00;
	v8 =	vld.idx.msk [tilespmem:v2+s29+$0x0], $0xffff;
	v15 =	vand.u32 $0xFFFF, v21;
	v20 =	vshrl.u32 v21, $0x10  }
0x11f: {  	s16 =	sadd.s32 $0xFFFFFFE0, s21;
	s17 =	sor.u32 $0x70, s21;
	s14 =	sadd.s32 $0xFFFFFFC0, s21;
	v21 =	vld.idx.msk [tilespmem:v6+s29+$0x0], $0xffff;
	[tilespmem:s20+$0x20] =	vst v1;
	v1 =	vmax.f32 v4, $0.0e+00  }
0x120: {  	s15 =	sor.u32 $0x30, s14;
	s14 =	sor.u32 $0x50, s16;
	v0 =	vld.idx.msk [tilespmem:v0+s30+$0x0], $0xffff;
	[tilespmem:s17+$0x1C000] =	vst v1  }
0x121: {  	v4 =	vld.idx.msk [tilespmem:v5+s30+$0x0], $0xffff  }
0x122: {  	v1 =	vadd.f32 v10, v12;
	v10 =	vld.idx.msk [tilespmem:v16+s29+$0x0], $0xffff  }
0x123: {  	v2 =	vadd.f32 v11, v9;
	v7 =	vld.idx.msk [tilespmem:v7+s29+$0x0], $0xffff  }
0x124: {  	v12 =	vld.idx.msk [tilespmem:v17+s30+$0x0], $0xffff  }
0x125: {  	v16 =	vld.idx.msk [tilespmem:v18+s30+$0x0], $0xffff  }
0x126: {  	v11 =	vadd.f32 v0, v8;
	v6 =	vld.idx.msk [tilespmem:v19+s31+$0x0], $0xffff  }
.Ltmp2:
0x127: {  	v9 =	vadd.f32 v4, v21;
	v8 =	vld.idx.msk [tilespmem:v3+s31+$0x0], $0xffff;
	(pc) =	sbr.rel @p0 .LBB2_7-.Ltmp2, $4  }
0x128: {  	v3 =	vld.idx.msk [tilespmem:v13+s31+$0x0], $0xffff  }
0x129: {  	v4 =	vld.idx.msk [tilespmem:v14+s31+$0x0], $0xffff  }
0x12a: {  	v10 =	vadd.f32 v12, v10;
	v5 =	vld.idx.msk [tilespmem:v15+s31+$0x0], $0xffff  }
0x12b: {  	s7 =	sadd.s32 $0x40, s7;
	v7 =	vadd.f32 v16, v7;
	v0 =	vld.idx.msk [tilespmem:v20+s31+$0x0], $0xffff  }
0x12c: {  	v1 =	vsub.f32 v1, v6  }
0x12d: {  	v2 =	vsub.f32 v2, v8  }
0x12e: {  	v3 =	vsub.f32 v11, v3;
	v1 =	vmax.f32 v1, $0.0e+00  }
0x12f: {  	[tilespmem:s20+$0xFFFFFFC0] =	vst v1;
	v1 =	vmax.f32 v2, $0.0e+00;
	v2 =	vsub.f32 v9, v4  }
0x130: {  	[tilespmem:s20+$0xFFFFFFD0] =	vst v1;
	v1 =	vmax.f32 v3, $0.0e+00;
	v3 =	vsub.f32 v10, v5  }
0x131: {  	v0 =	vsub.f32 v7, v0;
	[tilespmem:s20+$0xFFFFFFE0] =	vst v1;
	v1 =	vmax.f32 v2, $0.0e+00  }
0x132: {  	[tilespmem:s15+$0x1C000] =	vst v1;
	v1 =	vmax.f32 v3, $0.0e+00  }
0x133: {  	v0 =	vmax.f32 v0, $0.0e+00;
	[tilespmem:s20+$0x0] =	vst v1  }
0x134: {  	[tilespmem:s14+$0x1C000] =	vst v0  }
0x135: {  	s4 =	rddreg [dreg:$0xc]  }
0x136: {  	s4 =	sadd.s32 s2, s4  }
0x137: {  	[hbm4b:s4+s26] =	stream.strided.scatter [tilespmem:s3], [sflag:$0x3], $0x1000, s28, s26, $0x38;
	[tilespmem:$0x1E000] =	vst v63  }
0x138: {  	_ =	swait.ge [sflag:s10], $0x1000  }
0x139: {  	[sflag:s10] =	ssyncset.done $0x0  }
0x13a: {  	s16 =	simm.s32 $0x1830;
	[sflag:s10] =	ssyncadd.s32 $0xFFFFF000  }
0x13b: {  	v0 =	vld [tilespmem:s16+$0x0]  }
0x13c: {  	s8 =	simm.s32 $0x5830;
	v1 =	vld [tilespmem:s16+$0xFFFFFFE0]  }
0x13d: {  	v2 =	vld [tilespmem:s8+$0x0]  }
0x13e: {  	s19 =	simm.s32 $0x9830;
	v3 =	vld [tilespmem:s8+$0xFFFFFFD0]  }
0x13f: {  	v4 =	vld [tilespmem:s19+$0x0]  }
0x140: {  	v5 =	vld [tilespmem:s8+$0xFFFFFFE0]  }
0x141: {  	v7 =	vld [tilespmem:s16+$0xFFFFFFF0]  }
0x142: {  	v8 =	vld [tilespmem:s8+$0xFFFFFFF0];
	v6 =	vand.u32 $0xFFFF, v0  }
0x143: {  	v10 =	vld [tilespmem:s16+$0xFFFFFFD0];
	v0 =	vshrl.u32 v0, $0x10  }
0x144: {  	v11 =	vld [tilespmem:s19+$0xFFFFFFD0];
	v9 =	vand.u32 $0xFFFF, v2  }
0x145: {  	v15 =	vld [tilespmem:s19+$0xFFFFFFE0];
	v2 =	vshrl.u32 v2, $0x10  }
0x146: {  	v17 =	vld [tilespmem:s19+$0xFFFFFFF0];
	v12 =	vand.u32 $0xFFFF, v4  }
0x147: {  	v4 =	vshrl.u32 v4, $0x10;
	v6 =	vld.idx.msk [tilespmem:v6+s29+$0x0], $0xffff  }
0x148: {  	v13 =	vand.u32 $0xFFFF, v10;
	v0 =	vld.idx.msk [tilespmem:v0+s29+$0x0], $0xffff  }
0x149: {  	v10 =	vshrl.u32 v10, $0x10;
	v9 =	vld.idx.msk [tilespmem:v9+s30+$0x0], $0xffff  }
0x14a: {  	v14 =	vand.u32 $0xFFFF, v3;
	v2 =	vld.idx.msk [tilespmem:v2+s30+$0x0], $0xffff  }
0x14b: {  	v3 =	vshrl.u32 v3, $0x10;
	v12 =	vld.idx.msk [tilespmem:v12+s31+$0x0], $0xffff  }
0x14c: {  	v16 =	vand.u32 $0xFFFF, v1;
	v4 =	vld.idx.msk [tilespmem:v4+s31+$0x0], $0xffff  }
0x14d: {  	v1 =	vshrl.u32 v1, $0x10;
	v13 =	vld.idx.msk [tilespmem:v13+s29+$0x0], $0xffff  }
0x14e: {  	v18 =	vand.u32 $0xFFFF, v5;
	v10 =	vld.idx.msk [tilespmem:v10+s29+$0x0], $0xffff  }
0x14f: {  	v5 =	vshrl.u32 v5, $0x10;
	v14 =	vld.idx.msk [tilespmem:v14+s30+$0x0], $0xffff  }
0x150: {  	v19 =	vand.u32 $0xFFFF, v7;
	v20 =	vld.idx.msk [tilespmem:v3+s30+$0x0], $0xffff  }
0x151: {  	v63 =	vand.u32 $0xFFFF, v8;
	v3 =	vshrl.u32 v7, $0x10;
	v7 =	vld.idx.msk [tilespmem:v16+s29+$0x0], $0xffff  }
0x152: {  	v21 =	vld.idx.msk [tilespmem:v1+s29+$0x0], $0xffff  }
0x153: {  	v1 =	vshrl.u32 v8, $0x10;
	v18 =	vld.idx.msk [tilespmem:v18+s30+$0x0], $0xffff  }
0x154: {  	v8 =	vand.u32 $0xFFFF, v11;
	v5 =	vld.idx.msk [tilespmem:v5+s30+$0x0], $0xffff  }
0x155: {  	v11 =	vshrl.u32 v11, $0x10;
	v19 =	vld.idx.msk [tilespmem:v19+s29+$0x0], $0xffff  }
0x156: {  	v22 =	vand.u32 $0xFFFF, v15;
	v16 =	vld.idx.msk [tilespmem:v63+s30+$0x0], $0xffff  }
0x157: {  	v15 =	vshrl.u32 v15, $0x10;
	v23 =	vld.idx.msk [tilespmem:v3+s29+$0x0], $0xffff  }
0x158: {  	v24 =	vand.u32 $0xFFFF, v17;
	v3 =	vadd.f32 v9, v6;
	v25 =	vld.idx.msk [tilespmem:v1+s30+$0x0], $0xffff  }
0x159: {  	v17 =	vshrl.u32 v17, $0x10;
	v0 =	vadd.f32 v2, v0;
	v6 =	vld.idx.msk [tilespmem:v8+s31+$0x0], $0xffff  }
0x15a: {  	v8 =	vld.idx.msk [tilespmem:v11+s31+$0x0], $0xffff;
	v1 =	vsub.f32 v3, v12  }
0x15b: {  	v0 =	vsub.f32 v0, v4;
	v3 =	vld.idx.msk [tilespmem:v22+s31+$0x0], $0xffff  }
0x15c: {  	s21 =	simm.s32 $0x60;
	s7 =	simm.s32 $0x20;
	s20 =	simm.s32 $0x1D040;
	v2 =	vadd.f32 v20, v10;
	v11 =	vadd.f32 v18, v7;
	v4 =	vld.idx.msk [tilespmem:v15+s31+$0x0], $0xffff;
	v9 =	vmax.f32 v1, $0.0e+00  }
0x15d: {  	s17 =	simm.s32 $0x40;
	s15 =	sor.u32 $0x30, s7;
	s16 =	sor.u32 $0x70, s21;
	v1 =	vadd.f32 v14, v13;
	v0 =	vmax.f32 v0, $0.0e+00;
	[tilespmem:s20+$0x20] =	vst v9;
	v9 =	vadd.f32 v5, v21;
	v5 =	vld.idx.msk [tilespmem:v24+s31+$0x0], $0xffff  }
0x15e: {  	s7 =	simm.s32 $0x1870;
	s14 =	sor.u32 $0x50, s17;
	s4 =	simm.s32 $0x0;
	v10 =	vadd.f32 v16, v19;
	v7 =	vadd.f32 v25, v23;
	[tilespmem:s16+$0x1D000] =	vst v0;
	v0 =	vld.idx.msk [tilespmem:v17+s31+$0x0], $0xffff  }
.LBB2_9:
0x15f: {  	v12 =	vld [tilespmem:s7+$0x0];
	v1 =	vsub.f32 v1, v6  }
0x160: {  	v2 =	vsub.f32 v2, v8;
	s8 =	sadd.s32 $0x40, s8;
	v6 =	vld [tilespmem:s7+$0xFFFFFFE0]  }
0x161: {  	v3 =	vsub.f32 v11, v3;
	v8 =	vld [tilespmem:s8+$0x0];
	v1 =	vmax.f32 v1, $0.0e+00  }
0x162: {  	s4 =	sadd.s32 $0x4, s4;
	s19 =	sadd.s32 $0x40, s19;
	v11 =	vld [tilespmem:s8+$0xFFFFFFD0];
	[tilespmem:s20+$0xFFFFFFC0] =	vst v1;
	v1 =	vmax.f32 v2, $0.0e+00;
	v2 =	vsub.f32 v9, v4  }
0x163: {  	p0 =	slt.u32 s4, $0x7C;
	v4 =	vld [tilespmem:s19+$0x0];
	[tilespmem:s20+$0xFFFFFFD0] =	vst v1;
	v1 =	vmax.f32 v3, $0.0e+00;
	v3 =	vsub.f32 v10, v5  }
0x164: {  	v0 =	vsub.f32 v7, v0;
	v5 =	vld [tilespmem:s8+$0xFFFFFFE0];
	v9 =	vand.u32 $0xFFFF, v12;
	[tilespmem:s20+$0xFFFFFFE0] =	vst v1;
	v1 =	vmax.f32 v2, $0.0e+00  }
0x165: {  	v10 =	vshrl.u32 v12, $0x10;
	v2 =	vand.u32 $0xFFFF, v6;
	v6 =	vshrl.u32 v6, $0x10;
	v7 =	vld [tilespmem:s7+$0xFFFFFFF0];
	[tilespmem:s15+$0x1D000] =	vst v1  }
0x166: {  	v3 =	vmax.f32 v3, $0.0e+00;
	v0 =	vmax.f32 v0, $0.0e+00;
	v1 =	vld [tilespmem:s8+$0xFFFFFFF0];
	v12 =	vand.u32 $0xFFFF, v8  }
0x167: {  	v8 =	vshrl.u32 v8, $0x10;
	v13 =	vld [tilespmem:s7+$0xFFFFFFD0];
	v14 =	vand.u32 $0xFFFF, v11;
	v11 =	vshrl.u32 v11, $0x10;
	[tilespmem:s20+$0x0] =	vst v3  }
0x168: {  	v3 =	vld [tilespmem:s19+$0xFFFFFFD0];
	v15 =	vand.u32 $0xFFFF, v4;
	[tilespmem:s14+$0x1D000] =	vst v0  }
0x169: {  	v4 =	vshrl.u32 v4, $0x10;
	v0 =	vand.u32 $0xFFFF, v5;
	v5 =	vshrl.u32 v5, $0x10;
	v9 =	vld.idx.msk [tilespmem:v9+s29+$0x0], $0xffff  }
0x16a: {  	v16 =	vand.u32 $0xFFFF, v7;
	v7 =	vshrl.u32 v7, $0x10;
	v10 =	vld.idx.msk [tilespmem:v10+s29+$0x0], $0xffff  }
0x16b: {  	v17 =	vand.u32 $0xFFFF, v1;
	v18 =	vshrl.u32 v1, $0x10;
	v1 =	vld.idx.msk [tilespmem:v12+s30+$0x0], $0xffff  }
0x16c: {  	v12 =	vand.u32 $0xFFFF, v13;
	v13 =	vshrl.u32 v13, $0x10;
	v8 =	vld.idx.msk [tilespmem:v8+s30+$0x0], $0xffff  }
0x16d: {  	v19 =	vand.u32 $0xFFFF, v3;
	v3 =	vshrl.u32 v3, $0x10;
	v15 =	vld.idx.msk [tilespmem:v15+s31+$0x0], $0xffff  }
0x16e: {  	v4 =	vld.idx.msk [tilespmem:v4+s31+$0x0], $0xffff  }
0x16f: {  	v20 =	vld [tilespmem:s19+$0xFFFFFFE0]  }
0x170: {  	v21 =	vld [tilespmem:s19+$0xFFFFFFF0]  }
0x171: {  	v1 =	vadd.f32 v1, v9;
	v12 =	vld.idx.msk [tilespmem:v12+s29+$0x0], $0xffff  }
0x172: {  	v8 =	vadd.f32 v8, v10;
	v9 =	vld.idx.msk [tilespmem:v13+s29+$0x0], $0xffff  }
0x173: {  	v1 =	vsub.f32 v1, v15;
	v10 =	vld.idx.msk [tilespmem:v14+s30+$0x0], $0xffff  }
0x174: {  	v4 =	vsub.f32 v8, v4;
	v11 =	vld.idx.msk [tilespmem:v11+s30+$0x0], $0xffff;
	v13 =	vand.u32 $0xFFFF, v20;
	v14 =	vshrl.u32 v20, $0x10  }
0x175: {  	s21 =	sadd.s32 $0x80, s21;
	s20 =	sadd.s32 $0x80, s20;
	v1 =	vmax.f32 v1, $0.0e+00;
	v8 =	vld.idx.msk [tilespmem:v2+s29+$0x0], $0xffff;
	v15 =	vand.u32 $0xFFFF, v21;
	v20 =	vshrl.u32 v21, $0x10  }
0x176: {  	s16 =	sadd.s32 $0xFFFFFFE0, s21;
	s17 =	sor.u32 $0x70, s21;
	s14 =	sadd.s32 $0xFFFFFFC0, s21;
	v21 =	vld.idx.msk [tilespmem:v6+s29+$0x0], $0xffff;
	[tilespmem:s20+$0x20] =	vst v1;
	v1 =	vmax.f32 v4, $0.0e+00  }
0x177: {  	s15 =	sor.u32 $0x30, s14;
	s14 =	sor.u32 $0x50, s16;
	v0 =	vld.idx.msk [tilespmem:v0+s30+$0x0], $0xffff;
	[tilespmem:s17+$0x1D000] =	vst v1  }
0x178: {  	v4 =	vld.idx.msk [tilespmem:v5+s30+$0x0], $0xffff  }
0x179: {  	v1 =	vadd.f32 v10, v12;
	v10 =	vld.idx.msk [tilespmem:v16+s29+$0x0], $0xffff  }
0x17a: {  	v2 =	vadd.f32 v11, v9;
	v7 =	vld.idx.msk [tilespmem:v7+s29+$0x0], $0xffff  }
0x17b: {  	v12 =	vld.idx.msk [tilespmem:v17+s30+$0x0], $0xffff  }
0x17c: {  	v16 =	vld.idx.msk [tilespmem:v18+s30+$0x0], $0xffff  }
0x17d: {  	v11 =	vadd.f32 v0, v8;
	v6 =	vld.idx.msk [tilespmem:v19+s31+$0x0], $0xffff  }
.Ltmp3:
0x17e: {  	v9 =	vadd.f32 v4, v21;
	v8 =	vld.idx.msk [tilespmem:v3+s31+$0x0], $0xffff;
	(pc) =	sbr.rel @p0 .LBB2_9-.Ltmp3, $4  }
0x17f: {  	v3 =	vld.idx.msk [tilespmem:v13+s31+$0x0], $0xffff  }
0x180: {  	v4 =	vld.idx.msk [tilespmem:v14+s31+$0x0], $0xffff  }
0x181: {  	v10 =	vadd.f32 v12, v10;
	v5 =	vld.idx.msk [tilespmem:v15+s31+$0x0], $0xffff  }
0x182: {  	s7 =	sadd.s32 $0x40, s7;
	v7 =	vadd.f32 v16, v7;
	v0 =	vld.idx.msk [tilespmem:v20+s31+$0x0], $0xffff  }
0x183: {  	v1 =	vsub.f32 v1, v6  }
0x184: {  	v2 =	vsub.f32 v2, v8  }
0x185: {  	v3 =	vsub.f32 v11, v3;
	v1 =	vmax.f32 v1, $0.0e+00  }
0x186: {  	[tilespmem:s20+$0xFFFFFFC0] =	vst v1;
	v1 =	vmax.f32 v2, $0.0e+00;
	v2 =	vsub.f32 v9, v4  }
0x187: {  	[tilespmem:s20+$0xFFFFFFD0] =	vst v1;
	v1 =	vmax.f32 v3, $0.0e+00;
	v3 =	vsub.f32 v10, v5  }
0x188: {  	v0 =	vsub.f32 v7, v0;
	[tilespmem:s20+$0xFFFFFFE0] =	vst v1;
	v1 =	vmax.f32 v2, $0.0e+00  }
0x189: {  	[tilespmem:s15+$0x1D000] =	vst v1;
	v1 =	vmax.f32 v3, $0.0e+00  }
0x18a: {  	v0 =	vmax.f32 v0, $0.0e+00;
	[tilespmem:s20+$0x0] =	vst v1  }
0x18b: {  	[tilespmem:s14+$0x1D000] =	vst v0  }
0x18c: {  	s4 =	rddreg [dreg:$0xd]  }
0x18d: {  	s4 =	sadd.s32 s2, s4  }
0x18e: {  	[hbm4b:s4+s26] =	stream.strided.scatter [tilespmem:s25], [sflag:$0x4], $0x1000, s28, s26, $0x38;
	[tilespmem:$0x1E000] =	vst v63  }
0x18f: {  	_ =	swait.ge [sflag:s9], $0x1000  }
0x190: {  	[sflag:s9] =	ssyncset.done $0x0  }
0x191: {  	s16 =	simm.s32 $0x2030;
	[sflag:s9] =	ssyncadd.s32 $0xFFFFF000  }
0x192: {  	v0 =	vld [tilespmem:s16+$0x0]  }
0x193: {  	s8 =	simm.s32 $0x6030;
	v1 =	vld [tilespmem:s16+$0xFFFFFFE0]  }
0x194: {  	v2 =	vld [tilespmem:s8+$0x0]  }
0x195: {  	s19 =	simm.s32 $0xA030;
	v3 =	vld [tilespmem:s8+$0xFFFFFFD0]  }
0x196: {  	v4 =	vld [tilespmem:s19+$0x0]  }
0x197: {  	v5 =	vld [tilespmem:s8+$0xFFFFFFE0]  }
0x198: {  	v7 =	vld [tilespmem:s16+$0xFFFFFFF0]  }
0x199: {  	v8 =	vld [tilespmem:s8+$0xFFFFFFF0];
	v6 =	vand.u32 $0xFFFF, v0  }
0x19a: {  	v10 =	vld [tilespmem:s16+$0xFFFFFFD0];
	v0 =	vshrl.u32 v0, $0x10  }
0x19b: {  	v11 =	vld [tilespmem:s19+$0xFFFFFFD0];
	v9 =	vand.u32 $0xFFFF, v2  }
0x19c: {  	v15 =	vld [tilespmem:s19+$0xFFFFFFE0];
	v2 =	vshrl.u32 v2, $0x10  }
0x19d: {  	v17 =	vld [tilespmem:s19+$0xFFFFFFF0];
	v12 =	vand.u32 $0xFFFF, v4  }
0x19e: {  	v4 =	vshrl.u32 v4, $0x10;
	v6 =	vld.idx.msk [tilespmem:v6+s29+$0x0], $0xffff  }
0x19f: {  	v13 =	vand.u32 $0xFFFF, v10;
	v0 =	vld.idx.msk [tilespmem:v0+s29+$0x0], $0xffff  }
0x1a0: {  	v10 =	vshrl.u32 v10, $0x10;
	v9 =	vld.idx.msk [tilespmem:v9+s30+$0x0], $0xffff  }
0x1a1: {  	v14 =	vand.u32 $0xFFFF, v3;
	v2 =	vld.idx.msk [tilespmem:v2+s30+$0x0], $0xffff  }
0x1a2: {  	v3 =	vshrl.u32 v3, $0x10;
	v12 =	vld.idx.msk [tilespmem:v12+s31+$0x0], $0xffff  }
0x1a3: {  	v16 =	vand.u32 $0xFFFF, v1;
	v4 =	vld.idx.msk [tilespmem:v4+s31+$0x0], $0xffff  }
0x1a4: {  	v1 =	vshrl.u32 v1, $0x10;
	v13 =	vld.idx.msk [tilespmem:v13+s29+$0x0], $0xffff  }
0x1a5: {  	v18 =	vand.u32 $0xFFFF, v5;
	v10 =	vld.idx.msk [tilespmem:v10+s29+$0x0], $0xffff  }
0x1a6: {  	v5 =	vshrl.u32 v5, $0x10;
	v14 =	vld.idx.msk [tilespmem:v14+s30+$0x0], $0xffff  }
0x1a7: {  	v19 =	vand.u32 $0xFFFF, v7;
	v20 =	vld.idx.msk [tilespmem:v3+s30+$0x0], $0xffff  }
0x1a8: {  	v63 =	vand.u32 $0xFFFF, v8;
	v3 =	vshrl.u32 v7, $0x10;
	v7 =	vld.idx.msk [tilespmem:v16+s29+$0x0], $0xffff  }
0x1a9: {  	v21 =	vld.idx.msk [tilespmem:v1+s29+$0x0], $0xffff  }
0x1aa: {  	v1 =	vshrl.u32 v8, $0x10;
	v18 =	vld.idx.msk [tilespmem:v18+s30+$0x0], $0xffff  }
0x1ab: {  	v8 =	vand.u32 $0xFFFF, v11;
	v5 =	vld.idx.msk [tilespmem:v5+s30+$0x0], $0xffff  }
0x1ac: {  	v11 =	vshrl.u32 v11, $0x10;
	v19 =	vld.idx.msk [tilespmem:v19+s29+$0x0], $0xffff  }
0x1ad: {  	v22 =	vand.u32 $0xFFFF, v15;
	v16 =	vld.idx.msk [tilespmem:v63+s30+$0x0], $0xffff  }
0x1ae: {  	v15 =	vshrl.u32 v15, $0x10;
	v23 =	vld.idx.msk [tilespmem:v3+s29+$0x0], $0xffff  }
0x1af: {  	v24 =	vand.u32 $0xFFFF, v17;
	v3 =	vadd.f32 v9, v6;
	v25 =	vld.idx.msk [tilespmem:v1+s30+$0x0], $0xffff  }
0x1b0: {  	v17 =	vshrl.u32 v17, $0x10;
	v0 =	vadd.f32 v2, v0;
	v6 =	vld.idx.msk [tilespmem:v8+s31+$0x0], $0xffff  }
0x1b1: {  	v8 =	vld.idx.msk [tilespmem:v11+s31+$0x0], $0xffff;
	v1 =	vsub.f32 v3, v12  }
0x1b2: {  	v0 =	vsub.f32 v0, v4;
	v3 =	vld.idx.msk [tilespmem:v22+s31+$0x0], $0xffff  }
0x1b3: {  	s21 =	simm.s32 $0x60;
	s7 =	simm.s32 $0x20;
	s20 =	simm.s32 $0x1C040;
	v2 =	vadd.f32 v20, v10;
	v11 =	vadd.f32 v18, v7;
	v4 =	vld.idx.msk [tilespmem:v15+s31+$0x0], $0xffff;
	v9 =	vmax.f32 v1, $0.0e+00  }
0x1b4: {  	s17 =	simm.s32 $0x40;
	s15 =	sor.u32 $0x30, s7;
	s16 =	sor.u32 $0x70, s21;
	v1 =	vadd.f32 v14, v13;
	v0 =	vmax.f32 v0, $0.0e+00;
	[tilespmem:s20+$0x20] =	vst v9;
	v9 =	vadd.f32 v5, v21;
	v5 =	vld.idx.msk [tilespmem:v24+s31+$0x0], $0xffff  }
0x1b5: {  	s7 =	simm.s32 $0x2070;
	s14 =	sor.u32 $0x50, s17;
	s4 =	simm.s32 $0x0;
	v10 =	vadd.f32 v16, v19;
	v7 =	vadd.f32 v25, v23;
	[tilespmem:s16+$0x1C000] =	vst v0;
	v0 =	vld.idx.msk [tilespmem:v17+s31+$0x0], $0xffff  }
.LBB2_11:
0x1b6: {  	v12 =	vld [tilespmem:s7+$0x0];
	v1 =	vsub.f32 v1, v6  }
0x1b7: {  	v2 =	vsub.f32 v2, v8;
	s8 =	sadd.s32 $0x40, s8;
	v6 =	vld [tilespmem:s7+$0xFFFFFFE0]  }
0x1b8: {  	v3 =	vsub.f32 v11, v3;
	v8 =	vld [tilespmem:s8+$0x0];
	v1 =	vmax.f32 v1, $0.0e+00  }
0x1b9: {  	s4 =	sadd.s32 $0x4, s4;
	s19 =	sadd.s32 $0x40, s19;
	v11 =	vld [tilespmem:s8+$0xFFFFFFD0];
	[tilespmem:s20+$0xFFFFFFC0] =	vst v1;
	v1 =	vmax.f32 v2, $0.0e+00;
	v2 =	vsub.f32 v9, v4  }
0x1ba: {  	p0 =	slt.u32 s4, $0x7C;
	v4 =	vld [tilespmem:s19+$0x0];
	[tilespmem:s20+$0xFFFFFFD0] =	vst v1;
	v1 =	vmax.f32 v3, $0.0e+00;
	v3 =	vsub.f32 v10, v5  }
0x1bb: {  	v0 =	vsub.f32 v7, v0;
	v5 =	vld [tilespmem:s8+$0xFFFFFFE0];
	v9 =	vand.u32 $0xFFFF, v12;
	[tilespmem:s20+$0xFFFFFFE0] =	vst v1;
	v1 =	vmax.f32 v2, $0.0e+00  }
0x1bc: {  	v10 =	vshrl.u32 v12, $0x10;
	v2 =	vand.u32 $0xFFFF, v6;
	v6 =	vshrl.u32 v6, $0x10;
	v7 =	vld [tilespmem:s7+$0xFFFFFFF0];
	[tilespmem:s15+$0x1C000] =	vst v1  }
0x1bd: {  	v3 =	vmax.f32 v3, $0.0e+00;
	v0 =	vmax.f32 v0, $0.0e+00;
	v1 =	vld [tilespmem:s8+$0xFFFFFFF0];
	v12 =	vand.u32 $0xFFFF, v8  }
0x1be: {  	v8 =	vshrl.u32 v8, $0x10;
	v13 =	vld [tilespmem:s7+$0xFFFFFFD0];
	v14 =	vand.u32 $0xFFFF, v11;
	v11 =	vshrl.u32 v11, $0x10;
	[tilespmem:s20+$0x0] =	vst v3  }
0x1bf: {  	v3 =	vld [tilespmem:s19+$0xFFFFFFD0];
	v15 =	vand.u32 $0xFFFF, v4;
	[tilespmem:s14+$0x1C000] =	vst v0  }
0x1c0: {  	v4 =	vshrl.u32 v4, $0x10;
	v0 =	vand.u32 $0xFFFF, v5;
	v5 =	vshrl.u32 v5, $0x10;
	v9 =	vld.idx.msk [tilespmem:v9+s29+$0x0], $0xffff  }
0x1c1: {  	v16 =	vand.u32 $0xFFFF, v7;
	v7 =	vshrl.u32 v7, $0x10;
	v10 =	vld.idx.msk [tilespmem:v10+s29+$0x0], $0xffff  }
0x1c2: {  	v17 =	vand.u32 $0xFFFF, v1;
	v18 =	vshrl.u32 v1, $0x10;
	v1 =	vld.idx.msk [tilespmem:v12+s30+$0x0], $0xffff  }
0x1c3: {  	v12 =	vand.u32 $0xFFFF, v13;
	v13 =	vshrl.u32 v13, $0x10;
	v8 =	vld.idx.msk [tilespmem:v8+s30+$0x0], $0xffff  }
0x1c4: {  	v19 =	vand.u32 $0xFFFF, v3;
	v3 =	vshrl.u32 v3, $0x10;
	v15 =	vld.idx.msk [tilespmem:v15+s31+$0x0], $0xffff  }
0x1c5: {  	v4 =	vld.idx.msk [tilespmem:v4+s31+$0x0], $0xffff  }
0x1c6: {  	v20 =	vld [tilespmem:s19+$0xFFFFFFE0]  }
0x1c7: {  	v21 =	vld [tilespmem:s19+$0xFFFFFFF0]  }
0x1c8: {  	v1 =	vadd.f32 v1, v9;
	v12 =	vld.idx.msk [tilespmem:v12+s29+$0x0], $0xffff  }
0x1c9: {  	v8 =	vadd.f32 v8, v10;
	v9 =	vld.idx.msk [tilespmem:v13+s29+$0x0], $0xffff  }
0x1ca: {  	v1 =	vsub.f32 v1, v15;
	v10 =	vld.idx.msk [tilespmem:v14+s30+$0x0], $0xffff  }
0x1cb: {  	v4 =	vsub.f32 v8, v4;
	v11 =	vld.idx.msk [tilespmem:v11+s30+$0x0], $0xffff;
	v13 =	vand.u32 $0xFFFF, v20;
	v14 =	vshrl.u32 v20, $0x10  }
0x1cc: {  	s21 =	sadd.s32 $0x80, s21;
	s20 =	sadd.s32 $0x80, s20;
	v1 =	vmax.f32 v1, $0.0e+00;
	v8 =	vld.idx.msk [tilespmem:v2+s29+$0x0], $0xffff;
	v15 =	vand.u32 $0xFFFF, v21;
	v20 =	vshrl.u32 v21, $0x10  }
0x1cd: {  	s16 =	sadd.s32 $0xFFFFFFE0, s21;
	s17 =	sor.u32 $0x70, s21;
	s14 =	sadd.s32 $0xFFFFFFC0, s21;
	v21 =	vld.idx.msk [tilespmem:v6+s29+$0x0], $0xffff;
	[tilespmem:s20+$0x20] =	vst v1;
	v1 =	vmax.f32 v4, $0.0e+00  }
0x1ce: {  	s15 =	sor.u32 $0x30, s14;
	s14 =	sor.u32 $0x50, s16;
	v0 =	vld.idx.msk [tilespmem:v0+s30+$0x0], $0xffff;
	[tilespmem:s17+$0x1C000] =	vst v1  }
0x1cf: {  	v4 =	vld.idx.msk [tilespmem:v5+s30+$0x0], $0xffff  }
0x1d0: {  	v1 =	vadd.f32 v10, v12;
	v10 =	vld.idx.msk [tilespmem:v16+s29+$0x0], $0xffff  }
0x1d1: {  	v2 =	vadd.f32 v11, v9;
	v7 =	vld.idx.msk [tilespmem:v7+s29+$0x0], $0xffff  }
0x1d2: {  	v12 =	vld.idx.msk [tilespmem:v17+s30+$0x0], $0xffff  }
0x1d3: {  	v16 =	vld.idx.msk [tilespmem:v18+s30+$0x0], $0xffff  }
0x1d4: {  	v11 =	vadd.f32 v0, v8;
	v6 =	vld.idx.msk [tilespmem:v19+s31+$0x0], $0xffff  }
.Ltmp4:
0x1d5: {  	v9 =	vadd.f32 v4, v21;
	v8 =	vld.idx.msk [tilespmem:v3+s31+$0x0], $0xffff;
	(pc) =	sbr.rel @p0 .LBB2_11-.Ltmp4, $4  }
0x1d6: {  	v3 =	vld.idx.msk [tilespmem:v13+s31+$0x0], $0xffff  }
0x1d7: {  	v4 =	vld.idx.msk [tilespmem:v14+s31+$0x0], $0xffff  }
0x1d8: {  	v10 =	vadd.f32 v12, v10;
	v5 =	vld.idx.msk [tilespmem:v15+s31+$0x0], $0xffff  }
0x1d9: {  	s7 =	sadd.s32 $0x40, s7;
	v7 =	vadd.f32 v16, v7;
	v0 =	vld.idx.msk [tilespmem:v20+s31+$0x0], $0xffff  }
0x1da: {  	v1 =	vsub.f32 v1, v6  }
0x1db: {  	v2 =	vsub.f32 v2, v8  }
0x1dc: {  	v3 =	vsub.f32 v11, v3;
	v1 =	vmax.f32 v1, $0.0e+00  }
0x1dd: {  	[tilespmem:s20+$0xFFFFFFC0] =	vst v1;
	v1 =	vmax.f32 v2, $0.0e+00;
	v2 =	vsub.f32 v9, v4  }
0x1de: {  	[tilespmem:s20+$0xFFFFFFD0] =	vst v1;
	v1 =	vmax.f32 v3, $0.0e+00;
	v3 =	vsub.f32 v10, v5  }
0x1df: {  	v0 =	vsub.f32 v7, v0;
	[tilespmem:s20+$0xFFFFFFE0] =	vst v1;
	v1 =	vmax.f32 v2, $0.0e+00  }
0x1e0: {  	[tilespmem:s15+$0x1C000] =	vst v1;
	v1 =	vmax.f32 v3, $0.0e+00  }
0x1e1: {  	v0 =	vmax.f32 v0, $0.0e+00;
	[tilespmem:s20+$0x0] =	vst v1  }
0x1e2: {  	[tilespmem:s14+$0x1C000] =	vst v0  }
0x1e3: {  	s4 =	rddreg [dreg:$0xe]  }
0x1e4: {  	s4 =	sadd.s32 s2, s4  }
0x1e5: {  	[hbm4b:s4+s26] =	stream.strided.scatter [tilespmem:s3], [sflag:$0x3], $0x1000, s28, s26, $0x38;
	[tilespmem:$0x1E000] =	vst v63  }
0x1e6: {  	_ =	swait.ge [sflag:s10], $0x1000  }
0x1e7: {  	[sflag:s10] =	ssyncset.done $0x0  }
0x1e8: {  	s16 =	simm.s32 $0x2830;
	[sflag:s10] =	ssyncadd.s32 $0xFFFFF000  }
0x1e9: {  	v0 =	vld [tilespmem:s16+$0x0]  }
0x1ea: {  	s8 =	simm.s32 $0x6830;
	v1 =	vld [tilespmem:s16+$0xFFFFFFE0]  }
0x1eb: {  	v2 =	vld [tilespmem:s8+$0x0]  }
0x1ec: {  	s19 =	simm.s32 $0xA830;
	v3 =	vld [tilespmem:s8+$0xFFFFFFD0]  }
0x1ed: {  	v4 =	vld [tilespmem:s19+$0x0]  }
0x1ee: {  	v5 =	vld [tilespmem:s8+$0xFFFFFFE0]  }
0x1ef: {  	v7 =	vld [tilespmem:s16+$0xFFFFFFF0]  }
0x1f0: {  	v8 =	vld [tilespmem:s8+$0xFFFFFFF0];
	v6 =	vand.u32 $0xFFFF, v0  }
0x1f1: {  	v10 =	vld [tilespmem:s16+$0xFFFFFFD0];
	v0 =	vshrl.u32 v0, $0x10  }
0x1f2: {  	v11 =	vld [tilespmem:s19+$0xFFFFFFD0];
	v9 =	vand.u32 $0xFFFF, v2  }
0x1f3: {  	v15 =	vld [tilespmem:s19+$0xFFFFFFE0];
	v2 =	vshrl.u32 v2, $0x10  }
0x1f4: {  	v17 =	vld [tilespmem:s19+$0xFFFFFFF0];
	v12 =	vand.u32 $0xFFFF, v4  }
0x1f5: {  	v4 =	vshrl.u32 v4, $0x10;
	v6 =	vld.idx.msk [tilespmem:v6+s29+$0x0], $0xffff  }
0x1f6: {  	v13 =	vand.u32 $0xFFFF, v10;
	v0 =	vld.idx.msk [tilespmem:v0+s29+$0x0], $0xffff  }
0x1f7: {  	v10 =	vshrl.u32 v10, $0x10;
	v9 =	vld.idx.msk [tilespmem:v9+s30+$0x0], $0xffff  }
0x1f8: {  	v14 =	vand.u32 $0xFFFF, v3;
	v2 =	vld.idx.msk [tilespmem:v2+s30+$0x0], $0xffff  }
0x1f9: {  	v3 =	vshrl.u32 v3, $0x10;
	v12 =	vld.idx.msk [tilespmem:v12+s31+$0x0], $0xffff  }
0x1fa: {  	v16 =	vand.u32 $0xFFFF, v1;
	v4 =	vld.idx.msk [tilespmem:v4+s31+$0x0], $0xffff  }
0x1fb: {  	v1 =	vshrl.u32 v1, $0x10;
	v13 =	vld.idx.msk [tilespmem:v13+s29+$0x0], $0xffff  }
0x1fc: {  	v18 =	vand.u32 $0xFFFF, v5;
	v10 =	vld.idx.msk [tilespmem:v10+s29+$0x0], $0xffff  }
0x1fd: {  	v5 =	vshrl.u32 v5, $0x10;
	v14 =	vld.idx.msk [tilespmem:v14+s30+$0x0], $0xffff  }
0x1fe: {  	v19 =	vand.u32 $0xFFFF, v7;
	v20 =	vld.idx.msk [tilespmem:v3+s30+$0x0], $0xffff  }
0x1ff: {  	v63 =	vand.u32 $0xFFFF, v8;
	v3 =	vshrl.u32 v7, $0x10;
	v7 =	vld.idx.msk [tilespmem:v16+s29+$0x0], $0xffff  }
0x200: {  	v21 =	vld.idx.msk [tilespmem:v1+s29+$0x0], $0xffff  }
0x201: {  	v1 =	vshrl.u32 v8, $0x10;
	v18 =	vld.idx.msk [tilespmem:v18+s30+$0x0], $0xffff  }
0x202: {  	v8 =	vand.u32 $0xFFFF, v11;
	v5 =	vld.idx.msk [tilespmem:v5+s30+$0x0], $0xffff  }
0x203: {  	v11 =	vshrl.u32 v11, $0x10;
	v19 =	vld.idx.msk [tilespmem:v19+s29+$0x0], $0xffff  }
0x204: {  	v22 =	vand.u32 $0xFFFF, v15;
	v16 =	vld.idx.msk [tilespmem:v63+s30+$0x0], $0xffff  }
0x205: {  	v15 =	vshrl.u32 v15, $0x10;
	v23 =	vld.idx.msk [tilespmem:v3+s29+$0x0], $0xffff  }
0x206: {  	v24 =	vand.u32 $0xFFFF, v17;
	v3 =	vadd.f32 v9, v6;
	v25 =	vld.idx.msk [tilespmem:v1+s30+$0x0], $0xffff  }
0x207: {  	v17 =	vshrl.u32 v17, $0x10;
	v0 =	vadd.f32 v2, v0;
	v6 =	vld.idx.msk [tilespmem:v8+s31+$0x0], $0xffff  }
0x208: {  	v8 =	vld.idx.msk [tilespmem:v11+s31+$0x0], $0xffff;
	v1 =	vsub.f32 v3, v12  }
0x209: {  	v0 =	vsub.f32 v0, v4;
	v3 =	vld.idx.msk [tilespmem:v22+s31+$0x0], $0xffff  }
0x20a: {  	s21 =	simm.s32 $0x60;
	s7 =	simm.s32 $0x20;
	s20 =	simm.s32 $0x1D040;
	v2 =	vadd.f32 v20, v10;
	v11 =	vadd.f32 v18, v7;
	v4 =	vld.idx.msk [tilespmem:v15+s31+$0x0], $0xffff;
	v9 =	vmax.f32 v1, $0.0e+00  }
0x20b: {  	s17 =	simm.s32 $0x40;
	s15 =	sor.u32 $0x30, s7;
	s16 =	sor.u32 $0x70, s21;
	v1 =	vadd.f32 v14, v13;
	v0 =	vmax.f32 v0, $0.0e+00;
	[tilespmem:s20+$0x20] =	vst v9;
	v9 =	vadd.f32 v5, v21;
	v5 =	vld.idx.msk [tilespmem:v24+s31+$0x0], $0xffff  }
0x20c: {  	s7 =	simm.s32 $0x2870;
	s14 =	sor.u32 $0x50, s17;
	s4 =	simm.s32 $0x0;
	v10 =	vadd.f32 v16, v19;
	v7 =	vadd.f32 v25, v23;
	[tilespmem:s16+$0x1D000] =	vst v0;
	v0 =	vld.idx.msk [tilespmem:v17+s31+$0x0], $0xffff  }
.LBB2_13:
0x20d: {  	v12 =	vld [tilespmem:s7+$0x0];
	v1 =	vsub.f32 v1, v6  }
0x20e: {  	v2 =	vsub.f32 v2, v8;
	s8 =	sadd.s32 $0x40, s8;
	v6 =	vld [tilespmem:s7+$0xFFFFFFE0]  }
0x20f: {  	v3 =	vsub.f32 v11, v3;
	v8 =	vld [tilespmem:s8+$0x0];
	v1 =	vmax.f32 v1, $0.0e+00  }
0x210: {  	s4 =	sadd.s32 $0x4, s4;
	s19 =	sadd.s32 $0x40, s19;
	v11 =	vld [tilespmem:s8+$0xFFFFFFD0];
	[tilespmem:s20+$0xFFFFFFC0] =	vst v1;
	v1 =	vmax.f32 v2, $0.0e+00;
	v2 =	vsub.f32 v9, v4  }
0x211: {  	p0 =	slt.u32 s4, $0x7C;
	v4 =	vld [tilespmem:s19+$0x0];
	[tilespmem:s20+$0xFFFFFFD0] =	vst v1;
	v1 =	vmax.f32 v3, $0.0e+00;
	v3 =	vsub.f32 v10, v5  }
0x212: {  	v0 =	vsub.f32 v7, v0;
	v5 =	vld [tilespmem:s8+$0xFFFFFFE0];
	v9 =	vand.u32 $0xFFFF, v12;
	[tilespmem:s20+$0xFFFFFFE0] =	vst v1;
	v1 =	vmax.f32 v2, $0.0e+00  }
0x213: {  	v10 =	vshrl.u32 v12, $0x10;
	v2 =	vand.u32 $0xFFFF, v6;
	v6 =	vshrl.u32 v6, $0x10;
	v7 =	vld [tilespmem:s7+$0xFFFFFFF0];
	[tilespmem:s15+$0x1D000] =	vst v1  }
0x214: {  	v3 =	vmax.f32 v3, $0.0e+00;
	v0 =	vmax.f32 v0, $0.0e+00;
	v1 =	vld [tilespmem:s8+$0xFFFFFFF0];
	v12 =	vand.u32 $0xFFFF, v8  }
0x215: {  	v8 =	vshrl.u32 v8, $0x10;
	v13 =	vld [tilespmem:s7+$0xFFFFFFD0];
	v14 =	vand.u32 $0xFFFF, v11;
	v11 =	vshrl.u32 v11, $0x10;
	[tilespmem:s20+$0x0] =	vst v3  }
0x216: {  	v3 =	vld [tilespmem:s19+$0xFFFFFFD0];
	v15 =	vand.u32 $0xFFFF, v4;
	[tilespmem:s14+$0x1D000] =	vst v0  }
0x217: {  	v4 =	vshrl.u32 v4, $0x10;
	v0 =	vand.u32 $0xFFFF, v5;
	v5 =	vshrl.u32 v5, $0x10;
	v9 =	vld.idx.msk [tilespmem:v9+s29+$0x0], $0xffff  }
0x218: {  	v16 =	vand.u32 $0xFFFF, v7;
	v7 =	vshrl.u32 v7, $0x10;
	v10 =	vld.idx.msk [tilespmem:v10+s29+$0x0], $0xffff  }
0x219: {  	v17 =	vand.u32 $0xFFFF, v1;
	v18 =	vshrl.u32 v1, $0x10;
	v1 =	vld.idx.msk [tilespmem:v12+s30+$0x0], $0xffff  }
0x21a: {  	v12 =	vand.u32 $0xFFFF, v13;
	v13 =	vshrl.u32 v13, $0x10;
	v8 =	vld.idx.msk [tilespmem:v8+s30+$0x0], $0xffff  }
0x21b: {  	v19 =	vand.u32 $0xFFFF, v3;
	v3 =	vshrl.u32 v3, $0x10;
	v15 =	vld.idx.msk [tilespmem:v15+s31+$0x0], $0xffff  }
0x21c: {  	v4 =	vld.idx.msk [tilespmem:v4+s31+$0x0], $0xffff  }
0x21d: {  	v20 =	vld [tilespmem:s19+$0xFFFFFFE0]  }
0x21e: {  	v21 =	vld [tilespmem:s19+$0xFFFFFFF0]  }
0x21f: {  	v1 =	vadd.f32 v1, v9;
	v12 =	vld.idx.msk [tilespmem:v12+s29+$0x0], $0xffff  }
0x220: {  	v8 =	vadd.f32 v8, v10;
	v9 =	vld.idx.msk [tilespmem:v13+s29+$0x0], $0xffff  }
0x221: {  	v1 =	vsub.f32 v1, v15;
	v10 =	vld.idx.msk [tilespmem:v14+s30+$0x0], $0xffff  }
0x222: {  	v4 =	vsub.f32 v8, v4;
	v11 =	vld.idx.msk [tilespmem:v11+s30+$0x0], $0xffff;
	v13 =	vand.u32 $0xFFFF, v20;
	v14 =	vshrl.u32 v20, $0x10  }
0x223: {  	s21 =	sadd.s32 $0x80, s21;
	s20 =	sadd.s32 $0x80, s20;
	v1 =	vmax.f32 v1, $0.0e+00;
	v8 =	vld.idx.msk [tilespmem:v2+s29+$0x0], $0xffff;
	v15 =	vand.u32 $0xFFFF, v21;
	v20 =	vshrl.u32 v21, $0x10  }
0x224: {  	s16 =	sadd.s32 $0xFFFFFFE0, s21;
	s17 =	sor.u32 $0x70, s21;
	s14 =	sadd.s32 $0xFFFFFFC0, s21;
	v21 =	vld.idx.msk [tilespmem:v6+s29+$0x0], $0xffff;
	[tilespmem:s20+$0x20] =	vst v1;
	v1 =	vmax.f32 v4, $0.0e+00  }
0x225: {  	s15 =	sor.u32 $0x30, s14;
	s14 =	sor.u32 $0x50, s16;
	v0 =	vld.idx.msk [tilespmem:v0+s30+$0x0], $0xffff;
	[tilespmem:s17+$0x1D000] =	vst v1  }
0x226: {  	v4 =	vld.idx.msk [tilespmem:v5+s30+$0x0], $0xffff  }
0x227: {  	v1 =	vadd.f32 v10, v12;
	v10 =	vld.idx.msk [tilespmem:v16+s29+$0x0], $0xffff  }
0x228: {  	v2 =	vadd.f32 v11, v9;
	v7 =	vld.idx.msk [tilespmem:v7+s29+$0x0], $0xffff  }
0x229: {  	v12 =	vld.idx.msk [tilespmem:v17+s30+$0x0], $0xffff  }
0x22a: {  	v16 =	vld.idx.msk [tilespmem:v18+s30+$0x0], $0xffff  }
0x22b: {  	v11 =	vadd.f32 v0, v8;
	v6 =	vld.idx.msk [tilespmem:v19+s31+$0x0], $0xffff  }
.Ltmp5:
0x22c: {  	v9 =	vadd.f32 v4, v21;
	v8 =	vld.idx.msk [tilespmem:v3+s31+$0x0], $0xffff;
	(pc) =	sbr.rel @p0 .LBB2_13-.Ltmp5, $4  }
0x22d: {  	v3 =	vld.idx.msk [tilespmem:v13+s31+$0x0], $0xffff  }
0x22e: {  	v4 =	vld.idx.msk [tilespmem:v14+s31+$0x0], $0xffff  }
0x22f: {  	v10 =	vadd.f32 v12, v10;
	v5 =	vld.idx.msk [tilespmem:v15+s31+$0x0], $0xffff  }
0x230: {  	s7 =	sadd.s32 $0x40, s7;
	v7 =	vadd.f32 v16, v7;
	v0 =	vld.idx.msk [tilespmem:v20+s31+$0x0], $0xffff  }
0x231: {  	v1 =	vsub.f32 v1, v6  }
0x232: {  	v2 =	vsub.f32 v2, v8  }
0x233: {  	v3 =	vsub.f32 v11, v3;
	v1 =	vmax.f32 v1, $0.0e+00  }
0x234: {  	[tilespmem:s20+$0xFFFFFFC0] =	vst v1;
	v1 =	vmax.f32 v2, $0.0e+00;
	v2 =	vsub.f32 v9, v4  }
0x235: {  	[tilespmem:s20+$0xFFFFFFD0] =	vst v1;
	v1 =	vmax.f32 v3, $0.0e+00;
	v3 =	vsub.f32 v10, v5  }
0x236: {  	v0 =	vsub.f32 v7, v0;
	[tilespmem:s20+$0xFFFFFFE0] =	vst v1;
	v1 =	vmax.f32 v2, $0.0e+00  }
0x237: {  	[tilespmem:s15+$0x1D000] =	vst v1;
	v1 =	vmax.f32 v3, $0.0e+00  }
0x238: {  	v0 =	vmax.f32 v0, $0.0e+00;
	[tilespmem:s20+$0x0] =	vst v1  }
0x239: {  	[tilespmem:s14+$0x1D000] =	vst v0  }
0x23a: {  	s4 =	rddreg [dreg:$0xf]  }
0x23b: {  	s3 =	simm.s32 $0x1D000;
	s2 =	sadd.s32 s2, s4  }
0x23c: {  	[hbm4b:s2+s26] =	stream.strided.scatter [tilespmem:s3], [sflag:$0x4], $0x1000, s28, s26, $0x38;
	[tilespmem:$0x1E000] =	vst v63  }
0x23d: {  	_ =	swait.ge [sflag:s9], $0x1000  }
0x23e: {  	[sflag:s9] =	ssyncset.done $0x0  }
0x23f: {  	s20 =	simm.s32 $0x3030;
	[sflag:s9] =	ssyncadd.s32 $0xFFFFF000  }
0x240: {  	v0 =	vld [tilespmem:s20+$0x0]  }
0x241: {  	s2 =	simm.s32 $0x7030;
	v1 =	vld [tilespmem:s20+$0xFFFFFFE0]  }
0x242: {  	v2 =	vld [tilespmem:s2+$0x0]  }
0x243: {  	s8 =	simm.s32 $0xB030;
	v3 =	vld [tilespmem:s2+$0xFFFFFFD0]  }
0x244: {  	v4 =	vld [tilespmem:s8+$0x0]  }
0x245: {  	v5 =	vld [tilespmem:s2+$0xFFFFFFE0]  }
0x246: {  	v7 =	vld [tilespmem:s20+$0xFFFFFFF0]  }
0x247: {  	v8 =	vld [tilespmem:s2+$0xFFFFFFF0];
	v6 =	vand.u32 $0xFFFF, v0  }
0x248: {  	v10 =	vld [tilespmem:s20+$0xFFFFFFD0];
	v0 =	vshrl.u32 v0, $0x10  }
0x249: {  	v11 =	vld [tilespmem:s8+$0xFFFFFFD0];
	v9 =	vand.u32 $0xFFFF, v2  }
0x24a: {  	v15 =	vld [tilespmem:s8+$0xFFFFFFE0];
	v2 =	vshrl.u32 v2, $0x10  }
0x24b: {  	v17 =	vld [tilespmem:s8+$0xFFFFFFF0];
	v12 =	vand.u32 $0xFFFF, v4  }
0x24c: {  	v4 =	vshrl.u32 v4, $0x10;
	v6 =	vld.idx.msk [tilespmem:v6+s29+$0x0], $0xffff  }
0x24d: {  	v13 =	vand.u32 $0xFFFF, v10;
	v0 =	vld.idx.msk [tilespmem:v0+s29+$0x0], $0xffff  }
0x24e: {  	v10 =	vshrl.u32 v10, $0x10;
	v9 =	vld.idx.msk [tilespmem:v9+s30+$0x0], $0xffff  }
0x24f: {  	v14 =	vand.u32 $0xFFFF, v3;
	v2 =	vld.idx.msk [tilespmem:v2+s30+$0x0], $0xffff  }
0x250: {  	v3 =	vshrl.u32 v3, $0x10;
	v12 =	vld.idx.msk [tilespmem:v12+s31+$0x0], $0xffff  }
0x251: {  	v16 =	vand.u32 $0xFFFF, v1;
	v4 =	vld.idx.msk [tilespmem:v4+s31+$0x0], $0xffff  }
0x252: {  	v1 =	vshrl.u32 v1, $0x10;
	v13 =	vld.idx.msk [tilespmem:v13+s29+$0x0], $0xffff  }
0x253: {  	v18 =	vand.u32 $0xFFFF, v5;
	v10 =	vld.idx.msk [tilespmem:v10+s29+$0x0], $0xffff  }
0x254: {  	v5 =	vshrl.u32 v5, $0x10;
	v14 =	vld.idx.msk [tilespmem:v14+s30+$0x0], $0xffff  }
0x255: {  	v19 =	vand.u32 $0xFFFF, v7;
	v20 =	vld.idx.msk [tilespmem:v3+s30+$0x0], $0xffff  }
0x256: {  	v63 =	vand.u32 $0xFFFF, v8;
	v3 =	vshrl.u32 v7, $0x10;
	v7 =	vld.idx.msk [tilespmem:v16+s29+$0x0], $0xffff  }
0x257: {  	v21 =	vld.idx.msk [tilespmem:v1+s29+$0x0], $0xffff  }
0x258: {  	v1 =	vshrl.u32 v8, $0x10;
	v18 =	vld.idx.msk [tilespmem:v18+s30+$0x0], $0xffff  }
0x259: {  	v8 =	vand.u32 $0xFFFF, v11;
	v5 =	vld.idx.msk [tilespmem:v5+s30+$0x0], $0xffff  }
0x25a: {  	v11 =	vshrl.u32 v11, $0x10;
	v19 =	vld.idx.msk [tilespmem:v19+s29+$0x0], $0xffff  }
0x25b: {  	v22 =	vand.u32 $0xFFFF, v15;
	v16 =	vld.idx.msk [tilespmem:v63+s30+$0x0], $0xffff  }
0x25c: {  	v15 =	vshrl.u32 v15, $0x10;
	v23 =	vld.idx.msk [tilespmem:v3+s29+$0x0], $0xffff  }
0x25d: {  	v24 =	vand.u32 $0xFFFF, v17;
	v3 =	vadd.f32 v9, v6;
	v25 =	vld.idx.msk [tilespmem:v1+s30+$0x0], $0xffff  }
0x25e: {  	v17 =	vshrl.u32 v17, $0x10;
	v0 =	vadd.f32 v2, v0;
	v6 =	vld.idx.msk [tilespmem:v8+s31+$0x0], $0xffff  }
0x25f: {  	v8 =	vld.idx.msk [tilespmem:v11+s31+$0x0], $0xffff;
	v1 =	vsub.f32 v3, v12  }
0x260: {  	v0 =	vsub.f32 v0, v4;
	v3 =	vld.idx.msk [tilespmem:v22+s31+$0x0], $0xffff  }
0x261: {  	s19 =	simm.s32 $0x1C040;
	s21 =	simm.s32 $0x40;
	s20 =	simm.s32 $0x60;
	v2 =	vadd.f32 v20, v10;
	v11 =	vadd.f32 v18, v7;
	v4 =	vld.idx.msk [tilespmem:v15+s31+$0x0], $0xffff;
	v9 =	vmax.f32 v1, $0.0e+00  }
0x262: {  	s7 =	simm.s32 $0x20;
	s21 =	sor.u32 $0x50, s21;
	s16 =	sor.u32 $0x70, s20;
	v1 =	vadd.f32 v14, v13;
	v0 =	vmax.f32 v0, $0.0e+00;
	[tilespmem:s19+$0x20] =	vst v9;
	v9 =	vadd.f32 v5, v21;
	v5 =	vld.idx.msk [tilespmem:v24+s31+$0x0], $0xffff  }
0x263: {  	s14 =	sor.u32 $0x30, s7;
	s7 =	simm.s32 $0x3070;
	s4 =	simm.s32 $0x0;
	v10 =	vadd.f32 v16, v19;
	v7 =	vadd.f32 v25, v23;
	[tilespmem:s16+$0x1C000] =	vst v0;
	v0 =	vld.idx.msk [tilespmem:v17+s31+$0x0], $0xffff  }
.LBB2_15:
0x264: {  	v12 =	vld [tilespmem:s7+$0x0];
	v1 =	vsub.f32 v1, v6  }
0x265: {  	v2 =	vsub.f32 v2, v8;
	s2 =	sadd.s32 $0x40, s2;
	v6 =	vld [tilespmem:s7+$0xFFFFFFE0]  }
0x266: {  	v3 =	vsub.f32 v11, v3;
	v8 =	vld [tilespmem:s2+$0x0];
	v1 =	vmax.f32 v1, $0.0e+00  }
0x267: {  	s4 =	sadd.s32 $0x4, s4;
	s8 =	sadd.s32 $0x40, s8;
	v11 =	vld [tilespmem:s2+$0xFFFFFFD0];
	[tilespmem:s19+$0xFFFFFFC0] =	vst v1;
	v1 =	vmax.f32 v2, $0.0e+00;
	v2 =	vsub.f32 v9, v4  }
0x268: {  	p0 =	slt.u32 s4, $0x7C;
	v4 =	vld [tilespmem:s8+$0x0];
	[tilespmem:s19+$0xFFFFFFD0] =	vst v1;
	v1 =	vmax.f32 v3, $0.0e+00;
	v3 =	vsub.f32 v10, v5  }
0x269: {  	v0 =	vsub.f32 v7, v0;
	v5 =	vld [tilespmem:s2+$0xFFFFFFE0];
	v9 =	vand.u32 $0xFFFF, v12;
	[tilespmem:s19+$0xFFFFFFE0] =	vst v1;
	v1 =	vmax.f32 v2, $0.0e+00  }
0x26a: {  	v10 =	vshrl.u32 v12, $0x10;
	v2 =	vand.u32 $0xFFFF, v6;
	v6 =	vshrl.u32 v6, $0x10;
	v7 =	vld [tilespmem:s7+$0xFFFFFFF0];
	[tilespmem:s14+$0x1C000] =	vst v1  }
0x26b: {  	v3 =	vmax.f32 v3, $0.0e+00;
	v0 =	vmax.f32 v0, $0.0e+00;
	v1 =	vld [tilespmem:s2+$0xFFFFFFF0];
	v12 =	vand.u32 $0xFFFF, v8  }
0x26c: {  	v8 =	vshrl.u32 v8, $0x10;
	v13 =	vld [tilespmem:s7+$0xFFFFFFD0];
	v14 =	vand.u32 $0xFFFF, v11;
	v11 =	vshrl.u32 v11, $0x10;
	[tilespmem:s19+$0x0] =	vst v3  }
0x26d: {  	v3 =	vld [tilespmem:s8+$0xFFFFFFD0];
	v15 =	vand.u32 $0xFFFF, v4;
	[tilespmem:s21+$0x1C000] =	vst v0  }
0x26e: {  	v4 =	vshrl.u32 v4, $0x10;
	v0 =	vand.u32 $0xFFFF, v5;
	v5 =	vshrl.u32 v5, $0x10;
	v9 =	vld.idx.msk [tilespmem:v9+s29+$0x0], $0xffff  }
0x26f: {  	v16 =	vand.u32 $0xFFFF, v7;
	v7 =	vshrl.u32 v7, $0x10;
	v10 =	vld.idx.msk [tilespmem:v10+s29+$0x0], $0xffff  }
0x270: {  	v17 =	vand.u32 $0xFFFF, v1;
	v18 =	vshrl.u32 v1, $0x10;
	v1 =	vld.idx.msk [tilespmem:v12+s30+$0x0], $0xffff  }
0x271: {  	v12 =	vand.u32 $0xFFFF, v13;
	v13 =	vshrl.u32 v13, $0x10;
	v8 =	vld.idx.msk [tilespmem:v8+s30+$0x0], $0xffff  }
0x272: {  	v19 =	vand.u32 $0xFFFF, v3;
	v3 =	vshrl.u32 v3, $0x10;
	v15 =	vld.idx.msk [tilespmem:v15+s31+$0x0], $0xffff  }
0x273: {  	v4 =	vld.idx.msk [tilespmem:v4+s31+$0x0], $0xffff  }
0x274: {  	v20 =	vld [tilespmem:s8+$0xFFFFFFE0]  }
0x275: {  	v21 =	vld [tilespmem:s8+$0xFFFFFFF0]  }
0x276: {  	v1 =	vadd.f32 v1, v9;
	v12 =	vld.idx.msk [tilespmem:v12+s29+$0x0], $0xffff  }
0x277: {  	v8 =	vadd.f32 v8, v10;
	v9 =	vld.idx.msk [tilespmem:v13+s29+$0x0], $0xffff  }
0x278: {  	v1 =	vsub.f32 v1, v15;
	v10 =	vld.idx.msk [tilespmem:v14+s30+$0x0], $0xffff  }
0x279: {  	v4 =	vsub.f32 v8, v4;
	v11 =	vld.idx.msk [tilespmem:v11+s30+$0x0], $0xffff;
	v13 =	vand.u32 $0xFFFF, v20;
	v14 =	vshrl.u32 v20, $0x10  }
0x27a: {  	s20 =	sadd.s32 $0x80, s20;
	s19 =	sadd.s32 $0x80, s19;
	v1 =	vmax.f32 v1, $0.0e+00;
	v8 =	vld.idx.msk [tilespmem:v2+s29+$0x0], $0xffff;
	v15 =	vand.u32 $0xFFFF, v21;
	v20 =	vshrl.u32 v21, $0x10  }
0x27b: {  	s15 =	sadd.s32 $0xFFFFFFE0, s20;
	s16 =	sor.u32 $0x70, s20;
	s14 =	sadd.s32 $0xFFFFFFC0, s20;
	v21 =	vld.idx.msk [tilespmem:v6+s29+$0x0], $0xffff;
	[tilespmem:s19+$0x20] =	vst v1;
	v1 =	vmax.f32 v4, $0.0e+00  }
0x27c: {  	s14 =	sor.u32 $0x30, s14;
	s21 =	sor.u32 $0x50, s15;
	v0 =	vld.idx.msk [tilespmem:v0+s30+$0x0], $0xffff;
	[tilespmem:s16+$0x1C000] =	vst v1  }
0x27d: {  	v4 =	vld.idx.msk [tilespmem:v5+s30+$0x0], $0xffff  }
0x27e: {  	v1 =	vadd.f32 v10, v12;
	v10 =	vld.idx.msk [tilespmem:v16+s29+$0x0], $0xffff  }
0x27f: {  	v2 =	vadd.f32 v11, v9;
	v7 =	vld.idx.msk [tilespmem:v7+s29+$0x0], $0xffff  }
0x280: {  	v12 =	vld.idx.msk [tilespmem:v17+s30+$0x0], $0xffff  }
0x281: {  	v16 =	vld.idx.msk [tilespmem:v18+s30+$0x0], $0xffff  }
0x282: {  	v11 =	vadd.f32 v0, v8;
	v6 =	vld.idx.msk [tilespmem:v19+s31+$0x0], $0xffff  }
.Ltmp6:
0x283: {  	v9 =	vadd.f32 v4, v21;
	v8 =	vld.idx.msk [tilespmem:v3+s31+$0x0], $0xffff;
	(pc) =	sbr.rel @p0 .LBB2_15-.Ltmp6, $4  }
0x284: {  	v3 =	vld.idx.msk [tilespmem:v13+s31+$0x0], $0xffff  }
0x285: {  	v4 =	vld.idx.msk [tilespmem:v14+s31+$0x0], $0xffff  }
0x286: {  	v10 =	vadd.f32 v12, v10;
	v5 =	vld.idx.msk [tilespmem:v15+s31+$0x0], $0xffff  }
0x287: {  	s7 =	sadd.s32 $0x40, s7;
	v7 =	vadd.f32 v16, v7;
	v0 =	vld.idx.msk [tilespmem:v20+s31+$0x0], $0xffff  }
0x288: {  	v1 =	vsub.f32 v1, v6  }
0x289: {  	v2 =	vsub.f32 v2, v8  }
0x28a: {  	v3 =	vsub.f32 v11, v3;
	v1 =	vmax.f32 v1, $0.0e+00  }
0x28b: {  	[tilespmem:s19+$0xFFFFFFC0] =	vst v1;
	v1 =	vmax.f32 v2, $0.0e+00;
	v2 =	vsub.f32 v9, v4  }
0x28c: {  	[tilespmem:s19+$0xFFFFFFD0] =	vst v1;
	v1 =	vmax.f32 v3, $0.0e+00;
	v3 =	vsub.f32 v10, v5  }
0x28d: {  	s1 =	sor.u32 s11, s1;
	v0 =	vsub.f32 v7, v0;
	[tilespmem:s19+$0xFFFFFFE0] =	vst v1;
	v1 =	vmax.f32 v2, $0.0e+00  }
0x28e: {  	s1 =	sshrl.u32 s1, $0x3;
	[tilespmem:s14+$0x1C000] =	vst v1;
	v1 =	vmax.f32 v3, $0.0e+00  }
0x28f: {  	s4 =	rddreg [dreg:$0x3];
	s2 =	sor.u32 $0x6000, s1;
	v0 =	vmax.f32 v0, $0.0e+00;
	[tilespmem:s19+$0x0] =	vst v1  }
0x290: {  	s2 =	sadd.s32 s4, s2;
	[tilespmem:s21+$0x1C000] =	vst v0;
	s21 =	simm.s32 $0x1C000  }
0x291: {  	[hbm4b:s2+s26] =	stream.strided.scatter [tilespmem:s21], [sflag:$0x3], $0x1000, s28, s26, $0x38;
	[tilespmem:$0x1E000] =	vst v63  }
0x292: {  	_ =	swait.ge [sflag:s10], $0x1000  }
0x293: {  	[sflag:s10] =	ssyncset.done $0x0  }
0x294: {  	s20 =	simm.s32 $0x3830;
	[sflag:s10] =	ssyncadd.s32 $0xFFFFF000  }
0x295: {  	v0 =	vld [tilespmem:s20+$0x0]  }
0x296: {  	s2 =	simm.s32 $0x7830;
	v1 =	vld [tilespmem:s20+$0xFFFFFFE0]  }
0x297: {  	v2 =	vld [tilespmem:s2+$0x0]  }
0x298: {  	s8 =	simm.s32 $0xB830;
	v3 =	vld [tilespmem:s2+$0xFFFFFFD0]  }
0x299: {  	v4 =	vld [tilespmem:s8+$0x0]  }
0x29a: {  	v5 =	vld [tilespmem:s2+$0xFFFFFFE0]  }
0x29b: {  	v7 =	vld [tilespmem:s20+$0xFFFFFFF0]  }
0x29c: {  	v8 =	vld [tilespmem:s2+$0xFFFFFFF0];
	v6 =	vand.u32 $0xFFFF, v0  }
0x29d: {  	v10 =	vld [tilespmem:s20+$0xFFFFFFD0];
	v0 =	vshrl.u32 v0, $0x10  }
0x29e: {  	v11 =	vld [tilespmem:s8+$0xFFFFFFD0];
	v9 =	vand.u32 $0xFFFF, v2  }
0x29f: {  	v15 =	vld [tilespmem:s8+$0xFFFFFFE0];
	v2 =	vshrl.u32 v2, $0x10  }
0x2a0: {  	v17 =	vld [tilespmem:s8+$0xFFFFFFF0];
	v12 =	vand.u32 $0xFFFF, v4  }
0x2a1: {  	v4 =	vshrl.u32 v4, $0x10;
	v6 =	vld.idx.msk [tilespmem:v6+s29+$0x0], $0xffff  }
0x2a2: {  	v13 =	vand.u32 $0xFFFF, v10;
	v0 =	vld.idx.msk [tilespmem:v0+s29+$0x0], $0xffff  }
0x2a3: {  	v10 =	vshrl.u32 v10, $0x10;
	v9 =	vld.idx.msk [tilespmem:v9+s30+$0x0], $0xffff  }
0x2a4: {  	v14 =	vand.u32 $0xFFFF, v3;
	v2 =	vld.idx.msk [tilespmem:v2+s30+$0x0], $0xffff  }
0x2a5: {  	v3 =	vshrl.u32 v3, $0x10;
	v12 =	vld.idx.msk [tilespmem:v12+s31+$0x0], $0xffff  }
0x2a6: {  	v16 =	vand.u32 $0xFFFF, v1;
	v4 =	vld.idx.msk [tilespmem:v4+s31+$0x0], $0xffff  }
0x2a7: {  	v1 =	vshrl.u32 v1, $0x10;
	v13 =	vld.idx.msk [tilespmem:v13+s29+$0x0], $0xffff  }
0x2a8: {  	v18 =	vand.u32 $0xFFFF, v5;
	v10 =	vld.idx.msk [tilespmem:v10+s29+$0x0], $0xffff  }
0x2a9: {  	v5 =	vshrl.u32 v5, $0x10;
	v14 =	vld.idx.msk [tilespmem:v14+s30+$0x0], $0xffff  }
0x2aa: {  	v19 =	vand.u32 $0xFFFF, v7;
	v20 =	vld.idx.msk [tilespmem:v3+s30+$0x0], $0xffff  }
0x2ab: {  	v63 =	vand.u32 $0xFFFF, v8;
	v3 =	vshrl.u32 v7, $0x10;
	v7 =	vld.idx.msk [tilespmem:v16+s29+$0x0], $0xffff  }
0x2ac: {  	v21 =	vld.idx.msk [tilespmem:v1+s29+$0x0], $0xffff  }
0x2ad: {  	v1 =	vshrl.u32 v8, $0x10;
	v18 =	vld.idx.msk [tilespmem:v18+s30+$0x0], $0xffff  }
0x2ae: {  	v8 =	vand.u32 $0xFFFF, v11;
	v5 =	vld.idx.msk [tilespmem:v5+s30+$0x0], $0xffff  }
0x2af: {  	v11 =	vshrl.u32 v11, $0x10;
	v19 =	vld.idx.msk [tilespmem:v19+s29+$0x0], $0xffff  }
0x2b0: {  	v22 =	vand.u32 $0xFFFF, v15;
	v16 =	vld.idx.msk [tilespmem:v63+s30+$0x0], $0xffff  }
0x2b1: {  	v15 =	vshrl.u32 v15, $0x10;
	v23 =	vld.idx.msk [tilespmem:v3+s29+$0x0], $0xffff  }
0x2b2: {  	v24 =	vand.u32 $0xFFFF, v17;
	v3 =	vadd.f32 v9, v6;
	v25 =	vld.idx.msk [tilespmem:v1+s30+$0x0], $0xffff  }
0x2b3: {  	v17 =	vshrl.u32 v17, $0x10;
	v0 =	vadd.f32 v2, v0;
	v6 =	vld.idx.msk [tilespmem:v8+s31+$0x0], $0xffff  }
0x2b4: {  	v8 =	vld.idx.msk [tilespmem:v11+s31+$0x0], $0xffff;
	v1 =	vsub.f32 v3, v12  }
0x2b5: {  	s11 =	simm.s32 $0x1D040;
	v0 =	vsub.f32 v0, v4;
	v3 =	vld.idx.msk [tilespmem:v22+s31+$0x0], $0xffff  }
0x2b6: {  	s7 =	simm.s32 $0x20;
	s15 =	simm.s32 $0x40;
	s19 =	simm.s32 $0x60;
	v2 =	vadd.f32 v20, v10;
	v11 =	vadd.f32 v18, v7;
	v4 =	vld.idx.msk [tilespmem:v15+s31+$0x0], $0xffff;
	v9 =	vmax.f32 v1, $0.0e+00  }
0x2b7: {  	s17 =	smov.u32 s18;
	s4 =	simm.s32 $0x0;
	s16 =	sor.u32 $0x70, s19;
	v1 =	vadd.f32 v14, v13;
	v0 =	vmax.f32 v0, $0.0e+00;
	[tilespmem:s11+$0x20] =	vst v9;
	v9 =	vadd.f32 v5, v21;
	v5 =	vld.idx.msk [tilespmem:v24+s31+$0x0], $0xffff  }
0x2b8: {  	s14 =	sor.u32 $0x30, s7;
	s7 =	simm.s32 $0x3870;
	s20 =	sor.u32 $0x50, s15;
	v10 =	vadd.f32 v16, v19;
	v7 =	vadd.f32 v25, v23;
	[tilespmem:s16+$0x1D000] =	vst v0;
	v0 =	vld.idx.msk [tilespmem:v17+s31+$0x0], $0xffff  }
.LBB2_17:
0x2b9: {  	v12 =	vld [tilespmem:s7+$0x0];
	v1 =	vsub.f32 v1, v6  }
0x2ba: {  	v2 =	vsub.f32 v2, v8;
	s2 =	sadd.s32 $0x40, s2;
	v6 =	vld [tilespmem:s7+$0xFFFFFFE0]  }
0x2bb: {  	v3 =	vsub.f32 v11, v3;
	v8 =	vld [tilespmem:s2+$0x0];
	v1 =	vmax.f32 v1, $0.0e+00  }
0x2bc: {  	s4 =	sadd.s32 $0x4, s4;
	s8 =	sadd.s32 $0x40, s8;
	v11 =	vld [tilespmem:s2+$0xFFFFFFD0];
	[tilespmem:s11+$0xFFFFFFC0] =	vst v1;
	v1 =	vmax.f32 v2, $0.0e+00;
	v2 =	vsub.f32 v9, v4  }
0x2bd: {  	p0 =	slt.u32 s4, $0x7C;
	v4 =	vld [tilespmem:s8+$0x0];
	[tilespmem:s11+$0xFFFFFFD0] =	vst v1;
	v1 =	vmax.f32 v3, $0.0e+00;
	v3 =	vsub.f32 v10, v5  }
0x2be: {  	v0 =	vsub.f32 v7, v0;
	v5 =	vld [tilespmem:s2+$0xFFFFFFE0];
	v9 =	vand.u32 $0xFFFF, v12;
	[tilespmem:s11+$0xFFFFFFE0] =	vst v1;
	v1 =	vmax.f32 v2, $0.0e+00  }
0x2bf: {  	v10 =	vshrl.u32 v12, $0x10;
	v2 =	vand.u32 $0xFFFF, v6;
	v6 =	vshrl.u32 v6, $0x10;
	v7 =	vld [tilespmem:s7+$0xFFFFFFF0];
	[tilespmem:s14+$0x1D000] =	vst v1  }
0x2c0: {  	v3 =	vmax.f32 v3, $0.0e+00;
	v0 =	vmax.f32 v0, $0.0e+00;
	v1 =	vld [tilespmem:s2+$0xFFFFFFF0];
	v12 =	vand.u32 $0xFFFF, v8  }
0x2c1: {  	v8 =	vshrl.u32 v8, $0x10;
	v13 =	vld [tilespmem:s7+$0xFFFFFFD0];
	v14 =	vand.u32 $0xFFFF, v11;
	v11 =	vshrl.u32 v11, $0x10;
	[tilespmem:s11+$0x0] =	vst v3  }
0x2c2: {  	v3 =	vld [tilespmem:s8+$0xFFFFFFD0];
	v15 =	vand.u32 $0xFFFF, v4;
	[tilespmem:s20+$0x1D000] =	vst v0  }
0x2c3: {  	v4 =	vshrl.u32 v4, $0x10;
	v0 =	vand.u32 $0xFFFF, v5;
	v5 =	vshrl.u32 v5, $0x10;
	v9 =	vld.idx.msk [tilespmem:v9+s29+$0x0], $0xffff  }
0x2c4: {  	v16 =	vand.u32 $0xFFFF, v7;
	v7 =	vshrl.u32 v7, $0x10;
	v10 =	vld.idx.msk [tilespmem:v10+s29+$0x0], $0xffff  }
0x2c5: {  	v17 =	vand.u32 $0xFFFF, v1;
	v18 =	vshrl.u32 v1, $0x10;
	v1 =	vld.idx.msk [tilespmem:v12+s30+$0x0], $0xffff  }
0x2c6: {  	v12 =	vand.u32 $0xFFFF, v13;
	v13 =	vshrl.u32 v13, $0x10;
	v8 =	vld.idx.msk [tilespmem:v8+s30+$0x0], $0xffff  }
0x2c7: {  	v19 =	vand.u32 $0xFFFF, v3;
	v3 =	vshrl.u32 v3, $0x10;
	v15 =	vld.idx.msk [tilespmem:v15+s31+$0x0], $0xffff  }
0x2c8: {  	v4 =	vld.idx.msk [tilespmem:v4+s31+$0x0], $0xffff  }
0x2c9: {  	v20 =	vld [tilespmem:s8+$0xFFFFFFE0]  }
0x2ca: {  	v21 =	vld [tilespmem:s8+$0xFFFFFFF0]  }
0x2cb: {  	v1 =	vadd.f32 v1, v9;
	v12 =	vld.idx.msk [tilespmem:v12+s29+$0x0], $0xffff  }
0x2cc: {  	v8 =	vadd.f32 v8, v10;
	v9 =	vld.idx.msk [tilespmem:v13+s29+$0x0], $0xffff  }
0x2cd: {  	v1 =	vsub.f32 v1, v15;
	v10 =	vld.idx.msk [tilespmem:v14+s30+$0x0], $0xffff  }
0x2ce: {  	v4 =	vsub.f32 v8, v4;
	v11 =	vld.idx.msk [tilespmem:v11+s30+$0x0], $0xffff;
	v13 =	vand.u32 $0xFFFF, v20;
	v14 =	vshrl.u32 v20, $0x10  }
0x2cf: {  	s19 =	sadd.s32 $0x80, s19;
	s11 =	sadd.s32 $0x80, s11;
	v1 =	vmax.f32 v1, $0.0e+00;
	v8 =	vld.idx.msk [tilespmem:v2+s29+$0x0], $0xffff;
	v15 =	vand.u32 $0xFFFF, v21;
	v20 =	vshrl.u32 v21, $0x10  }
0x2d0: {  	s15 =	sadd.s32 $0xFFFFFFE0, s19;
	s16 =	sor.u32 $0x70, s19;
	s14 =	sadd.s32 $0xFFFFFFC0, s19;
	v21 =	vld.idx.msk [tilespmem:v6+s29+$0x0], $0xffff;
	[tilespmem:s11+$0x20] =	vst v1;
	v1 =	vmax.f32 v4, $0.0e+00  }
0x2d1: {  	s14 =	sor.u32 $0x30, s14;
	s20 =	sor.u32 $0x50, s15;
	v0 =	vld.idx.msk [tilespmem:v0+s30+$0x0], $0xffff;
	[tilespmem:s16+$0x1D000] =	vst v1  }
0x2d2: {  	v4 =	vld.idx.msk [tilespmem:v5+s30+$0x0], $0xffff  }
0x2d3: {  	v1 =	vadd.f32 v10, v12;
	v10 =	vld.idx.msk [tilespmem:v16+s29+$0x0], $0xffff  }
0x2d4: {  	v2 =	vadd.f32 v11, v9;
	v7 =	vld.idx.msk [tilespmem:v7+s29+$0x0], $0xffff  }
0x2d5: {  	v12 =	vld.idx.msk [tilespmem:v17+s30+$0x0], $0xffff  }
0x2d6: {  	v16 =	vld.idx.msk [tilespmem:v18+s30+$0x0], $0xffff  }
0x2d7: {  	v11 =	vadd.f32 v0, v8;
	v6 =	vld.idx.msk [tilespmem:v19+s31+$0x0], $0xffff  }
.Ltmp7:
0x2d8: {  	v9 =	vadd.f32 v4, v21;
	v8 =	vld.idx.msk [tilespmem:v3+s31+$0x0], $0xffff;
	(pc) =	sbr.rel @p0 .LBB2_17-.Ltmp7, $4  }
0x2d9: {  	v3 =	vld.idx.msk [tilespmem:v13+s31+$0x0], $0xffff  }
0x2da: {  	v4 =	vld.idx.msk [tilespmem:v14+s31+$0x0], $0xffff  }
0x2db: {  	v10 =	vadd.f32 v12, v10;
	v5 =	vld.idx.msk [tilespmem:v15+s31+$0x0], $0xffff  }
0x2dc: {  	s7 =	sadd.s32 $0x40, s7;
	v7 =	vadd.f32 v16, v7;
	v0 =	vld.idx.msk [tilespmem:v20+s31+$0x0], $0xffff  }
0x2dd: {  	v1 =	vsub.f32 v1, v6  }
0x2de: {  	v2 =	vsub.f32 v2, v8  }
0x2df: {  	v3 =	vsub.f32 v11, v3;
	v1 =	vmax.f32 v1, $0.0e+00  }
0x2e0: {  	[tilespmem:s11+$0xFFFFFFC0] =	vst v1;
	v1 =	vmax.f32 v2, $0.0e+00;
	v2 =	vsub.f32 v9, v4  }
0x2e1: {  	[tilespmem:s11+$0xFFFFFFD0] =	vst v1;
	v1 =	vmax.f32 v3, $0.0e+00;
	v3 =	vsub.f32 v10, v5  }
0x2e2: {  	v0 =	vsub.f32 v7, v0;
	[tilespmem:s11+$0xFFFFFFE0] =	vst v1;
	v1 =	vmax.f32 v2, $0.0e+00  }
0x2e3: {  	[tilespmem:s14+$0x1D000] =	vst v1;
	v1 =	vmax.f32 v3, $0.0e+00  }
0x2e4: {  	s1 =	sor.u32 $0x7000, s1;
	s2 =	rddreg [dreg:$0x3];
	v0 =	vmax.f32 v0, $0.0e+00;
	[tilespmem:s11+$0x0] =	vst v1  }
0x2e5: {  	s1 =	sadd.s32 s2, s1;
	[tilespmem:s20+$0x1D000] =	vst v0  }
0x2e6: {  	[hbm4b:s1+s26] =	stream.strided.scatter [tilespmem:s3], [sflag:$0x4], $0x1000, s28, s26, $0x38;
	[tilespmem:$0x1E000] =	vst v63  }
0x2e7: {  	s14 =	sadd.s32 $0x2, s23;
	s15 =	rddreg [dreg:$0x10]  }
0x2e8: {  	s1 =	smin.u32 s14, s15  }
0x2e9: {  	s2 =	sshll.u32 s1, $0xB;
	s1 =	sshll.u32 s1, $0x4  }
0x2ea: {  	s1 =	sor.u32 s1, s2  }
0x2eb: {  	s23 =	sand.u32 $0x1FC070, s1  }
0x2ec: {  	s1 =	sadd.s32 s17, s23  }
0x2ed: {  	[tilespmem:s29], [sflag:$0x2] =	stream.strided.gather [hbm4b:s1+s26], $0x4000, s28, s26, $0x38;
	[tilespmem:$0x1E000] =	vst v63  }
0x2ee: {  	s18 =	smov.u32 s5;
	s16 =	sadd.s32 s5, s6;
	s5 =	rddreg [dreg:$0x14]  }
0x2ef: {  	[tilespmem:s30], [sflag:$0x1] =	stream.strided.gather [hbm4b:s16+s26], $0x4000, s28, s26, $0x38;
	[tilespmem:$0x1E000] =	vst v63  }
0x2f0: {  	s19 =	sadd.s32 s5, s6  }
0x2f1: {  	[tilespmem:s31], [sflag:$0x1] =	stream.strided.gather [hbm4b:s19+s26], $0x4000, s28, s26, $0x38;
	[tilespmem:$0x1E000] =	vst v63  }
0x2f2: {  	s19 =	simm.s32 $0x2  }
0x2f3: {  	_ =	swait.ge [sflag:s19], $0x4000  }
0x2f4: {  	[sflag:s19] =	ssyncset.done $0x0  }
0x2f5: {  	[sflag:s19] =	ssyncadd.s32 $0xFFFFC000  }
0x2f6: {  	_ =	swait.ge [sflag:s24], $0x4000  }
0x2f7: {  	[sflag:s24] =	ssyncset.done $0x0  }
0x2f8: {  	[sflag:s24] =	ssyncadd.s32 $0xFFFFC000  }
0x2f9: {  	_ =	swait.ge [sflag:s24], $0x4000  }
0x2fa: {  	[sflag:s24] =	ssyncset.done $0x0  }
0x2fb: {  	[sflag:s24] =	ssyncadd.s32 $0xFFFFC000  }
0x2fc: {  	_ =	swait.ge [sflag:s9], $0x1000  }
0x2fd: {  	[sflag:s9] =	ssyncset.done $0x0  }
0x2fe: {  	s4 =	simm.s32 $0x20;
	[sflag:s9] =	ssyncadd.s32 $0xFFFFF000  }
0x2ff: {  	v0 =	vld [tilespmem:s4+$0x10]  }
0x300: {  	s1 =	simm.s32 $0x4020;
	v1 =	vld [tilespmem:s4+$0xFFFFFFF0]  }
0x301: {  	v2 =	vld [tilespmem:s1+$0x10]  }
0x302: {  	s2 =	simm.s32 $0x8020;
	v3 =	vld [tilespmem:s1+$0xFFFFFFE0]  }
0x303: {  	v4 =	vld [tilespmem:s2+$0x10]  }
0x304: {  	v5 =	vld [tilespmem:s1+$0xFFFFFFF0]  }
0x305: {  	v7 =	vld [tilespmem:s4+$0x0]  }
0x306: {  	v8 =	vld [tilespmem:s1+$0x0];
	v6 =	vand.u32 $0xFFFF, v0  }
0x307: {  	v10 =	vld [tilespmem:s4+$0xFFFFFFE0];
	v0 =	vshrl.u32 v0, $0x10  }
0x308: {  	v11 =	vld [tilespmem:s2+$0xFFFFFFE0];
	v9 =	vand.u32 $0xFFFF, v2  }
0x309: {  	v15 =	vld [tilespmem:s2+$0xFFFFFFF0];
	v2 =	vshrl.u32 v2, $0x10  }
0x30a: {  	v17 =	vld [tilespmem:s2+$0x0];
	v12 =	vand.u32 $0xFFFF, v4  }
0x30b: {  	v4 =	vshrl.u32 v4, $0x10;
	v6 =	vld.idx.msk [tilespmem:v6+s0+$0x0], $0xffff  }
0x30c: {  	v13 =	vand.u32 $0xFFFF, v10;
	v0 =	vld.idx.msk [tilespmem:v0+s0+$0x0], $0xffff  }
0x30d: {  	v10 =	vshrl.u32 v10, $0x10;
	v9 =	vld.idx.msk [tilespmem:v9+s30+$0x0], $0xffff  }
0x30e: {  	v14 =	vand.u32 $0xFFFF, v3;
	v2 =	vld.idx.msk [tilespmem:v2+s30+$0x0], $0xffff  }
0x30f: {  	v3 =	vshrl.u32 v3, $0x10;
	v12 =	vld.idx.msk [tilespmem:v12+s31+$0x0], $0xffff  }
0x310: {  	v16 =	vand.u32 $0xFFFF, v1;
	v4 =	vld.idx.msk [tilespmem:v4+s31+$0x0], $0xffff  }
0x311: {  	v1 =	vshrl.u32 v1, $0x10;
	v13 =	vld.idx.msk [tilespmem:v13+s0+$0x0], $0xffff  }
0x312: {  	v18 =	vand.u32 $0xFFFF, v5;
	v10 =	vld.idx.msk [tilespmem:v10+s0+$0x0], $0xffff  }
0x313: {  	v5 =	vshrl.u32 v5, $0x10;
	v14 =	vld.idx.msk [tilespmem:v14+s30+$0x0], $0xffff  }
0x314: {  	v19 =	vand.u32 $0xFFFF, v7;
	v20 =	vld.idx.msk [tilespmem:v3+s30+$0x0], $0xffff  }
0x315: {  	v63 =	vand.u32 $0xFFFF, v8;
	v3 =	vshrl.u32 v7, $0x10;
	v7 =	vld.idx.msk [tilespmem:v16+s0+$0x0], $0xffff  }
0x316: {  	v21 =	vld.idx.msk [tilespmem:v1+s0+$0x0], $0xffff  }
0x317: {  	v1 =	vshrl.u32 v8, $0x10;
	v18 =	vld.idx.msk [tilespmem:v18+s30+$0x0], $0xffff  }
0x318: {  	v8 =	vand.u32 $0xFFFF, v11;
	v5 =	vld.idx.msk [tilespmem:v5+s30+$0x0], $0xffff  }
0x319: {  	v11 =	vshrl.u32 v11, $0x10;
	v19 =	vld.idx.msk [tilespmem:v19+s0+$0x0], $0xffff  }
0x31a: {  	v22 =	vand.u32 $0xFFFF, v15;
	v16 =	vld.idx.msk [tilespmem:v63+s30+$0x0], $0xffff  }
0x31b: {  	v15 =	vshrl.u32 v15, $0x10;
	v23 =	vld.idx.msk [tilespmem:v3+s0+$0x0], $0xffff  }
0x31c: {  	v24 =	vand.u32 $0xFFFF, v17;
	v3 =	vadd.f32 v9, v6;
	v25 =	vld.idx.msk [tilespmem:v1+s30+$0x0], $0xffff  }
0x31d: {  	v17 =	vshrl.u32 v17, $0x10;
	v0 =	vadd.f32 v2, v0;
	v6 =	vld.idx.msk [tilespmem:v8+s31+$0x0], $0xffff  }
0x31e: {  	v8 =	vld.idx.msk [tilespmem:v11+s31+$0x0], $0xffff;
	v1 =	vsub.f32 v3, v12  }
0x31f: {  	v0 =	vsub.f32 v0, v4;
	v3 =	vld.idx.msk [tilespmem:v22+s31+$0x0], $0xffff  }
0x320: {  	s8 =	simm.s32 $0x60;
	s20 =	simm.s32 $0x40;
	s6 =	simm.s32 $0x1C040;
	v2 =	vadd.f32 v20, v10;
	v11 =	vadd.f32 v18, v7;
	v4 =	vld.idx.msk [tilespmem:v15+s31+$0x0], $0xffff;
	v9 =	vmax.f32 v1, $0.0e+00  }
0x321: {  	s7 =	simm.s32 $0x20;
	s11 =	sor.u32 $0x50, s20;
	s15 =	sor.u32 $0x70, s8;
	v1 =	vadd.f32 v14, v13;
	v0 =	vmax.f32 v0, $0.0e+00;
	[tilespmem:s6+$0x20] =	vst v9;
	v9 =	vadd.f32 v5, v21;
	v5 =	vld.idx.msk [tilespmem:v24+s31+$0x0], $0xffff  }
0x322: {  	s14 =	sor.u32 $0x30, s7;
	s7 =	simm.s32 $0x60;
	s4 =	simm.s32 $0x0;
	v10 =	vadd.f32 v16, v19;
	v7 =	vadd.f32 v25, v23;
	[tilespmem:s15+$0x1C000] =	vst v0;
	v0 =	vld.idx.msk [tilespmem:v17+s31+$0x0], $0xffff  }
.LBB2_19:
0x323: {  	v12 =	vld [tilespmem:s7+$0x10];
	v1 =	vsub.f32 v1, v6  }
0x324: {  	v2 =	vsub.f32 v2, v8;
	s1 =	sadd.s32 $0x40, s1;
	v6 =	vld [tilespmem:s7+$0xFFFFFFF0]  }
0x325: {  	v3 =	vsub.f32 v11, v3;
	v8 =	vld [tilespmem:s1+$0x10];
	v1 =	vmax.f32 v1, $0.0e+00  }
0x326: {  	s4 =	sadd.s32 $0x4, s4;
	s2 =	sadd.s32 $0x40, s2;
	v11 =	vld [tilespmem:s1+$0xFFFFFFE0];
	[tilespmem:s6+$0xFFFFFFC0] =	vst v1;
	v1 =	vmax.f32 v2, $0.0e+00;
	v2 =	vsub.f32 v9, v4  }
0x327: {  	p0 =	slt.u32 s4, $0x7C;
	v4 =	vld [tilespmem:s2+$0x10];
	[tilespmem:s6+$0xFFFFFFD0] =	vst v1;
	v1 =	vmax.f32 v3, $0.0e+00;
	v3 =	vsub.f32 v10, v5  }
0x328: {  	v0 =	vsub.f32 v7, v0;
	v5 =	vld [tilespmem:s1+$0xFFFFFFF0];
	v9 =	vand.u32 $0xFFFF, v12;
	[tilespmem:s6+$0xFFFFFFE0] =	vst v1;
	v1 =	vmax.f32 v2, $0.0e+00  }
0x329: {  	v10 =	vshrl.u32 v12, $0x10;
	v2 =	vand.u32 $0xFFFF, v6;
	v6 =	vshrl.u32 v6, $0x10;
	v7 =	vld [tilespmem:s7+$0x0];
	[tilespmem:s14+$0x1C000] =	vst v1  }
0x32a: {  	v3 =	vmax.f32 v3, $0.0e+00;
	v0 =	vmax.f32 v0, $0.0e+00;
	v1 =	vld [tilespmem:s1+$0x0];
	v12 =	vand.u32 $0xFFFF, v8  }
0x32b: {  	v8 =	vshrl.u32 v8, $0x10;
	v13 =	vld [tilespmem:s7+$0xFFFFFFE0];
	v14 =	vand.u32 $0xFFFF, v11;
	v11 =	vshrl.u32 v11, $0x10;
	[tilespmem:s6+$0x0] =	vst v3  }
0x32c: {  	v3 =	vld [tilespmem:s2+$0xFFFFFFE0];
	v15 =	vand.u32 $0xFFFF, v4;
	[tilespmem:s11+$0x1C000] =	vst v0  }
0x32d: {  	v4 =	vshrl.u32 v4, $0x10;
	v0 =	vand.u32 $0xFFFF, v5;
	v5 =	vshrl.u32 v5, $0x10;
	v9 =	vld.idx.msk [tilespmem:v9+s0+$0x0], $0xffff  }
0x32e: {  	v16 =	vand.u32 $0xFFFF, v7;
	v7 =	vshrl.u32 v7, $0x10;
	v10 =	vld.idx.msk [tilespmem:v10+s0+$0x0], $0xffff  }
0x32f: {  	v17 =	vand.u32 $0xFFFF, v1;
	v18 =	vshrl.u32 v1, $0x10;
	v1 =	vld.idx.msk [tilespmem:v12+s30+$0x0], $0xffff  }
0x330: {  	v12 =	vand.u32 $0xFFFF, v13;
	v13 =	vshrl.u32 v13, $0x10;
	v8 =	vld.idx.msk [tilespmem:v8+s30+$0x0], $0xffff  }
0x331: {  	v19 =	vand.u32 $0xFFFF, v3;
	v3 =	vshrl.u32 v3, $0x10;
	v15 =	vld.idx.msk [tilespmem:v15+s31+$0x0], $0xffff  }
0x332: {  	v4 =	vld.idx.msk [tilespmem:v4+s31+$0x0], $0xffff  }
0x333: {  	v20 =	vld [tilespmem:s2+$0xFFFFFFF0]  }
0x334: {  	v21 =	vld [tilespmem:s2+$0x0]  }
0x335: {  	v1 =	vadd.f32 v1, v9;
	v12 =	vld.idx.msk [tilespmem:v12+s0+$0x0], $0xffff  }
0x336: {  	v8 =	vadd.f32 v8, v10;
	v9 =	vld.idx.msk [tilespmem:v13+s0+$0x0], $0xffff  }
0x337: {  	v1 =	vsub.f32 v1, v15;
	v10 =	vld.idx.msk [tilespmem:v14+s30+$0x0], $0xffff  }
0x338: {  	v4 =	vsub.f32 v8, v4;
	v11 =	vld.idx.msk [tilespmem:v11+s30+$0x0], $0xffff;
	v13 =	vand.u32 $0xFFFF, v20;
	v14 =	vshrl.u32 v20, $0x10  }
0x339: {  	s8 =	sadd.s32 $0x80, s8;
	s6 =	sadd.s32 $0x80, s6;
	v1 =	vmax.f32 v1, $0.0e+00;
	v8 =	vld.idx.msk [tilespmem:v2+s0+$0x0], $0xffff;
	v15 =	vand.u32 $0xFFFF, v21;
	v20 =	vshrl.u32 v21, $0x10  }
0x33a: {  	s15 =	sadd.s32 $0xFFFFFFE0, s8;
	s16 =	sor.u32 $0x70, s8;
	s11 =	sadd.s32 $0xFFFFFFC0, s8;
	v21 =	vld.idx.msk [tilespmem:v6+s0+$0x0], $0xffff;
	[tilespmem:s6+$0x20] =	vst v1;
	v1 =	vmax.f32 v4, $0.0e+00  }
0x33b: {  	s14 =	sor.u32 $0x30, s11;
	s11 =	sor.u32 $0x50, s15;
	v0 =	vld.idx.msk [tilespmem:v0+s30+$0x0], $0xffff;
	[tilespmem:s16+$0x1C000] =	vst v1  }
0x33c: {  	v4 =	vld.idx.msk [tilespmem:v5+s30+$0x0], $0xffff  }
0x33d: {  	v1 =	vadd.f32 v10, v12;
	v10 =	vld.idx.msk [tilespmem:v16+s0+$0x0], $0xffff  }
0x33e: {  	v2 =	vadd.f32 v11, v9;
	v7 =	vld.idx.msk [tilespmem:v7+s0+$0x0], $0xffff  }
0x33f: {  	v12 =	vld.idx.msk [tilespmem:v17+s30+$0x0], $0xffff  }
0x340: {  	v16 =	vld.idx.msk [tilespmem:v18+s30+$0x0], $0xffff  }
0x341: {  	v11 =	vadd.f32 v0, v8;
	v6 =	vld.idx.msk [tilespmem:v19+s31+$0x0], $0xffff  }
.Ltmp8:
0x342: {  	v9 =	vadd.f32 v4, v21;
	v8 =	vld.idx.msk [tilespmem:v3+s31+$0x0], $0xffff;
	(pc) =	sbr.rel @p0 .LBB2_19-.Ltmp8, $4  }
0x343: {  	v3 =	vld.idx.msk [tilespmem:v13+s31+$0x0], $0xffff  }
0x344: {  	v4 =	vld.idx.msk [tilespmem:v14+s31+$0x0], $0xffff  }
0x345: {  	v10 =	vadd.f32 v12, v10;
	v5 =	vld.idx.msk [tilespmem:v15+s31+$0x0], $0xffff  }
0x346: {  	s7 =	sadd.s32 $0x40, s7;
	v7 =	vadd.f32 v16, v7;
	v0 =	vld.idx.msk [tilespmem:v20+s31+$0x0], $0xffff  }
0x347: {  	v1 =	vsub.f32 v1, v6  }
0x348: {  	v2 =	vsub.f32 v2, v8  }
0x349: {  	v3 =	vsub.f32 v11, v3;
	v1 =	vmax.f32 v1, $0.0e+00  }
0x34a: {  	[tilespmem:s6+$0xFFFFFFC0] =	vst v1;
	v1 =	vmax.f32 v2, $0.0e+00;
	v2 =	vsub.f32 v9, v4  }
0x34b: {  	[tilespmem:s6+$0xFFFFFFD0] =	vst v1;
	v1 =	vmax.f32 v3, $0.0e+00;
	v3 =	vsub.f32 v10, v5  }
0x34c: {  	s1 =	sshll.u32 s22, $0x12;
	v0 =	vsub.f32 v7, v0;
	[tilespmem:s6+$0xFFFFFFE0] =	vst v1;
	v1 =	vmax.f32 v2, $0.0e+00  }
0x34d: {  	s1 =	sor.u32 s13, s1;
	[tilespmem:s14+$0x1C000] =	vst v1;
	v1 =	vmax.f32 v3, $0.0e+00  }
0x34e: {  	s20 =	rddreg [dreg:$0x3];
	v0 =	vmax.f32 v0, $0.0e+00;
	[tilespmem:s6+$0x0] =	vst v1;
	s6 =	sshrl.u32 s1, $0x3  }
0x34f: {  	[tilespmem:s11+$0x1C000] =	vst v0;
	s1 =	sadd.s32 s20, s6  }
0x350: {  	[hbm4b:s1+s26] =	stream.strided.scatter [tilespmem:s21], [sflag:$0x3], $0x1000, s28, s26, $0x38;
	[tilespmem:$0x1E000] =	vst v63  }
0x351: {  	_ =	swait.ge [sflag:s10], $0x1000  }
0x352: {  	[sflag:s10] =	ssyncset.done $0x0  }
0x353: {  	s4 =	simm.s32 $0x830;
	[sflag:s10] =	ssyncadd.s32 $0xFFFFF000  }
0x354: {  	v0 =	vld [tilespmem:s4+$0x0]  }
0x355: {  	s1 =	simm.s32 $0x4830;
	v1 =	vld [tilespmem:s4+$0xFFFFFFE0]  }
0x356: {  	v2 =	vld [tilespmem:s1+$0x0]  }
0x357: {  	s2 =	simm.s32 $0x8830;
	v3 =	vld [tilespmem:s1+$0xFFFFFFD0]  }
0x358: {  	v4 =	vld [tilespmem:s2+$0x0]  }
0x359: {  	v5 =	vld [tilespmem:s1+$0xFFFFFFE0]  }
0x35a: {  	v7 =	vld [tilespmem:s4+$0xFFFFFFF0]  }
0x35b: {  	v8 =	vld [tilespmem:s1+$0xFFFFFFF0];
	v6 =	vand.u32 $0xFFFF, v0  }
0x35c: {  	v10 =	vld [tilespmem:s4+$0xFFFFFFD0];
	v0 =	vshrl.u32 v0, $0x10  }
0x35d: {  	v11 =	vld [tilespmem:s2+$0xFFFFFFD0];
	v9 =	vand.u32 $0xFFFF, v2  }
0x35e: {  	v15 =	vld [tilespmem:s2+$0xFFFFFFE0];
	v2 =	vshrl.u32 v2, $0x10  }
0x35f: {  	v17 =	vld [tilespmem:s2+$0xFFFFFFF0];
	v12 =	vand.u32 $0xFFFF, v4  }
0x360: {  	v4 =	vshrl.u32 v4, $0x10;
	v6 =	vld.idx.msk [tilespmem:v6+s0+$0x0], $0xffff  }
0x361: {  	v13 =	vand.u32 $0xFFFF, v10;
	v0 =	vld.idx.msk [tilespmem:v0+s0+$0x0], $0xffff  }
0x362: {  	v10 =	vshrl.u32 v10, $0x10;
	v9 =	vld.idx.msk [tilespmem:v9+s30+$0x0], $0xffff  }
0x363: {  	v14 =	vand.u32 $0xFFFF, v3;
	v2 =	vld.idx.msk [tilespmem:v2+s30+$0x0], $0xffff  }
0x364: {  	v3 =	vshrl.u32 v3, $0x10;
	v12 =	vld.idx.msk [tilespmem:v12+s31+$0x0], $0xffff  }
0x365: {  	v16 =	vand.u32 $0xFFFF, v1;
	v4 =	vld.idx.msk [tilespmem:v4+s31+$0x0], $0xffff  }
0x366: {  	v1 =	vshrl.u32 v1, $0x10;
	v13 =	vld.idx.msk [tilespmem:v13+s0+$0x0], $0xffff  }
0x367: {  	v18 =	vand.u32 $0xFFFF, v5;
	v10 =	vld.idx.msk [tilespmem:v10+s0+$0x0], $0xffff  }
0x368: {  	v5 =	vshrl.u32 v5, $0x10;
	v14 =	vld.idx.msk [tilespmem:v14+s30+$0x0], $0xffff  }
0x369: {  	v19 =	vand.u32 $0xFFFF, v7;
	v20 =	vld.idx.msk [tilespmem:v3+s30+$0x0], $0xffff  }
0x36a: {  	v63 =	vand.u32 $0xFFFF, v8;
	v3 =	vshrl.u32 v7, $0x10;
	v7 =	vld.idx.msk [tilespmem:v16+s0+$0x0], $0xffff  }
0x36b: {  	v21 =	vld.idx.msk [tilespmem:v1+s0+$0x0], $0xffff  }
0x36c: {  	v1 =	vshrl.u32 v8, $0x10;
	v18 =	vld.idx.msk [tilespmem:v18+s30+$0x0], $0xffff  }
0x36d: {  	v8 =	vand.u32 $0xFFFF, v11;
	v5 =	vld.idx.msk [tilespmem:v5+s30+$0x0], $0xffff  }
0x36e: {  	v11 =	vshrl.u32 v11, $0x10;
	v19 =	vld.idx.msk [tilespmem:v19+s0+$0x0], $0xffff  }
0x36f: {  	v22 =	vand.u32 $0xFFFF, v15;
	v16 =	vld.idx.msk [tilespmem:v63+s30+$0x0], $0xffff  }
0x370: {  	v15 =	vshrl.u32 v15, $0x10;
	v23 =	vld.idx.msk [tilespmem:v3+s0+$0x0], $0xffff  }
0x371: {  	v24 =	vand.u32 $0xFFFF, v17;
	v3 =	vadd.f32 v9, v6;
	v25 =	vld.idx.msk [tilespmem:v1+s30+$0x0], $0xffff  }
0x372: {  	v17 =	vshrl.u32 v17, $0x10;
	v0 =	vadd.f32 v2, v0;
	v6 =	vld.idx.msk [tilespmem:v8+s31+$0x0], $0xffff  }
0x373: {  	v8 =	vld.idx.msk [tilespmem:v11+s31+$0x0], $0xffff;
	v1 =	vsub.f32 v3, v12  }
0x374: {  	v0 =	vsub.f32 v0, v4;
	v3 =	vld.idx.msk [tilespmem:v22+s31+$0x0], $0xffff  }
0x375: {  	s8 =	simm.s32 $0x1D040;
	s22 =	simm.s32 $0x40;
	s11 =	simm.s32 $0x60;
	v2 =	vadd.f32 v20, v10;
	v11 =	vadd.f32 v18, v7;
	v4 =	vld.idx.msk [tilespmem:v15+s31+$0x0], $0xffff;
	v9 =	vmax.f32 v1, $0.0e+00  }
0x376: {  	s7 =	simm.s32 $0x20;
	s13 =	sor.u32 $0x50, s22;
	s15 =	sor.u32 $0x70, s11;
	v1 =	vadd.f32 v14, v13;
	v0 =	vmax.f32 v0, $0.0e+00;
	[tilespmem:s8+$0x20] =	vst v9;
	v9 =	vadd.f32 v5, v21;
	v5 =	vld.idx.msk [tilespmem:v24+s31+$0x0], $0xffff  }
0x377: {  	s14 =	sor.u32 $0x30, s7;
	s7 =	simm.s32 $0x870;
	s4 =	simm.s32 $0x0;
	v10 =	vadd.f32 v16, v19;
	v7 =	vadd.f32 v25, v23;
	[tilespmem:s15+$0x1D000] =	vst v0;
	v0 =	vld.idx.msk [tilespmem:v17+s31+$0x0], $0xffff  }
.LBB2_21:
0x378: {  	v12 =	vld [tilespmem:s7+$0x0];
	v1 =	vsub.f32 v1, v6  }
0x379: {  	v2 =	vsub.f32 v2, v8;
	s1 =	sadd.s32 $0x40, s1;
	v6 =	vld [tilespmem:s7+$0xFFFFFFE0]  }
0x37a: {  	v3 =	vsub.f32 v11, v3;
	v8 =	vld [tilespmem:s1+$0x0];
	v1 =	vmax.f32 v1, $0.0e+00  }
0x37b: {  	s4 =	sadd.s32 $0x4, s4;
	s2 =	sadd.s32 $0x40, s2;
	v11 =	vld [tilespmem:s1+$0xFFFFFFD0];
	[tilespmem:s8+$0xFFFFFFC0] =	vst v1;
	v1 =	vmax.f32 v2, $0.0e+00;
	v2 =	vsub.f32 v9, v4  }
0x37c: {  	p0 =	slt.u32 s4, $0x7C;
	v4 =	vld [tilespmem:s2+$0x0];
	[tilespmem:s8+$0xFFFFFFD0] =	vst v1;
	v1 =	vmax.f32 v3, $0.0e+00;
	v3 =	vsub.f32 v10, v5  }
0x37d: {  	v0 =	vsub.f32 v7, v0;
	v5 =	vld [tilespmem:s1+$0xFFFFFFE0];
	v9 =	vand.u32 $0xFFFF, v12;
	[tilespmem:s8+$0xFFFFFFE0] =	vst v1;
	v1 =	vmax.f32 v2, $0.0e+00  }
0x37e: {  	v10 =	vshrl.u32 v12, $0x10;
	v2 =	vand.u32 $0xFFFF, v6;
	v6 =	vshrl.u32 v6, $0x10;
	v7 =	vld [tilespmem:s7+$0xFFFFFFF0];
	[tilespmem:s14+$0x1D000] =	vst v1  }
0x37f: {  	v3 =	vmax.f32 v3, $0.0e+00;
	v0 =	vmax.f32 v0, $0.0e+00;
	v1 =	vld [tilespmem:s1+$0xFFFFFFF0];
	v12 =	vand.u32 $0xFFFF, v8  }
0x380: {  	v8 =	vshrl.u32 v8, $0x10;
	v13 =	vld [tilespmem:s7+$0xFFFFFFD0];
	v14 =	vand.u32 $0xFFFF, v11;
	v11 =	vshrl.u32 v11, $0x10;
	[tilespmem:s8+$0x0] =	vst v3  }
0x381: {  	v3 =	vld [tilespmem:s2+$0xFFFFFFD0];
	v15 =	vand.u32 $0xFFFF, v4;
	[tilespmem:s13+$0x1D000] =	vst v0  }
0x382: {  	v4 =	vshrl.u32 v4, $0x10;
	v0 =	vand.u32 $0xFFFF, v5;
	v5 =	vshrl.u32 v5, $0x10;
	v9 =	vld.idx.msk [tilespmem:v9+s0+$0x0], $0xffff  }
0x383: {  	v16 =	vand.u32 $0xFFFF, v7;
	v7 =	vshrl.u32 v7, $0x10;
	v10 =	vld.idx.msk [tilespmem:v10+s0+$0x0], $0xffff  }
0x384: {  	v17 =	vand.u32 $0xFFFF, v1;
	v18 =	vshrl.u32 v1, $0x10;
	v1 =	vld.idx.msk [tilespmem:v12+s30+$0x0], $0xffff  }
0x385: {  	v12 =	vand.u32 $0xFFFF, v13;
	v13 =	vshrl.u32 v13, $0x10;
	v8 =	vld.idx.msk [tilespmem:v8+s30+$0x0], $0xffff  }
0x386: {  	v19 =	vand.u32 $0xFFFF, v3;
	v3 =	vshrl.u32 v3, $0x10;
	v15 =	vld.idx.msk [tilespmem:v15+s31+$0x0], $0xffff  }
0x387: {  	v4 =	vld.idx.msk [tilespmem:v4+s31+$0x0], $0xffff  }
0x388: {  	v20 =	vld [tilespmem:s2+$0xFFFFFFE0]  }
0x389: {  	v21 =	vld [tilespmem:s2+$0xFFFFFFF0]  }
0x38a: {  	v1 =	vadd.f32 v1, v9;
	v12 =	vld.idx.msk [tilespmem:v12+s0+$0x0], $0xffff  }
0x38b: {  	v8 =	vadd.f32 v8, v10;
	v9 =	vld.idx.msk [tilespmem:v13+s0+$0x0], $0xffff  }
0x38c: {  	v1 =	vsub.f32 v1, v15;
	v10 =	vld.idx.msk [tilespmem:v14+s30+$0x0], $0xffff  }
0x38d: {  	v4 =	vsub.f32 v8, v4;
	v11 =	vld.idx.msk [tilespmem:v11+s30+$0x0], $0xffff;
	v13 =	vand.u32 $0xFFFF, v20;
	v14 =	vshrl.u32 v20, $0x10  }
0x38e: {  	s11 =	sadd.s32 $0x80, s11;
	s8 =	sadd.s32 $0x80, s8;
	v1 =	vmax.f32 v1, $0.0e+00;
	v8 =	vld.idx.msk [tilespmem:v2+s0+$0x0], $0xffff;
	v15 =	vand.u32 $0xFFFF, v21;
	v20 =	vshrl.u32 v21, $0x10  }
0x38f: {  	s15 =	sadd.s32 $0xFFFFFFE0, s11;
	s16 =	sor.u32 $0x70, s11;
	s13 =	sadd.s32 $0xFFFFFFC0, s11;
	v21 =	vld.idx.msk [tilespmem:v6+s0+$0x0], $0xffff;
	[tilespmem:s8+$0x20] =	vst v1;
	v1 =	vmax.f32 v4, $0.0e+00  }
0x390: {  	s14 =	sor.u32 $0x30, s13;
	s13 =	sor.u32 $0x50, s15;
	v0 =	vld.idx.msk [tilespmem:v0+s30+$0x0], $0xffff;
	[tilespmem:s16+$0x1D000] =	vst v1  }
0x391: {  	v4 =	vld.idx.msk [tilespmem:v5+s30+$0x0], $0xffff  }
0x392: {  	v1 =	vadd.f32 v10, v12;
	v10 =	vld.idx.msk [tilespmem:v16+s0+$0x0], $0xffff  }
0x393: {  	v2 =	vadd.f32 v11, v9;
	v7 =	vld.idx.msk [tilespmem:v7+s0+$0x0], $0xffff  }
0x394: {  	v12 =	vld.idx.msk [tilespmem:v17+s30+$0x0], $0xffff  }
0x395: {  	v16 =	vld.idx.msk [tilespmem:v18+s30+$0x0], $0xffff  }
0x396: {  	v11 =	vadd.f32 v0, v8;
	v6 =	vld.idx.msk [tilespmem:v19+s31+$0x0], $0xffff  }
.Ltmp9:
0x397: {  	v9 =	vadd.f32 v4, v21;
	v8 =	vld.idx.msk [tilespmem:v3+s31+$0x0], $0xffff;
	(pc) =	sbr.rel @p0 .LBB2_21-.Ltmp9, $4  }
0x398: {  	v3 =	vld.idx.msk [tilespmem:v13+s31+$0x0], $0xffff  }
0x399: {  	v4 =	vld.idx.msk [tilespmem:v14+s31+$0x0], $0xffff  }
0x39a: {  	v10 =	vadd.f32 v12, v10;
	v5 =	vld.idx.msk [tilespmem:v15+s31+$0x0], $0xffff  }
0x39b: {  	s7 =	sadd.s32 $0x40, s7;
	v7 =	vadd.f32 v16, v7;
	v0 =	vld.idx.msk [tilespmem:v20+s31+$0x0], $0xffff  }
0x39c: {  	v1 =	vsub.f32 v1, v6  }
0x39d: {  	v2 =	vsub.f32 v2, v8  }
0x39e: {  	v3 =	vsub.f32 v11, v3;
	v1 =	vmax.f32 v1, $0.0e+00  }
0x39f: {  	[tilespmem:s8+$0xFFFFFFC0] =	vst v1;
	v1 =	vmax.f32 v2, $0.0e+00;
	v2 =	vsub.f32 v9, v4  }
0x3a0: {  	[tilespmem:s8+$0xFFFFFFD0] =	vst v1;
	v1 =	vmax.f32 v3, $0.0e+00;
	v3 =	vsub.f32 v10, v5  }
0x3a1: {  	v0 =	vsub.f32 v7, v0;
	[tilespmem:s8+$0xFFFFFFE0] =	vst v1;
	v1 =	vmax.f32 v2, $0.0e+00  }
0x3a2: {  	[tilespmem:s14+$0x1D000] =	vst v1;
	v1 =	vmax.f32 v3, $0.0e+00  }
0x3a3: {  	v0 =	vmax.f32 v0, $0.0e+00;
	[tilespmem:s8+$0x0] =	vst v1  }
0x3a4: {  	[tilespmem:s13+$0x1D000] =	vst v0  }
0x3a5: {  	s1 =	rddreg [dreg:$0xb]  }
0x3a6: {  	s1 =	sadd.s32 s6, s1  }
0x3a7: {  	[hbm4b:s1+s26] =	stream.strided.scatter [tilespmem:s3], [sflag:$0x4], $0x1000, s28, s26, $0x38;
	[tilespmem:$0x1E000] =	vst v63  }
0x3a8: {  	_ =	swait.ge [sflag:s9], $0x1000  }
0x3a9: {  	[sflag:s9] =	ssyncset.done $0x0  }
0x3aa: {  	s4 =	simm.s32 $0x1030;
	[sflag:s9] =	ssyncadd.s32 $0xFFFFF000  }
0x3ab: {  	v0 =	vld [tilespmem:s4+$0x0]  }
0x3ac: {  	s1 =	simm.s32 $0x5030;
	v1 =	vld [tilespmem:s4+$0xFFFFFFE0]  }
0x3ad: {  	v2 =	vld [tilespmem:s1+$0x0]  }
0x3ae: {  	s2 =	simm.s32 $0x9030;
	v3 =	vld [tilespmem:s1+$0xFFFFFFD0]  }
0x3af: {  	v4 =	vld [tilespmem:s2+$0x0]  }
0x3b0: {  	v5 =	vld [tilespmem:s1+$0xFFFFFFE0]  }
0x3b1: {  	v7 =	vld [tilespmem:s4+$0xFFFFFFF0]  }
0x3b2: {  	v8 =	vld [tilespmem:s1+$0xFFFFFFF0];
	v6 =	vand.u32 $0xFFFF, v0  }
0x3b3: {  	v10 =	vld [tilespmem:s4+$0xFFFFFFD0];
	v0 =	vshrl.u32 v0, $0x10  }
0x3b4: {  	v11 =	vld [tilespmem:s2+$0xFFFFFFD0];
	v9 =	vand.u32 $0xFFFF, v2  }
0x3b5: {  	v15 =	vld [tilespmem:s2+$0xFFFFFFE0];
	v2 =	vshrl.u32 v2, $0x10  }
0x3b6: {  	v17 =	vld [tilespmem:s2+$0xFFFFFFF0];
	v12 =	vand.u32 $0xFFFF, v4  }
0x3b7: {  	v4 =	vshrl.u32 v4, $0x10;
	v6 =	vld.idx.msk [tilespmem:v6+s0+$0x0], $0xffff  }
0x3b8: {  	v13 =	vand.u32 $0xFFFF, v10;
	v0 =	vld.idx.msk [tilespmem:v0+s0+$0x0], $0xffff  }
0x3b9: {  	v10 =	vshrl.u32 v10, $0x10;
	v9 =	vld.idx.msk [tilespmem:v9+s30+$0x0], $0xffff  }
0x3ba: {  	v14 =	vand.u32 $0xFFFF, v3;
	v2 =	vld.idx.msk [tilespmem:v2+s30+$0x0], $0xffff  }
0x3bb: {  	v3 =	vshrl.u32 v3, $0x10;
	v12 =	vld.idx.msk [tilespmem:v12+s31+$0x0], $0xffff  }
0x3bc: {  	v16 =	vand.u32 $0xFFFF, v1;
	v4 =	vld.idx.msk [tilespmem:v4+s31+$0x0], $0xffff  }
0x3bd: {  	v1 =	vshrl.u32 v1, $0x10;
	v13 =	vld.idx.msk [tilespmem:v13+s0+$0x0], $0xffff  }
0x3be: {  	v18 =	vand.u32 $0xFFFF, v5;
	v10 =	vld.idx.msk [tilespmem:v10+s0+$0x0], $0xffff  }
0x3bf: {  	v5 =	vshrl.u32 v5, $0x10;
	v14 =	vld.idx.msk [tilespmem:v14+s30+$0x0], $0xffff  }
0x3c0: {  	v19 =	vand.u32 $0xFFFF, v7;
	v20 =	vld.idx.msk [tilespmem:v3+s30+$0x0], $0xffff  }
0x3c1: {  	v63 =	vand.u32 $0xFFFF, v8;
	v3 =	vshrl.u32 v7, $0x10;
	v7 =	vld.idx.msk [tilespmem:v16+s0+$0x0], $0xffff  }
0x3c2: {  	v21 =	vld.idx.msk [tilespmem:v1+s0+$0x0], $0xffff  }
0x3c3: {  	v1 =	vshrl.u32 v8, $0x10;
	v18 =	vld.idx.msk [tilespmem:v18+s30+$0x0], $0xffff  }
0x3c4: {  	v8 =	vand.u32 $0xFFFF, v11;
	v5 =	vld.idx.msk [tilespmem:v5+s30+$0x0], $0xffff  }
0x3c5: {  	v11 =	vshrl.u32 v11, $0x10;
	v19 =	vld.idx.msk [tilespmem:v19+s0+$0x0], $0xffff  }
0x3c6: {  	v22 =	vand.u32 $0xFFFF, v15;
	v16 =	vld.idx.msk [tilespmem:v63+s30+$0x0], $0xffff  }
0x3c7: {  	v15 =	vshrl.u32 v15, $0x10;
	v23 =	vld.idx.msk [tilespmem:v3+s0+$0x0], $0xffff  }
0x3c8: {  	v24 =	vand.u32 $0xFFFF, v17;
	v3 =	vadd.f32 v9, v6;
	v25 =	vld.idx.msk [tilespmem:v1+s30+$0x0], $0xffff  }
0x3c9: {  	v17 =	vshrl.u32 v17, $0x10;
	v0 =	vadd.f32 v2, v0;
	v6 =	vld.idx.msk [tilespmem:v8+s31+$0x0], $0xffff  }
0x3ca: {  	v8 =	vld.idx.msk [tilespmem:v11+s31+$0x0], $0xffff;
	v1 =	vsub.f32 v3, v12  }
0x3cb: {  	v0 =	vsub.f32 v0, v4;
	v3 =	vld.idx.msk [tilespmem:v22+s31+$0x0], $0xffff  }
0x3cc: {  	s11 =	simm.s32 $0x60;
	s7 =	simm.s32 $0x20;
	s8 =	simm.s32 $0x1C040;
	v2 =	vadd.f32 v20, v10;
	v11 =	vadd.f32 v18, v7;
	v4 =	vld.idx.msk [tilespmem:v15+s31+$0x0], $0xffff;
	v9 =	vmax.f32 v1, $0.0e+00  }
0x3cd: {  	s22 =	simm.s32 $0x40;
	s15 =	sor.u32 $0x70, s11;
	s14 =	sor.u32 $0x30, s7;
	v1 =	vadd.f32 v14, v13;
	v0 =	vmax.f32 v0, $0.0e+00;
	[tilespmem:s8+$0x20] =	vst v9;
	v9 =	vadd.f32 v5, v21;
	v5 =	vld.idx.msk [tilespmem:v24+s31+$0x0], $0xffff  }
0x3ce: {  	s7 =	simm.s32 $0x1070;
	s13 =	sor.u32 $0x50, s22;
	s4 =	simm.s32 $0x0;
	v10 =	vadd.f32 v16, v19;
	v7 =	vadd.f32 v25, v23;
	[tilespmem:s15+$0x1C000] =	vst v0;
	v0 =	vld.idx.msk [tilespmem:v17+s31+$0x0], $0xffff  }
.LBB2_23:
0x3cf: {  	v12 =	vld [tilespmem:s7+$0x0];
	v1 =	vsub.f32 v1, v6  }
0x3d0: {  	v2 =	vsub.f32 v2, v8;
	s1 =	sadd.s32 $0x40, s1;
	v6 =	vld [tilespmem:s7+$0xFFFFFFE0]  }
0x3d1: {  	v3 =	vsub.f32 v11, v3;
	v8 =	vld [tilespmem:s1+$0x0];
	v1 =	vmax.f32 v1, $0.0e+00  }
0x3d2: {  	s4 =	sadd.s32 $0x4, s4;
	s2 =	sadd.s32 $0x40, s2;
	v11 =	vld [tilespmem:s1+$0xFFFFFFD0];
	[tilespmem:s8+$0xFFFFFFC0] =	vst v1;
	v1 =	vmax.f32 v2, $0.0e+00;
	v2 =	vsub.f32 v9, v4  }
0x3d3: {  	p0 =	slt.u32 s4, $0x7C;
	v4 =	vld [tilespmem:s2+$0x0];
	[tilespmem:s8+$0xFFFFFFD0] =	vst v1;
	v1 =	vmax.f32 v3, $0.0e+00;
	v3 =	vsub.f32 v10, v5  }
0x3d4: {  	v0 =	vsub.f32 v7, v0;
	v5 =	vld [tilespmem:s1+$0xFFFFFFE0];
	v9 =	vand.u32 $0xFFFF, v12;
	[tilespmem:s8+$0xFFFFFFE0] =	vst v1;
	v1 =	vmax.f32 v2, $0.0e+00  }
0x3d5: {  	v10 =	vshrl.u32 v12, $0x10;
	v2 =	vand.u32 $0xFFFF, v6;
	v6 =	vshrl.u32 v6, $0x10;
	v7 =	vld [tilespmem:s7+$0xFFFFFFF0];
	[tilespmem:s14+$0x1C000] =	vst v1  }
0x3d6: {  	v3 =	vmax.f32 v3, $0.0e+00;
	v0 =	vmax.f32 v0, $0.0e+00;
	v1 =	vld [tilespmem:s1+$0xFFFFFFF0];
	v12 =	vand.u32 $0xFFFF, v8  }
0x3d7: {  	v8 =	vshrl.u32 v8, $0x10;
	v13 =	vld [tilespmem:s7+$0xFFFFFFD0];
	v14 =	vand.u32 $0xFFFF, v11;
	v11 =	vshrl.u32 v11, $0x10;
	[tilespmem:s8+$0x0] =	vst v3  }
0x3d8: {  	v3 =	vld [tilespmem:s2+$0xFFFFFFD0];
	v15 =	vand.u32 $0xFFFF, v4;
	[tilespmem:s13+$0x1C000] =	vst v0  }
0x3d9: {  	v4 =	vshrl.u32 v4, $0x10;
	v0 =	vand.u32 $0xFFFF, v5;
	v5 =	vshrl.u32 v5, $0x10;
	v9 =	vld.idx.msk [tilespmem:v9+s0+$0x0], $0xffff  }
0x3da: {  	v16 =	vand.u32 $0xFFFF, v7;
	v7 =	vshrl.u32 v7, $0x10;
	v10 =	vld.idx.msk [tilespmem:v10+s0+$0x0], $0xffff  }
0x3db: {  	v17 =	vand.u32 $0xFFFF, v1;
	v18 =	vshrl.u32 v1, $0x10;
	v1 =	vld.idx.msk [tilespmem:v12+s30+$0x0], $0xffff  }
0x3dc: {  	v12 =	vand.u32 $0xFFFF, v13;
	v13 =	vshrl.u32 v13, $0x10;
	v8 =	vld.idx.msk [tilespmem:v8+s30+$0x0], $0xffff  }
0x3dd: {  	v19 =	vand.u32 $0xFFFF, v3;
	v3 =	vshrl.u32 v3, $0x10;
	v15 =	vld.idx.msk [tilespmem:v15+s31+$0x0], $0xffff  }
0x3de: {  	v4 =	vld.idx.msk [tilespmem:v4+s31+$0x0], $0xffff  }
0x3df: {  	v20 =	vld [tilespmem:s2+$0xFFFFFFE0]  }
0x3e0: {  	v21 =	vld [tilespmem:s2+$0xFFFFFFF0]  }
0x3e1: {  	v1 =	vadd.f32 v1, v9;
	v12 =	vld.idx.msk [tilespmem:v12+s0+$0x0], $0xffff  }
0x3e2: {  	v8 =	vadd.f32 v8, v10;
	v9 =	vld.idx.msk [tilespmem:v13+s0+$0x0], $0xffff  }
0x3e3: {  	v1 =	vsub.f32 v1, v15;
	v10 =	vld.idx.msk [tilespmem:v14+s30+$0x0], $0xffff  }
0x3e4: {  	v4 =	vsub.f32 v8, v4;
	v11 =	vld.idx.msk [tilespmem:v11+s30+$0x0], $0xffff;
	v13 =	vand.u32 $0xFFFF, v20;
	v14 =	vshrl.u32 v20, $0x10  }
0x3e5: {  	s11 =	sadd.s32 $0x80, s11;
	s8 =	sadd.s32 $0x80, s8;
	v1 =	vmax.f32 v1, $0.0e+00;
	v8 =	vld.idx.msk [tilespmem:v2+s0+$0x0], $0xffff;
	v15 =	vand.u32 $0xFFFF, v21;
	v20 =	vshrl.u32 v21, $0x10  }
0x3e6: {  	s15 =	sadd.s32 $0xFFFFFFE0, s11;
	s16 =	sor.u32 $0x70, s11;
	s13 =	sadd.s32 $0xFFFFFFC0, s11;
	v21 =	vld.idx.msk [tilespmem:v6+s0+$0x0], $0xffff;
	[tilespmem:s8+$0x20] =	vst v1;
	v1 =	vmax.f32 v4, $0.0e+00  }
0x3e7: {  	s14 =	sor.u32 $0x30, s13;
	s13 =	sor.u32 $0x50, s15;
	v0 =	vld.idx.msk [tilespmem:v0+s30+$0x0], $0xffff;
	[tilespmem:s16+$0x1C000] =	vst v1  }
0x3e8: {  	v4 =	vld.idx.msk [tilespmem:v5+s30+$0x0], $0xffff  }
0x3e9: {  	v1 =	vadd.f32 v10, v12;
	v10 =	vld.idx.msk [tilespmem:v16+s0+$0x0], $0xffff  }
0x3ea: {  	v2 =	vadd.f32 v11, v9;
	v7 =	vld.idx.msk [tilespmem:v7+s0+$0x0], $0xffff  }
0x3eb: {  	v12 =	vld.idx.msk [tilespmem:v17+s30+$0x0], $0xffff  }
0x3ec: {  	v16 =	vld.idx.msk [tilespmem:v18+s30+$0x0], $0xffff  }
0x3ed: {  	v11 =	vadd.f32 v0, v8;
	v6 =	vld.idx.msk [tilespmem:v19+s31+$0x0], $0xffff  }
.Ltmp10:
0x3ee: {  	v9 =	vadd.f32 v4, v21;
	v8 =	vld.idx.msk [tilespmem:v3+s31+$0x0], $0xffff;
	(pc) =	sbr.rel @p0 .LBB2_23-.Ltmp10, $4  }
0x3ef: {  	v3 =	vld.idx.msk [tilespmem:v13+s31+$0x0], $0xffff  }
0x3f0: {  	v4 =	vld.idx.msk [tilespmem:v14+s31+$0x0], $0xffff  }
0x3f1: {  	v10 =	vadd.f32 v12, v10;
	v5 =	vld.idx.msk [tilespmem:v15+s31+$0x0], $0xffff  }
0x3f2: {  	s7 =	sadd.s32 $0x40, s7;
	v7 =	vadd.f32 v16, v7;
	v0 =	vld.idx.msk [tilespmem:v20+s31+$0x0], $0xffff  }
0x3f3: {  	v1 =	vsub.f32 v1, v6  }
0x3f4: {  	v2 =	vsub.f32 v2, v8  }
0x3f5: {  	v3 =	vsub.f32 v11, v3;
	v1 =	vmax.f32 v1, $0.0e+00  }
0x3f6: {  	[tilespmem:s8+$0xFFFFFFC0] =	vst v1;
	v1 =	vmax.f32 v2, $0.0e+00;
	v2 =	vsub.f32 v9, v4  }
0x3f7: {  	[tilespmem:s8+$0xFFFFFFD0] =	vst v1;
	v1 =	vmax.f32 v3, $0.0e+00;
	v3 =	vsub.f32 v10, v5  }
0x3f8: {  	v0 =	vsub.f32 v7, v0;
	[tilespmem:s8+$0xFFFFFFE0] =	vst v1;
	v1 =	vmax.f32 v2, $0.0e+00  }
0x3f9: {  	[tilespmem:s14+$0x1C000] =	vst v1;
	v1 =	vmax.f32 v3, $0.0e+00  }
0x3fa: {  	v0 =	vmax.f32 v0, $0.0e+00;
	[tilespmem:s8+$0x0] =	vst v1  }
0x3fb: {  	[tilespmem:s13+$0x1C000] =	vst v0  }
0x3fc: {  	s1 =	rddreg [dreg:$0xc]  }
0x3fd: {  	s1 =	sadd.s32 s6, s1  }
0x3fe: {  	[hbm4b:s1+s26] =	stream.strided.scatter [tilespmem:s21], [sflag:$0x3], $0x1000, s28, s26, $0x38;
	[tilespmem:$0x1E000] =	vst v63  }
0x3ff: {  	_ =	swait.ge [sflag:s10], $0x1000  }
0x400: {  	[sflag:s10] =	ssyncset.done $0x0  }
0x401: {  	s4 =	simm.s32 $0x1830;
	[sflag:s10] =	ssyncadd.s32 $0xFFFFF000  }
0x402: {  	v0 =	vld [tilespmem:s4+$0x0]  }
0x403: {  	s1 =	simm.s32 $0x5830;
	v1 =	vld [tilespmem:s4+$0xFFFFFFE0]  }
0x404: {  	v2 =	vld [tilespmem:s1+$0x0]  }
0x405: {  	s2 =	simm.s32 $0x9830;
	v3 =	vld [tilespmem:s1+$0xFFFFFFD0]  }
0x406: {  	v4 =	vld [tilespmem:s2+$0x0]  }
0x407: {  	v5 =	vld [tilespmem:s1+$0xFFFFFFE0]  }
0x408: {  	v7 =	vld [tilespmem:s4+$0xFFFFFFF0]  }
0x409: {  	v8 =	vld [tilespmem:s1+$0xFFFFFFF0];
	v6 =	vand.u32 $0xFFFF, v0  }
0x40a: {  	v10 =	vld [tilespmem:s4+$0xFFFFFFD0];
	v0 =	vshrl.u32 v0, $0x10  }
0x40b: {  	v11 =	vld [tilespmem:s2+$0xFFFFFFD0];
	v9 =	vand.u32 $0xFFFF, v2  }
0x40c: {  	v15 =	vld [tilespmem:s2+$0xFFFFFFE0];
	v2 =	vshrl.u32 v2, $0x10  }
0x40d: {  	v17 =	vld [tilespmem:s2+$0xFFFFFFF0];
	v12 =	vand.u32 $0xFFFF, v4  }
0x40e: {  	v4 =	vshrl.u32 v4, $0x10;
	v6 =	vld.idx.msk [tilespmem:v6+s0+$0x0], $0xffff  }
0x40f: {  	v13 =	vand.u32 $0xFFFF, v10;
	v0 =	vld.idx.msk [tilespmem:v0+s0+$0x0], $0xffff  }
0x410: {  	v10 =	vshrl.u32 v10, $0x10;
	v9 =	vld.idx.msk [tilespmem:v9+s30+$0x0], $0xffff  }
0x411: {  	v14 =	vand.u32 $0xFFFF, v3;
	v2 =	vld.idx.msk [tilespmem:v2+s30+$0x0], $0xffff  }
0x412: {  	v3 =	vshrl.u32 v3, $0x10;
	v12 =	vld.idx.msk [tilespmem:v12+s31+$0x0], $0xffff  }
0x413: {  	v16 =	vand.u32 $0xFFFF, v1;
	v4 =	vld.idx.msk [tilespmem:v4+s31+$0x0], $0xffff  }
0x414: {  	v1 =	vshrl.u32 v1, $0x10;
	v13 =	vld.idx.msk [tilespmem:v13+s0+$0x0], $0xffff  }
0x415: {  	v18 =	vand.u32 $0xFFFF, v5;
	v10 =	vld.idx.msk [tilespmem:v10+s0+$0x0], $0xffff  }
0x416: {  	v5 =	vshrl.u32 v5, $0x10;
	v14 =	vld.idx.msk [tilespmem:v14+s30+$0x0], $0xffff  }
0x417: {  	v19 =	vand.u32 $0xFFFF, v7;
	v20 =	vld.idx.msk [tilespmem:v3+s30+$0x0], $0xffff  }
0x418: {  	v63 =	vand.u32 $0xFFFF, v8;
	v3 =	vshrl.u32 v7, $0x10;
	v7 =	vld.idx.msk [tilespmem:v16+s0+$0x0], $0xffff  }
0x419: {  	v21 =	vld.idx.msk [tilespmem:v1+s0+$0x0], $0xffff  }
0x41a: {  	v1 =	vshrl.u32 v8, $0x10;
	v18 =	vld.idx.msk [tilespmem:v18+s30+$0x0], $0xffff  }
0x41b: {  	v8 =	vand.u32 $0xFFFF, v11;
	v5 =	vld.idx.msk [tilespmem:v5+s30+$0x0], $0xffff  }
0x41c: {  	v11 =	vshrl.u32 v11, $0x10;
	v19 =	vld.idx.msk [tilespmem:v19+s0+$0x0], $0xffff  }
0x41d: {  	v22 =	vand.u32 $0xFFFF, v15;
	v16 =	vld.idx.msk [tilespmem:v63+s30+$0x0], $0xffff  }
0x41e: {  	v15 =	vshrl.u32 v15, $0x10;
	v23 =	vld.idx.msk [tilespmem:v3+s0+$0x0], $0xffff  }
0x41f: {  	v24 =	vand.u32 $0xFFFF, v17;
	v3 =	vadd.f32 v9, v6;
	v25 =	vld.idx.msk [tilespmem:v1+s30+$0x0], $0xffff  }
0x420: {  	v17 =	vshrl.u32 v17, $0x10;
	v0 =	vadd.f32 v2, v0;
	v6 =	vld.idx.msk [tilespmem:v8+s31+$0x0], $0xffff  }
0x421: {  	v8 =	vld.idx.msk [tilespmem:v11+s31+$0x0], $0xffff;
	v1 =	vsub.f32 v3, v12  }
0x422: {  	v0 =	vsub.f32 v0, v4;
	v3 =	vld.idx.msk [tilespmem:v22+s31+$0x0], $0xffff  }
0x423: {  	s11 =	simm.s32 $0x60;
	s7 =	simm.s32 $0x20;
	s8 =	simm.s32 $0x1D040;
	v2 =	vadd.f32 v20, v10;
	v11 =	vadd.f32 v18, v7;
	v4 =	vld.idx.msk [tilespmem:v15+s31+$0x0], $0xffff;
	v9 =	vmax.f32 v1, $0.0e+00  }
0x424: {  	s22 =	simm.s32 $0x40;
	s15 =	sor.u32 $0x70, s11;
	s14 =	sor.u32 $0x30, s7;
	v1 =	vadd.f32 v14, v13;
	v0 =	vmax.f32 v0, $0.0e+00;
	[tilespmem:s8+$0x20] =	vst v9;
	v9 =	vadd.f32 v5, v21;
	v5 =	vld.idx.msk [tilespmem:v24+s31+$0x0], $0xffff  }
0x425: {  	s7 =	simm.s32 $0x1870;
	s13 =	sor.u32 $0x50, s22;
	s4 =	simm.s32 $0x0;
	v10 =	vadd.f32 v16, v19;
	v7 =	vadd.f32 v25, v23;
	[tilespmem:s15+$0x1D000] =	vst v0;
	v0 =	vld.idx.msk [tilespmem:v17+s31+$0x0], $0xffff  }
.LBB2_25:
0x426: {  	v12 =	vld [tilespmem:s7+$0x0];
	v1 =	vsub.f32 v1, v6  }
0x427: {  	v2 =	vsub.f32 v2, v8;
	s1 =	sadd.s32 $0x40, s1;
	v6 =	vld [tilespmem:s7+$0xFFFFFFE0]  }
0x428: {  	v3 =	vsub.f32 v11, v3;
	v8 =	vld [tilespmem:s1+$0x0];
	v1 =	vmax.f32 v1, $0.0e+00  }
0x429: {  	s4 =	sadd.s32 $0x4, s4;
	s2 =	sadd.s32 $0x40, s2;
	v11 =	vld [tilespmem:s1+$0xFFFFFFD0];
	[tilespmem:s8+$0xFFFFFFC0] =	vst v1;
	v1 =	vmax.f32 v2, $0.0e+00;
	v2 =	vsub.f32 v9, v4  }
0x42a: {  	p0 =	slt.u32 s4, $0x7C;
	v4 =	vld [tilespmem:s2+$0x0];
	[tilespmem:s8+$0xFFFFFFD0] =	vst v1;
	v1 =	vmax.f32 v3, $0.0e+00;
	v3 =	vsub.f32 v10, v5  }
0x42b: {  	v0 =	vsub.f32 v7, v0;
	v5 =	vld [tilespmem:s1+$0xFFFFFFE0];
	v9 =	vand.u32 $0xFFFF, v12;
	[tilespmem:s8+$0xFFFFFFE0] =	vst v1;
	v1 =	vmax.f32 v2, $0.0e+00  }
0x42c: {  	v10 =	vshrl.u32 v12, $0x10;
	v2 =	vand.u32 $0xFFFF, v6;
	v6 =	vshrl.u32 v6, $0x10;
	v7 =	vld [tilespmem:s7+$0xFFFFFFF0];
	[tilespmem:s14+$0x1D000] =	vst v1  }
0x42d: {  	v3 =	vmax.f32 v3, $0.0e+00;
	v0 =	vmax.f32 v0, $0.0e+00;
	v1 =	vld [tilespmem:s1+$0xFFFFFFF0];
	v12 =	vand.u32 $0xFFFF, v8  }
0x42e: {  	v8 =	vshrl.u32 v8, $0x10;
	v13 =	vld [tilespmem:s7+$0xFFFFFFD0];
	v14 =	vand.u32 $0xFFFF, v11;
	v11 =	vshrl.u32 v11, $0x10;
	[tilespmem:s8+$0x0] =	vst v3  }
0x42f: {  	v3 =	vld [tilespmem:s2+$0xFFFFFFD0];
	v15 =	vand.u32 $0xFFFF, v4;
	[tilespmem:s13+$0x1D000] =	vst v0  }
0x430: {  	v4 =	vshrl.u32 v4, $0x10;
	v0 =	vand.u32 $0xFFFF, v5;
	v5 =	vshrl.u32 v5, $0x10;
	v9 =	vld.idx.msk [tilespmem:v9+s0+$0x0], $0xffff  }
0x431: {  	v16 =	vand.u32 $0xFFFF, v7;
	v7 =	vshrl.u32 v7, $0x10;
	v10 =	vld.idx.msk [tilespmem:v10+s0+$0x0], $0xffff  }
0x432: {  	v17 =	vand.u32 $0xFFFF, v1;
	v18 =	vshrl.u32 v1, $0x10;
	v1 =	vld.idx.msk [tilespmem:v12+s30+$0x0], $0xffff  }
0x433: {  	v12 =	vand.u32 $0xFFFF, v13;
	v13 =	vshrl.u32 v13, $0x10;
	v8 =	vld.idx.msk [tilespmem:v8+s30+$0x0], $0xffff  }
0x434: {  	v19 =	vand.u32 $0xFFFF, v3;
	v3 =	vshrl.u32 v3, $0x10;
	v15 =	vld.idx.msk [tilespmem:v15+s31+$0x0], $0xffff  }
0x435: {  	v4 =	vld.idx.msk [tilespmem:v4+s31+$0x0], $0xffff  }
0x436: {  	v20 =	vld [tilespmem:s2+$0xFFFFFFE0]  }
0x437: {  	v21 =	vld [tilespmem:s2+$0xFFFFFFF0]  }
0x438: {  	v1 =	vadd.f32 v1, v9;
	v12 =	vld.idx.msk [tilespmem:v12+s0+$0x0], $0xffff  }
0x439: {  	v8 =	vadd.f32 v8, v10;
	v9 =	vld.idx.msk [tilespmem:v13+s0+$0x0], $0xffff  }
0x43a: {  	v1 =	vsub.f32 v1, v15;
	v10 =	vld.idx.msk [tilespmem:v14+s30+$0x0], $0xffff  }
0x43b: {  	v4 =	vsub.f32 v8, v4;
	v11 =	vld.idx.msk [tilespmem:v11+s30+$0x0], $0xffff;
	v13 =	vand.u32 $0xFFFF, v20;
	v14 =	vshrl.u32 v20, $0x10  }
0x43c: {  	s11 =	sadd.s32 $0x80, s11;
	s8 =	sadd.s32 $0x80, s8;
	v1 =	vmax.f32 v1, $0.0e+00;
	v8 =	vld.idx.msk [tilespmem:v2+s0+$0x0], $0xffff;
	v15 =	vand.u32 $0xFFFF, v21;
	v20 =	vshrl.u32 v21, $0x10  }
0x43d: {  	s15 =	sadd.s32 $0xFFFFFFE0, s11;
	s16 =	sor.u32 $0x70, s11;
	s13 =	sadd.s32 $0xFFFFFFC0, s11;
	v21 =	vld.idx.msk [tilespmem:v6+s0+$0x0], $0xffff;
	[tilespmem:s8+$0x20] =	vst v1;
	v1 =	vmax.f32 v4, $0.0e+00  }
0x43e: {  	s14 =	sor.u32 $0x30, s13;
	s13 =	sor.u32 $0x50, s15;
	v0 =	vld.idx.msk [tilespmem:v0+s30+$0x0], $0xffff;
	[tilespmem:s16+$0x1D000] =	vst v1  }
0x43f: {  	v4 =	vld.idx.msk [tilespmem:v5+s30+$0x0], $0xffff  }
0x440: {  	v1 =	vadd.f32 v10, v12;
	v10 =	vld.idx.msk [tilespmem:v16+s0+$0x0], $0xffff  }
0x441: {  	v2 =	vadd.f32 v11, v9;
	v7 =	vld.idx.msk [tilespmem:v7+s0+$0x0], $0xffff  }
0x442: {  	v12 =	vld.idx.msk [tilespmem:v17+s30+$0x0], $0xffff  }
0x443: {  	v16 =	vld.idx.msk [tilespmem:v18+s30+$0x0], $0xffff  }
0x444: {  	v11 =	vadd.f32 v0, v8;
	v6 =	vld.idx.msk [tilespmem:v19+s31+$0x0], $0xffff  }
.Ltmp11:
0x445: {  	v9 =	vadd.f32 v4, v21;
	v8 =	vld.idx.msk [tilespmem:v3+s31+$0x0], $0xffff;
	(pc) =	sbr.rel @p0 .LBB2_25-.Ltmp11, $4  }
0x446: {  	v3 =	vld.idx.msk [tilespmem:v13+s31+$0x0], $0xffff  }
0x447: {  	v4 =	vld.idx.msk [tilespmem:v14+s31+$0x0], $0xffff  }
0x448: {  	v10 =	vadd.f32 v12, v10;
	v5 =	vld.idx.msk [tilespmem:v15+s31+$0x0], $0xffff  }
0x449: {  	s7 =	sadd.s32 $0x40, s7;
	v7 =	vadd.f32 v16, v7;
	v0 =	vld.idx.msk [tilespmem:v20+s31+$0x0], $0xffff  }
0x44a: {  	v1 =	vsub.f32 v1, v6  }
0x44b: {  	v2 =	vsub.f32 v2, v8  }
0x44c: {  	v3 =	vsub.f32 v11, v3;
	v1 =	vmax.f32 v1, $0.0e+00  }
0x44d: {  	[tilespmem:s8+$0xFFFFFFC0] =	vst v1;
	v1 =	vmax.f32 v2, $0.0e+00;
	v2 =	vsub.f32 v9, v4  }
0x44e: {  	[tilespmem:s8+$0xFFFFFFD0] =	vst v1;
	v1 =	vmax.f32 v3, $0.0e+00;
	v3 =	vsub.f32 v10, v5  }
0x44f: {  	v0 =	vsub.f32 v7, v0;
	[tilespmem:s8+$0xFFFFFFE0] =	vst v1;
	v1 =	vmax.f32 v2, $0.0e+00  }
0x450: {  	[tilespmem:s14+$0x1D000] =	vst v1;
	v1 =	vmax.f32 v3, $0.0e+00  }
0x451: {  	v0 =	vmax.f32 v0, $0.0e+00;
	[tilespmem:s8+$0x0] =	vst v1  }
0x452: {  	[tilespmem:s13+$0x1D000] =	vst v0  }
0x453: {  	s1 =	rddreg [dreg:$0xd]  }
0x454: {  	s1 =	sadd.s32 s6, s1  }
0x455: {  	[hbm4b:s1+s26] =	stream.strided.scatter [tilespmem:s3], [sflag:$0x4], $0x1000, s28, s26, $0x38;
	[tilespmem:$0x1E000] =	vst v63  }
0x456: {  	_ =	swait.ge [sflag:s9], $0x1000  }
0x457: {  	[sflag:s9] =	ssyncset.done $0x0  }
0x458: {  	s4 =	simm.s32 $0x2030;
	[sflag:s9] =	ssyncadd.s32 $0xFFFFF000  }
0x459: {  	v0 =	vld [tilespmem:s4+$0x0]  }
0x45a: {  	s1 =	simm.s32 $0x6030;
	v1 =	vld [tilespmem:s4+$0xFFFFFFE0]  }
0x45b: {  	v2 =	vld [tilespmem:s1+$0x0]  }
0x45c: {  	s2 =	simm.s32 $0xA030;
	v3 =	vld [tilespmem:s1+$0xFFFFFFD0]  }
0x45d: {  	v4 =	vld [tilespmem:s2+$0x0]  }
0x45e: {  	v5 =	vld [tilespmem:s1+$0xFFFFFFE0]  }
0x45f: {  	v7 =	vld [tilespmem:s4+$0xFFFFFFF0]  }
0x460: {  	v8 =	vld [tilespmem:s1+$0xFFFFFFF0];
	v6 =	vand.u32 $0xFFFF, v0  }
0x461: {  	v10 =	vld [tilespmem:s4+$0xFFFFFFD0];
	v0 =	vshrl.u32 v0, $0x10  }
0x462: {  	v11 =	vld [tilespmem:s2+$0xFFFFFFD0];
	v9 =	vand.u32 $0xFFFF, v2  }
0x463: {  	v15 =	vld [tilespmem:s2+$0xFFFFFFE0];
	v2 =	vshrl.u32 v2, $0x10  }
0x464: {  	v17 =	vld [tilespmem:s2+$0xFFFFFFF0];
	v12 =	vand.u32 $0xFFFF, v4  }
0x465: {  	v4 =	vshrl.u32 v4, $0x10;
	v6 =	vld.idx.msk [tilespmem:v6+s0+$0x0], $0xffff  }
0x466: {  	v13 =	vand.u32 $0xFFFF, v10;
	v0 =	vld.idx.msk [tilespmem:v0+s0+$0x0], $0xffff  }
0x467: {  	v10 =	vshrl.u32 v10, $0x10;
	v9 =	vld.idx.msk [tilespmem:v9+s30+$0x0], $0xffff  }
0x468: {  	v14 =	vand.u32 $0xFFFF, v3;
	v2 =	vld.idx.msk [tilespmem:v2+s30+$0x0], $0xffff  }
0x469: {  	v3 =	vshrl.u32 v3, $0x10;
	v12 =	vld.idx.msk [tilespmem:v12+s31+$0x0], $0xffff  }
0x46a: {  	v16 =	vand.u32 $0xFFFF, v1;
	v4 =	vld.idx.msk [tilespmem:v4+s31+$0x0], $0xffff  }
0x46b: {  	v1 =	vshrl.u32 v1, $0x10;
	v13 =	vld.idx.msk [tilespmem:v13+s0+$0x0], $0xffff  }
0x46c: {  	v18 =	vand.u32 $0xFFFF, v5;
	v10 =	vld.idx.msk [tilespmem:v10+s0+$0x0], $0xffff  }
0x46d: {  	v5 =	vshrl.u32 v5, $0x10;
	v14 =	vld.idx.msk [tilespmem:v14+s30+$0x0], $0xffff  }
0x46e: {  	v19 =	vand.u32 $0xFFFF, v7;
	v20 =	vld.idx.msk [tilespmem:v3+s30+$0x0], $0xffff  }
0x46f: {  	v63 =	vand.u32 $0xFFFF, v8;
	v3 =	vshrl.u32 v7, $0x10;
	v7 =	vld.idx.msk [tilespmem:v16+s0+$0x0], $0xffff  }
0x470: {  	v21 =	vld.idx.msk [tilespmem:v1+s0+$0x0], $0xffff  }
0x471: {  	v1 =	vshrl.u32 v8, $0x10;
	v18 =	vld.idx.msk [tilespmem:v18+s30+$0x0], $0xffff  }
0x472: {  	v8 =	vand.u32 $0xFFFF, v11;
	v5 =	vld.idx.msk [tilespmem:v5+s30+$0x0], $0xffff  }
0x473: {  	v11 =	vshrl.u32 v11, $0x10;
	v19 =	vld.idx.msk [tilespmem:v19+s0+$0x0], $0xffff  }
0x474: {  	v22 =	vand.u32 $0xFFFF, v15;
	v16 =	vld.idx.msk [tilespmem:v63+s30+$0x0], $0xffff  }
0x475: {  	v15 =	vshrl.u32 v15, $0x10;
	v23 =	vld.idx.msk [tilespmem:v3+s0+$0x0], $0xffff  }
0x476: {  	v24 =	vand.u32 $0xFFFF, v17;
	v3 =	vadd.f32 v9, v6;
	v25 =	vld.idx.msk [tilespmem:v1+s30+$0x0], $0xffff  }
0x477: {  	v17 =	vshrl.u32 v17, $0x10;
	v0 =	vadd.f32 v2, v0;
	v6 =	vld.idx.msk [tilespmem:v8+s31+$0x0], $0xffff  }
0x478: {  	v8 =	vld.idx.msk [tilespmem:v11+s31+$0x0], $0xffff;
	v1 =	vsub.f32 v3, v12  }
0x479: {  	v0 =	vsub.f32 v0, v4;
	v3 =	vld.idx.msk [tilespmem:v22+s31+$0x0], $0xffff  }
0x47a: {  	s11 =	simm.s32 $0x60;
	s7 =	simm.s32 $0x20;
	s8 =	simm.s32 $0x1C040;
	v2 =	vadd.f32 v20, v10;
	v11 =	vadd.f32 v18, v7;
	v4 =	vld.idx.msk [tilespmem:v15+s31+$0x0], $0xffff;
	v9 =	vmax.f32 v1, $0.0e+00  }
0x47b: {  	s22 =	simm.s32 $0x40;
	s15 =	sor.u32 $0x70, s11;
	s14 =	sor.u32 $0x30, s7;
	v1 =	vadd.f32 v14, v13;
	v0 =	vmax.f32 v0, $0.0e+00;
	[tilespmem:s8+$0x20] =	vst v9;
	v9 =	vadd.f32 v5, v21;
	v5 =	vld.idx.msk [tilespmem:v24+s31+$0x0], $0xffff  }
0x47c: {  	s7 =	simm.s32 $0x2070;
	s13 =	sor.u32 $0x50, s22;
	s4 =	simm.s32 $0x0;
	v10 =	vadd.f32 v16, v19;
	v7 =	vadd.f32 v25, v23;
	[tilespmem:s15+$0x1C000] =	vst v0;
	v0 =	vld.idx.msk [tilespmem:v17+s31+$0x0], $0xffff  }
.LBB2_27:
0x47d: {  	v12 =	vld [tilespmem:s7+$0x0];
	v1 =	vsub.f32 v1, v6  }
0x47e: {  	v2 =	vsub.f32 v2, v8;
	s1 =	sadd.s32 $0x40, s1;
	v6 =	vld [tilespmem:s7+$0xFFFFFFE0]  }
0x47f: {  	v3 =	vsub.f32 v11, v3;
	v8 =	vld [tilespmem:s1+$0x0];
	v1 =	vmax.f32 v1, $0.0e+00  }
0x480: {  	s4 =	sadd.s32 $0x4, s4;
	s2 =	sadd.s32 $0x40, s2;
	v11 =	vld [tilespmem:s1+$0xFFFFFFD0];
	[tilespmem:s8+$0xFFFFFFC0] =	vst v1;
	v1 =	vmax.f32 v2, $0.0e+00;
	v2 =	vsub.f32 v9, v4  }
0x481: {  	p0 =	slt.u32 s4, $0x7C;
	v4 =	vld [tilespmem:s2+$0x0];
	[tilespmem:s8+$0xFFFFFFD0] =	vst v1;
	v1 =	vmax.f32 v3, $0.0e+00;
	v3 =	vsub.f32 v10, v5  }
0x482: {  	v0 =	vsub.f32 v7, v0;
	v5 =	vld [tilespmem:s1+$0xFFFFFFE0];
	v9 =	vand.u32 $0xFFFF, v12;
	[tilespmem:s8+$0xFFFFFFE0] =	vst v1;
	v1 =	vmax.f32 v2, $0.0e+00  }
0x483: {  	v10 =	vshrl.u32 v12, $0x10;
	v2 =	vand.u32 $0xFFFF, v6;
	v6 =	vshrl.u32 v6, $0x10;
	v7 =	vld [tilespmem:s7+$0xFFFFFFF0];
	[tilespmem:s14+$0x1C000] =	vst v1  }
0x484: {  	v3 =	vmax.f32 v3, $0.0e+00;
	v0 =	vmax.f32 v0, $0.0e+00;
	v1 =	vld [tilespmem:s1+$0xFFFFFFF0];
	v12 =	vand.u32 $0xFFFF, v8  }
0x485: {  	v8 =	vshrl.u32 v8, $0x10;
	v13 =	vld [tilespmem:s7+$0xFFFFFFD0];
	v14 =	vand.u32 $0xFFFF, v11;
	v11 =	vshrl.u32 v11, $0x10;
	[tilespmem:s8+$0x0] =	vst v3  }
0x486: {  	v3 =	vld [tilespmem:s2+$0xFFFFFFD0];
	v15 =	vand.u32 $0xFFFF, v4;
	[tilespmem:s13+$0x1C000] =	vst v0  }
0x487: {  	v4 =	vshrl.u32 v4, $0x10;
	v0 =	vand.u32 $0xFFFF, v5;
	v5 =	vshrl.u32 v5, $0x10;
	v9 =	vld.idx.msk [tilespmem:v9+s0+$0x0], $0xffff  }
0x488: {  	v16 =	vand.u32 $0xFFFF, v7;
	v7 =	vshrl.u32 v7, $0x10;
	v10 =	vld.idx.msk [tilespmem:v10+s0+$0x0], $0xffff  }
0x489: {  	v17 =	vand.u32 $0xFFFF, v1;
	v18 =	vshrl.u32 v1, $0x10;
	v1 =	vld.idx.msk [tilespmem:v12+s30+$0x0], $0xffff  }
0x48a: {  	v12 =	vand.u32 $0xFFFF, v13;
	v13 =	vshrl.u32 v13, $0x10;
	v8 =	vld.idx.msk [tilespmem:v8+s30+$0x0], $0xffff  }
0x48b: {  	v19 =	vand.u32 $0xFFFF, v3;
	v3 =	vshrl.u32 v3, $0x10;
	v15 =	vld.idx.msk [tilespmem:v15+s31+$0x0], $0xffff  }
0x48c: {  	v4 =	vld.idx.msk [tilespmem:v4+s31+$0x0], $0xffff  }
0x48d: {  	v20 =	vld [tilespmem:s2+$0xFFFFFFE0]  }
0x48e: {  	v21 =	vld [tilespmem:s2+$0xFFFFFFF0]  }
0x48f: {  	v1 =	vadd.f32 v1, v9;
	v12 =	vld.idx.msk [tilespmem:v12+s0+$0x0], $0xffff  }
0x490: {  	v8 =	vadd.f32 v8, v10;
	v9 =	vld.idx.msk [tilespmem:v13+s0+$0x0], $0xffff  }
0x491: {  	v1 =	vsub.f32 v1, v15;
	v10 =	vld.idx.msk [tilespmem:v14+s30+$0x0], $0xffff  }
0x492: {  	v4 =	vsub.f32 v8, v4;
	v11 =	vld.idx.msk [tilespmem:v11+s30+$0x0], $0xffff;
	v13 =	vand.u32 $0xFFFF, v20;
	v14 =	vshrl.u32 v20, $0x10  }
0x493: {  	s11 =	sadd.s32 $0x80, s11;
	s8 =	sadd.s32 $0x80, s8;
	v1 =	vmax.f32 v1, $0.0e+00;
	v8 =	vld.idx.msk [tilespmem:v2+s0+$0x0], $0xffff;
	v15 =	vand.u32 $0xFFFF, v21;
	v20 =	vshrl.u32 v21, $0x10  }
0x494: {  	s15 =	sadd.s32 $0xFFFFFFE0, s11;
	s16 =	sor.u32 $0x70, s11;
	s13 =	sadd.s32 $0xFFFFFFC0, s11;
	v21 =	vld.idx.msk [tilespmem:v6+s0+$0x0], $0xffff;
	[tilespmem:s8+$0x20] =	vst v1;
	v1 =	vmax.f32 v4, $0.0e+00  }
0x495: {  	s14 =	sor.u32 $0x30, s13;
	s13 =	sor.u32 $0x50, s15;
	v0 =	vld.idx.msk [tilespmem:v0+s30+$0x0], $0xffff;
	[tilespmem:s16+$0x1C000] =	vst v1  }
0x496: {  	v4 =	vld.idx.msk [tilespmem:v5+s30+$0x0], $0xffff  }
0x497: {  	v1 =	vadd.f32 v10, v12;
	v10 =	vld.idx.msk [tilespmem:v16+s0+$0x0], $0xffff  }
0x498: {  	v2 =	vadd.f32 v11, v9;
	v7 =	vld.idx.msk [tilespmem:v7+s0+$0x0], $0xffff  }
0x499: {  	v12 =	vld.idx.msk [tilespmem:v17+s30+$0x0], $0xffff  }
0x49a: {  	v16 =	vld.idx.msk [tilespmem:v18+s30+$0x0], $0xffff  }
0x49b: {  	v11 =	vadd.f32 v0, v8;
	v6 =	vld.idx.msk [tilespmem:v19+s31+$0x0], $0xffff  }
.Ltmp12:
0x49c: {  	v9 =	vadd.f32 v4, v21;
	v8 =	vld.idx.msk [tilespmem:v3+s31+$0x0], $0xffff;
	(pc) =	sbr.rel @p0 .LBB2_27-.Ltmp12, $4  }
0x49d: {  	v3 =	vld.idx.msk [tilespmem:v13+s31+$0x0], $0xffff  }
0x49e: {  	v4 =	vld.idx.msk [tilespmem:v14+s31+$0x0], $0xffff  }
0x49f: {  	v10 =	vadd.f32 v12, v10;
	v5 =	vld.idx.msk [tilespmem:v15+s31+$0x0], $0xffff  }
0x4a0: {  	s7 =	sadd.s32 $0x40, s7;
	v7 =	vadd.f32 v16, v7;
	v0 =	vld.idx.msk [tilespmem:v20+s31+$0x0], $0xffff  }
0x4a1: {  	v1 =	vsub.f32 v1, v6  }
0x4a2: {  	v2 =	vsub.f32 v2, v8  }
0x4a3: {  	v3 =	vsub.f32 v11, v3;
	v1 =	vmax.f32 v1, $0.0e+00  }
0x4a4: {  	[tilespmem:s8+$0xFFFFFFC0] =	vst v1;
	v1 =	vmax.f32 v2, $0.0e+00;
	v2 =	vsub.f32 v9, v4  }
0x4a5: {  	[tilespmem:s8+$0xFFFFFFD0] =	vst v1;
	v1 =	vmax.f32 v3, $0.0e+00;
	v3 =	vsub.f32 v10, v5  }
0x4a6: {  	v0 =	vsub.f32 v7, v0;
	[tilespmem:s8+$0xFFFFFFE0] =	vst v1;
	v1 =	vmax.f32 v2, $0.0e+00  }
0x4a7: {  	[tilespmem:s14+$0x1C000] =	vst v1;
	v1 =	vmax.f32 v3, $0.0e+00  }
0x4a8: {  	v0 =	vmax.f32 v0, $0.0e+00;
	[tilespmem:s8+$0x0] =	vst v1  }
0x4a9: {  	[tilespmem:s13+$0x1C000] =	vst v0  }
0x4aa: {  	s1 =	rddreg [dreg:$0xe]  }
0x4ab: {  	s1 =	sadd.s32 s6, s1  }
0x4ac: {  	[hbm4b:s1+s26] =	stream.strided.scatter [tilespmem:s21], [sflag:$0x3], $0x1000, s28, s26, $0x38;
	[tilespmem:$0x1E000] =	vst v63  }
0x4ad: {  	_ =	swait.ge [sflag:s10], $0x1000  }
0x4ae: {  	[sflag:s10] =	ssyncset.done $0x0  }
0x4af: {  	s4 =	simm.s32 $0x2830;
	[sflag:s10] =	ssyncadd.s32 $0xFFFFF000  }
0x4b0: {  	v0 =	vld [tilespmem:s4+$0x0]  }
0x4b1: {  	s1 =	simm.s32 $0x6830;
	v1 =	vld [tilespmem:s4+$0xFFFFFFE0]  }
0x4b2: {  	v2 =	vld [tilespmem:s1+$0x0]  }
0x4b3: {  	s2 =	simm.s32 $0xA830;
	v3 =	vld [tilespmem:s1+$0xFFFFFFD0]  }
0x4b4: {  	v4 =	vld [tilespmem:s2+$0x0]  }
0x4b5: {  	v5 =	vld [tilespmem:s1+$0xFFFFFFE0]  }
0x4b6: {  	v7 =	vld [tilespmem:s4+$0xFFFFFFF0]  }
0x4b7: {  	v8 =	vld [tilespmem:s1+$0xFFFFFFF0];
	v6 =	vand.u32 $0xFFFF, v0  }
0x4b8: {  	v10 =	vld [tilespmem:s4+$0xFFFFFFD0];
	v0 =	vshrl.u32 v0, $0x10  }
0x4b9: {  	v11 =	vld [tilespmem:s2+$0xFFFFFFD0];
	v9 =	vand.u32 $0xFFFF, v2  }
0x4ba: {  	v15 =	vld [tilespmem:s2+$0xFFFFFFE0];
	v2 =	vshrl.u32 v2, $0x10  }
0x4bb: {  	v17 =	vld [tilespmem:s2+$0xFFFFFFF0];
	v12 =	vand.u32 $0xFFFF, v4  }
0x4bc: {  	v4 =	vshrl.u32 v4, $0x10;
	v6 =	vld.idx.msk [tilespmem:v6+s0+$0x0], $0xffff  }
0x4bd: {  	v13 =	vand.u32 $0xFFFF, v10;
	v0 =	vld.idx.msk [tilespmem:v0+s0+$0x0], $0xffff  }
0x4be: {  	v10 =	vshrl.u32 v10, $0x10;
	v9 =	vld.idx.msk [tilespmem:v9+s30+$0x0], $0xffff  }
0x4bf: {  	v14 =	vand.u32 $0xFFFF, v3;
	v2 =	vld.idx.msk [tilespmem:v2+s30+$0x0], $0xffff  }
0x4c0: {  	v3 =	vshrl.u32 v3, $0x10;
	v12 =	vld.idx.msk [tilespmem:v12+s31+$0x0], $0xffff  }
0x4c1: {  	v16 =	vand.u32 $0xFFFF, v1;
	v4 =	vld.idx.msk [tilespmem:v4+s31+$0x0], $0xffff  }
0x4c2: {  	v1 =	vshrl.u32 v1, $0x10;
	v13 =	vld.idx.msk [tilespmem:v13+s0+$0x0], $0xffff  }
0x4c3: {  	v18 =	vand.u32 $0xFFFF, v5;
	v10 =	vld.idx.msk [tilespmem:v10+s0+$0x0], $0xffff  }
0x4c4: {  	v5 =	vshrl.u32 v5, $0x10;
	v14 =	vld.idx.msk [tilespmem:v14+s30+$0x0], $0xffff  }
0x4c5: {  	v19 =	vand.u32 $0xFFFF, v7;
	v20 =	vld.idx.msk [tilespmem:v3+s30+$0x0], $0xffff  }
0x4c6: {  	v63 =	vand.u32 $0xFFFF, v8;
	v3 =	vshrl.u32 v7, $0x10;
	v7 =	vld.idx.msk [tilespmem:v16+s0+$0x0], $0xffff  }
0x4c7: {  	v21 =	vld.idx.msk [tilespmem:v1+s0+$0x0], $0xffff  }
0x4c8: {  	v1 =	vshrl.u32 v8, $0x10;
	v18 =	vld.idx.msk [tilespmem:v18+s30+$0x0], $0xffff  }
0x4c9: {  	v8 =	vand.u32 $0xFFFF, v11;
	v5 =	vld.idx.msk [tilespmem:v5+s30+$0x0], $0xffff  }
0x4ca: {  	v11 =	vshrl.u32 v11, $0x10;
	v19 =	vld.idx.msk [tilespmem:v19+s0+$0x0], $0xffff  }
0x4cb: {  	v22 =	vand.u32 $0xFFFF, v15;
	v16 =	vld.idx.msk [tilespmem:v63+s30+$0x0], $0xffff  }
0x4cc: {  	v15 =	vshrl.u32 v15, $0x10;
	v23 =	vld.idx.msk [tilespmem:v3+s0+$0x0], $0xffff  }
0x4cd: {  	v24 =	vand.u32 $0xFFFF, v17;
	v3 =	vadd.f32 v9, v6;
	v25 =	vld.idx.msk [tilespmem:v1+s30+$0x0], $0xffff  }
0x4ce: {  	v17 =	vshrl.u32 v17, $0x10;
	v0 =	vadd.f32 v2, v0;
	v6 =	vld.idx.msk [tilespmem:v8+s31+$0x0], $0xffff  }
0x4cf: {  	v8 =	vld.idx.msk [tilespmem:v11+s31+$0x0], $0xffff;
	v1 =	vsub.f32 v3, v12  }
0x4d0: {  	v0 =	vsub.f32 v0, v4;
	v3 =	vld.idx.msk [tilespmem:v22+s31+$0x0], $0xffff  }
0x4d1: {  	s11 =	simm.s32 $0x60;
	s7 =	simm.s32 $0x20;
	s8 =	simm.s32 $0x1D040;
	v2 =	vadd.f32 v20, v10;
	v11 =	vadd.f32 v18, v7;
	v4 =	vld.idx.msk [tilespmem:v15+s31+$0x0], $0xffff;
	v9 =	vmax.f32 v1, $0.0e+00  }
0x4d2: {  	s22 =	simm.s32 $0x40;
	s15 =	sor.u32 $0x70, s11;
	s14 =	sor.u32 $0x30, s7;
	v1 =	vadd.f32 v14, v13;
	v0 =	vmax.f32 v0, $0.0e+00;
	[tilespmem:s8+$0x20] =	vst v9;
	v9 =	vadd.f32 v5, v21;
	v5 =	vld.idx.msk [tilespmem:v24+s31+$0x0], $0xffff  }
0x4d3: {  	s7 =	simm.s32 $0x2870;
	s13 =	sor.u32 $0x50, s22;
	s4 =	simm.s32 $0x0;
	v10 =	vadd.f32 v16, v19;
	v7 =	vadd.f32 v25, v23;
	[tilespmem:s15+$0x1D000] =	vst v0;
	v0 =	vld.idx.msk [tilespmem:v17+s31+$0x0], $0xffff  }
.LBB2_29:
0x4d4: {  	v12 =	vld [tilespmem:s7+$0x0];
	v1 =	vsub.f32 v1, v6  }
0x4d5: {  	v2 =	vsub.f32 v2, v8;
	s1 =	sadd.s32 $0x40, s1;
	v6 =	vld [tilespmem:s7+$0xFFFFFFE0]  }
0x4d6: {  	v3 =	vsub.f32 v11, v3;
	v8 =	vld [tilespmem:s1+$0x0];
	v1 =	vmax.f32 v1, $0.0e+00  }
0x4d7: {  	s4 =	sadd.s32 $0x4, s4;
	s2 =	sadd.s32 $0x40, s2;
	v11 =	vld [tilespmem:s1+$0xFFFFFFD0];
	[tilespmem:s8+$0xFFFFFFC0] =	vst v1;
	v1 =	vmax.f32 v2, $0.0e+00;
	v2 =	vsub.f32 v9, v4  }
0x4d8: {  	p0 =	slt.u32 s4, $0x7C;
	v4 =	vld [tilespmem:s2+$0x0];
	[tilespmem:s8+$0xFFFFFFD0] =	vst v1;
	v1 =	vmax.f32 v3, $0.0e+00;
	v3 =	vsub.f32 v10, v5  }
0x4d9: {  	v0 =	vsub.f32 v7, v0;
	v5 =	vld [tilespmem:s1+$0xFFFFFFE0];
	v9 =	vand.u32 $0xFFFF, v12;
	[tilespmem:s8+$0xFFFFFFE0] =	vst v1;
	v1 =	vmax.f32 v2, $0.0e+00  }
0x4da: {  	v10 =	vshrl.u32 v12, $0x10;
	v2 =	vand.u32 $0xFFFF, v6;
	v6 =	vshrl.u32 v6, $0x10;
	v7 =	vld [tilespmem:s7+$0xFFFFFFF0];
	[tilespmem:s14+$0x1D000] =	vst v1  }
0x4db: {  	v3 =	vmax.f32 v3, $0.0e+00;
	v0 =	vmax.f32 v0, $0.0e+00;
	v1 =	vld [tilespmem:s1+$0xFFFFFFF0];
	v12 =	vand.u32 $0xFFFF, v8  }
0x4dc: {  	v8 =	vshrl.u32 v8, $0x10;
	v13 =	vld [tilespmem:s7+$0xFFFFFFD0];
	v14 =	vand.u32 $0xFFFF, v11;
	v11 =	vshrl.u32 v11, $0x10;
	[tilespmem:s8+$0x0] =	vst v3  }
0x4dd: {  	v3 =	vld [tilespmem:s2+$0xFFFFFFD0];
	v15 =	vand.u32 $0xFFFF, v4;
	[tilespmem:s13+$0x1D000] =	vst v0  }
0x4de: {  	v4 =	vshrl.u32 v4, $0x10;
	v0 =	vand.u32 $0xFFFF, v5;
	v5 =	vshrl.u32 v5, $0x10;
	v9 =	vld.idx.msk [tilespmem:v9+s0+$0x0], $0xffff  }
0x4df: {  	v16 =	vand.u32 $0xFFFF, v7;
	v7 =	vshrl.u32 v7, $0x10;
	v10 =	vld.idx.msk [tilespmem:v10+s0+$0x0], $0xffff  }
0x4e0: {  	v17 =	vand.u32 $0xFFFF, v1;
	v18 =	vshrl.u32 v1, $0x10;
	v1 =	vld.idx.msk [tilespmem:v12+s30+$0x0], $0xffff  }
0x4e1: {  	v12 =	vand.u32 $0xFFFF, v13;
	v13 =	vshrl.u32 v13, $0x10;
	v8 =	vld.idx.msk [tilespmem:v8+s30+$0x0], $0xffff  }
0x4e2: {  	v19 =	vand.u32 $0xFFFF, v3;
	v3 =	vshrl.u32 v3, $0x10;
	v15 =	vld.idx.msk [tilespmem:v15+s31+$0x0], $0xffff  }
0x4e3: {  	v4 =	vld.idx.msk [tilespmem:v4+s31+$0x0], $0xffff  }
0x4e4: {  	v20 =	vld [tilespmem:s2+$0xFFFFFFE0]  }
0x4e5: {  	v21 =	vld [tilespmem:s2+$0xFFFFFFF0]  }
0x4e6: {  	v1 =	vadd.f32 v1, v9;
	v12 =	vld.idx.msk [tilespmem:v12+s0+$0x0], $0xffff  }
0x4e7: {  	v8 =	vadd.f32 v8, v10;
	v9 =	vld.idx.msk [tilespmem:v13+s0+$0x0], $0xffff  }
0x4e8: {  	v1 =	vsub.f32 v1, v15;
	v10 =	vld.idx.msk [tilespmem:v14+s30+$0x0], $0xffff  }
0x4e9: {  	v4 =	vsub.f32 v8, v4;
	v11 =	vld.idx.msk [tilespmem:v11+s30+$0x0], $0xffff;
	v13 =	vand.u32 $0xFFFF, v20;
	v14 =	vshrl.u32 v20, $0x10  }
0x4ea: {  	s11 =	sadd.s32 $0x80, s11;
	s8 =	sadd.s32 $0x80, s8;
	v1 =	vmax.f32 v1, $0.0e+00;
	v8 =	vld.idx.msk [tilespmem:v2+s0+$0x0], $0xffff;
	v15 =	vand.u32 $0xFFFF, v21;
	v20 =	vshrl.u32 v21, $0x10  }
0x4eb: {  	s15 =	sadd.s32 $0xFFFFFFE0, s11;
	s16 =	sor.u32 $0x70, s11;
	s13 =	sadd.s32 $0xFFFFFFC0, s11;
	v21 =	vld.idx.msk [tilespmem:v6+s0+$0x0], $0xffff;
	[tilespmem:s8+$0x20] =	vst v1;
	v1 =	vmax.f32 v4, $0.0e+00  }
0x4ec: {  	s14 =	sor.u32 $0x30, s13;
	s13 =	sor.u32 $0x50, s15;
	v0 =	vld.idx.msk [tilespmem:v0+s30+$0x0], $0xffff;
	[tilespmem:s16+$0x1D000] =	vst v1  }
0x4ed: {  	v4 =	vld.idx.msk [tilespmem:v5+s30+$0x0], $0xffff  }
0x4ee: {  	v1 =	vadd.f32 v10, v12;
	v10 =	vld.idx.msk [tilespmem:v16+s0+$0x0], $0xffff  }
0x4ef: {  	v2 =	vadd.f32 v11, v9;
	v7 =	vld.idx.msk [tilespmem:v7+s0+$0x0], $0xffff  }
0x4f0: {  	v12 =	vld.idx.msk [tilespmem:v17+s30+$0x0], $0xffff  }
0x4f1: {  	v16 =	vld.idx.msk [tilespmem:v18+s30+$0x0], $0xffff  }
0x4f2: {  	v11 =	vadd.f32 v0, v8;
	v6 =	vld.idx.msk [tilespmem:v19+s31+$0x0], $0xffff  }
.Ltmp13:
0x4f3: {  	v9 =	vadd.f32 v4, v21;
	v8 =	vld.idx.msk [tilespmem:v3+s31+$0x0], $0xffff;
	(pc) =	sbr.rel @p0 .LBB2_29-.Ltmp13, $4  }
0x4f4: {  	v3 =	vld.idx.msk [tilespmem:v13+s31+$0x0], $0xffff  }
0x4f5: {  	v4 =	vld.idx.msk [tilespmem:v14+s31+$0x0], $0xffff  }
0x4f6: {  	v10 =	vadd.f32 v12, v10;
	v5 =	vld.idx.msk [tilespmem:v15+s31+$0x0], $0xffff  }
0x4f7: {  	s7 =	sadd.s32 $0x40, s7;
	v7 =	vadd.f32 v16, v7;
	v0 =	vld.idx.msk [tilespmem:v20+s31+$0x0], $0xffff  }
0x4f8: {  	v1 =	vsub.f32 v1, v6  }
0x4f9: {  	v2 =	vsub.f32 v2, v8  }
0x4fa: {  	v3 =	vsub.f32 v11, v3;
	v1 =	vmax.f32 v1, $0.0e+00  }
0x4fb: {  	[tilespmem:s8+$0xFFFFFFC0] =	vst v1;
	v1 =	vmax.f32 v2, $0.0e+00;
	v2 =	vsub.f32 v9, v4  }
0x4fc: {  	[tilespmem:s8+$0xFFFFFFD0] =	vst v1;
	v1 =	vmax.f32 v3, $0.0e+00;
	v3 =	vsub.f32 v10, v5  }
0x4fd: {  	v0 =	vsub.f32 v7, v0;
	[tilespmem:s8+$0xFFFFFFE0] =	vst v1;
	v1 =	vmax.f32 v2, $0.0e+00  }
0x4fe: {  	[tilespmem:s14+$0x1D000] =	vst v1;
	v1 =	vmax.f32 v3, $0.0e+00  }
0x4ff: {  	v0 =	vmax.f32 v0, $0.0e+00;
	[tilespmem:s8+$0x0] =	vst v1  }
0x500: {  	[tilespmem:s13+$0x1D000] =	vst v0  }
0x501: {  	s1 =	rddreg [dreg:$0xf]  }
0x502: {  	s1 =	sadd.s32 s6, s1  }
0x503: {  	[hbm4b:s1+s26] =	stream.strided.scatter [tilespmem:s3], [sflag:$0x4], $0x1000, s28, s26, $0x38;
	[tilespmem:$0x1E000] =	vst v63  }
0x504: {  	_ =	swait.ge [sflag:s9], $0x1000  }
0x505: {  	[sflag:s9] =	ssyncset.done $0x0  }
0x506: {  	s4 =	simm.s32 $0x3030;
	[sflag:s9] =	ssyncadd.s32 $0xFFFFF000  }
0x507: {  	v0 =	vld [tilespmem:s4+$0x0]  }
0x508: {  	s1 =	simm.s32 $0x7030;
	v1 =	vld [tilespmem:s4+$0xFFFFFFE0]  }
0x509: {  	v2 =	vld [tilespmem:s1+$0x0]  }
0x50a: {  	s2 =	simm.s32 $0xB030;
	v3 =	vld [tilespmem:s1+$0xFFFFFFD0]  }
0x50b: {  	v4 =	vld [tilespmem:s2+$0x0]  }
0x50c: {  	v5 =	vld [tilespmem:s1+$0xFFFFFFE0]  }
0x50d: {  	v7 =	vld [tilespmem:s4+$0xFFFFFFF0]  }
0x50e: {  	v8 =	vld [tilespmem:s1+$0xFFFFFFF0];
	v6 =	vand.u32 $0xFFFF, v0  }
0x50f: {  	v10 =	vld [tilespmem:s4+$0xFFFFFFD0];
	v0 =	vshrl.u32 v0, $0x10  }
0x510: {  	v11 =	vld [tilespmem:s2+$0xFFFFFFD0];
	v9 =	vand.u32 $0xFFFF, v2  }
0x511: {  	v15 =	vld [tilespmem:s2+$0xFFFFFFE0];
	v2 =	vshrl.u32 v2, $0x10  }
0x512: {  	v17 =	vld [tilespmem:s2+$0xFFFFFFF0];
	v12 =	vand.u32 $0xFFFF, v4  }
0x513: {  	v4 =	vshrl.u32 v4, $0x10;
	v6 =	vld.idx.msk [tilespmem:v6+s0+$0x0], $0xffff  }
0x514: {  	v13 =	vand.u32 $0xFFFF, v10;
	v0 =	vld.idx.msk [tilespmem:v0+s0+$0x0], $0xffff  }
0x515: {  	v10 =	vshrl.u32 v10, $0x10;
	v9 =	vld.idx.msk [tilespmem:v9+s30+$0x0], $0xffff  }
0x516: {  	v14 =	vand.u32 $0xFFFF, v3;
	v2 =	vld.idx.msk [tilespmem:v2+s30+$0x0], $0xffff  }
0x517: {  	v3 =	vshrl.u32 v3, $0x10;
	v12 =	vld.idx.msk [tilespmem:v12+s31+$0x0], $0xffff  }
0x518: {  	v16 =	vand.u32 $0xFFFF, v1;
	v4 =	vld.idx.msk [tilespmem:v4+s31+$0x0], $0xffff  }
0x519: {  	v1 =	vshrl.u32 v1, $0x10;
	v13 =	vld.idx.msk [tilespmem:v13+s0+$0x0], $0xffff  }
0x51a: {  	v18 =	vand.u32 $0xFFFF, v5;
	v10 =	vld.idx.msk [tilespmem:v10+s0+$0x0], $0xffff  }
0x51b: {  	v5 =	vshrl.u32 v5, $0x10;
	v14 =	vld.idx.msk [tilespmem:v14+s30+$0x0], $0xffff  }
0x51c: {  	v19 =	vand.u32 $0xFFFF, v7;
	v20 =	vld.idx.msk [tilespmem:v3+s30+$0x0], $0xffff  }
0x51d: {  	v63 =	vand.u32 $0xFFFF, v8;
	v3 =	vshrl.u32 v7, $0x10;
	v7 =	vld.idx.msk [tilespmem:v16+s0+$0x0], $0xffff  }
0x51e: {  	v21 =	vld.idx.msk [tilespmem:v1+s0+$0x0], $0xffff  }
0x51f: {  	v1 =	vshrl.u32 v8, $0x10;
	v18 =	vld.idx.msk [tilespmem:v18+s30+$0x0], $0xffff  }
0x520: {  	v8 =	vand.u32 $0xFFFF, v11;
	v5 =	vld.idx.msk [tilespmem:v5+s30+$0x0], $0xffff  }
0x521: {  	v11 =	vshrl.u32 v11, $0x10;
	v19 =	vld.idx.msk [tilespmem:v19+s0+$0x0], $0xffff  }
0x522: {  	v22 =	vand.u32 $0xFFFF, v15;
	v16 =	vld.idx.msk [tilespmem:v63+s30+$0x0], $0xffff  }
0x523: {  	v15 =	vshrl.u32 v15, $0x10;
	v23 =	vld.idx.msk [tilespmem:v3+s0+$0x0], $0xffff  }
0x524: {  	v24 =	vand.u32 $0xFFFF, v17;
	v3 =	vadd.f32 v9, v6;
	v25 =	vld.idx.msk [tilespmem:v1+s30+$0x0], $0xffff  }
0x525: {  	v17 =	vshrl.u32 v17, $0x10;
	v0 =	vadd.f32 v2, v0;
	v6 =	vld.idx.msk [tilespmem:v8+s31+$0x0], $0xffff  }
0x526: {  	v8 =	vld.idx.msk [tilespmem:v11+s31+$0x0], $0xffff;
	v1 =	vsub.f32 v3, v12  }
0x527: {  	v0 =	vsub.f32 v0, v4;
	v3 =	vld.idx.msk [tilespmem:v22+s31+$0x0], $0xffff  }
0x528: {  	s11 =	simm.s32 $0x60;
	s7 =	simm.s32 $0x20;
	s8 =	simm.s32 $0x1C040;
	v2 =	vadd.f32 v20, v10;
	v11 =	vadd.f32 v18, v7;
	v4 =	vld.idx.msk [tilespmem:v15+s31+$0x0], $0xffff;
	v9 =	vmax.f32 v1, $0.0e+00  }
0x529: {  	s22 =	simm.s32 $0x40;
	s15 =	sor.u32 $0x70, s11;
	s14 =	sor.u32 $0x30, s7;
	v1 =	vadd.f32 v14, v13;
	v0 =	vmax.f32 v0, $0.0e+00;
	[tilespmem:s8+$0x20] =	vst v9;
	v9 =	vadd.f32 v5, v21;
	v5 =	vld.idx.msk [tilespmem:v24+s31+$0x0], $0xffff  }
0x52a: {  	s7 =	simm.s32 $0x3070;
	s13 =	sor.u32 $0x50, s22;
	s4 =	simm.s32 $0x0;
	v10 =	vadd.f32 v16, v19;
	v7 =	vadd.f32 v25, v23;
	[tilespmem:s15+$0x1C000] =	vst v0;
	v0 =	vld.idx.msk [tilespmem:v17+s31+$0x0], $0xffff  }
.LBB2_31:
0x52b: {  	v12 =	vld [tilespmem:s7+$0x0];
	v1 =	vsub.f32 v1, v6  }
0x52c: {  	v2 =	vsub.f32 v2, v8;
	s1 =	sadd.s32 $0x40, s1;
	v6 =	vld [tilespmem:s7+$0xFFFFFFE0]  }
0x52d: {  	v3 =	vsub.f32 v11, v3;
	v8 =	vld [tilespmem:s1+$0x0];
	v1 =	vmax.f32 v1, $0.0e+00  }
0x52e: {  	s4 =	sadd.s32 $0x4, s4;
	s2 =	sadd.s32 $0x40, s2;
	v11 =	vld [tilespmem:s1+$0xFFFFFFD0];
	[tilespmem:s8+$0xFFFFFFC0] =	vst v1;
	v1 =	vmax.f32 v2, $0.0e+00;
	v2 =	vsub.f32 v9, v4  }
0x52f: {  	p0 =	slt.u32 s4, $0x7C;
	v4 =	vld [tilespmem:s2+$0x0];
	[tilespmem:s8+$0xFFFFFFD0] =	vst v1;
	v1 =	vmax.f32 v3, $0.0e+00;
	v3 =	vsub.f32 v10, v5  }
0x530: {  	v0 =	vsub.f32 v7, v0;
	v5 =	vld [tilespmem:s1+$0xFFFFFFE0];
	v9 =	vand.u32 $0xFFFF, v12;
	[tilespmem:s8+$0xFFFFFFE0] =	vst v1;
	v1 =	vmax.f32 v2, $0.0e+00  }
0x531: {  	v10 =	vshrl.u32 v12, $0x10;
	v2 =	vand.u32 $0xFFFF, v6;
	v6 =	vshrl.u32 v6, $0x10;
	v7 =	vld [tilespmem:s7+$0xFFFFFFF0];
	[tilespmem:s14+$0x1C000] =	vst v1  }
0x532: {  	v3 =	vmax.f32 v3, $0.0e+00;
	v0 =	vmax.f32 v0, $0.0e+00;
	v1 =	vld [tilespmem:s1+$0xFFFFFFF0];
	v12 =	vand.u32 $0xFFFF, v8  }
0x533: {  	v8 =	vshrl.u32 v8, $0x10;
	v13 =	vld [tilespmem:s7+$0xFFFFFFD0];
	v14 =	vand.u32 $0xFFFF, v11;
	v11 =	vshrl.u32 v11, $0x10;
	[tilespmem:s8+$0x0] =	vst v3  }
0x534: {  	v3 =	vld [tilespmem:s2+$0xFFFFFFD0];
	v15 =	vand.u32 $0xFFFF, v4;
	[tilespmem:s13+$0x1C000] =	vst v0  }
0x535: {  	v4 =	vshrl.u32 v4, $0x10;
	v0 =	vand.u32 $0xFFFF, v5;
	v5 =	vshrl.u32 v5, $0x10;
	v9 =	vld.idx.msk [tilespmem:v9+s0+$0x0], $0xffff  }
0x536: {  	v16 =	vand.u32 $0xFFFF, v7;
	v7 =	vshrl.u32 v7, $0x10;
	v10 =	vld.idx.msk [tilespmem:v10+s0+$0x0], $0xffff  }
0x537: {  	v17 =	vand.u32 $0xFFFF, v1;
	v18 =	vshrl.u32 v1, $0x10;
	v1 =	vld.idx.msk [tilespmem:v12+s30+$0x0], $0xffff  }
0x538: {  	v12 =	vand.u32 $0xFFFF, v13;
	v13 =	vshrl.u32 v13, $0x10;
	v8 =	vld.idx.msk [tilespmem:v8+s30+$0x0], $0xffff  }
0x539: {  	v19 =	vand.u32 $0xFFFF, v3;
	v3 =	vshrl.u32 v3, $0x10;
	v15 =	vld.idx.msk [tilespmem:v15+s31+$0x0], $0xffff  }
0x53a: {  	v4 =	vld.idx.msk [tilespmem:v4+s31+$0x0], $0xffff  }
0x53b: {  	v20 =	vld [tilespmem:s2+$0xFFFFFFE0]  }
0x53c: {  	v21 =	vld [tilespmem:s2+$0xFFFFFFF0]  }
0x53d: {  	v1 =	vadd.f32 v1, v9;
	v12 =	vld.idx.msk [tilespmem:v12+s0+$0x0], $0xffff  }
0x53e: {  	v8 =	vadd.f32 v8, v10;
	v9 =	vld.idx.msk [tilespmem:v13+s0+$0x0], $0xffff  }
0x53f: {  	v1 =	vsub.f32 v1, v15;
	v10 =	vld.idx.msk [tilespmem:v14+s30+$0x0], $0xffff  }
0x540: {  	v4 =	vsub.f32 v8, v4;
	v11 =	vld.idx.msk [tilespmem:v11+s30+$0x0], $0xffff;
	v13 =	vand.u32 $0xFFFF, v20;
	v14 =	vshrl.u32 v20, $0x10  }
0x541: {  	s11 =	sadd.s32 $0x80, s11;
	s8 =	sadd.s32 $0x80, s8;
	v1 =	vmax.f32 v1, $0.0e+00;
	v8 =	vld.idx.msk [tilespmem:v2+s0+$0x0], $0xffff;
	v15 =	vand.u32 $0xFFFF, v21;
	v20 =	vshrl.u32 v21, $0x10  }
0x542: {  	s15 =	sadd.s32 $0xFFFFFFE0, s11;
	s16 =	sor.u32 $0x70, s11;
	s13 =	sadd.s32 $0xFFFFFFC0, s11;
	v21 =	vld.idx.msk [tilespmem:v6+s0+$0x0], $0xffff;
	[tilespmem:s8+$0x20] =	vst v1;
	v1 =	vmax.f32 v4, $0.0e+00  }
0x543: {  	s14 =	sor.u32 $0x30, s13;
	s13 =	sor.u32 $0x50, s15;
	v0 =	vld.idx.msk [tilespmem:v0+s30+$0x0], $0xffff;
	[tilespmem:s16+$0x1C000] =	vst v1  }
0x544: {  	v4 =	vld.idx.msk [tilespmem:v5+s30+$0x0], $0xffff  }
0x545: {  	v1 =	vadd.f32 v10, v12;
	v10 =	vld.idx.msk [tilespmem:v16+s0+$0x0], $0xffff  }
0x546: {  	v2 =	vadd.f32 v11, v9;
	v7 =	vld.idx.msk [tilespmem:v7+s0+$0x0], $0xffff  }
0x547: {  	v12 =	vld.idx.msk [tilespmem:v17+s30+$0x0], $0xffff  }
0x548: {  	v16 =	vld.idx.msk [tilespmem:v18+s30+$0x0], $0xffff  }
0x549: {  	v11 =	vadd.f32 v0, v8;
	v6 =	vld.idx.msk [tilespmem:v19+s31+$0x0], $0xffff  }
.Ltmp14:
0x54a: {  	v9 =	vadd.f32 v4, v21;
	v8 =	vld.idx.msk [tilespmem:v3+s31+$0x0], $0xffff;
	(pc) =	sbr.rel @p0 .LBB2_31-.Ltmp14, $4  }
0x54b: {  	v3 =	vld.idx.msk [tilespmem:v13+s31+$0x0], $0xffff  }
0x54c: {  	v4 =	vld.idx.msk [tilespmem:v14+s31+$0x0], $0xffff  }
0x54d: {  	v10 =	vadd.f32 v12, v10;
	v5 =	vld.idx.msk [tilespmem:v15+s31+$0x0], $0xffff  }
0x54e: {  	s7 =	sadd.s32 $0x40, s7;
	v7 =	vadd.f32 v16, v7;
	v0 =	vld.idx.msk [tilespmem:v20+s31+$0x0], $0xffff  }
0x54f: {  	v1 =	vsub.f32 v1, v6  }
0x550: {  	v2 =	vsub.f32 v2, v8  }
0x551: {  	v3 =	vsub.f32 v11, v3;
	v1 =	vmax.f32 v1, $0.0e+00  }
0x552: {  	[tilespmem:s8+$0xFFFFFFC0] =	vst v1;
	v1 =	vmax.f32 v2, $0.0e+00;
	v2 =	vsub.f32 v9, v4  }
0x553: {  	[tilespmem:s8+$0xFFFFFFD0] =	vst v1;
	v1 =	vmax.f32 v3, $0.0e+00;
	v3 =	vsub.f32 v10, v5  }
0x554: {  	v0 =	vsub.f32 v7, v0;
	[tilespmem:s8+$0xFFFFFFE0] =	vst v1;
	v1 =	vmax.f32 v2, $0.0e+00  }
0x555: {  	[tilespmem:s14+$0x1C000] =	vst v1;
	v1 =	vmax.f32 v3, $0.0e+00  }
0x556: {  	v0 =	vmax.f32 v0, $0.0e+00;
	[tilespmem:s8+$0x0] =	vst v1  }
0x557: {  	[tilespmem:s13+$0x1C000] =	vst v0  }
0x558: {  	s1 =	rddreg [dreg:$0x11]  }
0x559: {  	s1 =	sadd.s32 s6, s1  }
0x55a: {  	[hbm4b:s1+s26] =	stream.strided.scatter [tilespmem:s21], [sflag:$0x3], $0x1000, s28, s26, $0x38;
	[tilespmem:$0x1E000] =	vst v63  }
0x55b: {  	_ =	swait.ge [sflag:s10], $0x1000  }
0x55c: {  	[sflag:s10] =	ssyncset.done $0x0  }
0x55d: {  	s4 =	simm.s32 $0x3830;
	[sflag:s10] =	ssyncadd.s32 $0xFFFFF000  }
0x55e: {  	v0 =	vld [tilespmem:s4+$0x0]  }
0x55f: {  	s1 =	simm.s32 $0x7830;
	v1 =	vld [tilespmem:s4+$0xFFFFFFE0]  }
0x560: {  	v2 =	vld [tilespmem:s1+$0x0]  }
0x561: {  	s2 =	simm.s32 $0xB830;
	v3 =	vld [tilespmem:s1+$0xFFFFFFD0]  }
0x562: {  	v4 =	vld [tilespmem:s2+$0x0]  }
0x563: {  	v5 =	vld [tilespmem:s1+$0xFFFFFFE0]  }
0x564: {  	v7 =	vld [tilespmem:s4+$0xFFFFFFF0]  }
0x565: {  	v8 =	vld [tilespmem:s1+$0xFFFFFFF0];
	v6 =	vand.u32 $0xFFFF, v0  }
0x566: {  	v10 =	vld [tilespmem:s4+$0xFFFFFFD0];
	v0 =	vshrl.u32 v0, $0x10  }
0x567: {  	v11 =	vld [tilespmem:s2+$0xFFFFFFD0];
	v9 =	vand.u32 $0xFFFF, v2  }
0x568: {  	v15 =	vld [tilespmem:s2+$0xFFFFFFE0];
	v2 =	vshrl.u32 v2, $0x10  }
0x569: {  	v17 =	vld [tilespmem:s2+$0xFFFFFFF0];
	v12 =	vand.u32 $0xFFFF, v4  }
0x56a: {  	v4 =	vshrl.u32 v4, $0x10;
	v6 =	vld.idx.msk [tilespmem:v6+s0+$0x0], $0xffff  }
0x56b: {  	v13 =	vand.u32 $0xFFFF, v10;
	v0 =	vld.idx.msk [tilespmem:v0+s0+$0x0], $0xffff  }
0x56c: {  	v10 =	vshrl.u32 v10, $0x10;
	v9 =	vld.idx.msk [tilespmem:v9+s30+$0x0], $0xffff  }
0x56d: {  	v14 =	vand.u32 $0xFFFF, v3;
	v2 =	vld.idx.msk [tilespmem:v2+s30+$0x0], $0xffff  }
0x56e: {  	v3 =	vshrl.u32 v3, $0x10;
	v12 =	vld.idx.msk [tilespmem:v12+s31+$0x0], $0xffff  }
0x56f: {  	v16 =	vand.u32 $0xFFFF, v1;
	v4 =	vld.idx.msk [tilespmem:v4+s31+$0x0], $0xffff  }
0x570: {  	v1 =	vshrl.u32 v1, $0x10;
	v13 =	vld.idx.msk [tilespmem:v13+s0+$0x0], $0xffff  }
0x571: {  	v18 =	vand.u32 $0xFFFF, v5;
	v10 =	vld.idx.msk [tilespmem:v10+s0+$0x0], $0xffff  }
0x572: {  	v5 =	vshrl.u32 v5, $0x10;
	v14 =	vld.idx.msk [tilespmem:v14+s30+$0x0], $0xffff  }
0x573: {  	v19 =	vand.u32 $0xFFFF, v7;
	v20 =	vld.idx.msk [tilespmem:v3+s30+$0x0], $0xffff  }
0x574: {  	v63 =	vand.u32 $0xFFFF, v8;
	v3 =	vshrl.u32 v7, $0x10;
	v7 =	vld.idx.msk [tilespmem:v16+s0+$0x0], $0xffff  }
0x575: {  	v21 =	vld.idx.msk [tilespmem:v1+s0+$0x0], $0xffff  }
0x576: {  	v1 =	vshrl.u32 v8, $0x10;
	v18 =	vld.idx.msk [tilespmem:v18+s30+$0x0], $0xffff  }
0x577: {  	v8 =	vand.u32 $0xFFFF, v11;
	v5 =	vld.idx.msk [tilespmem:v5+s30+$0x0], $0xffff  }
0x578: {  	v11 =	vshrl.u32 v11, $0x10;
	v19 =	vld.idx.msk [tilespmem:v19+s0+$0x0], $0xffff  }
0x579: {  	v22 =	vand.u32 $0xFFFF, v15;
	v16 =	vld.idx.msk [tilespmem:v63+s30+$0x0], $0xffff  }
0x57a: {  	v15 =	vshrl.u32 v15, $0x10;
	v23 =	vld.idx.msk [tilespmem:v3+s0+$0x0], $0xffff  }
0x57b: {  	v24 =	vand.u32 $0xFFFF, v17;
	v3 =	vadd.f32 v9, v6;
	v25 =	vld.idx.msk [tilespmem:v1+s30+$0x0], $0xffff  }
0x57c: {  	v17 =	vshrl.u32 v17, $0x10;
	v0 =	vadd.f32 v2, v0;
	v6 =	vld.idx.msk [tilespmem:v8+s31+$0x0], $0xffff  }
0x57d: {  	v8 =	vld.idx.msk [tilespmem:v11+s31+$0x0], $0xffff;
	v1 =	vsub.f32 v3, v12  }
0x57e: {  	v0 =	vsub.f32 v0, v4;
	v3 =	vld.idx.msk [tilespmem:v22+s31+$0x0], $0xffff  }
0x57f: {  	s11 =	simm.s32 $0x60;
	s7 =	simm.s32 $0x20;
	s8 =	simm.s32 $0x1D040;
	v2 =	vadd.f32 v20, v10;
	v11 =	vadd.f32 v18, v7;
	v4 =	vld.idx.msk [tilespmem:v15+s31+$0x0], $0xffff;
	v9 =	vmax.f32 v1, $0.0e+00  }
0x580: {  	s22 =	simm.s32 $0x40;
	s15 =	sor.u32 $0x70, s11;
	s14 =	sor.u32 $0x30, s7;
	v1 =	vadd.f32 v14, v13;
	v0 =	vmax.f32 v0, $0.0e+00;
	[tilespmem:s8+$0x20] =	vst v9;
	v9 =	vadd.f32 v5, v21;
	v5 =	vld.idx.msk [tilespmem:v24+s31+$0x0], $0xffff  }
0x581: {  	s7 =	simm.s32 $0x3870;
	s13 =	sor.u32 $0x50, s22;
	s4 =	simm.s32 $0x0;
	v10 =	vadd.f32 v16, v19;
	v7 =	vadd.f32 v25, v23;
	[tilespmem:s15+$0x1D000] =	vst v0;
	v0 =	vld.idx.msk [tilespmem:v17+s31+$0x0], $0xffff  }
.LBB2_33:
0x582: {  	v12 =	vld [tilespmem:s7+$0x0];
	v1 =	vsub.f32 v1, v6  }
0x583: {  	v2 =	vsub.f32 v2, v8;
	s1 =	sadd.s32 $0x40, s1;
	v6 =	vld [tilespmem:s7+$0xFFFFFFE0]  }
0x584: {  	v3 =	vsub.f32 v11, v3;
	v8 =	vld [tilespmem:s1+$0x0];
	v1 =	vmax.f32 v1, $0.0e+00  }
0x585: {  	s4 =	sadd.s32 $0x4, s4;
	s2 =	sadd.s32 $0x40, s2;
	v11 =	vld [tilespmem:s1+$0xFFFFFFD0];
	[tilespmem:s8+$0xFFFFFFC0] =	vst v1;
	v1 =	vmax.f32 v2, $0.0e+00;
	v2 =	vsub.f32 v9, v4  }
0x586: {  	p0 =	slt.u32 s4, $0x7C;
	v4 =	vld [tilespmem:s2+$0x0];
	[tilespmem:s8+$0xFFFFFFD0] =	vst v1;
	v1 =	vmax.f32 v3, $0.0e+00;
	v3 =	vsub.f32 v10, v5  }
0x587: {  	v0 =	vsub.f32 v7, v0;
	v5 =	vld [tilespmem:s1+$0xFFFFFFE0];
	v9 =	vand.u32 $0xFFFF, v12;
	[tilespmem:s8+$0xFFFFFFE0] =	vst v1;
	v1 =	vmax.f32 v2, $0.0e+00  }
0x588: {  	v10 =	vshrl.u32 v12, $0x10;
	v2 =	vand.u32 $0xFFFF, v6;
	v6 =	vshrl.u32 v6, $0x10;
	v7 =	vld [tilespmem:s7+$0xFFFFFFF0];
	[tilespmem:s14+$0x1D000] =	vst v1  }
0x589: {  	v3 =	vmax.f32 v3, $0.0e+00;
	v0 =	vmax.f32 v0, $0.0e+00;
	v1 =	vld [tilespmem:s1+$0xFFFFFFF0];
	v12 =	vand.u32 $0xFFFF, v8  }
0x58a: {  	v8 =	vshrl.u32 v8, $0x10;
	v13 =	vld [tilespmem:s7+$0xFFFFFFD0];
	v14 =	vand.u32 $0xFFFF, v11;
	v11 =	vshrl.u32 v11, $0x10;
	[tilespmem:s8+$0x0] =	vst v3  }
0x58b: {  	v3 =	vld [tilespmem:s2+$0xFFFFFFD0];
	v15 =	vand.u32 $0xFFFF, v4;
	[tilespmem:s13+$0x1D000] =	vst v0  }
0x58c: {  	v4 =	vshrl.u32 v4, $0x10;
	v0 =	vand.u32 $0xFFFF, v5;
	v5 =	vshrl.u32 v5, $0x10;
	v9 =	vld.idx.msk [tilespmem:v9+s0+$0x0], $0xffff  }
0x58d: {  	v16 =	vand.u32 $0xFFFF, v7;
	v7 =	vshrl.u32 v7, $0x10;
	v10 =	vld.idx.msk [tilespmem:v10+s0+$0x0], $0xffff  }
0x58e: {  	v17 =	vand.u32 $0xFFFF, v1;
	v18 =	vshrl.u32 v1, $0x10;
	v1 =	vld.idx.msk [tilespmem:v12+s30+$0x0], $0xffff  }
0x58f: {  	v12 =	vand.u32 $0xFFFF, v13;
	v13 =	vshrl.u32 v13, $0x10;
	v8 =	vld.idx.msk [tilespmem:v8+s30+$0x0], $0xffff  }
0x590: {  	v19 =	vand.u32 $0xFFFF, v3;
	v3 =	vshrl.u32 v3, $0x10;
	v15 =	vld.idx.msk [tilespmem:v15+s31+$0x0], $0xffff  }
0x591: {  	v4 =	vld.idx.msk [tilespmem:v4+s31+$0x0], $0xffff  }
0x592: {  	v20 =	vld [tilespmem:s2+$0xFFFFFFE0]  }
0x593: {  	v21 =	vld [tilespmem:s2+$0xFFFFFFF0]  }
0x594: {  	v1 =	vadd.f32 v1, v9;
	v12 =	vld.idx.msk [tilespmem:v12+s0+$0x0], $0xffff  }
0x595: {  	v8 =	vadd.f32 v8, v10;
	v9 =	vld.idx.msk [tilespmem:v13+s0+$0x0], $0xffff  }
0x596: {  	v1 =	vsub.f32 v1, v15;
	v10 =	vld.idx.msk [tilespmem:v14+s30+$0x0], $0xffff  }
0x597: {  	v4 =	vsub.f32 v8, v4;
	v11 =	vld.idx.msk [tilespmem:v11+s30+$0x0], $0xffff;
	v13 =	vand.u32 $0xFFFF, v20;
	v14 =	vshrl.u32 v20, $0x10  }
0x598: {  	s11 =	sadd.s32 $0x80, s11;
	s8 =	sadd.s32 $0x80, s8;
	v1 =	vmax.f32 v1, $0.0e+00;
	v8 =	vld.idx.msk [tilespmem:v2+s0+$0x0], $0xffff;
	v15 =	vand.u32 $0xFFFF, v21;
	v20 =	vshrl.u32 v21, $0x10  }
0x599: {  	s15 =	sadd.s32 $0xFFFFFFE0, s11;
	s16 =	sor.u32 $0x70, s11;
	s13 =	sadd.s32 $0xFFFFFFC0, s11;
	v21 =	vld.idx.msk [tilespmem:v6+s0+$0x0], $0xffff;
	[tilespmem:s8+$0x20] =	vst v1;
	v1 =	vmax.f32 v4, $0.0e+00  }
0x59a: {  	s14 =	sor.u32 $0x30, s13;
	s13 =	sor.u32 $0x50, s15;
	v0 =	vld.idx.msk [tilespmem:v0+s30+$0x0], $0xffff;
	[tilespmem:s16+$0x1D000] =	vst v1  }
0x59b: {  	v4 =	vld.idx.msk [tilespmem:v5+s30+$0x0], $0xffff  }
0x59c: {  	v1 =	vadd.f32 v10, v12;
	v10 =	vld.idx.msk [tilespmem:v16+s0+$0x0], $0xffff  }
0x59d: {  	v2 =	vadd.f32 v11, v9;
	v7 =	vld.idx.msk [tilespmem:v7+s0+$0x0], $0xffff  }
0x59e: {  	v12 =	vld.idx.msk [tilespmem:v17+s30+$0x0], $0xffff  }
0x59f: {  	v16 =	vld.idx.msk [tilespmem:v18+s30+$0x0], $0xffff  }
0x5a0: {  	v11 =	vadd.f32 v0, v8;
	v6 =	vld.idx.msk [tilespmem:v19+s31+$0x0], $0xffff  }
.Ltmp15:
0x5a1: {  	v9 =	vadd.f32 v4, v21;
	v8 =	vld.idx.msk [tilespmem:v3+s31+$0x0], $0xffff;
	(pc) =	sbr.rel @p0 .LBB2_33-.Ltmp15, $4  }
0x5a2: {  	v3 =	vld.idx.msk [tilespmem:v13+s31+$0x0], $0xffff  }
0x5a3: {  	v4 =	vld.idx.msk [tilespmem:v14+s31+$0x0], $0xffff  }
0x5a4: {  	v10 =	vadd.f32 v12, v10;
	v5 =	vld.idx.msk [tilespmem:v15+s31+$0x0], $0xffff  }
0x5a5: {  	s7 =	sadd.s32 $0x40, s7;
	v7 =	vadd.f32 v16, v7;
	v0 =	vld.idx.msk [tilespmem:v20+s31+$0x0], $0xffff  }
0x5a6: {  	v1 =	vsub.f32 v1, v6  }
0x5a7: {  	v2 =	vsub.f32 v2, v8  }
0x5a8: {  	v3 =	vsub.f32 v11, v3;
	v1 =	vmax.f32 v1, $0.0e+00  }
0x5a9: {  	v58 =	vmax.f32 v2, $0.0e+00;
	v59 =	vsub.f32 v9, v4;
	[tilespmem:s8+$0xFFFFFFC0] =	vst v1  }
0x5aa: {  	[tilespmem:s8+$0xFFFFFFD0] =	vst v58;
	v60 =	vmax.f32 v3, $0.0e+00;
	v61 =	vsub.f32 v10, v5  }
0x5ab: {  	[tilespmem:s8+$0xFFFFFFE0] =	vst v60;
	v62 =	vmax.f32 v59, $0.0e+00;
	v0 =	vsub.f32 v7, v0  }
0x5ac: {  	[tilespmem:s14+$0x1D000] =	vst v62;
	v63 =	vmax.f32 v61, $0.0e+00  }
0x5ad: {  	v0 =	vmax.f32 v0, $0.0e+00;
	[tilespmem:s8+$0x0] =	vst v63  }
0x5ae: {  	[tilespmem:s13+$0x1D000] =	vst v0  }
0x5af: {  	s1 =	rddreg [dreg:$0x12]  }
0x5b0: {  	s1 =	sadd.s32 s6, s1  }
0x5b1: {  	[hbm4b:s1+s26] =	stream.strided.scatter [tilespmem:s3], [sflag:$0x4], $0x1000, s28, s26, $0x38;
	[tilespmem:$0x1E000] =	vst v63  }
0x5b2: {  	s22 =	sadd.s32 s18, s23  }
0x5b3: {  	[tilespmem:s30], [sflag:$0x1] =	stream.strided.gather [hbm4b:s22+s26], $0x4000, s28, s26, $0x38;
	[tilespmem:$0x1E000] =	vst v63  }
0x5b4: {  	s23 =	sadd.s32 s5, s23;
	s12 =	sadd.s32 $0x1, s12  }
0x5b5: {  	[tilespmem:s31], [sflag:$0x1] =	stream.strided.gather [hbm4b:s23+s26], $0x4000, s28, s26, $0x38;
	[tilespmem:$0x1E000] =	vst v63  }
0x5b6: {  	p0 =	sne.s32 s12, $0x10;
	_ =	swait.ge [sflag:s9], $0x1000  }
.Ltmp16:
0x5b7: {  	[sflag:s9] =	ssyncset.done $0x0;
	(pc) =	sbr.rel @p0 .LBB2_2-.Ltmp16, $4  }
0x5b8: {  	[sflag:s9] =	ssyncadd.s32 $0xFFFFF000  }
0x5b9: {  	_ =	swait.ge [sflag:s10], $0x1000  }
0x5ba: {  	[sflag:s10] =	ssyncset.done $0x0  }
0x5bb: {  	[sflag:s10] =	ssyncadd.s32 $0xFFFFF000  }
0x5bc: {  	_ =	swait.ge [sflag:s19], $0x4000  }
0x5bd: {  	[sflag:s19] =	ssyncset.done $0x0  }
0x5be: {  	[sflag:s19] =	ssyncadd.s32 $0xFFFFC000  }
0x5bf: {  	_ =	swait.ge [sflag:s24], $0x4000  }
0x5c0: {  	[sflag:s24] =	ssyncset.done $0x0  }
0x5c1: {  	[sflag:s24] =	ssyncadd.s32 $0xFFFFC000  }
0x5c2: {  	_ =	swait.ge [sflag:s24], $0x4000  }
0x5c3: {  	s2 =	rddreg [dreg:$0x15]  }
0x5c4: {  	s1 =	rddreg [dreg:$0x13];
	s2 =	sadd.s32 $0x1, s2  }
0x5c5: {  	p0 =	sne.s32 s2, s1  }
.Ltmp17:
0x5c6: {  	_ = 	snop;
	(pc) =	sbr.rel @p0 .LBB2_1-.Ltmp17, $3  }
0x5c7: {  	_ =	sdelay $0x1  }
0x5c8: {  	[sflag:s24] =	ssyncset.done $0x0  }
0x5c9: {  	[sflag:s24] =	ssyncadd.s32 $0xFFFFC000  }
0x5ca: {  	_ =	sfence.sel $0x180000  }
0x5cb: {  	[bflag:$0x0] =	sbarrier.arrive $0xFFFF  }
0x5cc: {  	_ =	strace $0x90000047  }
0x5cd: {  	s0 =	stileid.u32;
	[bflag:$0x2] =	sbarrier.arrive $0xFFFF  }
0x5ce: {  	p0 =	sne.s32 s0, $0x0;
	s0 =	rddreg [dreg:$0x4]  }
0x5cf: {  	s0 =	sadd.s32 @!p0 $0x100000, s0  }
0x5d0: {  	[sflag:s0] =	ssyncadd.tile.s32 @!p0 $0x1;
	_ =	shalt  }
.Lfunc_end2:
_tile_overlayer_lowered:
.L_overlay_start_2:
0x5d1: {  	(tag) =	ssettag $0x2  }
0x5d2: {  	s0 =	rddreg [dreg:$0x0];
	s2 =	stileid.u32  }
0x5d3: {  	s1 =	rddreg [dreg:$0x1];
	p0 =	sne.s32 s2, $0x0  }
0x5d4: {  	s3 =	rddreg [dreg:$0x2];
	[bflag:$0x3] =	sbarrier.arrive $0xFFFF;
	s2 =	simm.s32 @!p0 $0x1C05  }
0x5d5: {  	[timem:s3], [sflag:s2] =	dma.local @!p0 [hbm:s0], s1  }
0x5d6: {  	s0 =	simm.s32 @!p0 $0x5  }
0x5d7: {  	_ =	swait.ge @!p0 [sflag:s0], s1  }
0x5d8: {  	s1 =	ssub.s32 @!p0 $0x0, s1;
	[sflag:s0] =	ssyncset.done @!p0 $0x0  }
0x5d9: {  	[sflag:s0] =	ssyncadd.s32 @!p0 s1  }
0x5da: {  	[bflag:$0x3] =	sbarrier.arrive $0xFFFF  }
0x5db: {  	_ =	shalt  }

</sc_bundles>
